<compile_context>
chip_gen: v7x
topology: tpu7x:2x2x1
jax: 0.10.2.dev20260603
libtpu: 0.0.44.dev20260713+nightly
codegen_flags: <defaults>
</compile_context>

<pallas_src>
import functools

import jax
import jax.numpy as jnp
from jax import lax
from jax.experimental import pallas as pl
from jax.experimental.pallas import tpu as pltpu
from jax.experimental.pallas import tpu_sc as plsc

NN = 10000
EE = 320000
FF = 128
HH = 64
RR = 3

NC = 2
NS = 16
NW = NC * NS
KB = 128
NB = 79
EPW = NB * KB
EP = NW * EPW

TROWS = RR * NN + 80
DROW = RR * NN
STRIPE = TROWS // NS
TBROWS = 2 * NN + 8
BN = 1000
L = 16

@functools.cache
def _mesh():
    return plsc.VectorSubcoreMesh(core_axis_name="c", subcore_axis_name="s",
                                  num_cores=NC, num_subcores=NS)



def _enc1_body(x_ref, wr_ref, wroot_ref, b_ref, hcat_ref, root_ref):
    x = x_ref[...]
    for r in range(RR):
        hcat_ref[r] = jnp.dot(x, wr_ref[r], preferred_element_type=jnp.float32)
    root_ref[...] = jnp.dot(x, wroot_ref[...],
                            preferred_element_type=jnp.float32) + b_ref[...]


def _inv_body(c_ref, o_ref):
    c = c_ref[...]
    o_ref[...] = 1.0 / jnp.maximum(c[0] + c[1], 1.0)


def _invcnt(cnts):
    return pl.pallas_call(
        _inv_body,
        out_shape=jax.ShapeDtypeStruct((TROWS, 16), jnp.float32),
    )(cnts)


def _z_from_parts(p_ref, inv_ref, root_ref):
    p = p_ref[...]
    agg = (p[0] + p[1]) * inv_ref[...]
    lo = agg[0, 0] + agg[0, 1] + agg[0, 2]
    hi = agg[1, 0] + agg[1, 1] + agg[1, 2]
    return root_ref[...] + jnp.concatenate([lo, hi], axis=-1)


def _combine1_body(p_ref, inv_ref, root_ref, wr_ref, wroot_ref, b_ref,
                   hnext_ref, rnext_ref):
    z = jnp.maximum(_z_from_parts(p_ref, inv_ref, root_ref), 0.0)
    for r in range(RR):
        hnext_ref[r] = jnp.dot(z, wr_ref[r], preferred_element_type=jnp.float32)
    rnext_ref[...] = jnp.dot(z, wroot_ref[...],
                             preferred_element_type=jnp.float32) + b_ref[...]


def _combine2_body(p_ref, inv_ref, root_ref, wc_ref, bc_ref, t_ref):
    z = _z_from_parts(p_ref, inv_ref, root_ref)
    t_ref[0] = jnp.dot(z, wc_ref[0],
                       preferred_element_type=jnp.float32) + bc_ref[...]
    t_ref[1] = jnp.dot(z, wc_ref[1], preferred_element_type=jnp.float32)


def _enc1(x, wrel, wroot, b):
    return pl.pallas_call(
        _enc1_body,
        out_shape=[jax.ShapeDtypeStruct((RR, NN, HH), jnp.float32),
                   jax.ShapeDtypeStruct((NN, HH), jnp.float32)],
    )(x, wrel, wroot, b)


def _combine1(p, inv, root, wrel2, wroot2, b2):
    grid = NN // BN
    return pl.pallas_call(
        _combine1_body,
        grid=(grid,),
        in_specs=[
            pl.BlockSpec((2, 2, RR, BN, HH // 2), lambda i: (0, 0, 0, i, 0)),
            pl.BlockSpec((RR, BN, 1), lambda i: (0, i, 0)),
            pl.BlockSpec((BN, HH), lambda i: (i, 0)),
            pl.BlockSpec((RR, HH, HH), lambda i: (0, 0, 0)),
            pl.BlockSpec((HH, HH), lambda i: (0, 0)),
            pl.BlockSpec((1, HH), lambda i: (0, 0)),
        ],
        out_specs=[
            pl.BlockSpec((RR, BN, HH), lambda i: (0, i, 0)),
            pl.BlockSpec((BN, HH), lambda i: (i, 0)),
        ],
        out_shape=[jax.ShapeDtypeStruct((RR, NN, HH), jnp.float32),
                   jax.ShapeDtypeStruct((NN, HH), jnp.float32)],
    )(p, inv, root, wrel2, wroot2, b2)


def _combine2(p, inv, root, wc1, bc1):
    grid = NN // BN
    return pl.pallas_call(
        _combine2_body,
        grid=(grid,),
        in_specs=[
            pl.BlockSpec((2, 2, RR, BN, HH // 2), lambda i: (0, 0, 0, i, 0)),
            pl.BlockSpec((RR, BN, 1), lambda i: (0, i, 0)),
            pl.BlockSpec((BN, HH), lambda i: (i, 0)),
            pl.BlockSpec((2, HH, HH), lambda i: (0, 0, 0)),
            pl.BlockSpec((1, HH), lambda i: (0, 0)),
        ],
        out_specs=pl.BlockSpec((2, BN, HH), lambda i: (0, i, 0)),
        out_shape=jax.ShapeDtypeStruct((2, NN, HH), jnp.float32),
    )(p, inv, root, wc1, bc1)



HHH = HH // 2


@functools.cache
def _make_agg():
    @functools.partial(
        pl.kernel,
        out_type=jax.ShapeDtypeStruct((NC, 2, TROWS, HHH), jnp.float32),
        mesh=_mesh(),
        compiler_params=pltpu.CompilerParams(use_tc_tiling_on_sc=False),
        scratch_types=[
            pltpu.VMEM((NB, KB), jnp.int32),
            pltpu.VMEM((NB, KB), jnp.int32),
            pltpu.VMEM((KB, HHH), jnp.float32),
            pltpu.VMEM_SHARED((TROWS, HHH), jnp.float32),
        ],
    )
    def agg(tlo, thi, gidx, sidx, pout, gv, sv, rows, acc):
        c = lax.axis_index("c")
        s = lax.axis_index("s")
        wid = c * NS + s
        z16f = jnp.zeros((L,), jnp.float32)
        base = s * STRIPE

        pltpu.sync_copy(gidx.at[wid], gv)
        pltpu.sync_copy(sidx.at[wid], sv)

        for half, tbl in ((0, tlo), (1, thi)):
            def zrow(r, _):
                for q in range(HHH // L):
                    rows[r, pl.ds(q * L, L)] = z16f
                return 0
            lax.fori_loop(0, KB, zrow, 0)
            for q in range(STRIPE // KB):
                pltpu.sync_copy(rows, acc.at[pl.ds(base + q * KB, KB)])
            rem = STRIPE - (STRIPE // KB) * KB
            if rem:
                pltpu.sync_copy(rows.at[pl.ds(0, rem)],
                                acc.at[pl.ds(base + (STRIPE // KB) * KB, rem)])
            plsc.subcore_barrier()

            def batch(j, _):
                pltpu.sync_copy(tbl.at[gv.at[j]], rows)
                pltpu.sync_copy(rows, acc.at[sv.at[j]], add=True)
                return 0
            lax.fori_loop(0, NB, batch, 0)

            plsc.subcore_barrier()
            pltpu.sync_copy(acc.at[pl.ds(base, STRIPE)],
                            pout.at[c].at[half].at[pl.ds(base, STRIPE)])
            if half == 0:
                plsc.subcore_barrier()

    return agg


CW = 16


@functools.cache
def _make_count():
    @functools.partial(
        pl.kernel,
        out_type=jax.ShapeDtypeStruct((NC, TROWS, CW), jnp.float32),
        mesh=_mesh(),
        compiler_params=pltpu.CompilerParams(use_tc_tiling_on_sc=False),
        scratch_types=[
            pltpu.VMEM((NB, KB), jnp.int32),
            pltpu.VMEM((KB, CW), jnp.float32),
            pltpu.VMEM_SHARED((TROWS, CW), jnp.float32),
        ],
    )
    def count(sidx, cout, sv, buf, acc):
        c = lax.axis_index("c")
        s = lax.axis_index("s")
        wid = c * NS + s
        pltpu.sync_copy(sidx.at[wid], sv)

        def fill(val):
            v = jnp.zeros((L,), jnp.float32) + val
            def frow(r, _):
                buf[r, pl.ds(0, L)] = v
                return 0
            lax.fori_loop(0, KB, frow, 0)

        fill(0.0)
        base = s * STRIPE
        for q in range(STRIPE // KB):
            pltpu.sync_copy(buf, acc.at[pl.ds(base + q * KB, KB)])
        rem = STRIPE - (STRIPE // KB) * KB
        if rem:
            pltpu.sync_copy(buf.at[pl.ds(0, rem)],
                            acc.at[pl.ds(base + (STRIPE // KB) * KB, rem)])
        fill(1.0)
        plsc.subcore_barrier()

        def batch(j, _):
            pltpu.sync_copy(buf, acc.at[sv.at[j]], add=True)
            return 0
        lax.fori_loop(0, NB, batch, 0)

        plsc.subcore_barrier()
        pltpu.sync_copy(acc.at[pl.ds(base, STRIPE)],
                        cout.at[c].at[pl.ds(base, STRIPE)])

    return count


@functools.cache
def _make_decode():
    @functools.partial(
        pl.kernel,
        out_type=jax.ShapeDtypeStruct((EP,), jnp.float32),
        mesh=_mesh(),
        compiler_params=pltpu.CompilerParams(use_tc_tiling_on_sc=False,
                                             needs_layout_passes=False),
        scratch_types=[
            pltpu.VMEM((NB, KB), jnp.int32),
            pltpu.VMEM((NB, KB), jnp.int32),
            pltpu.VMEM((KB, HH), jnp.float32),
            pltpu.VMEM((KB, HH), jnp.float32),
            pltpu.VMEM((KB,), jnp.float32),
            pltpu.VMEM((HH,), jnp.float32),
        ],
    )
    def _decode(tbl, aidx, bidx, w2, out, av, bv, arows, brows, sbuf, wv):
        c = lax.axis_index("c")
        s = lax.axis_index("s")
        wid = c * NS + s
        pltpu.sync_copy(aidx.at[wid], av)
        pltpu.sync_copy(bidx.at[wid], bv)
        pltpu.sync_copy(w2, wv)

        def batch(j, _):
            pltpu.sync_copy(tbl.at[av.at[j]], arows)
            pltpu.sync_copy(tbl.at[bv.at[j]], brows)

            lane = lax.broadcasted_iota(jnp.int32, (L,), 0)

            def edge(e, _):
                acc = jnp.zeros((L,), jnp.float32)
                for q in range(HH // L):
                    a = arows[e, pl.ds(q * L, L)]
                    b = brows[e, pl.ds(q * L, L)]
                    w = wv[pl.ds(q * L, L)]
                    acc = acc + jnp.maximum(a + b, 0.0) * w
                dnums = lax.GatherDimensionNumbers(
                    offset_dims=(), collapsed_slice_dims=(0,),
                    start_index_map=(0,))
                for m in (1, 2, 4, 8):
                    acc = acc + lax.gather(
                        acc, (lane ^ m)[:, None], dnums, (1,),
                        mode=lax.GatherScatterMode.PROMISE_IN_BOUNDS)
                plsc.store_scatter(sbuf, [jnp.zeros((L,), jnp.int32) + e],
                                   acc, mask=lane == 0)
                return 0
            lax.fori_loop(0, KB, edge, 0)
            pltpu.sync_copy(sbuf, out.at[pl.ds(wid * EPW + j * KB, KB)])
            return 0
        lax.fori_loop(0, NB, batch, 0)

    return _decode



def kernel(x, edge_index, edge_type, W_rel1, W_root1, b1,
           W_rel2, W_root2, b2, Wc1, bc1, Wc2, bc2):
    src = edge_index[0]
    dst = edge_index[1]
    et = edge_type
    padt = jnp.full((EP - EE,), DROW, jnp.int32)
    gidx = jnp.concatenate([et * NN + src, padt]).reshape(NW, NB, KB)
    sidx = jnp.concatenate([et * NN + dst, padt]).reshape(NW, NB, KB)
    padd = jnp.full((EP - EE,), 2 * NN, jnp.int32)
    aidx = jnp.concatenate([src, padd]).reshape(NW, NB, KB)
    bidx = jnp.concatenate([NN + dst, padd]).reshape(NW, NB, KB)

    hcat1, root1 = _enc1(x, W_rel1, W_root1, b1.reshape(1, HH))
    hcat1p = jnp.concatenate(
        [hcat1.reshape(RR * NN, HH),
         jnp.zeros((TROWS - RR * NN, HH), jnp.float32)])
    cnts = _make_count()(sidx)
    p1 = _make_agg()(hcat1p[:, :HHH], hcat1p[:, HHH:], gidx, sidx)
    p1r = p1[:, :, :RR * NN].reshape(2, 2, RR, NN, HHH)
    invr = _invcnt(cnts)[:RR * NN, 0].reshape(RR, NN, 1)

    hcat2, root2 = _combine1(p1r, invr, root1, W_rel2, W_root2,
                             b2.reshape(1, HH))
    hcat2p = jnp.concatenate(
        [hcat2.reshape(RR * NN, HH),
         jnp.zeros((TROWS - RR * NN, HH), jnp.float32)])
    p2 = _make_agg()(hcat2p[:, :HHH], hcat2p[:, HHH:], gidx, sidx)
    p2r = p2[:, :, :RR * NN].reshape(2, 2, RR, NN, HHH)

    t = _combine2(p2r, invr, root2, Wc1.reshape(2, HH, HH), bc1.reshape(1, HH))
    tp = jnp.concatenate(
        [t.reshape(2 * NN, HH), jnp.zeros((TBROWS - 2 * NN, HH), jnp.float32)])
    scores = _make_decode()(tp, aidx, bidx, Wc2.reshape(HH))
    return scores[:EE] + bc2[0]

# --- scband reference (transcript-rebuilt; emitter-appended) ---
"""Pipeline reference for scband-geo-link-predictor-32057635897950 (READ-ONLY COPY).

The authoritative reference and input builder live on the scoring server;
editing this copy changes nothing except your own understanding.
"""

import jax, jax.numpy as jnp
import numpy as np

N = 10000
E = 320000
F = 128
H = 64
R = 3


def setup_inputs(seed: int = 0) -> dict:
    key = jax.random.key(seed)
    ks = jax.random.split(key, 14)
    x = jax.random.normal(ks[0], (N, F), dtype=jnp.float32)
    edge_index = jax.random.randint(ks[1], (2, E), 0, N, dtype=jnp.int32)
    edge_type = jax.random.randint(ks[2], (E,), 0, R, dtype=jnp.int32)
    s = 0.05
    W_rel1 = jax.random.normal(ks[3], (R, F, H), dtype=jnp.float32) * s
    W_root1 = jax.random.normal(ks[4], (F, H), dtype=jnp.float32) * s
    b1 = jnp.zeros((H,), dtype=jnp.float32)
    W_rel2 = jax.random.normal(ks[5], (R, H, H), dtype=jnp.float32) * s
    W_root2 = jax.random.normal(ks[6], (H, H), dtype=jnp.float32) * s
    b2 = jnp.zeros((H,), dtype=jnp.float32)
    Wc1 = jax.random.normal(ks[7], (2 * H, 64), dtype=jnp.float32) * s
    bc1 = jnp.zeros((64,), dtype=jnp.float32)
    Wc2 = jax.random.normal(ks[8], (64, 1), dtype=jnp.float32) * s
    bc2 = jnp.zeros((1,), dtype=jnp.float32)
    return {"x": x, "edge_index": edge_index, "edge_type": edge_type,
            "W_rel1": W_rel1, "W_root1": W_root1, "b1": b1,
            "W_rel2": W_rel2, "W_root2": W_root2, "b2": b2,
            "Wc1": Wc1, "bc1": bc1, "Wc2": Wc2, "bc2": bc2}


def rgcn_conv(x, edge_index, edge_type, W_rel, W_root, b, num_nodes):
    # PyG RGCNConv: out[i] = x[i] @ W_root + b + sum_r mean_{j in N_r(i)} x[j] @ W_r
    src = edge_index[0]
    dst = edge_index[1]
    xs = jnp.take(x, src, axis=0)  # gather of source node features [E, d]
    out = x @ W_root + b
    for r in range(W_rel.shape[0]):
        m = (edge_type == r).astype(x.dtype)
        msgs = xs * m[:, None]
        agg = jax.ops.segment_sum(msgs, dst, num_segments=num_nodes)
        cnt = jax.ops.segment_sum(m, dst, num_segments=num_nodes)
        agg = agg / jnp.clip(cnt, 1.0)[:, None]
        out = out + agg @ W_rel[r]
    return out


def reference(x, edge_index, edge_type, W_rel1, W_root1, b1, W_rel2, W_root2, b2, Wc1, bc1, Wc2, bc2):
    # encode
    z = jax.nn.relu(rgcn_conv(x, edge_index, edge_type, W_rel1, W_root1, b1, N))
    z = rgcn_conv(z, edge_index, edge_type, W_rel2, W_root2, b2, N)
    # decode (link scores on the same candidate edges)
    src = edge_index[0]
    dst = edge_index[1]
    z_cat = jnp.concatenate([jnp.take(z, src, axis=0), jnp.take(z, dst, axis=0)], axis=1)
    h = jax.nn.relu(z_cat @ Wc1 + bc1)
    scores = (h @ Wc2 + bc2).reshape(-1)
    return scores


if False:  # reference __main__ guard neutralized (emitter)
    out = reference(**setup_inputs())
    print(out.shape, out.dtype)

if __name__ == "__main__":
    import jax
    _d = setup_inputs()
    print(jax.jit(kernel)(*tuple(_d.values())))

</pallas_src>

<mosaic_0001>
#map = affine_map<(d0, d1) -> (0, 0)>
#map1 = affine_map<(d0, d1) -> (0, 0, 0)>
#map2 = affine_map<(d0, d1) -> (0, 0, 0, 0)>
module attributes {stable_mosaic.version = 14 : i64} {
  func.func @agg(%arg0: i32, %arg1: i32, %arg2: memref<30080x32xf32, #tpu.memory_space<hbm>>, %arg3: memref<30080x32xf32, #tpu.memory_space<hbm>>, %arg4: memref<32x79x128xi32, #tpu.memory_space<hbm>>, %arg5: memref<32x79x128xi32, #tpu.memory_space<hbm>>, %arg6: memref<2x2x30080x32xf32, #tpu.memory_space<hbm>>, %arg7: memref<79x128xi32, #tpu.memory_space<vmem>>, %arg8: memref<79x128xi32, #tpu.memory_space<vmem>>, %arg9: memref<128x32xf32, #tpu.memory_space<vmem>>, %arg10: memref<30080x32xf32, #tpu.memory_space<vmem_shared>>) attributes {dimension_semantics = [#tpu.dimension_semantics<core_parallel>, #tpu.dimension_semantics<subcore_parallel>], iteration_bounds = array<i64: 2, 16>, scalar_prefetch = 0 : i64, scratch_operands = 4 : i64, tpu.core_type = #tpu.core_type<sc_vector_subcore>, window_params = [{transform_indices = #map}, {transform_indices = #map}, {transform_indices = #map1}, {transform_indices = #map1}, {transform_indices = #map2}]} {
    %mul3A = arith.constant 16 : i32
    %mul3A_0 = arith.muli %arg0, %mul3A : i32
    %add3A = arith.addi %mul3A_0, %arg1 : i32
    %broadcast_in_dim3A = arith.constant 0.000000e+00 : f32
    %broadcast_in_dim3A_1 = vector.broadcast %broadcast_in_dim3A : f32 to vector<16xf32>
    %mul3A_2 = arith.constant 1880 : i32
    %mul3A_3 = arith.muli %arg1, %mul3A_2 : i32
    "tpu.region"() ({
      %run_scoped3A_96 = tpu.sem_alloc : memref<!tpu.dma_semaphore, #tpu.memory_space<semaphore_mem>>
      %dma_start3A = arith.constant 0 : i32
      %dma_start3A_97 = arith.constant 0 : i32
      %dma_start3A_98 = tpu.memref_slice %arg4[%add3A, %dma_start3A, %dma_start3A_97] : memref<32x79x128xi32, #tpu.memory_space<hbm>> -> memref<1x79x128xi32, #tpu.memory_space<hbm>>
      %dma_start3A_99 = tpu.memref_squeeze %dma_start3A_98 : memref<1x79x128xi32, #tpu.memory_space<hbm>> -> memref<79x128xi32, #tpu.memory_space<hbm>>
      %dma_start3A_100 = arith.constant 0 : i32
      %dma_start3A_101 = arith.constant 0 : i32
      %dma_start3A_102 = tpu.memref_slice %arg4[%add3A, %dma_start3A_100, %dma_start3A_101] : memref<32x79x128xi32, #tpu.memory_space<hbm>> -> memref<1x79x128xi32, #tpu.memory_space<hbm>>
      %dma_start3A_103 = tpu.memref_squeeze %dma_start3A_102 : memref<1x79x128xi32, #tpu.memory_space<hbm>> -> memref<79x128xi32, #tpu.memory_space<hbm>>
      tpu.enqueue_dma source(%dma_start3A_103 : memref<79x128xi32, #tpu.memory_space<hbm>>) target(%arg7 : memref<79x128xi32, #tpu.memory_space<vmem>>) target_semaphore(%run_scoped3A_96 : memref<!tpu.dma_semaphore, #tpu.memory_space<semaphore_mem>>)
      %dma_wait3A = arith.constant 0 : i32
      %dma_wait3A_104 = arith.constant 0 : i32
      %dma_wait3A_105 = tpu.memref_slice %arg4[%add3A, %dma_wait3A, %dma_wait3A_104] : memref<32x79x128xi32, #tpu.memory_space<hbm>> -> memref<1x79x128xi32, #tpu.memory_space<hbm>>
      %dma_wait3A_106 = tpu.memref_squeeze %dma_wait3A_105 : memref<1x79x128xi32, #tpu.memory_space<hbm>> -> memref<79x128xi32, #tpu.memory_space<hbm>>
      %dma_wait3A_107 = arith.constant 0 : i32
      %dma_wait3A_108 = arith.constant 0 : i32
      %dma_wait3A_109 = tpu.memref_slice %arg4[%add3A, %dma_wait3A_107, %dma_wait3A_108] : memref<32x79x128xi32, #tpu.memory_space<hbm>> -> memref<1x79x128xi32, #tpu.memory_space<hbm>>
      %dma_wait3A_110 = tpu.memref_squeeze %dma_wait3A_109 : memref<1x79x128xi32, #tpu.memory_space<hbm>> -> memref<79x128xi32, #tpu.memory_space<hbm>>
      tpu.wait_dma2 semaphore(%run_scoped3A_96 : memref<!tpu.dma_semaphore, #tpu.memory_space<semaphore_mem>>) src(%dma_wait3A_110 : memref<79x128xi32, #tpu.memory_space<hbm>>) dst(%arg7 : memref<79x128xi32, #tpu.memory_space<vmem>>)
      tpu.yield
    }) : () -> ()
    "tpu.region"() ({
      %run_scoped3A_96 = tpu.sem_alloc : memref<!tpu.dma_semaphore, #tpu.memory_space<semaphore_mem>>
      %dma_start3A = arith.constant 0 : i32
      %dma_start3A_97 = arith.constant 0 : i32
      %dma_start3A_98 = tpu.memref_slice %arg5[%add3A, %dma_start3A, %dma_start3A_97] : memref<32x79x128xi32, #tpu.memory_space<hbm>> -> memref<1x79x128xi32, #tpu.memory_space<hbm>>
      %dma_start3A_99 = tpu.memref_squeeze %dma_start3A_98 : memref<1x79x128xi32, #tpu.memory_space<hbm>> -> memref<79x128xi32, #tpu.memory_space<hbm>>
      %dma_start3A_100 = arith.constant 0 : i32
      %dma_start3A_101 = arith.constant 0 : i32
      %dma_start3A_102 = tpu.memref_slice %arg5[%add3A, %dma_start3A_100, %dma_start3A_101] : memref<32x79x128xi32, #tpu.memory_space<hbm>> -> memref<1x79x128xi32, #tpu.memory_space<hbm>>
      %dma_start3A_103 = tpu.memref_squeeze %dma_start3A_102 : memref<1x79x128xi32, #tpu.memory_space<hbm>> -> memref<79x128xi32, #tpu.memory_space<hbm>>
      tpu.enqueue_dma source(%dma_start3A_103 : memref<79x128xi32, #tpu.memory_space<hbm>>) target(%arg8 : memref<79x128xi32, #tpu.memory_space<vmem>>) target_semaphore(%run_scoped3A_96 : memref<!tpu.dma_semaphore, #tpu.memory_space<semaphore_mem>>)
      %dma_wait3A = arith.constant 0 : i32
      %dma_wait3A_104 = arith.constant 0 : i32
      %dma_wait3A_105 = tpu.memref_slice %arg5[%add3A, %dma_wait3A, %dma_wait3A_104] : memref<32x79x128xi32, #tpu.memory_space<hbm>> -> memref<1x79x128xi32, #tpu.memory_space<hbm>>
      %dma_wait3A_106 = tpu.memref_squeeze %dma_wait3A_105 : memref<1x79x128xi32, #tpu.memory_space<hbm>> -> memref<79x128xi32, #tpu.memory_space<hbm>>
      %dma_wait3A_107 = arith.constant 0 : i32
      %dma_wait3A_108 = arith.constant 0 : i32
      %dma_wait3A_109 = tpu.memref_slice %arg5[%add3A, %dma_wait3A_107, %dma_wait3A_108] : memref<32x79x128xi32, #tpu.memory_space<hbm>> -> memref<1x79x128xi32, #tpu.memory_space<hbm>>
      %dma_wait3A_110 = tpu.memref_squeeze %dma_wait3A_109 : memref<1x79x128xi32, #tpu.memory_space<hbm>> -> memref<79x128xi32, #tpu.memory_space<hbm>>
      tpu.wait_dma2 semaphore(%run_scoped3A_96 : memref<!tpu.dma_semaphore, #tpu.memory_space<semaphore_mem>>) src(%dma_wait3A_110 : memref<79x128xi32, #tpu.memory_space<hbm>>) dst(%arg8 : memref<79x128xi32, #tpu.memory_space<vmem>>)
      tpu.yield
    }) : () -> ()
    %scan3A = arith.constant 0 : i32
    %scan3A_4 = arith.constant 0 : i32
    %scan3A_5 = arith.constant 128 : i32
    %scan3A_6 = arith.addi %scan3A_4, %scan3A_5 : i32
    %scan3A_7 = arith.constant 1 : i32
    %scan3A_8 = scf.for %scan3A_96 = %scan3A_4 to %scan3A_6 step %scan3A_7 iter_args(%scan3A_97 = %scan3A) -> (i32)  : i32 {
      %swap3A = arith.index_cast %scan3A_96 : i32 to index
      %swap3A_98 = arith.constant 0 : index
      %swap3A_99 = tpu.vector_load %arg9[%swap3A, %swap3A_98] {strides = array<i32>} : memref<128x32xf32, #tpu.memory_space<vmem>>, vector<1x16xf32>,
      %swap3A_100 = vector.shape_cast %swap3A_99 : vector<1x16xf32> to vector<16xf32>
      %swap3A_101 = vector.shape_cast %broadcast_in_dim3A_1 : vector<16xf32> to vector<1x16xf32>
      tpu.vector_store %arg9[%swap3A, %swap3A_98], %swap3A_101 {strides = array<i32>} : memref<128x32xf32, #tpu.memory_space<vmem>>, vector<1x16xf32>,
      %swap3A_102 = arith.index_cast %scan3A_96 : i32 to index
      %swap3A_103 = arith.constant 16 : index
      %swap3A_104 = tpu.vector_load %arg9[%swap3A_102, %swap3A_103] {strides = array<i32>} : memref<128x32xf32, #tpu.memory_space<vmem>>, vector<1x16xf32>,
      %swap3A_105 = vector.shape_cast %swap3A_104 : vector<1x16xf32> to vector<16xf32>
      %swap3A_106 = vector.shape_cast %broadcast_in_dim3A_1 : vector<16xf32> to vector<1x16xf32>
      tpu.vector_store %arg9[%swap3A_102, %swap3A_103], %swap3A_106 {strides = array<i32>} : memref<128x32xf32, #tpu.memory_space<vmem>>, vector<1x16xf32>,
      %scan3A_107 = arith.constant 0 : i32
      scf.yield %scan3A_107 : i32
    }
    %scan3A_9 = arith.constant 128 : i32
    %add3A_10 = arith.constant 0 : i32
    %add3A_11 = arith.addi %mul3A_3, %add3A_10 : i32
    "tpu.region"() ({
      %run_scoped3A_96 = tpu.sem_alloc : memref<!tpu.dma_semaphore, #tpu.memory_space<semaphore_mem>>
      %dma_start3A = arith.constant 0 : i32
      %dma_start3A_97 = tpu.memref_slice %arg10[%add3A_11, %dma_start3A] : memref<30080x32xf32, #tpu.memory_space<vmem_shared>> -> memref<128x32xf32, #tpu.memory_space<vmem_shared>>
      %dma_start3A_98 = arith.constant 0 : i32
      %dma_start3A_99 = tpu.memref_slice %arg10[%add3A_11, %dma_start3A_98] : memref<30080x32xf32, #tpu.memory_space<vmem_shared>> -> memref<128x32xf32, #tpu.memory_space<vmem_shared>>
      tpu.enqueue_dma source(%arg9 : memref<128x32xf32, #tpu.memory_space<vmem>>) target(%dma_start3A_99 : memref<128x32xf32, #tpu.memory_space<vmem_shared>>) target_semaphore(%run_scoped3A_96 : memref<!tpu.dma_semaphore, #tpu.memory_space<semaphore_mem>>)
      %dma_wait3A = arith.constant 0 : i32
      %dma_wait3A_100 = tpu.memref_slice %arg10[%add3A_11, %dma_wait3A] : memref<30080x32xf32, #tpu.memory_space<vmem_shared>> -> memref<128x32xf32, #tpu.memory_space<vmem_shared>>
      %dma_wait3A_101 = arith.constant 0 : i32
      %dma_wait3A_102 = tpu.memref_slice %arg10[%add3A_11, %dma_wait3A_101] : memref<30080x32xf32, #tpu.memory_space<vmem_shared>> -> memref<128x32xf32, #tpu.memory_space<vmem_shared>>
      tpu.wait_dma2 semaphore(%run_scoped3A_96 : memref<!tpu.dma_semaphore, #tpu.memory_space<semaphore_mem>>) src(%arg9 : memref<128x32xf32, #tpu.memory_space<vmem>>) dst(%dma_wait3A_102 : memref<128x32xf32, #tpu.memory_space<vmem_shared>>)
      tpu.yield
    }) : () -> ()
    %add3A_12 = arith.constant 128 : i32
    %add3A_13 = arith.addi %mul3A_3, %add3A_12 : i32
    "tpu.region"() ({
      %run_scoped3A_96 = tpu.sem_alloc : memref<!tpu.dma_semaphore, #tpu.memory_space<semaphore_mem>>
      %dma_start3A = arith.constant 0 : i32
      %dma_start3A_97 = tpu.memref_slice %arg10[%add3A_13, %dma_start3A] : memref<30080x32xf32, #tpu.memory_space<vmem_shared>> -> memref<128x32xf32, #tpu.memory_space<vmem_shared>>
      %dma_start3A_98 = arith.constant 0 : i32
      %dma_start3A_99 = tpu.memref_slice %arg10[%add3A_13, %dma_start3A_98] : memref<30080x32xf32, #tpu.memory_space<vmem_shared>> -> memref<128x32xf32, #tpu.memory_space<vmem_shared>>
      tpu.enqueue_dma source(%arg9 : memref<128x32xf32, #tpu.memory_space<vmem>>) target(%dma_start3A_99 : memref<128x32xf32, #tpu.memory_space<vmem_shared>>) target_semaphore(%run_scoped3A_96 : memref<!tpu.dma_semaphore, #tpu.memory_space<semaphore_mem>>)
      %dma_wait3A = arith.constant 0 : i32
      %dma_wait3A_100 = tpu.memref_slice %arg10[%add3A_13, %dma_wait3A] : memref<30080x32xf32, #tpu.memory_space<vmem_shared>> -> memref<128x32xf32, #tpu.memory_space<vmem_shared>>
      %dma_wait3A_101 = arith.constant 0 : i32
      %dma_wait3A_102 = tpu.memref_slice %arg10[%add3A_13, %dma_wait3A_101] : memref<30080x32xf32, #tpu.memory_space<vmem_shared>> -> memref<128x32xf32, #tpu.memory_space<vmem_shared>>
      tpu.wait_dma2 semaphore(%run_scoped3A_96 : memref<!tpu.dma_semaphore, #tpu.memory_space<semaphore_mem>>) src(%arg9 : memref<128x32xf32, #tpu.memory_space<vmem>>) dst(%dma_wait3A_102 : memref<128x32xf32, #tpu.memory_space<vmem_shared>>)
      tpu.yield
    }) : () -> ()
    %add3A_14 = arith.constant 256 : i32
    %add3A_15 = arith.addi %mul3A_3, %add3A_14 : i32
    "tpu.region"() ({
      %run_scoped3A_96 = tpu.sem_alloc : memref<!tpu.dma_semaphore, #tpu.memory_space<semaphore_mem>>
      %dma_start3A = arith.constant 0 : i32
      %dma_start3A_97 = tpu.memref_slice %arg10[%add3A_15, %dma_start3A] : memref<30080x32xf32, #tpu.memory_space<vmem_shared>> -> memref<128x32xf32, #tpu.memory_space<vmem_shared>>
      %dma_start3A_98 = arith.constant 0 : i32
      %dma_start3A_99 = tpu.memref_slice %arg10[%add3A_15, %dma_start3A_98] : memref<30080x32xf32, #tpu.memory_space<vmem_shared>> -> memref<128x32xf32, #tpu.memory_space<vmem_shared>>
      tpu.enqueue_dma source(%arg9 : memref<128x32xf32, #tpu.memory_space<vmem>>) target(%dma_start3A_99 : memref<128x32xf32, #tpu.memory_space<vmem_shared>>) target_semaphore(%run_scoped3A_96 : memref<!tpu.dma_semaphore, #tpu.memory_space<semaphore_mem>>)
      %dma_wait3A = arith.constant 0 : i32
      %dma_wait3A_100 = tpu.memref_slice %arg10[%add3A_15, %dma_wait3A] : memref<30080x32xf32, #tpu.memory_space<vmem_shared>> -> memref<128x32xf32, #tpu.memory_space<vmem_shared>>
      %dma_wait3A_101 = arith.constant 0 : i32
      %dma_wait3A_102 = tpu.memref_slice %arg10[%add3A_15, %dma_wait3A_101] : memref<30080x32xf32, #tpu.memory_space<vmem_shared>> -> memref<128x32xf32, #tpu.memory_space<vmem_shared>>
      tpu.wait_dma2 semaphore(%run_scoped3A_96 : memref<!tpu.dma_semaphore, #tpu.memory_space<semaphore_mem>>) src(%arg9 : memref<128x32xf32, #tpu.memory_space<vmem>>) dst(%dma_wait3A_102 : memref<128x32xf32, #tpu.memory_space<vmem_shared>>)
      tpu.yield
    }) : () -> ()
    %add3A_16 = arith.constant 384 : i32
    %add3A_17 = arith.addi %mul3A_3, %add3A_16 : i32
    "tpu.region"() ({
      %run_scoped3A_96 = tpu.sem_alloc : memref<!tpu.dma_semaphore, #tpu.memory_space<semaphore_mem>>
      %dma_start3A = arith.constant 0 : i32
      %dma_start3A_97 = tpu.memref_slice %arg10[%add3A_17, %dma_start3A] : memref<30080x32xf32, #tpu.memory_space<vmem_shared>> -> memref<128x32xf32, #tpu.memory_space<vmem_shared>>
      %dma_start3A_98 = arith.constant 0 : i32
      %dma_start3A_99 = tpu.memref_slice %arg10[%add3A_17, %dma_start3A_98] : memref<30080x32xf32, #tpu.memory_space<vmem_shared>> -> memref<128x32xf32, #tpu.memory_space<vmem_shared>>
      tpu.enqueue_dma source(%arg9 : memref<128x32xf32, #tpu.memory_space<vmem>>) target(%dma_start3A_99 : memref<128x32xf32, #tpu.memory_space<vmem_shared>>) target_semaphore(%run_scoped3A_96 : memref<!tpu.dma_semaphore, #tpu.memory_space<semaphore_mem>>)
      %dma_wait3A = arith.constant 0 : i32
      %dma_wait3A_100 = tpu.memref_slice %arg10[%add3A_17, %dma_wait3A] : memref<30080x32xf32, #tpu.memory_space<vmem_shared>> -> memref<128x32xf32, #tpu.memory_space<vmem_shared>>
      %dma_wait3A_101 = arith.constant 0 : i32
      %dma_wait3A_102 = tpu.memref_slice %arg10[%add3A_17, %dma_wait3A_101] : memref<30080x32xf32, #tpu.memory_space<vmem_shared>> -> memref<128x32xf32, #tpu.memory_space<vmem_shared>>
      tpu.wait_dma2 semaphore(%run_scoped3A_96 : memref<!tpu.dma_semaphore, #tpu.memory_space<semaphore_mem>>) src(%arg9 : memref<128x32xf32, #tpu.memory_space<vmem>>) dst(%dma_wait3A_102 : memref<128x32xf32, #tpu.memory_space<vmem_shared>>)
      tpu.yield
    }) : () -> ()
    %add3A_18 = arith.constant 512 : i32
    %add3A_19 = arith.addi %mul3A_3, %add3A_18 : i32
    "tpu.region"() ({
      %run_scoped3A_96 = tpu.sem_alloc : memref<!tpu.dma_semaphore, #tpu.memory_space<semaphore_mem>>
      %dma_start3A = arith.constant 0 : i32
      %dma_start3A_97 = tpu.memref_slice %arg10[%add3A_19, %dma_start3A] : memref<30080x32xf32, #tpu.memory_space<vmem_shared>> -> memref<128x32xf32, #tpu.memory_space<vmem_shared>>
      %dma_start3A_98 = arith.constant 0 : i32
      %dma_start3A_99 = tpu.memref_slice %arg10[%add3A_19, %dma_start3A_98] : memref<30080x32xf32, #tpu.memory_space<vmem_shared>> -> memref<128x32xf32, #tpu.memory_space<vmem_shared>>
      tpu.enqueue_dma source(%arg9 : memref<128x32xf32, #tpu.memory_space<vmem>>) target(%dma_start3A_99 : memref<128x32xf32, #tpu.memory_space<vmem_shared>>) target_semaphore(%run_scoped3A_96 : memref<!tpu.dma_semaphore, #tpu.memory_space<semaphore_mem>>)
      %dma_wait3A = arith.constant 0 : i32
      %dma_wait3A_100 = tpu.memref_slice %arg10[%add3A_19, %dma_wait3A] : memref<30080x32xf32, #tpu.memory_space<vmem_shared>> -> memref<128x32xf32, #tpu.memory_space<vmem_shared>>
      %dma_wait3A_101 = arith.constant 0 : i32
      %dma_wait3A_102 = tpu.memref_slice %arg10[%add3A_19, %dma_wait3A_101] : memref<30080x32xf32, #tpu.memory_space<vmem_shared>> -> memref<128x32xf32, #tpu.memory_space<vmem_shared>>
      tpu.wait_dma2 semaphore(%run_scoped3A_96 : memref<!tpu.dma_semaphore, #tpu.memory_space<semaphore_mem>>) src(%arg9 : memref<128x32xf32, #tpu.memory_space<vmem>>) dst(%dma_wait3A_102 : memref<128x32xf32, #tpu.memory_space<vmem_shared>>)
      tpu.yield
    }) : () -> ()
    %add3A_20 = arith.constant 640 : i32
    %add3A_21 = arith.addi %mul3A_3, %add3A_20 : i32
    "tpu.region"() ({
      %run_scoped3A_96 = tpu.sem_alloc : memref<!tpu.dma_semaphore, #tpu.memory_space<semaphore_mem>>
      %dma_start3A = arith.constant 0 : i32
      %dma_start3A_97 = tpu.memref_slice %arg10[%add3A_21, %dma_start3A] : memref<30080x32xf32, #tpu.memory_space<vmem_shared>> -> memref<128x32xf32, #tpu.memory_space<vmem_shared>>
      %dma_start3A_98 = arith.constant 0 : i32
      %dma_start3A_99 = tpu.memref_slice %arg10[%add3A_21, %dma_start3A_98] : memref<30080x32xf32, #tpu.memory_space<vmem_shared>> -> memref<128x32xf32, #tpu.memory_space<vmem_shared>>
      tpu.enqueue_dma source(%arg9 : memref<128x32xf32, #tpu.memory_space<vmem>>) target(%dma_start3A_99 : memref<128x32xf32, #tpu.memory_space<vmem_shared>>) target_semaphore(%run_scoped3A_96 : memref<!tpu.dma_semaphore, #tpu.memory_space<semaphore_mem>>)
      %dma_wait3A = arith.constant 0 : i32
      %dma_wait3A_100 = tpu.memref_slice %arg10[%add3A_21, %dma_wait3A] : memref<30080x32xf32, #tpu.memory_space<vmem_shared>> -> memref<128x32xf32, #tpu.memory_space<vmem_shared>>
      %dma_wait3A_101 = arith.constant 0 : i32
      %dma_wait3A_102 = tpu.memref_slice %arg10[%add3A_21, %dma_wait3A_101] : memref<30080x32xf32, #tpu.memory_space<vmem_shared>> -> memref<128x32xf32, #tpu.memory_space<vmem_shared>>
      tpu.wait_dma2 semaphore(%run_scoped3A_96 : memref<!tpu.dma_semaphore, #tpu.memory_space<semaphore_mem>>) src(%arg9 : memref<128x32xf32, #tpu.memory_space<vmem>>) dst(%dma_wait3A_102 : memref<128x32xf32, #tpu.memory_space<vmem_shared>>)
      tpu.yield
    }) : () -> ()
    %add3A_22 = arith.constant 768 : i32
    %add3A_23 = arith.addi %mul3A_3, %add3A_22 : i32
    "tpu.region"() ({
      %run_scoped3A_96 = tpu.sem_alloc : memref<!tpu.dma_semaphore, #tpu.memory_space<semaphore_mem>>
      %dma_start3A = arith.constant 0 : i32
      %dma_start3A_97 = tpu.memref_slice %arg10[%add3A_23, %dma_start3A] : memref<30080x32xf32, #tpu.memory_space<vmem_shared>> -> memref<128x32xf32, #tpu.memory_space<vmem_shared>>
      %dma_start3A_98 = arith.constant 0 : i32
      %dma_start3A_99 = tpu.memref_slice %arg10[%add3A_23, %dma_start3A_98] : memref<30080x32xf32, #tpu.memory_space<vmem_shared>> -> memref<128x32xf32, #tpu.memory_space<vmem_shared>>
      tpu.enqueue_dma source(%arg9 : memref<128x32xf32, #tpu.memory_space<vmem>>) target(%dma_start3A_99 : memref<128x32xf32, #tpu.memory_space<vmem_shared>>) target_semaphore(%run_scoped3A_96 : memref<!tpu.dma_semaphore, #tpu.memory_space<semaphore_mem>>)
      %dma_wait3A = arith.constant 0 : i32
      %dma_wait3A_100 = tpu.memref_slice %arg10[%add3A_23, %dma_wait3A] : memref<30080x32xf32, #tpu.memory_space<vmem_shared>> -> memref<128x32xf32, #tpu.memory_space<vmem_shared>>
      %dma_wait3A_101 = arith.constant 0 : i32
      %dma_wait3A_102 = tpu.memref_slice %arg10[%add3A_23, %dma_wait3A_101] : memref<30080x32xf32, #tpu.memory_space<vmem_shared>> -> memref<128x32xf32, #tpu.memory_space<vmem_shared>>
      tpu.wait_dma2 semaphore(%run_scoped3A_96 : memref<!tpu.dma_semaphore, #tpu.memory_space<semaphore_mem>>) src(%arg9 : memref<128x32xf32, #tpu.memory_space<vmem>>) dst(%dma_wait3A_102 : memref<128x32xf32, #tpu.memory_space<vmem_shared>>)
      tpu.yield
    }) : () -> ()
    %add3A_24 = arith.constant 896 : i32
    %add3A_25 = arith.addi %mul3A_3, %add3A_24 : i32
    "tpu.region"() ({
      %run_scoped3A_96 = tpu.sem_alloc : memref<!tpu.dma_semaphore, #tpu.memory_space<semaphore_mem>>
      %dma_start3A = arith.constant 0 : i32
      %dma_start3A_97 = tpu.memref_slice %arg10[%add3A_25, %dma_start3A] : memref<30080x32xf32, #tpu.memory_space<vmem_shared>> -> memref<128x32xf32, #tpu.memory_space<vmem_shared>>
      %dma_start3A_98 = arith.constant 0 : i32
      %dma_start3A_99 = tpu.memref_slice %arg10[%add3A_25, %dma_start3A_98] : memref<30080x32xf32, #tpu.memory_space<vmem_shared>> -> memref<128x32xf32, #tpu.memory_space<vmem_shared>>
      tpu.enqueue_dma source(%arg9 : memref<128x32xf32, #tpu.memory_space<vmem>>) target(%dma_start3A_99 : memref<128x32xf32, #tpu.memory_space<vmem_shared>>) target_semaphore(%run_scoped3A_96 : memref<!tpu.dma_semaphore, #tpu.memory_space<semaphore_mem>>)
      %dma_wait3A = arith.constant 0 : i32
      %dma_wait3A_100 = tpu.memref_slice %arg10[%add3A_25, %dma_wait3A] : memref<30080x32xf32, #tpu.memory_space<vmem_shared>> -> memref<128x32xf32, #tpu.memory_space<vmem_shared>>
      %dma_wait3A_101 = arith.constant 0 : i32
      %dma_wait3A_102 = tpu.memref_slice %arg10[%add3A_25, %dma_wait3A_101] : memref<30080x32xf32, #tpu.memory_space<vmem_shared>> -> memref<128x32xf32, #tpu.memory_space<vmem_shared>>
      tpu.wait_dma2 semaphore(%run_scoped3A_96 : memref<!tpu.dma_semaphore, #tpu.memory_space<semaphore_mem>>) src(%arg9 : memref<128x32xf32, #tpu.memory_space<vmem>>) dst(%dma_wait3A_102 : memref<128x32xf32, #tpu.memory_space<vmem_shared>>)
      tpu.yield
    }) : () -> ()
    %add3A_26 = arith.constant 1024 : i32
    %add3A_27 = arith.addi %mul3A_3, %add3A_26 : i32
    "tpu.region"() ({
      %run_scoped3A_96 = tpu.sem_alloc : memref<!tpu.dma_semaphore, #tpu.memory_space<semaphore_mem>>
      %dma_start3A = arith.constant 0 : i32
      %dma_start3A_97 = tpu.memref_slice %arg10[%add3A_27, %dma_start3A] : memref<30080x32xf32, #tpu.memory_space<vmem_shared>> -> memref<128x32xf32, #tpu.memory_space<vmem_shared>>
      %dma_start3A_98 = arith.constant 0 : i32
      %dma_start3A_99 = tpu.memref_slice %arg10[%add3A_27, %dma_start3A_98] : memref<30080x32xf32, #tpu.memory_space<vmem_shared>> -> memref<128x32xf32, #tpu.memory_space<vmem_shared>>
      tpu.enqueue_dma source(%arg9 : memref<128x32xf32, #tpu.memory_space<vmem>>) target(%dma_start3A_99 : memref<128x32xf32, #tpu.memory_space<vmem_shared>>) target_semaphore(%run_scoped3A_96 : memref<!tpu.dma_semaphore, #tpu.memory_space<semaphore_mem>>)
      %dma_wait3A = arith.constant 0 : i32
      %dma_wait3A_100 = tpu.memref_slice %arg10[%add3A_27, %dma_wait3A] : memref<30080x32xf32, #tpu.memory_space<vmem_shared>> -> memref<128x32xf32, #tpu.memory_space<vmem_shared>>
      %dma_wait3A_101 = arith.constant 0 : i32
      %dma_wait3A_102 = tpu.memref_slice %arg10[%add3A_27, %dma_wait3A_101] : memref<30080x32xf32, #tpu.memory_space<vmem_shared>> -> memref<128x32xf32, #tpu.memory_space<vmem_shared>>
      tpu.wait_dma2 semaphore(%run_scoped3A_96 : memref<!tpu.dma_semaphore, #tpu.memory_space<semaphore_mem>>) src(%arg9 : memref<128x32xf32, #tpu.memory_space<vmem>>) dst(%dma_wait3A_102 : memref<128x32xf32, #tpu.memory_space<vmem_shared>>)
      tpu.yield
    }) : () -> ()
    %add3A_28 = arith.constant 1152 : i32
    %add3A_29 = arith.addi %mul3A_3, %add3A_28 : i32
    "tpu.region"() ({
      %run_scoped3A_96 = tpu.sem_alloc : memref<!tpu.dma_semaphore, #tpu.memory_space<semaphore_mem>>
      %dma_start3A = arith.constant 0 : i32
      %dma_start3A_97 = tpu.memref_slice %arg10[%add3A_29, %dma_start3A] : memref<30080x32xf32, #tpu.memory_space<vmem_shared>> -> memref<128x32xf32, #tpu.memory_space<vmem_shared>>
      %dma_start3A_98 = arith.constant 0 : i32
      %dma_start3A_99 = tpu.memref_slice %arg10[%add3A_29, %dma_start3A_98] : memref<30080x32xf32, #tpu.memory_space<vmem_shared>> -> memref<128x32xf32, #tpu.memory_space<vmem_shared>>
      tpu.enqueue_dma source(%arg9 : memref<128x32xf32, #tpu.memory_space<vmem>>) target(%dma_start3A_99 : memref<128x32xf32, #tpu.memory_space<vmem_shared>>) target_semaphore(%run_scoped3A_96 : memref<!tpu.dma_semaphore, #tpu.memory_space<semaphore_mem>>)
      %dma_wait3A = arith.constant 0 : i32
      %dma_wait3A_100 = tpu.memref_slice %arg10[%add3A_29, %dma_wait3A] : memref<30080x32xf32, #tpu.memory_space<vmem_shared>> -> memref<128x32xf32, #tpu.memory_space<vmem_shared>>
      %dma_wait3A_101 = arith.constant 0 : i32
      %dma_wait3A_102 = tpu.memref_slice %arg10[%add3A_29, %dma_wait3A_101] : memref<30080x32xf32, #tpu.memory_space<vmem_shared>> -> memref<128x32xf32, #tpu.memory_space<vmem_shared>>
      tpu.wait_dma2 semaphore(%run_scoped3A_96 : memref<!tpu.dma_semaphore, #tpu.memory_space<semaphore_mem>>) src(%arg9 : memref<128x32xf32, #tpu.memory_space<vmem>>) dst(%dma_wait3A_102 : memref<128x32xf32, #tpu.memory_space<vmem_shared>>)
      tpu.yield
    }) : () -> ()
    %add3A_30 = arith.constant 1280 : i32
    %add3A_31 = arith.addi %mul3A_3, %add3A_30 : i32
    "tpu.region"() ({
      %run_scoped3A_96 = tpu.sem_alloc : memref<!tpu.dma_semaphore, #tpu.memory_space<semaphore_mem>>
      %dma_start3A = arith.constant 0 : i32
      %dma_start3A_97 = tpu.memref_slice %arg10[%add3A_31, %dma_start3A] : memref<30080x32xf32, #tpu.memory_space<vmem_shared>> -> memref<128x32xf32, #tpu.memory_space<vmem_shared>>
      %dma_start3A_98 = arith.constant 0 : i32
      %dma_start3A_99 = tpu.memref_slice %arg10[%add3A_31, %dma_start3A_98] : memref<30080x32xf32, #tpu.memory_space<vmem_shared>> -> memref<128x32xf32, #tpu.memory_space<vmem_shared>>
      tpu.enqueue_dma source(%arg9 : memref<128x32xf32, #tpu.memory_space<vmem>>) target(%dma_start3A_99 : memref<128x32xf32, #tpu.memory_space<vmem_shared>>) target_semaphore(%run_scoped3A_96 : memref<!tpu.dma_semaphore, #tpu.memory_space<semaphore_mem>>)
      %dma_wait3A = arith.constant 0 : i32
      %dma_wait3A_100 = tpu.memref_slice %arg10[%add3A_31, %dma_wait3A] : memref<30080x32xf32, #tpu.memory_space<vmem_shared>> -> memref<128x32xf32, #tpu.memory_space<vmem_shared>>
      %dma_wait3A_101 = arith.constant 0 : i32
      %dma_wait3A_102 = tpu.memref_slice %arg10[%add3A_31, %dma_wait3A_101] : memref<30080x32xf32, #tpu.memory_space<vmem_shared>> -> memref<128x32xf32, #tpu.memory_space<vmem_shared>>
      tpu.wait_dma2 semaphore(%run_scoped3A_96 : memref<!tpu.dma_semaphore, #tpu.memory_space<semaphore_mem>>) src(%arg9 : memref<128x32xf32, #tpu.memory_space<vmem>>) dst(%dma_wait3A_102 : memref<128x32xf32, #tpu.memory_space<vmem_shared>>)
      tpu.yield
    }) : () -> ()
    %add3A_32 = arith.constant 1408 : i32
    %add3A_33 = arith.addi %mul3A_3, %add3A_32 : i32
    "tpu.region"() ({
      %run_scoped3A_96 = tpu.sem_alloc : memref<!tpu.dma_semaphore, #tpu.memory_space<semaphore_mem>>
      %dma_start3A = arith.constant 0 : i32
      %dma_start3A_97 = tpu.memref_slice %arg10[%add3A_33, %dma_start3A] : memref<30080x32xf32, #tpu.memory_space<vmem_shared>> -> memref<128x32xf32, #tpu.memory_space<vmem_shared>>
      %dma_start3A_98 = arith.constant 0 : i32
      %dma_start3A_99 = tpu.memref_slice %arg10[%add3A_33, %dma_start3A_98] : memref<30080x32xf32, #tpu.memory_space<vmem_shared>> -> memref<128x32xf32, #tpu.memory_space<vmem_shared>>
      tpu.enqueue_dma source(%arg9 : memref<128x32xf32, #tpu.memory_space<vmem>>) target(%dma_start3A_99 : memref<128x32xf32, #tpu.memory_space<vmem_shared>>) target_semaphore(%run_scoped3A_96 : memref<!tpu.dma_semaphore, #tpu.memory_space<semaphore_mem>>)
      %dma_wait3A = arith.constant 0 : i32
      %dma_wait3A_100 = tpu.memref_slice %arg10[%add3A_33, %dma_wait3A] : memref<30080x32xf32, #tpu.memory_space<vmem_shared>> -> memref<128x32xf32, #tpu.memory_space<vmem_shared>>
      %dma_wait3A_101 = arith.constant 0 : i32
      %dma_wait3A_102 = tpu.memref_slice %arg10[%add3A_33, %dma_wait3A_101] : memref<30080x32xf32, #tpu.memory_space<vmem_shared>> -> memref<128x32xf32, #tpu.memory_space<vmem_shared>>
      tpu.wait_dma2 semaphore(%run_scoped3A_96 : memref<!tpu.dma_semaphore, #tpu.memory_space<semaphore_mem>>) src(%arg9 : memref<128x32xf32, #tpu.memory_space<vmem>>) dst(%dma_wait3A_102 : memref<128x32xf32, #tpu.memory_space<vmem_shared>>)
      tpu.yield
    }) : () -> ()
    %add3A_34 = arith.constant 1536 : i32
    %add3A_35 = arith.addi %mul3A_3, %add3A_34 : i32
    "tpu.region"() ({
      %run_scoped3A_96 = tpu.sem_alloc : memref<!tpu.dma_semaphore, #tpu.memory_space<semaphore_mem>>
      %dma_start3A = arith.constant 0 : i32
      %dma_start3A_97 = tpu.memref_slice %arg10[%add3A_35, %dma_start3A] : memref<30080x32xf32, #tpu.memory_space<vmem_shared>> -> memref<128x32xf32, #tpu.memory_space<vmem_shared>>
      %dma_start3A_98 = arith.constant 0 : i32
      %dma_start3A_99 = tpu.memref_slice %arg10[%add3A_35, %dma_start3A_98] : memref<30080x32xf32, #tpu.memory_space<vmem_shared>> -> memref<128x32xf32, #tpu.memory_space<vmem_shared>>
      tpu.enqueue_dma source(%arg9 : memref<128x32xf32, #tpu.memory_space<vmem>>) target(%dma_start3A_99 : memref<128x32xf32, #tpu.memory_space<vmem_shared>>) target_semaphore(%run_scoped3A_96 : memref<!tpu.dma_semaphore, #tpu.memory_space<semaphore_mem>>)
      %dma_wait3A = arith.constant 0 : i32
      %dma_wait3A_100 = tpu.memref_slice %arg10[%add3A_35, %dma_wait3A] : memref<30080x32xf32, #tpu.memory_space<vmem_shared>> -> memref<128x32xf32, #tpu.memory_space<vmem_shared>>
      %dma_wait3A_101 = arith.constant 0 : i32
      %dma_wait3A_102 = tpu.memref_slice %arg10[%add3A_35, %dma_wait3A_101] : memref<30080x32xf32, #tpu.memory_space<vmem_shared>> -> memref<128x32xf32, #tpu.memory_space<vmem_shared>>
      tpu.wait_dma2 semaphore(%run_scoped3A_96 : memref<!tpu.dma_semaphore, #tpu.memory_space<semaphore_mem>>) src(%arg9 : memref<128x32xf32, #tpu.memory_space<vmem>>) dst(%dma_wait3A_102 : memref<128x32xf32, #tpu.memory_space<vmem_shared>>)
      tpu.yield
    }) : () -> ()
    %add3A_36 = arith.constant 1664 : i32
    %add3A_37 = arith.addi %mul3A_3, %add3A_36 : i32
    "tpu.region"() ({
      %run_scoped3A_96 = tpu.sem_alloc : memref<!tpu.dma_semaphore, #tpu.memory_space<semaphore_mem>>
      %dma_start3A = arith.constant 0 : i32
      %dma_start3A_97 = tpu.memref_slice %arg10[%add3A_37, %dma_start3A] : memref<30080x32xf32, #tpu.memory_space<vmem_shared>> -> memref<128x32xf32, #tpu.memory_space<vmem_shared>>
      %dma_start3A_98 = arith.constant 0 : i32
      %dma_start3A_99 = tpu.memref_slice %arg10[%add3A_37, %dma_start3A_98] : memref<30080x32xf32, #tpu.memory_space<vmem_shared>> -> memref<128x32xf32, #tpu.memory_space<vmem_shared>>
      tpu.enqueue_dma source(%arg9 : memref<128x32xf32, #tpu.memory_space<vmem>>) target(%dma_start3A_99 : memref<128x32xf32, #tpu.memory_space<vmem_shared>>) target_semaphore(%run_scoped3A_96 : memref<!tpu.dma_semaphore, #tpu.memory_space<semaphore_mem>>)
      %dma_wait3A = arith.constant 0 : i32
      %dma_wait3A_100 = tpu.memref_slice %arg10[%add3A_37, %dma_wait3A] : memref<30080x32xf32, #tpu.memory_space<vmem_shared>> -> memref<128x32xf32, #tpu.memory_space<vmem_shared>>
      %dma_wait3A_101 = arith.constant 0 : i32
      %dma_wait3A_102 = tpu.memref_slice %arg10[%add3A_37, %dma_wait3A_101] : memref<30080x32xf32, #tpu.memory_space<vmem_shared>> -> memref<128x32xf32, #tpu.memory_space<vmem_shared>>
      tpu.wait_dma2 semaphore(%run_scoped3A_96 : memref<!tpu.dma_semaphore, #tpu.memory_space<semaphore_mem>>) src(%arg9 : memref<128x32xf32, #tpu.memory_space<vmem>>) dst(%dma_wait3A_102 : memref<128x32xf32, #tpu.memory_space<vmem_shared>>)
      tpu.yield
    }) : () -> ()
    %add3A_38 = arith.constant 1792 : i32
    %add3A_39 = arith.addi %mul3A_3, %add3A_38 : i32
    "tpu.region"() ({
      %run_scoped3A_96 = tpu.sem_alloc : memref<!tpu.dma_semaphore, #tpu.memory_space<semaphore_mem>>
      %dma_start3A = arith.constant 0 : i32
      %dma_start3A_97 = arith.constant 0 : i32
      %dma_start3A_98 = tpu.memref_slice %arg9[%dma_start3A, %dma_start3A_97] : memref<128x32xf32, #tpu.memory_space<vmem>> -> memref<88x32xf32, #tpu.memory_space<vmem>>
      %dma_start3A_99 = arith.constant 0 : i32
      %dma_start3A_100 = tpu.memref_slice %arg10[%add3A_39, %dma_start3A_99] : memref<30080x32xf32, #tpu.memory_space<vmem_shared>> -> memref<88x32xf32, #tpu.memory_space<vmem_shared>>
      %dma_start3A_101 = arith.constant 0 : i32
      %dma_start3A_102 = tpu.memref_slice %arg10[%add3A_39, %dma_start3A_101] : memref<30080x32xf32, #tpu.memory_space<vmem_shared>> -> memref<88x32xf32, #tpu.memory_space<vmem_shared>>
      %dma_start3A_103 = arith.constant 0 : i32
      %dma_start3A_104 = arith.constant 0 : i32
      %dma_start3A_105 = tpu.memref_slice %arg9[%dma_start3A_103, %dma_start3A_104] : memref<128x32xf32, #tpu.memory_space<vmem>> -> memref<88x32xf32, #tpu.memory_space<vmem>>
      tpu.enqueue_dma source(%dma_start3A_105 : memref<88x32xf32, #tpu.memory_space<vmem>>) target(%dma_start3A_102 : memref<88x32xf32, #tpu.memory_space<vmem_shared>>) target_semaphore(%run_scoped3A_96 : memref<!tpu.dma_semaphore, #tpu.memory_space<semaphore_mem>>)
      %dma_wait3A = arith.constant 0 : i32
      %dma_wait3A_106 = arith.constant 0 : i32
      %dma_wait3A_107 = tpu.memref_slice %arg9[%dma_wait3A, %dma_wait3A_106] : memref<128x32xf32, #tpu.memory_space<vmem>> -> memref<88x32xf32, #tpu.memory_space<vmem>>
      %dma_wait3A_108 = arith.constant 0 : i32
      %dma_wait3A_109 = tpu.memref_slice %arg10[%add3A_39, %dma_wait3A_108] : memref<30080x32xf32, #tpu.memory_space<vmem_shared>> -> memref<88x32xf32, #tpu.memory_space<vmem_shared>>
      %dma_wait3A_110 = arith.constant 0 : i32
      %dma_wait3A_111 = tpu.memref_slice %arg10[%add3A_39, %dma_wait3A_110] : memref<30080x32xf32, #tpu.memory_space<vmem_shared>> -> memref<88x32xf32, #tpu.memory_space<vmem_shared>>
      %dma_wait3A_112 = arith.constant 0 : i32
      %dma_wait3A_113 = arith.constant 0 : i32
      %dma_wait3A_114 = tpu.memref_slice %arg9[%dma_wait3A_112, %dma_wait3A_113] : memref<128x32xf32, #tpu.memory_space<vmem>> -> memref<88x32xf32, #tpu.memory_space<vmem>>
      tpu.wait_dma2 semaphore(%run_scoped3A_96 : memref<!tpu.dma_semaphore, #tpu.memory_space<semaphore_mem>>) src(%dma_wait3A_114 : memref<88x32xf32, #tpu.memory_space<vmem>>) dst(%dma_wait3A_111 : memref<88x32xf32, #tpu.memory_space<vmem_shared>>)
      tpu.yield
    }) : () -> ()
    %barrier3A = arith.constant 0 : index
    tpu.barrier barrier_id(%barrier3A)
    %scan3A_40 = arith.constant 0 : i32
    %scan3A_41 = arith.constant 0 : i32
    %scan3A_42 = arith.constant 79 : i32
    %scan3A_43 = arith.addi %scan3A_41, %scan3A_42 : i32
    %scan3A_44 = arith.constant 1 : i32
    %scan3A_45 = scf.for %scan3A_96 = %scan3A_41 to %scan3A_43 step %scan3A_44 iter_args(%scan3A_97 = %scan3A_40) -> (i32)  : i32 {
      "tpu.region"() ({
        %run_scoped3A_99 = tpu.sem_alloc : memref<!tpu.dma_semaphore, #tpu.memory_space<semaphore_mem>>
        %dma_start3A = arith.constant 0 : i32
        %dma_start3A_100 = tpu.memref_slice %arg7[%scan3A_96, %dma_start3A] : memref<79x128xi32, #tpu.memory_space<vmem>> -> memref<1x128xi32, #tpu.memory_space<vmem>>
        %dma_start3A_101 = tpu.memref_squeeze %dma_start3A_100 : memref<1x128xi32, #tpu.memory_space<vmem>> -> memref<128xi32, #tpu.memory_space<vmem>>
        %dma_start3A_102 = arith.constant 0 : i32
        %dma_start3A_103 = arith.constant 0 : i32
        %dma_start3A_104 = tpu.memref_slice %arg2[%dma_start3A_102, %dma_start3A_103] : memref<30080x32xf32, #tpu.memory_space<hbm>> -> memref<30080x32xf32, #tpu.memory_space<hbm>>
        tpu.enqueue_indirect_dma source(%dma_start3A_104 : memref<30080x32xf32, #tpu.memory_space<hbm>>) target(%arg9 : memref<128x32xf32, #tpu.memory_space<vmem>>) offsets(%dma_start3A_101 : memref<128xi32, #tpu.memory_space<vmem>>) semaphore(%run_scoped3A_99 : memref<!tpu.dma_semaphore, #tpu.memory_space<semaphore_mem>>)
        %dma_wait3A = arith.constant 0 : i32
        %dma_wait3A_105 = tpu.memref_slice %arg7[%scan3A_96, %dma_wait3A] : memref<79x128xi32, #tpu.memory_space<vmem>> -> memref<1x128xi32, #tpu.memory_space<vmem>>
        %dma_wait3A_106 = tpu.memref_squeeze %dma_wait3A_105 : memref<1x128xi32, #tpu.memory_space<vmem>> -> memref<128xi32, #tpu.memory_space<vmem>>
        %dma_wait3A_107 = arith.constant 0 : i32
        %dma_wait3A_108 = arith.constant 0 : i32
        %dma_wait3A_109 = tpu.memref_slice %arg2[%dma_wait3A_107, %dma_wait3A_108] : memref<30080x32xf32, #tpu.memory_space<hbm>> -> memref<30080x32xf32, #tpu.memory_space<hbm>>
        tpu.wait_indirect_dma semaphore(%run_scoped3A_99 : memref<!tpu.dma_semaphore, #tpu.memory_space<semaphore_mem>>) src(%dma_wait3A_109 : memref<30080x32xf32, #tpu.memory_space<hbm>>) dst(%arg9 : memref<128x32xf32, #tpu.memory_space<vmem>>)
        tpu.yield
      }) : () -> ()
      "tpu.region"() ({
        %run_scoped3A_99 = tpu.sem_alloc : memref<!tpu.dma_semaphore, #tpu.memory_space<semaphore_mem>>
        %dma_start3A = arith.constant 0 : i32
        %dma_start3A_100 = tpu.memref_slice %arg8[%scan3A_96, %dma_start3A] : memref<79x128xi32, #tpu.memory_space<vmem>> -> memref<1x128xi32, #tpu.memory_space<vmem>>
        %dma_start3A_101 = tpu.memref_squeeze %dma_start3A_100 : memref<1x128xi32, #tpu.memory_space<vmem>> -> memref<128xi32, #tpu.memory_space<vmem>>
        %dma_start3A_102 = arith.constant 0 : i32
        %dma_start3A_103 = arith.constant 0 : i32
        %dma_start3A_104 = tpu.memref_slice %arg10[%dma_start3A_102, %dma_start3A_103] : memref<30080x32xf32, #tpu.memory_space<vmem_shared>> -> memref<30080x32xf32, #tpu.memory_space<vmem_shared>>
        tpu.enqueue_indirect_dma source(%arg9 : memref<128x32xf32, #tpu.memory_space<vmem>>) target(%dma_start3A_104 : memref<30080x32xf32, #tpu.memory_space<vmem_shared>>) offsets(%dma_start3A_101 : memref<128xi32, #tpu.memory_space<vmem>>) semaphore(%run_scoped3A_99 : memref<!tpu.dma_semaphore, #tpu.memory_space<semaphore_mem>>) {add = true}
        %dma_wait3A = arith.constant 0 : i32
        %dma_wait3A_105 = tpu.memref_slice %arg8[%scan3A_96, %dma_wait3A] : memref<79x128xi32, #tpu.memory_space<vmem>> -> memref<1x128xi32, #tpu.memory_space<vmem>>
        %dma_wait3A_106 = tpu.memref_squeeze %dma_wait3A_105 : memref<1x128xi32, #tpu.memory_space<vmem>> -> memref<128xi32, #tpu.memory_space<vmem>>
        %dma_wait3A_107 = arith.constant 0 : i32
        %dma_wait3A_108 = arith.constant 0 : i32
        %dma_wait3A_109 = tpu.memref_slice %arg10[%dma_wait3A_107, %dma_wait3A_108] : memref<30080x32xf32, #tpu.memory_space<vmem_shared>> -> memref<30080x32xf32, #tpu.memory_space<vmem_shared>>
        tpu.wait_indirect_dma semaphore(%run_scoped3A_99 : memref<!tpu.dma_semaphore, #tpu.memory_space<semaphore_mem>>) src(%arg9 : memref<128x32xf32, #tpu.memory_space<vmem>>) dst(%dma_wait3A_109 : memref<30080x32xf32, #tpu.memory_space<vmem_shared>>)
        tpu.yield
      }) : () -> ()
      %scan3A_98 = arith.constant 0 : i32
      scf.yield %scan3A_98 : i32
    }
    %scan3A_46 = arith.constant 79 : i32
    %barrier3A_47 = arith.constant 0 : index
    tpu.barrier barrier_id(%barrier3A_47)
    %run_scoped3A = arith.constant 0 : i32
    "tpu.region"() ({
      %run_scoped3A_96 = tpu.sem_alloc : memref<!tpu.dma_semaphore, #tpu.memory_space<semaphore_mem>>
      %dma_start3A = arith.constant 0 : i32
      %dma_start3A_97 = arith.constant 0 : i32
      %dma_start3A_98 = arith.constant 0 : i32
      %dma_start3A_99 = tpu.memref_slice %arg6[%arg0, %dma_start3A, %dma_start3A_97, %dma_start3A_98] : memref<2x2x30080x32xf32, #tpu.memory_space<hbm>> -> memref<1x2x30080x32xf32, #tpu.memory_space<hbm>>
      %dma_start3A_100 = tpu.memref_squeeze %dma_start3A_99 : memref<1x2x30080x32xf32, #tpu.memory_space<hbm>> -> memref<2x30080x32xf32, #tpu.memory_space<hbm>>
      %dma_start3A_101 = arith.constant 0 : i32
      %dma_start3A_102 = arith.constant 0 : i32
      %dma_start3A_103 = tpu.memref_slice %dma_start3A_100[%run_scoped3A, %dma_start3A_101, %dma_start3A_102] : memref<2x30080x32xf32, #tpu.memory_space<hbm>> -> memref<1x30080x32xf32, #tpu.memory_space<hbm>>
      %dma_start3A_104 = tpu.memref_squeeze %dma_start3A_103 : memref<1x30080x32xf32, #tpu.memory_space<hbm>> -> memref<30080x32xf32, #tpu.memory_space<hbm>>
      %dma_start3A_105 = arith.constant 0 : i32
      %dma_start3A_106 = tpu.memref_slice %dma_start3A_104[%mul3A_3, %dma_start3A_105] : memref<30080x32xf32, #tpu.memory_space<hbm>> -> memref<1880x32xf32, #tpu.memory_space<hbm>>
      %dma_start3A_107 = arith.constant 0 : i32
      %dma_start3A_108 = tpu.memref_slice %arg10[%mul3A_3, %dma_start3A_107] : memref<30080x32xf32, #tpu.memory_space<vmem_shared>> -> memref<1880x32xf32, #tpu.memory_space<vmem_shared>>
      tpu.enqueue_dma source(%dma_start3A_108 : memref<1880x32xf32, #tpu.memory_space<vmem_shared>>) target(%dma_start3A_106 : memref<1880x32xf32, #tpu.memory_space<hbm>>) target_semaphore(%run_scoped3A_96 : memref<!tpu.dma_semaphore, #tpu.memory_space<semaphore_mem>>)
      %dma_wait3A = arith.constant 0 : i32
      %dma_wait3A_109 = arith.constant 0 : i32
      %dma_wait3A_110 = arith.constant 0 : i32
      %dma_wait3A_111 = tpu.memref_slice %arg6[%arg0, %dma_wait3A, %dma_wait3A_109, %dma_wait3A_110] : memref<2x2x30080x32xf32, #tpu.memory_space<hbm>> -> memref<1x2x30080x32xf32, #tpu.memory_space<hbm>>
      %dma_wait3A_112 = tpu.memref_squeeze %dma_wait3A_111 : memref<1x2x30080x32xf32, #tpu.memory_space<hbm>> -> memref<2x30080x32xf32, #tpu.memory_space<hbm>>
      %dma_wait3A_113 = arith.constant 0 : i32
      %dma_wait3A_114 = arith.constant 0 : i32
      %dma_wait3A_115 = tpu.memref_slice %dma_wait3A_112[%run_scoped3A, %dma_wait3A_113, %dma_wait3A_114] : memref<2x30080x32xf32, #tpu.memory_space<hbm>> -> memref<1x30080x32xf32, #tpu.memory_space<hbm>>
      %dma_wait3A_116 = tpu.memref_squeeze %dma_wait3A_115 : memref<1x30080x32xf32, #tpu.memory_space<hbm>> -> memref<30080x32xf32, #tpu.memory_space<hbm>>
      %dma_wait3A_117 = arith.constant 0 : i32
      %dma_wait3A_118 = tpu.memref_slice %dma_wait3A_116[%mul3A_3, %dma_wait3A_117] : memref<30080x32xf32, #tpu.memory_space<hbm>> -> memref<1880x32xf32, #tpu.memory_space<hbm>>
      %dma_wait3A_119 = arith.constant 0 : i32
      %dma_wait3A_120 = tpu.memref_slice %arg10[%mul3A_3, %dma_wait3A_119] : memref<30080x32xf32, #tpu.memory_space<vmem_shared>> -> memref<1880x32xf32, #tpu.memory_space<vmem_shared>>
      tpu.wait_dma2 semaphore(%run_scoped3A_96 : memref<!tpu.dma_semaphore, #tpu.memory_space<semaphore_mem>>) src(%dma_wait3A_120 : memref<1880x32xf32, #tpu.memory_space<vmem_shared>>) dst(%dma_wait3A_118 : memref<1880x32xf32, #tpu.memory_space<hbm>>)
      tpu.yield
    }) : () -> ()
    %barrier3A_48 = arith.constant 0 : index
    tpu.barrier barrier_id(%barrier3A_48)
    %scan3A_49 = arith.constant 0 : i32
    %scan3A_50 = arith.constant 0 : i32
    %scan3A_51 = arith.constant 128 : i32
    %scan3A_52 = arith.addi %scan3A_50, %scan3A_51 : i32
    %scan3A_53 = arith.constant 1 : i32
    %scan3A_54 = scf.for %scan3A_96 = %scan3A_50 to %scan3A_52 step %scan3A_53 iter_args(%scan3A_97 = %scan3A_49) -> (i32)  : i32 {
      %swap3A = arith.index_cast %scan3A_96 : i32 to index
      %swap3A_98 = arith.constant 0 : index
      %swap3A_99 = tpu.vector_load %arg9[%swap3A, %swap3A_98] {strides = array<i32>} : memref<128x32xf32, #tpu.memory_space<vmem>>, vector<1x16xf32>,
      %swap3A_100 = vector.shape_cast %swap3A_99 : vector<1x16xf32> to vector<16xf32>
      %swap3A_101 = vector.shape_cast %broadcast_in_dim3A_1 : vector<16xf32> to vector<1x16xf32>
      tpu.vector_store %arg9[%swap3A, %swap3A_98], %swap3A_101 {strides = array<i32>} : memref<128x32xf32, #tpu.memory_space<vmem>>, vector<1x16xf32>,
      %swap3A_102 = arith.index_cast %scan3A_96 : i32 to index
      %swap3A_103 = arith.constant 16 : index
      %swap3A_104 = tpu.vector_load %arg9[%swap3A_102, %swap3A_103] {strides = array<i32>} : memref<128x32xf32, #tpu.memory_space<vmem>>, vector<1x16xf32>,
      %swap3A_105 = vector.shape_cast %swap3A_104 : vector<1x16xf32> to vector<16xf32>
      %swap3A_106 = vector.shape_cast %broadcast_in_dim3A_1 : vector<16xf32> to vector<1x16xf32>
      tpu.vector_store %arg9[%swap3A_102, %swap3A_103], %swap3A_106 {strides = array<i32>} : memref<128x32xf32, #tpu.memory_space<vmem>>, vector<1x16xf32>,
      %scan3A_107 = arith.constant 0 : i32
      scf.yield %scan3A_107 : i32
    }
    %scan3A_55 = arith.constant 128 : i32
    %add3A_56 = arith.constant 0 : i32
    %add3A_57 = arith.addi %mul3A_3, %add3A_56 : i32
    "tpu.region"() ({
      %run_scoped3A_96 = tpu.sem_alloc : memref<!tpu.dma_semaphore, #tpu.memory_space<semaphore_mem>>
      %dma_start3A = arith.constant 0 : i32
      %dma_start3A_97 = tpu.memref_slice %arg10[%add3A_57, %dma_start3A] : memref<30080x32xf32, #tpu.memory_space<vmem_shared>> -> memref<128x32xf32, #tpu.memory_space<vmem_shared>>
      %dma_start3A_98 = arith.constant 0 : i32
      %dma_start3A_99 = tpu.memref_slice %arg10[%add3A_57, %dma_start3A_98] : memref<30080x32xf32, #tpu.memory_space<vmem_shared>> -> memref<128x32xf32, #tpu.memory_space<vmem_shared>>
      tpu.enqueue_dma source(%arg9 : memref<128x32xf32, #tpu.memory_space<vmem>>) target(%dma_start3A_99 : memref<128x32xf32, #tpu.memory_space<vmem_shared>>) target_semaphore(%run_scoped3A_96 : memref<!tpu.dma_semaphore, #tpu.memory_space<semaphore_mem>>)
      %dma_wait3A = arith.constant 0 : i32
      %dma_wait3A_100 = tpu.memref_slice %arg10[%add3A_57, %dma_wait3A] : memref<30080x32xf32, #tpu.memory_space<vmem_shared>> -> memref<128x32xf32, #tpu.memory_space<vmem_shared>>
      %dma_wait3A_101 = arith.constant 0 : i32
      %dma_wait3A_102 = tpu.memref_slice %arg10[%add3A_57, %dma_wait3A_101] : memref<30080x32xf32, #tpu.memory_space<vmem_shared>> -> memref<128x32xf32, #tpu.memory_space<vmem_shared>>
      tpu.wait_dma2 semaphore(%run_scoped3A_96 : memref<!tpu.dma_semaphore, #tpu.memory_space<semaphore_mem>>) src(%arg9 : memref<128x32xf32, #tpu.memory_space<vmem>>) dst(%dma_wait3A_102 : memref<128x32xf32, #tpu.memory_space<vmem_shared>>)
      tpu.yield
    }) : () -> ()
    %add3A_58 = arith.constant 128 : i32
    %add3A_59 = arith.addi %mul3A_3, %add3A_58 : i32
    "tpu.region"() ({
      %run_scoped3A_96 = tpu.sem_alloc : memref<!tpu.dma_semaphore, #tpu.memory_space<semaphore_mem>>
      %dma_start3A = arith.constant 0 : i32
      %dma_start3A_97 = tpu.memref_slice %arg10[%add3A_59, %dma_start3A] : memref<30080x32xf32, #tpu.memory_space<vmem_shared>> -> memref<128x32xf32, #tpu.memory_space<vmem_shared>>
      %dma_start3A_98 = arith.constant 0 : i32
      %dma_start3A_99 = tpu.memref_slice %arg10[%add3A_59, %dma_start3A_98] : memref<30080x32xf32, #tpu.memory_space<vmem_shared>> -> memref<128x32xf32, #tpu.memory_space<vmem_shared>>
      tpu.enqueue_dma source(%arg9 : memref<128x32xf32, #tpu.memory_space<vmem>>) target(%dma_start3A_99 : memref<128x32xf32, #tpu.memory_space<vmem_shared>>) target_semaphore(%run_scoped3A_96 : memref<!tpu.dma_semaphore, #tpu.memory_space<semaphore_mem>>)
      %dma_wait3A = arith.constant 0 : i32
      %dma_wait3A_100 = tpu.memref_slice %arg10[%add3A_59, %dma_wait3A] : memref<30080x32xf32, #tpu.memory_space<vmem_shared>> -> memref<128x32xf32, #tpu.memory_space<vmem_shared>>
      %dma_wait3A_101 = arith.constant 0 : i32
      %dma_wait3A_102 = tpu.memref_slice %arg10[%add3A_59, %dma_wait3A_101] : memref<30080x32xf32, #tpu.memory_space<vmem_shared>> -> memref<128x32xf32, #tpu.memory_space<vmem_shared>>
      tpu.wait_dma2 semaphore(%run_scoped3A_96 : memref<!tpu.dma_semaphore, #tpu.memory_space<semaphore_mem>>) src(%arg9 : memref<128x32xf32, #tpu.memory_space<vmem>>) dst(%dma_wait3A_102 : memref<128x32xf32, #tpu.memory_space<vmem_shared>>)
      tpu.yield
    }) : () -> ()
    %add3A_60 = arith.constant 256 : i32
    %add3A_61 = arith.addi %mul3A_3, %add3A_60 : i32
    "tpu.region"() ({
      %run_scoped3A_96 = tpu.sem_alloc : memref<!tpu.dma_semaphore, #tpu.memory_space<semaphore_mem>>
      %dma_start3A = arith.constant 0 : i32
      %dma_start3A_97 = tpu.memref_slice %arg10[%add3A_61, %dma_start3A] : memref<30080x32xf32, #tpu.memory_space<vmem_shared>> -> memref<128x32xf32, #tpu.memory_space<vmem_shared>>
      %dma_start3A_98 = arith.constant 0 : i32
      %dma_start3A_99 = tpu.memref_slice %arg10[%add3A_61, %dma_start3A_98] : memref<30080x32xf32, #tpu.memory_space<vmem_shared>> -> memref<128x32xf32, #tpu.memory_space<vmem_shared>>
      tpu.enqueue_dma source(%arg9 : memref<128x32xf32, #tpu.memory_space<vmem>>) target(%dma_start3A_99 : memref<128x32xf32, #tpu.memory_space<vmem_shared>>) target_semaphore(%run_scoped3A_96 : memref<!tpu.dma_semaphore, #tpu.memory_space<semaphore_mem>>)
      %dma_wait3A = arith.constant 0 : i32
      %dma_wait3A_100 = tpu.memref_slice %arg10[%add3A_61, %dma_wait3A] : memref<30080x32xf32, #tpu.memory_space<vmem_shared>> -> memref<128x32xf32, #tpu.memory_space<vmem_shared>>
      %dma_wait3A_101 = arith.constant 0 : i32
      %dma_wait3A_102 = tpu.memref_slice %arg10[%add3A_61, %dma_wait3A_101] : memref<30080x32xf32, #tpu.memory_space<vmem_shared>> -> memref<128x32xf32, #tpu.memory_space<vmem_shared>>
      tpu.wait_dma2 semaphore(%run_scoped3A_96 : memref<!tpu.dma_semaphore, #tpu.memory_space<semaphore_mem>>) src(%arg9 : memref<128x32xf32, #tpu.memory_space<vmem>>) dst(%dma_wait3A_102 : memref<128x32xf32, #tpu.memory_space<vmem_shared>>)
      tpu.yield
    }) : () -> ()
    %add3A_62 = arith.constant 384 : i32
    %add3A_63 = arith.addi %mul3A_3, %add3A_62 : i32
    "tpu.region"() ({
      %run_scoped3A_96 = tpu.sem_alloc : memref<!tpu.dma_semaphore, #tpu.memory_space<semaphore_mem>>
      %dma_start3A = arith.constant 0 : i32
      %dma_start3A_97 = tpu.memref_slice %arg10[%add3A_63, %dma_start3A] : memref<30080x32xf32, #tpu.memory_space<vmem_shared>> -> memref<128x32xf32, #tpu.memory_space<vmem_shared>>
      %dma_start3A_98 = arith.constant 0 : i32
      %dma_start3A_99 = tpu.memref_slice %arg10[%add3A_63, %dma_start3A_98] : memref<30080x32xf32, #tpu.memory_space<vmem_shared>> -> memref<128x32xf32, #tpu.memory_space<vmem_shared>>
      tpu.enqueue_dma source(%arg9 : memref<128x32xf32, #tpu.memory_space<vmem>>) target(%dma_start3A_99 : memref<128x32xf32, #tpu.memory_space<vmem_shared>>) target_semaphore(%run_scoped3A_96 : memref<!tpu.dma_semaphore, #tpu.memory_space<semaphore_mem>>)
      %dma_wait3A = arith.constant 0 : i32
      %dma_wait3A_100 = tpu.memref_slice %arg10[%add3A_63, %dma_wait3A] : memref<30080x32xf32, #tpu.memory_space<vmem_shared>> -> memref<128x32xf32, #tpu.memory_space<vmem_shared>>
      %dma_wait3A_101 = arith.constant 0 : i32
      %dma_wait3A_102 = tpu.memref_slice %arg10[%add3A_63, %dma_wait3A_101] : memref<30080x32xf32, #tpu.memory_space<vmem_shared>> -> memref<128x32xf32, #tpu.memory_space<vmem_shared>>
      tpu.wait_dma2 semaphore(%run_scoped3A_96 : memref<!tpu.dma_semaphore, #tpu.memory_space<semaphore_mem>>) src(%arg9 : memref<128x32xf32, #tpu.memory_space<vmem>>) dst(%dma_wait3A_102 : memref<128x32xf32, #tpu.memory_space<vmem_shared>>)
      tpu.yield
    }) : () -> ()
    %add3A_64 = arith.constant 512 : i32
    %add3A_65 = arith.addi %mul3A_3, %add3A_64 : i32
    "tpu.region"() ({
      %run_scoped3A_96 = tpu.sem_alloc : memref<!tpu.dma_semaphore, #tpu.memory_space<semaphore_mem>>
      %dma_start3A = arith.constant 0 : i32
      %dma_start3A_97 = tpu.memref_slice %arg10[%add3A_65, %dma_start3A] : memref<30080x32xf32, #tpu.memory_space<vmem_shared>> -> memref<128x32xf32, #tpu.memory_space<vmem_shared>>
      %dma_start3A_98 = arith.constant 0 : i32
      %dma_start3A_99 = tpu.memref_slice %arg10[%add3A_65, %dma_start3A_98] : memref<30080x32xf32, #tpu.memory_space<vmem_shared>> -> memref<128x32xf32, #tpu.memory_space<vmem_shared>>
      tpu.enqueue_dma source(%arg9 : memref<128x32xf32, #tpu.memory_space<vmem>>) target(%dma_start3A_99 : memref<128x32xf32, #tpu.memory_space<vmem_shared>>) target_semaphore(%run_scoped3A_96 : memref<!tpu.dma_semaphore, #tpu.memory_space<semaphore_mem>>)
      %dma_wait3A = arith.constant 0 : i32
      %dma_wait3A_100 = tpu.memref_slice %arg10[%add3A_65, %dma_wait3A] : memref<30080x32xf32, #tpu.memory_space<vmem_shared>> -> memref<128x32xf32, #tpu.memory_space<vmem_shared>>
      %dma_wait3A_101 = arith.constant 0 : i32
      %dma_wait3A_102 = tpu.memref_slice %arg10[%add3A_65, %dma_wait3A_101] : memref<30080x32xf32, #tpu.memory_space<vmem_shared>> -> memref<128x32xf32, #tpu.memory_space<vmem_shared>>
      tpu.wait_dma2 semaphore(%run_scoped3A_96 : memref<!tpu.dma_semaphore, #tpu.memory_space<semaphore_mem>>) src(%arg9 : memref<128x32xf32, #tpu.memory_space<vmem>>) dst(%dma_wait3A_102 : memref<128x32xf32, #tpu.memory_space<vmem_shared>>)
      tpu.yield
    }) : () -> ()
    %add3A_66 = arith.constant 640 : i32
    %add3A_67 = arith.addi %mul3A_3, %add3A_66 : i32
    "tpu.region"() ({
      %run_scoped3A_96 = tpu.sem_alloc : memref<!tpu.dma_semaphore, #tpu.memory_space<semaphore_mem>>
      %dma_start3A = arith.constant 0 : i32
      %dma_start3A_97 = tpu.memref_slice %arg10[%add3A_67, %dma_start3A] : memref<30080x32xf32, #tpu.memory_space<vmem_shared>> -> memref<128x32xf32, #tpu.memory_space<vmem_shared>>
      %dma_start3A_98 = arith.constant 0 : i32
      %dma_start3A_99 = tpu.memref_slice %arg10[%add3A_67, %dma_start3A_98] : memref<30080x32xf32, #tpu.memory_space<vmem_shared>> -> memref<128x32xf32, #tpu.memory_space<vmem_shared>>
      tpu.enqueue_dma source(%arg9 : memref<128x32xf32, #tpu.memory_space<vmem>>) target(%dma_start3A_99 : memref<128x32xf32, #tpu.memory_space<vmem_shared>>) target_semaphore(%run_scoped3A_96 : memref<!tpu.dma_semaphore, #tpu.memory_space<semaphore_mem>>)
      %dma_wait3A = arith.constant 0 : i32
      %dma_wait3A_100 = tpu.memref_slice %arg10[%add3A_67, %dma_wait3A] : memref<30080x32xf32, #tpu.memory_space<vmem_shared>> -> memref<128x32xf32, #tpu.memory_space<vmem_shared>>
      %dma_wait3A_101 = arith.constant 0 : i32
      %dma_wait3A_102 = tpu.memref_slice %arg10[%add3A_67, %dma_wait3A_101] : memref<30080x32xf32, #tpu.memory_space<vmem_shared>> -> memref<128x32xf32, #tpu.memory_space<vmem_shared>>
      tpu.wait_dma2 semaphore(%run_scoped3A_96 : memref<!tpu.dma_semaphore, #tpu.memory_space<semaphore_mem>>) src(%arg9 : memref<128x32xf32, #tpu.memory_space<vmem>>) dst(%dma_wait3A_102 : memref<128x32xf32, #tpu.memory_space<vmem_shared>>)
      tpu.yield
    }) : () -> ()
    %add3A_68 = arith.constant 768 : i32
    %add3A_69 = arith.addi %mul3A_3, %add3A_68 : i32
    "tpu.region"() ({
      %run_scoped3A_96 = tpu.sem_alloc : memref<!tpu.dma_semaphore, #tpu.memory_space<semaphore_mem>>
      %dma_start3A = arith.constant 0 : i32
      %dma_start3A_97 = tpu.memref_slice %arg10[%add3A_69, %dma_start3A] : memref<30080x32xf32, #tpu.memory_space<vmem_shared>> -> memref<128x32xf32, #tpu.memory_space<vmem_shared>>
      %dma_start3A_98 = arith.constant 0 : i32
      %dma_start3A_99 = tpu.memref_slice %arg10[%add3A_69, %dma_start3A_98] : memref<30080x32xf32, #tpu.memory_space<vmem_shared>> -> memref<128x32xf32, #tpu.memory_space<vmem_shared>>
      tpu.enqueue_dma source(%arg9 : memref<128x32xf32, #tpu.memory_space<vmem>>) target(%dma_start3A_99 : memref<128x32xf32, #tpu.memory_space<vmem_shared>>) target_semaphore(%run_scoped3A_96 : memref<!tpu.dma_semaphore, #tpu.memory_space<semaphore_mem>>)
      %dma_wait3A = arith.constant 0 : i32
      %dma_wait3A_100 = tpu.memref_slice %arg10[%add3A_69, %dma_wait3A] : memref<30080x32xf32, #tpu.memory_space<vmem_shared>> -> memref<128x32xf32, #tpu.memory_space<vmem_shared>>
      %dma_wait3A_101 = arith.constant 0 : i32
      %dma_wait3A_102 = tpu.memref_slice %arg10[%add3A_69, %dma_wait3A_101] : memref<30080x32xf32, #tpu.memory_space<vmem_shared>> -> memref<128x32xf32, #tpu.memory_space<vmem_shared>>
      tpu.wait_dma2 semaphore(%run_scoped3A_96 : memref<!tpu.dma_semaphore, #tpu.memory_space<semaphore_mem>>) src(%arg9 : memref<128x32xf32, #tpu.memory_space<vmem>>) dst(%dma_wait3A_102 : memref<128x32xf32, #tpu.memory_space<vmem_shared>>)
      tpu.yield
    }) : () -> ()
    %add3A_70 = arith.constant 896 : i32
    %add3A_71 = arith.addi %mul3A_3, %add3A_70 : i32
    "tpu.region"() ({
      %run_scoped3A_96 = tpu.sem_alloc : memref<!tpu.dma_semaphore, #tpu.memory_space<semaphore_mem>>
      %dma_start3A = arith.constant 0 : i32
      %dma_start3A_97 = tpu.memref_slice %arg10[%add3A_71, %dma_start3A] : memref<30080x32xf32, #tpu.memory_space<vmem_shared>> -> memref<128x32xf32, #tpu.memory_space<vmem_shared>>
      %dma_start3A_98 = arith.constant 0 : i32
      %dma_start3A_99 = tpu.memref_slice %arg10[%add3A_71, %dma_start3A_98] : memref<30080x32xf32, #tpu.memory_space<vmem_shared>> -> memref<128x32xf32, #tpu.memory_space<vmem_shared>>
      tpu.enqueue_dma source(%arg9 : memref<128x32xf32, #tpu.memory_space<vmem>>) target(%dma_start3A_99 : memref<128x32xf32, #tpu.memory_space<vmem_shared>>) target_semaphore(%run_scoped3A_96 : memref<!tpu.dma_semaphore, #tpu.memory_space<semaphore_mem>>)
      %dma_wait3A = arith.constant 0 : i32
      %dma_wait3A_100 = tpu.memref_slice %arg10[%add3A_71, %dma_wait3A] : memref<30080x32xf32, #tpu.memory_space<vmem_shared>> -> memref<128x32xf32, #tpu.memory_space<vmem_shared>>
      %dma_wait3A_101 = arith.constant 0 : i32
      %dma_wait3A_102 = tpu.memref_slice %arg10[%add3A_71, %dma_wait3A_101] : memref<30080x32xf32, #tpu.memory_space<vmem_shared>> -> memref<128x32xf32, #tpu.memory_space<vmem_shared>>
      tpu.wait_dma2 semaphore(%run_scoped3A_96 : memref<!tpu.dma_semaphore, #tpu.memory_space<semaphore_mem>>) src(%arg9 : memref<128x32xf32, #tpu.memory_space<vmem>>) dst(%dma_wait3A_102 : memref<128x32xf32, #tpu.memory_space<vmem_shared>>)
      tpu.yield
    }) : () -> ()
    %add3A_72 = arith.constant 1024 : i32
    %add3A_73 = arith.addi %mul3A_3, %add3A_72 : i32
    "tpu.region"() ({
      %run_scoped3A_96 = tpu.sem_alloc : memref<!tpu.dma_semaphore, #tpu.memory_space<semaphore_mem>>
      %dma_start3A = arith.constant 0 : i32
      %dma_start3A_97 = tpu.memref_slice %arg10[%add3A_73, %dma_start3A] : memref<30080x32xf32, #tpu.memory_space<vmem_shared>> -> memref<128x32xf32, #tpu.memory_space<vmem_shared>>
      %dma_start3A_98 = arith.constant 0 : i32
      %dma_start3A_99 = tpu.memref_slice %arg10[%add3A_73, %dma_start3A_98] : memref<30080x32xf32, #tpu.memory_space<vmem_shared>> -> memref<128x32xf32, #tpu.memory_space<vmem_shared>>
      tpu.enqueue_dma source(%arg9 : memref<128x32xf32, #tpu.memory_space<vmem>>) target(%dma_start3A_99 : memref<128x32xf32, #tpu.memory_space<vmem_shared>>) target_semaphore(%run_scoped3A_96 : memref<!tpu.dma_semaphore, #tpu.memory_space<semaphore_mem>>)
      %dma_wait3A = arith.constant 0 : i32
      %dma_wait3A_100 = tpu.memref_slice %arg10[%add3A_73, %dma_wait3A] : memref<30080x32xf32, #tpu.memory_space<vmem_shared>> -> memref<128x32xf32, #tpu.memory_space<vmem_shared>>
      %dma_wait3A_101 = arith.constant 0 : i32
      %dma_wait3A_102 = tpu.memref_slice %arg10[%add3A_73, %dma_wait3A_101] : memref<30080x32xf32, #tpu.memory_space<vmem_shared>> -> memref<128x32xf32, #tpu.memory_space<vmem_shared>>
      tpu.wait_dma2 semaphore(%run_scoped3A_96 : memref<!tpu.dma_semaphore, #tpu.memory_space<semaphore_mem>>) src(%arg9 : memref<128x32xf32, #tpu.memory_space<vmem>>) dst(%dma_wait3A_102 : memref<128x32xf32, #tpu.memory_space<vmem_shared>>)
      tpu.yield
    }) : () -> ()
    %add3A_74 = arith.constant 1152 : i32
    %add3A_75 = arith.addi %mul3A_3, %add3A_74 : i32
    "tpu.region"() ({
      %run_scoped3A_96 = tpu.sem_alloc : memref<!tpu.dma_semaphore, #tpu.memory_space<semaphore_mem>>
      %dma_start3A = arith.constant 0 : i32
      %dma_start3A_97 = tpu.memref_slice %arg10[%add3A_75, %dma_start3A] : memref<30080x32xf32, #tpu.memory_space<vmem_shared>> -> memref<128x32xf32, #tpu.memory_space<vmem_shared>>
      %dma_start3A_98 = arith.constant 0 : i32
      %dma_start3A_99 = tpu.memref_slice %arg10[%add3A_75, %dma_start3A_98] : memref<30080x32xf32, #tpu.memory_space<vmem_shared>> -> memref<128x32xf32, #tpu.memory_space<vmem_shared>>
      tpu.enqueue_dma source(%arg9 : memref<128x32xf32, #tpu.memory_space<vmem>>) target(%dma_start3A_99 : memref<128x32xf32, #tpu.memory_space<vmem_shared>>) target_semaphore(%run_scoped3A_96 : memref<!tpu.dma_semaphore, #tpu.memory_space<semaphore_mem>>)
      %dma_wait3A = arith.constant 0 : i32
      %dma_wait3A_100 = tpu.memref_slice %arg10[%add3A_75, %dma_wait3A] : memref<30080x32xf32, #tpu.memory_space<vmem_shared>> -> memref<128x32xf32, #tpu.memory_space<vmem_shared>>
      %dma_wait3A_101 = arith.constant 0 : i32
      %dma_wait3A_102 = tpu.memref_slice %arg10[%add3A_75, %dma_wait3A_101] : memref<30080x32xf32, #tpu.memory_space<vmem_shared>> -> memref<128x32xf32, #tpu.memory_space<vmem_shared>>
      tpu.wait_dma2 semaphore(%run_scoped3A_96 : memref<!tpu.dma_semaphore, #tpu.memory_space<semaphore_mem>>) src(%arg9 : memref<128x32xf32, #tpu.memory_space<vmem>>) dst(%dma_wait3A_102 : memref<128x32xf32, #tpu.memory_space<vmem_shared>>)
      tpu.yield
    }) : () -> ()
    %add3A_76 = arith.constant 1280 : i32
    %add3A_77 = arith.addi %mul3A_3, %add3A_76 : i32
    "tpu.region"() ({
      %run_scoped3A_96 = tpu.sem_alloc : memref<!tpu.dma_semaphore, #tpu.memory_space<semaphore_mem>>
      %dma_start3A = arith.constant 0 : i32
      %dma_start3A_97 = tpu.memref_slice %arg10[%add3A_77, %dma_start3A] : memref<30080x32xf32, #tpu.memory_space<vmem_shared>> -> memref<128x32xf32, #tpu.memory_space<vmem_shared>>
      %dma_start3A_98 = arith.constant 0 : i32
      %dma_start3A_99 = tpu.memref_slice %arg10[%add3A_77, %dma_start3A_98] : memref<30080x32xf32, #tpu.memory_space<vmem_shared>> -> memref<128x32xf32, #tpu.memory_space<vmem_shared>>
      tpu.enqueue_dma source(%arg9 : memref<128x32xf32, #tpu.memory_space<vmem>>) target(%dma_start3A_99 : memref<128x32xf32, #tpu.memory_space<vmem_shared>>) target_semaphore(%run_scoped3A_96 : memref<!tpu.dma_semaphore, #tpu.memory_space<semaphore_mem>>)
      %dma_wait3A = arith.constant 0 : i32
      %dma_wait3A_100 = tpu.memref_slice %arg10[%add3A_77, %dma_wait3A] : memref<30080x32xf32, #tpu.memory_space<vmem_shared>> -> memref<128x32xf32, #tpu.memory_space<vmem_shared>>
      %dma_wait3A_101 = arith.constant 0 : i32
      %dma_wait3A_102 = tpu.memref_slice %arg10[%add3A_77, %dma_wait3A_101] : memref<30080x32xf32, #tpu.memory_space<vmem_shared>> -> memref<128x32xf32, #tpu.memory_space<vmem_shared>>
      tpu.wait_dma2 semaphore(%run_scoped3A_96 : memref<!tpu.dma_semaphore, #tpu.memory_space<semaphore_mem>>) src(%arg9 : memref<128x32xf32, #tpu.memory_space<vmem>>) dst(%dma_wait3A_102 : memref<128x32xf32, #tpu.memory_space<vmem_shared>>)
      tpu.yield
    }) : () -> ()
    %add3A_78 = arith.constant 1408 : i32
    %add3A_79 = arith.addi %mul3A_3, %add3A_78 : i32
    "tpu.region"() ({
      %run_scoped3A_96 = tpu.sem_alloc : memref<!tpu.dma_semaphore, #tpu.memory_space<semaphore_mem>>
      %dma_start3A = arith.constant 0 : i32
      %dma_start3A_97 = tpu.memref_slice %arg10[%add3A_79, %dma_start3A] : memref<30080x32xf32, #tpu.memory_space<vmem_shared>> -> memref<128x32xf32, #tpu.memory_space<vmem_shared>>
      %dma_start3A_98 = arith.constant 0 : i32
      %dma_start3A_99 = tpu.memref_slice %arg10[%add3A_79, %dma_start3A_98] : memref<30080x32xf32, #tpu.memory_space<vmem_shared>> -> memref<128x32xf32, #tpu.memory_space<vmem_shared>>
      tpu.enqueue_dma source(%arg9 : memref<128x32xf32, #tpu.memory_space<vmem>>) target(%dma_start3A_99 : memref<128x32xf32, #tpu.memory_space<vmem_shared>>) target_semaphore(%run_scoped3A_96 : memref<!tpu.dma_semaphore, #tpu.memory_space<semaphore_mem>>)
      %dma_wait3A = arith.constant 0 : i32
      %dma_wait3A_100 = tpu.memref_slice %arg10[%add3A_79, %dma_wait3A] : memref<30080x32xf32, #tpu.memory_space<vmem_shared>> -> memref<128x32xf32, #tpu.memory_space<vmem_shared>>
      %dma_wait3A_101 = arith.constant 0 : i32
      %dma_wait3A_102 = tpu.memref_slice %arg10[%add3A_79, %dma_wait3A_101] : memref<30080x32xf32, #tpu.memory_space<vmem_shared>> -> memref<128x32xf32, #tpu.memory_space<vmem_shared>>
      tpu.wait_dma2 semaphore(%run_scoped3A_96 : memref<!tpu.dma_semaphore, #tpu.memory_space<semaphore_mem>>) src(%arg9 : memref<128x32xf32, #tpu.memory_space<vmem>>) dst(%dma_wait3A_102 : memref<128x32xf32, #tpu.memory_space<vmem_shared>>)
      tpu.yield
    }) : () -> ()
    %add3A_80 = arith.constant 1536 : i32
    %add3A_81 = arith.addi %mul3A_3, %add3A_80 : i32
    "tpu.region"() ({
      %run_scoped3A_96 = tpu.sem_alloc : memref<!tpu.dma_semaphore, #tpu.memory_space<semaphore_mem>>
      %dma_start3A = arith.constant 0 : i32
      %dma_start3A_97 = tpu.memref_slice %arg10[%add3A_81, %dma_start3A] : memref<30080x32xf32, #tpu.memory_space<vmem_shared>> -> memref<128x32xf32, #tpu.memory_space<vmem_shared>>
      %dma_start3A_98 = arith.constant 0 : i32
      %dma_start3A_99 = tpu.memref_slice %arg10[%add3A_81, %dma_start3A_98] : memref<30080x32xf32, #tpu.memory_space<vmem_shared>> -> memref<128x32xf32, #tpu.memory_space<vmem_shared>>
      tpu.enqueue_dma source(%arg9 : memref<128x32xf32, #tpu.memory_space<vmem>>) target(%dma_start3A_99 : memref<128x32xf32, #tpu.memory_space<vmem_shared>>) target_semaphore(%run_scoped3A_96 : memref<!tpu.dma_semaphore, #tpu.memory_space<semaphore_mem>>)
      %dma_wait3A = arith.constant 0 : i32
      %dma_wait3A_100 = tpu.memref_slice %arg10[%add3A_81, %dma_wait3A] : memref<30080x32xf32, #tpu.memory_space<vmem_shared>> -> memref<128x32xf32, #tpu.memory_space<vmem_shared>>
      %dma_wait3A_101 = arith.constant 0 : i32
      %dma_wait3A_102 = tpu.memref_slice %arg10[%add3A_81, %dma_wait3A_101] : memref<30080x32xf32, #tpu.memory_space<vmem_shared>> -> memref<128x32xf32, #tpu.memory_space<vmem_shared>>
      tpu.wait_dma2 semaphore(%run_scoped3A_96 : memref<!tpu.dma_semaphore, #tpu.memory_space<semaphore_mem>>) src(%arg9 : memref<128x32xf32, #tpu.memory_space<vmem>>) dst(%dma_wait3A_102 : memref<128x32xf32, #tpu.memory_space<vmem_shared>>)
      tpu.yield
    }) : () -> ()
    %add3A_82 = arith.constant 1664 : i32
    %add3A_83 = arith.addi %mul3A_3, %add3A_82 : i32
    "tpu.region"() ({
      %run_scoped3A_96 = tpu.sem_alloc : memref<!tpu.dma_semaphore, #tpu.memory_space<semaphore_mem>>
      %dma_start3A = arith.constant 0 : i32
      %dma_start3A_97 = tpu.memref_slice %arg10[%add3A_83, %dma_start3A] : memref<30080x32xf32, #tpu.memory_space<vmem_shared>> -> memref<128x32xf32, #tpu.memory_space<vmem_shared>>
      %dma_start3A_98 = arith.constant 0 : i32
      %dma_start3A_99 = tpu.memref_slice %arg10[%add3A_83, %dma_start3A_98] : memref<30080x32xf32, #tpu.memory_space<vmem_shared>> -> memref<128x32xf32, #tpu.memory_space<vmem_shared>>
      tpu.enqueue_dma source(%arg9 : memref<128x32xf32, #tpu.memory_space<vmem>>) target(%dma_start3A_99 : memref<128x32xf32, #tpu.memory_space<vmem_shared>>) target_semaphore(%run_scoped3A_96 : memref<!tpu.dma_semaphore, #tpu.memory_space<semaphore_mem>>)
      %dma_wait3A = arith.constant 0 : i32
      %dma_wait3A_100 = tpu.memref_slice %arg10[%add3A_83, %dma_wait3A] : memref<30080x32xf32, #tpu.memory_space<vmem_shared>> -> memref<128x32xf32, #tpu.memory_space<vmem_shared>>
      %dma_wait3A_101 = arith.constant 0 : i32
      %dma_wait3A_102 = tpu.memref_slice %arg10[%add3A_83, %dma_wait3A_101] : memref<30080x32xf32, #tpu.memory_space<vmem_shared>> -> memref<128x32xf32, #tpu.memory_space<vmem_shared>>
      tpu.wait_dma2 semaphore(%run_scoped3A_96 : memref<!tpu.dma_semaphore, #tpu.memory_space<semaphore_mem>>) src(%arg9 : memref<128x32xf32, #tpu.memory_space<vmem>>) dst(%dma_wait3A_102 : memref<128x32xf32, #tpu.memory_space<vmem_shared>>)
      tpu.yield
    }) : () -> ()
    %add3A_84 = arith.constant 1792 : i32
    %add3A_85 = arith.addi %mul3A_3, %add3A_84 : i32
    "tpu.region"() ({
      %run_scoped3A_96 = tpu.sem_alloc : memref<!tpu.dma_semaphore, #tpu.memory_space<semaphore_mem>>
      %dma_start3A = arith.constant 0 : i32
      %dma_start3A_97 = arith.constant 0 : i32
      %dma_start3A_98 = tpu.memref_slice %arg9[%dma_start3A, %dma_start3A_97] : memref<128x32xf32, #tpu.memory_space<vmem>> -> memref<88x32xf32, #tpu.memory_space<vmem>>
      %dma_start3A_99 = arith.constant 0 : i32
      %dma_start3A_100 = tpu.memref_slice %arg10[%add3A_85, %dma_start3A_99] : memref<30080x32xf32, #tpu.memory_space<vmem_shared>> -> memref<88x32xf32, #tpu.memory_space<vmem_shared>>
      %dma_start3A_101 = arith.constant 0 : i32
      %dma_start3A_102 = tpu.memref_slice %arg10[%add3A_85, %dma_start3A_101] : memref<30080x32xf32, #tpu.memory_space<vmem_shared>> -> memref<88x32xf32, #tpu.memory_space<vmem_shared>>
      %dma_start3A_103 = arith.constant 0 : i32
      %dma_start3A_104 = arith.constant 0 : i32
      %dma_start3A_105 = tpu.memref_slice %arg9[%dma_start3A_103, %dma_start3A_104] : memref<128x32xf32, #tpu.memory_space<vmem>> -> memref<88x32xf32, #tpu.memory_space<vmem>>
      tpu.enqueue_dma source(%dma_start3A_105 : memref<88x32xf32, #tpu.memory_space<vmem>>) target(%dma_start3A_102 : memref<88x32xf32, #tpu.memory_space<vmem_shared>>) target_semaphore(%run_scoped3A_96 : memref<!tpu.dma_semaphore, #tpu.memory_space<semaphore_mem>>)
      %dma_wait3A = arith.constant 0 : i32
      %dma_wait3A_106 = arith.constant 0 : i32
      %dma_wait3A_107 = tpu.memref_slice %arg9[%dma_wait3A, %dma_wait3A_106] : memref<128x32xf32, #tpu.memory_space<vmem>> -> memref<88x32xf32, #tpu.memory_space<vmem>>
      %dma_wait3A_108 = arith.constant 0 : i32
      %dma_wait3A_109 = tpu.memref_slice %arg10[%add3A_85, %dma_wait3A_108] : memref<30080x32xf32, #tpu.memory_space<vmem_shared>> -> memref<88x32xf32, #tpu.memory_space<vmem_shared>>
      %dma_wait3A_110 = arith.constant 0 : i32
      %dma_wait3A_111 = tpu.memref_slice %arg10[%add3A_85, %dma_wait3A_110] : memref<30080x32xf32, #tpu.memory_space<vmem_shared>> -> memref<88x32xf32, #tpu.memory_space<vmem_shared>>
      %dma_wait3A_112 = arith.constant 0 : i32
      %dma_wait3A_113 = arith.constant 0 : i32
      %dma_wait3A_114 = tpu.memref_slice %arg9[%dma_wait3A_112, %dma_wait3A_113] : memref<128x32xf32, #tpu.memory_space<vmem>> -> memref<88x32xf32, #tpu.memory_space<vmem>>
      tpu.wait_dma2 semaphore(%run_scoped3A_96 : memref<!tpu.dma_semaphore, #tpu.memory_space<semaphore_mem>>) src(%dma_wait3A_114 : memref<88x32xf32, #tpu.memory_space<vmem>>) dst(%dma_wait3A_111 : memref<88x32xf32, #tpu.memory_space<vmem_shared>>)
      tpu.yield
    }) : () -> ()
    %barrier3A_86 = arith.constant 0 : index
    tpu.barrier barrier_id(%barrier3A_86)
    %scan3A_87 = arith.constant 0 : i32
    %scan3A_88 = arith.constant 0 : i32
    %scan3A_89 = arith.constant 79 : i32
    %scan3A_90 = arith.addi %scan3A_88, %scan3A_89 : i32
    %scan3A_91 = arith.constant 1 : i32
    %scan3A_92 = scf.for %scan3A_96 = %scan3A_88 to %scan3A_90 step %scan3A_91 iter_args(%scan3A_97 = %scan3A_87) -> (i32)  : i32 {
      "tpu.region"() ({
        %run_scoped3A_99 = tpu.sem_alloc : memref<!tpu.dma_semaphore, #tpu.memory_space<semaphore_mem>>
        %dma_start3A = arith.constant 0 : i32
        %dma_start3A_100 = tpu.memref_slice %arg7[%scan3A_96, %dma_start3A] : memref<79x128xi32, #tpu.memory_space<vmem>> -> memref<1x128xi32, #tpu.memory_space<vmem>>
        %dma_start3A_101 = tpu.memref_squeeze %dma_start3A_100 : memref<1x128xi32, #tpu.memory_space<vmem>> -> memref<128xi32, #tpu.memory_space<vmem>>
        %dma_start3A_102 = arith.constant 0 : i32
        %dma_start3A_103 = arith.constant 0 : i32
        %dma_start3A_104 = tpu.memref_slice %arg3[%dma_start3A_102, %dma_start3A_103] : memref<30080x32xf32, #tpu.memory_space<hbm>> -> memref<30080x32xf32, #tpu.memory_space<hbm>>
        tpu.enqueue_indirect_dma source(%dma_start3A_104 : memref<30080x32xf32, #tpu.memory_space<hbm>>) target(%arg9 : memref<128x32xf32, #tpu.memory_space<vmem>>) offsets(%dma_start3A_101 : memref<128xi32, #tpu.memory_space<vmem>>) semaphore(%run_scoped3A_99 : memref<!tpu.dma_semaphore, #tpu.memory_space<semaphore_mem>>)
        %dma_wait3A = arith.constant 0 : i32
        %dma_wait3A_105 = tpu.memref_slice %arg7[%scan3A_96, %dma_wait3A] : memref<79x128xi32, #tpu.memory_space<vmem>> -> memref<1x128xi32, #tpu.memory_space<vmem>>
        %dma_wait3A_106 = tpu.memref_squeeze %dma_wait3A_105 : memref<1x128xi32, #tpu.memory_space<vmem>> -> memref<128xi32, #tpu.memory_space<vmem>>
        %dma_wait3A_107 = arith.constant 0 : i32
        %dma_wait3A_108 = arith.constant 0 : i32
        %dma_wait3A_109 = tpu.memref_slice %arg3[%dma_wait3A_107, %dma_wait3A_108] : memref<30080x32xf32, #tpu.memory_space<hbm>> -> memref<30080x32xf32, #tpu.memory_space<hbm>>
        tpu.wait_indirect_dma semaphore(%run_scoped3A_99 : memref<!tpu.dma_semaphore, #tpu.memory_space<semaphore_mem>>) src(%dma_wait3A_109 : memref<30080x32xf32, #tpu.memory_space<hbm>>) dst(%arg9 : memref<128x32xf32, #tpu.memory_space<vmem>>)
        tpu.yield
      }) : () -> ()
      "tpu.region"() ({
        %run_scoped3A_99 = tpu.sem_alloc : memref<!tpu.dma_semaphore, #tpu.memory_space<semaphore_mem>>
        %dma_start3A = arith.constant 0 : i32
        %dma_start3A_100 = tpu.memref_slice %arg8[%scan3A_96, %dma_start3A] : memref<79x128xi32, #tpu.memory_space<vmem>> -> memref<1x128xi32, #tpu.memory_space<vmem>>
        %dma_start3A_101 = tpu.memref_squeeze %dma_start3A_100 : memref<1x128xi32, #tpu.memory_space<vmem>> -> memref<128xi32, #tpu.memory_space<vmem>>
        %dma_start3A_102 = arith.constant 0 : i32
        %dma_start3A_103 = arith.constant 0 : i32
        %dma_start3A_104 = tpu.memref_slice %arg10[%dma_start3A_102, %dma_start3A_103] : memref<30080x32xf32, #tpu.memory_space<vmem_shared>> -> memref<30080x32xf32, #tpu.memory_space<vmem_shared>>
        tpu.enqueue_indirect_dma source(%arg9 : memref<128x32xf32, #tpu.memory_space<vmem>>) target(%dma_start3A_104 : memref<30080x32xf32, #tpu.memory_space<vmem_shared>>) offsets(%dma_start3A_101 : memref<128xi32, #tpu.memory_space<vmem>>) semaphore(%run_scoped3A_99 : memref<!tpu.dma_semaphore, #tpu.memory_space<semaphore_mem>>) {add = true}
        %dma_wait3A = arith.constant 0 : i32
        %dma_wait3A_105 = tpu.memref_slice %arg8[%scan3A_96, %dma_wait3A] : memref<79x128xi32, #tpu.memory_space<vmem>> -> memref<1x128xi32, #tpu.memory_space<vmem>>
        %dma_wait3A_106 = tpu.memref_squeeze %dma_wait3A_105 : memref<1x128xi32, #tpu.memory_space<vmem>> -> memref<128xi32, #tpu.memory_space<vmem>>
        %dma_wait3A_107 = arith.constant 0 : i32
        %dma_wait3A_108 = arith.constant 0 : i32
        %dma_wait3A_109 = tpu.memref_slice %arg10[%dma_wait3A_107, %dma_wait3A_108] : memref<30080x32xf32, #tpu.memory_space<vmem_shared>> -> memref<30080x32xf32, #tpu.memory_space<vmem_shared>>
        tpu.wait_indirect_dma semaphore(%run_scoped3A_99 : memref<!tpu.dma_semaphore, #tpu.memory_space<semaphore_mem>>) src(%arg9 : memref<128x32xf32, #tpu.memory_space<vmem>>) dst(%dma_wait3A_109 : memref<30080x32xf32, #tpu.memory_space<vmem_shared>>)
        tpu.yield
      }) : () -> ()
      %scan3A_98 = arith.constant 0 : i32
      scf.yield %scan3A_98 : i32
    }
    %scan3A_93 = arith.constant 79 : i32
    %barrier3A_94 = arith.constant 0 : index
    tpu.barrier barrier_id(%barrier3A_94)
    %run_scoped3A_95 = arith.constant 1 : i32
    "tpu.region"() ({
      %run_scoped3A_96 = tpu.sem_alloc : memref<!tpu.dma_semaphore, #tpu.memory_space<semaphore_mem>>
      %dma_start3A = arith.constant 0 : i32
      %dma_start3A_97 = arith.constant 0 : i32
      %dma_start3A_98 = arith.constant 0 : i32
      %dma_start3A_99 = tpu.memref_slice %arg6[%arg0, %dma_start3A, %dma_start3A_97, %dma_start3A_98] : memref<2x2x30080x32xf32, #tpu.memory_space<hbm>> -> memref<1x2x30080x32xf32, #tpu.memory_space<hbm>>
      %dma_start3A_100 = tpu.memref_squeeze %dma_start3A_99 : memref<1x2x30080x32xf32, #tpu.memory_space<hbm>> -> memref<2x30080x32xf32, #tpu.memory_space<hbm>>
      %dma_start3A_101 = arith.constant 0 : i32
      %dma_start3A_102 = arith.constant 0 : i32
      %dma_start3A_103 = tpu.memref_slice %dma_start3A_100[%run_scoped3A_95, %dma_start3A_101, %dma_start3A_102] : memref<2x30080x32xf32, #tpu.memory_space<hbm>> -> memref<1x30080x32xf32, #tpu.memory_space<hbm>>
      %dma_start3A_104 = tpu.memref_squeeze %dma_start3A_103 : memref<1x30080x32xf32, #tpu.memory_space<hbm>> -> memref<30080x32xf32, #tpu.memory_space<hbm>>
      %dma_start3A_105 = arith.constant 0 : i32
      %dma_start3A_106 = tpu.memref_slice %dma_start3A_104[%mul3A_3, %dma_start3A_105] : memref<30080x32xf32, #tpu.memory_space<hbm>> -> memref<1880x32xf32, #tpu.memory_space<hbm>>
      %dma_start3A_107 = arith.constant 0 : i32
      %dma_start3A_108 = tpu.memref_slice %arg10[%mul3A_3, %dma_start3A_107] : memref<30080x32xf32, #tpu.memory_space<vmem_shared>> -> memref<1880x32xf32, #tpu.memory_space<vmem_shared>>
      tpu.enqueue_dma source(%dma_start3A_108 : memref<1880x32xf32, #tpu.memory_space<vmem_shared>>) target(%dma_start3A_106 : memref<1880x32xf32, #tpu.memory_space<hbm>>) target_semaphore(%run_scoped3A_96 : memref<!tpu.dma_semaphore, #tpu.memory_space<semaphore_mem>>)
      %dma_wait3A = arith.constant 0 : i32
      %dma_wait3A_109 = arith.constant 0 : i32
      %dma_wait3A_110 = arith.constant 0 : i32
      %dma_wait3A_111 = tpu.memref_slice %arg6[%arg0, %dma_wait3A, %dma_wait3A_109, %dma_wait3A_110] : memref<2x2x30080x32xf32, #tpu.memory_space<hbm>> -> memref<1x2x30080x32xf32, #tpu.memory_space<hbm>>
      %dma_wait3A_112 = tpu.memref_squeeze %dma_wait3A_111 : memref<1x2x30080x32xf32, #tpu.memory_space<hbm>> -> memref<2x30080x32xf32, #tpu.memory_space<hbm>>
      %dma_wait3A_113 = arith.constant 0 : i32
      %dma_wait3A_114 = arith.constant 0 : i32
      %dma_wait3A_115 = tpu.memref_slice %dma_wait3A_112[%run_scoped3A_95, %dma_wait3A_113, %dma_wait3A_114] : memref<2x30080x32xf32, #tpu.memory_space<hbm>> -> memref<1x30080x32xf32, #tpu.memory_space<hbm>>
      %dma_wait3A_116 = tpu.memref_squeeze %dma_wait3A_115 : memref<1x30080x32xf32, #tpu.memory_space<hbm>> -> memref<30080x32xf32, #tpu.memory_space<hbm>>
      %dma_wait3A_117 = arith.constant 0 : i32
      %dma_wait3A_118 = tpu.memref_slice %dma_wait3A_116[%mul3A_3, %dma_wait3A_117] : memref<30080x32xf32, #tpu.memory_space<hbm>> -> memref<1880x32xf32, #tpu.memory_space<hbm>>
      %dma_wait3A_119 = arith.constant 0 : i32
      %dma_wait3A_120 = tpu.memref_slice %arg10[%mul3A_3, %dma_wait3A_119] : memref<30080x32xf32, #tpu.memory_space<vmem_shared>> -> memref<1880x32xf32, #tpu.memory_space<vmem_shared>>
      tpu.wait_dma2 semaphore(%run_scoped3A_96 : memref<!tpu.dma_semaphore, #tpu.memory_space<semaphore_mem>>) src(%dma_wait3A_120 : memref<1880x32xf32, #tpu.memory_space<vmem_shared>>) dst(%dma_wait3A_118 : memref<1880x32xf32, #tpu.memory_space<hbm>>)
      tpu.yield
    }) : () -> ()
    return
  }
}

#map = affine_map<(d0, d1) -> (0, 0, 0)>
module attributes {stable_mosaic.version = 14 : i64} {
  func.func @count(%arg0: i32, %arg1: i32, %arg2: memref<32x79x128xi32, #tpu.memory_space<hbm>>, %arg3: memref<2x30080x16xf32, #tpu.memory_space<hbm>>, %arg4: memref<79x128xi32, #tpu.memory_space<vmem>>, %arg5: memref<128x16xf32, #tpu.memory_space<vmem>>, %arg6: memref<30080x16xf32, #tpu.memory_space<vmem_shared>>) attributes {dimension_semantics = [#tpu.dimension_semantics<core_parallel>, #tpu.dimension_semantics<subcore_parallel>], iteration_bounds = array<i64: 2, 16>, scalar_prefetch = 0 : i64, scratch_operands = 3 : i64, tpu.core_type = #tpu.core_type<sc_vector_subcore>, window_params = [{transform_indices = #map}, {transform_indices = #map}]} {
    %mul3A = arith.constant 16 : i32
    %mul3A_0 = arith.muli %arg0, %mul3A : i32
    %add3A = arith.addi %mul3A_0, %arg1 : i32
    "tpu.region"() ({
      %run_scoped3A = tpu.sem_alloc : memref<!tpu.dma_semaphore, #tpu.memory_space<semaphore_mem>>
      %dma_start3A = arith.constant 0 : i32
      %dma_start3A_63 = arith.constant 0 : i32
      %dma_start3A_64 = tpu.memref_slice %arg2[%add3A, %dma_start3A, %dma_start3A_63] : memref<32x79x128xi32, #tpu.memory_space<hbm>> -> memref<1x79x128xi32, #tpu.memory_space<hbm>>
      %dma_start3A_65 = tpu.memref_squeeze %dma_start3A_64 : memref<1x79x128xi32, #tpu.memory_space<hbm>> -> memref<79x128xi32, #tpu.memory_space<hbm>>
      %dma_start3A_66 = arith.constant 0 : i32
      %dma_start3A_67 = arith.constant 0 : i32
      %dma_start3A_68 = tpu.memref_slice %arg2[%add3A, %dma_start3A_66, %dma_start3A_67] : memref<32x79x128xi32, #tpu.memory_space<hbm>> -> memref<1x79x128xi32, #tpu.memory_space<hbm>>
      %dma_start3A_69 = tpu.memref_squeeze %dma_start3A_68 : memref<1x79x128xi32, #tpu.memory_space<hbm>> -> memref<79x128xi32, #tpu.memory_space<hbm>>
      tpu.enqueue_dma source(%dma_start3A_69 : memref<79x128xi32, #tpu.memory_space<hbm>>) target(%arg4 : memref<79x128xi32, #tpu.memory_space<vmem>>) target_semaphore(%run_scoped3A : memref<!tpu.dma_semaphore, #tpu.memory_space<semaphore_mem>>)
      %dma_wait3A = arith.constant 0 : i32
      %dma_wait3A_70 = arith.constant 0 : i32
      %dma_wait3A_71 = tpu.memref_slice %arg2[%add3A, %dma_wait3A, %dma_wait3A_70] : memref<32x79x128xi32, #tpu.memory_space<hbm>> -> memref<1x79x128xi32, #tpu.memory_space<hbm>>
      %dma_wait3A_72 = tpu.memref_squeeze %dma_wait3A_71 : memref<1x79x128xi32, #tpu.memory_space<hbm>> -> memref<79x128xi32, #tpu.memory_space<hbm>>
      %dma_wait3A_73 = arith.constant 0 : i32
      %dma_wait3A_74 = arith.constant 0 : i32
      %dma_wait3A_75 = tpu.memref_slice %arg2[%add3A, %dma_wait3A_73, %dma_wait3A_74] : memref<32x79x128xi32, #tpu.memory_space<hbm>> -> memref<1x79x128xi32, #tpu.memory_space<hbm>>
      %dma_wait3A_76 = tpu.memref_squeeze %dma_wait3A_75 : memref<1x79x128xi32, #tpu.memory_space<hbm>> -> memref<79x128xi32, #tpu.memory_space<hbm>>
      tpu.wait_dma2 semaphore(%run_scoped3A : memref<!tpu.dma_semaphore, #tpu.memory_space<semaphore_mem>>) src(%dma_wait3A_76 : memref<79x128xi32, #tpu.memory_space<hbm>>) dst(%arg4 : memref<79x128xi32, #tpu.memory_space<vmem>>)
      tpu.yield
    }) : () -> ()
    %broadcast_in_dim3A = arith.constant 0.000000e+00 : f32
    %broadcast_in_dim3A_1 = vector.broadcast %broadcast_in_dim3A : f32 to vector<16xf32>
    %add3A_2 = arith.constant 0.000000e+00 : f32
    %add3A_3 = vector.broadcast %add3A_2 : f32 to vector<16xf32>
    %add3A_4 = arith.addf %broadcast_in_dim3A_1, %add3A_3 : vector<16xf32>
    %scan3A = arith.constant 0 : i32
    %scan3A_5 = arith.constant 0 : i32
    %scan3A_6 = arith.constant 128 : i32
    %scan3A_7 = arith.addi %scan3A_5, %scan3A_6 : i32
    %scan3A_8 = arith.constant 1 : i32
    %scan3A_9 = scf.for %scan3A_63 = %scan3A_5 to %scan3A_7 step %scan3A_8 iter_args(%scan3A_64 = %scan3A) -> (i32)  : i32 {
      %swap3A = arith.index_cast %scan3A_63 : i32 to index
      %swap3A_65 = arith.constant 0 : index
      %swap3A_66 = tpu.vector_load %arg5[%swap3A, %swap3A_65] {strides = array<i32>} : memref<128x16xf32, #tpu.memory_space<vmem>>, vector<1x16xf32>,
      %swap3A_67 = vector.shape_cast %swap3A_66 : vector<1x16xf32> to vector<16xf32>
      %swap3A_68 = vector.shape_cast %add3A_4 : vector<16xf32> to vector<1x16xf32>
      tpu.vector_store %arg5[%swap3A, %swap3A_65], %swap3A_68 {strides = array<i32>} : memref<128x16xf32, #tpu.memory_space<vmem>>, vector<1x16xf32>,
      %scan3A_69 = arith.constant 0 : i32
      scf.yield %scan3A_69 : i32
    }
    %scan3A_10 = arith.constant 128 : i32
    %mul3A_11 = arith.constant 1880 : i32
    %mul3A_12 = arith.muli %arg1, %mul3A_11 : i32
    %add3A_13 = arith.constant 0 : i32
    %add3A_14 = arith.addi %mul3A_12, %add3A_13 : i32
    "tpu.region"() ({
      %run_scoped3A = tpu.sem_alloc : memref<!tpu.dma_semaphore, #tpu.memory_space<semaphore_mem>>
      %dma_start3A = arith.constant 0 : i32
      %dma_start3A_63 = tpu.memref_slice %arg6[%add3A_14, %dma_start3A] : memref<30080x16xf32, #tpu.memory_space<vmem_shared>> -> memref<128x16xf32, #tpu.memory_space<vmem_shared>>
      %dma_start3A_64 = arith.constant 0 : i32
      %dma_start3A_65 = tpu.memref_slice %arg6[%add3A_14, %dma_start3A_64] : memref<30080x16xf32, #tpu.memory_space<vmem_shared>> -> memref<128x16xf32, #tpu.memory_space<vmem_shared>>
      tpu.enqueue_dma source(%arg5 : memref<128x16xf32, #tpu.memory_space<vmem>>) target(%dma_start3A_65 : memref<128x16xf32, #tpu.memory_space<vmem_shared>>) target_semaphore(%run_scoped3A : memref<!tpu.dma_semaphore, #tpu.memory_space<semaphore_mem>>)
      %dma_wait3A = arith.constant 0 : i32
      %dma_wait3A_66 = tpu.memref_slice %arg6[%add3A_14, %dma_wait3A] : memref<30080x16xf32, #tpu.memory_space<vmem_shared>> -> memref<128x16xf32, #tpu.memory_space<vmem_shared>>
      %dma_wait3A_67 = arith.constant 0 : i32
      %dma_wait3A_68 = tpu.memref_slice %arg6[%add3A_14, %dma_wait3A_67] : memref<30080x16xf32, #tpu.memory_space<vmem_shared>> -> memref<128x16xf32, #tpu.memory_space<vmem_shared>>
      tpu.wait_dma2 semaphore(%run_scoped3A : memref<!tpu.dma_semaphore, #tpu.memory_space<semaphore_mem>>) src(%arg5 : memref<128x16xf32, #tpu.memory_space<vmem>>) dst(%dma_wait3A_68 : memref<128x16xf32, #tpu.memory_space<vmem_shared>>)
      tpu.yield
    }) : () -> ()
    %add3A_15 = arith.constant 128 : i32
    %add3A_16 = arith.addi %mul3A_12, %add3A_15 : i32
    "tpu.region"() ({
      %run_scoped3A = tpu.sem_alloc : memref<!tpu.dma_semaphore, #tpu.memory_space<semaphore_mem>>
      %dma_start3A = arith.constant 0 : i32
      %dma_start3A_63 = tpu.memref_slice %arg6[%add3A_16, %dma_start3A] : memref<30080x16xf32, #tpu.memory_space<vmem_shared>> -> memref<128x16xf32, #tpu.memory_space<vmem_shared>>
      %dma_start3A_64 = arith.constant 0 : i32
      %dma_start3A_65 = tpu.memref_slice %arg6[%add3A_16, %dma_start3A_64] : memref<30080x16xf32, #tpu.memory_space<vmem_shared>> -> memref<128x16xf32, #tpu.memory_space<vmem_shared>>
      tpu.enqueue_dma source(%arg5 : memref<128x16xf32, #tpu.memory_space<vmem>>) target(%dma_start3A_65 : memref<128x16xf32, #tpu.memory_space<vmem_shared>>) target_semaphore(%run_scoped3A : memref<!tpu.dma_semaphore, #tpu.memory_space<semaphore_mem>>)
      %dma_wait3A = arith.constant 0 : i32
      %dma_wait3A_66 = tpu.memref_slice %arg6[%add3A_16, %dma_wait3A] : memref<30080x16xf32, #tpu.memory_space<vmem_shared>> -> memref<128x16xf32, #tpu.memory_space<vmem_shared>>
      %dma_wait3A_67 = arith.constant 0 : i32
      %dma_wait3A_68 = tpu.memref_slice %arg6[%add3A_16, %dma_wait3A_67] : memref<30080x16xf32, #tpu.memory_space<vmem_shared>> -> memref<128x16xf32, #tpu.memory_space<vmem_shared>>
      tpu.wait_dma2 semaphore(%run_scoped3A : memref<!tpu.dma_semaphore, #tpu.memory_space<semaphore_mem>>) src(%arg5 : memref<128x16xf32, #tpu.memory_space<vmem>>) dst(%dma_wait3A_68 : memref<128x16xf32, #tpu.memory_space<vmem_shared>>)
      tpu.yield
    }) : () -> ()
    %add3A_17 = arith.constant 256 : i32
    %add3A_18 = arith.addi %mul3A_12, %add3A_17 : i32
    "tpu.region"() ({
      %run_scoped3A = tpu.sem_alloc : memref<!tpu.dma_semaphore, #tpu.memory_space<semaphore_mem>>
      %dma_start3A = arith.constant 0 : i32
      %dma_start3A_63 = tpu.memref_slice %arg6[%add3A_18, %dma_start3A] : memref<30080x16xf32, #tpu.memory_space<vmem_shared>> -> memref<128x16xf32, #tpu.memory_space<vmem_shared>>
      %dma_start3A_64 = arith.constant 0 : i32
      %dma_start3A_65 = tpu.memref_slice %arg6[%add3A_18, %dma_start3A_64] : memref<30080x16xf32, #tpu.memory_space<vmem_shared>> -> memref<128x16xf32, #tpu.memory_space<vmem_shared>>
      tpu.enqueue_dma source(%arg5 : memref<128x16xf32, #tpu.memory_space<vmem>>) target(%dma_start3A_65 : memref<128x16xf32, #tpu.memory_space<vmem_shared>>) target_semaphore(%run_scoped3A : memref<!tpu.dma_semaphore, #tpu.memory_space<semaphore_mem>>)
      %dma_wait3A = arith.constant 0 : i32
      %dma_wait3A_66 = tpu.memref_slice %arg6[%add3A_18, %dma_wait3A] : memref<30080x16xf32, #tpu.memory_space<vmem_shared>> -> memref<128x16xf32, #tpu.memory_space<vmem_shared>>
      %dma_wait3A_67 = arith.constant 0 : i32
      %dma_wait3A_68 = tpu.memref_slice %arg6[%add3A_18, %dma_wait3A_67] : memref<30080x16xf32, #tpu.memory_space<vmem_shared>> -> memref<128x16xf32, #tpu.memory_space<vmem_shared>>
      tpu.wait_dma2 semaphore(%run_scoped3A : memref<!tpu.dma_semaphore, #tpu.memory_space<semaphore_mem>>) src(%arg5 : memref<128x16xf32, #tpu.memory_space<vmem>>) dst(%dma_wait3A_68 : memref<128x16xf32, #tpu.memory_space<vmem_shared>>)
      tpu.yield
    }) : () -> ()
    %add3A_19 = arith.constant 384 : i32
    %add3A_20 = arith.addi %mul3A_12, %add3A_19 : i32
    "tpu.region"() ({
      %run_scoped3A = tpu.sem_alloc : memref<!tpu.dma_semaphore, #tpu.memory_space<semaphore_mem>>
      %dma_start3A = arith.constant 0 : i32
      %dma_start3A_63 = tpu.memref_slice %arg6[%add3A_20, %dma_start3A] : memref<30080x16xf32, #tpu.memory_space<vmem_shared>> -> memref<128x16xf32, #tpu.memory_space<vmem_shared>>
      %dma_start3A_64 = arith.constant 0 : i32
      %dma_start3A_65 = tpu.memref_slice %arg6[%add3A_20, %dma_start3A_64] : memref<30080x16xf32, #tpu.memory_space<vmem_shared>> -> memref<128x16xf32, #tpu.memory_space<vmem_shared>>
      tpu.enqueue_dma source(%arg5 : memref<128x16xf32, #tpu.memory_space<vmem>>) target(%dma_start3A_65 : memref<128x16xf32, #tpu.memory_space<vmem_shared>>) target_semaphore(%run_scoped3A : memref<!tpu.dma_semaphore, #tpu.memory_space<semaphore_mem>>)
      %dma_wait3A = arith.constant 0 : i32
      %dma_wait3A_66 = tpu.memref_slice %arg6[%add3A_20, %dma_wait3A] : memref<30080x16xf32, #tpu.memory_space<vmem_shared>> -> memref<128x16xf32, #tpu.memory_space<vmem_shared>>
      %dma_wait3A_67 = arith.constant 0 : i32
      %dma_wait3A_68 = tpu.memref_slice %arg6[%add3A_20, %dma_wait3A_67] : memref<30080x16xf32, #tpu.memory_space<vmem_shared>> -> memref<128x16xf32, #tpu.memory_space<vmem_shared>>
      tpu.wait_dma2 semaphore(%run_scoped3A : memref<!tpu.dma_semaphore, #tpu.memory_space<semaphore_mem>>) src(%arg5 : memref<128x16xf32, #tpu.memory_space<vmem>>) dst(%dma_wait3A_68 : memref<128x16xf32, #tpu.memory_space<vmem_shared>>)
      tpu.yield
    }) : () -> ()
    %add3A_21 = arith.constant 512 : i32
    %add3A_22 = arith.addi %mul3A_12, %add3A_21 : i32
    "tpu.region"() ({
      %run_scoped3A = tpu.sem_alloc : memref<!tpu.dma_semaphore, #tpu.memory_space<semaphore_mem>>
      %dma_start3A = arith.constant 0 : i32
      %dma_start3A_63 = tpu.memref_slice %arg6[%add3A_22, %dma_start3A] : memref<30080x16xf32, #tpu.memory_space<vmem_shared>> -> memref<128x16xf32, #tpu.memory_space<vmem_shared>>
      %dma_start3A_64 = arith.constant 0 : i32
      %dma_start3A_65 = tpu.memref_slice %arg6[%add3A_22, %dma_start3A_64] : memref<30080x16xf32, #tpu.memory_space<vmem_shared>> -> memref<128x16xf32, #tpu.memory_space<vmem_shared>>
      tpu.enqueue_dma source(%arg5 : memref<128x16xf32, #tpu.memory_space<vmem>>) target(%dma_start3A_65 : memref<128x16xf32, #tpu.memory_space<vmem_shared>>) target_semaphore(%run_scoped3A : memref<!tpu.dma_semaphore, #tpu.memory_space<semaphore_mem>>)
      %dma_wait3A = arith.constant 0 : i32
      %dma_wait3A_66 = tpu.memref_slice %arg6[%add3A_22, %dma_wait3A] : memref<30080x16xf32, #tpu.memory_space<vmem_shared>> -> memref<128x16xf32, #tpu.memory_space<vmem_shared>>
      %dma_wait3A_67 = arith.constant 0 : i32
      %dma_wait3A_68 = tpu.memref_slice %arg6[%add3A_22, %dma_wait3A_67] : memref<30080x16xf32, #tpu.memory_space<vmem_shared>> -> memref<128x16xf32, #tpu.memory_space<vmem_shared>>
      tpu.wait_dma2 semaphore(%run_scoped3A : memref<!tpu.dma_semaphore, #tpu.memory_space<semaphore_mem>>) src(%arg5 : memref<128x16xf32, #tpu.memory_space<vmem>>) dst(%dma_wait3A_68 : memref<128x16xf32, #tpu.memory_space<vmem_shared>>)
      tpu.yield
    }) : () -> ()
    %add3A_23 = arith.constant 640 : i32
    %add3A_24 = arith.addi %mul3A_12, %add3A_23 : i32
    "tpu.region"() ({
      %run_scoped3A = tpu.sem_alloc : memref<!tpu.dma_semaphore, #tpu.memory_space<semaphore_mem>>
      %dma_start3A = arith.constant 0 : i32
      %dma_start3A_63 = tpu.memref_slice %arg6[%add3A_24, %dma_start3A] : memref<30080x16xf32, #tpu.memory_space<vmem_shared>> -> memref<128x16xf32, #tpu.memory_space<vmem_shared>>
      %dma_start3A_64 = arith.constant 0 : i32
      %dma_start3A_65 = tpu.memref_slice %arg6[%add3A_24, %dma_start3A_64] : memref<30080x16xf32, #tpu.memory_space<vmem_shared>> -> memref<128x16xf32, #tpu.memory_space<vmem_shared>>
      tpu.enqueue_dma source(%arg5 : memref<128x16xf32, #tpu.memory_space<vmem>>) target(%dma_start3A_65 : memref<128x16xf32, #tpu.memory_space<vmem_shared>>) target_semaphore(%run_scoped3A : memref<!tpu.dma_semaphore, #tpu.memory_space<semaphore_mem>>)
      %dma_wait3A = arith.constant 0 : i32
      %dma_wait3A_66 = tpu.memref_slice %arg6[%add3A_24, %dma_wait3A] : memref<30080x16xf32, #tpu.memory_space<vmem_shared>> -> memref<128x16xf32, #tpu.memory_space<vmem_shared>>
      %dma_wait3A_67 = arith.constant 0 : i32
      %dma_wait3A_68 = tpu.memref_slice %arg6[%add3A_24, %dma_wait3A_67] : memref<30080x16xf32, #tpu.memory_space<vmem_shared>> -> memref<128x16xf32, #tpu.memory_space<vmem_shared>>
      tpu.wait_dma2 semaphore(%run_scoped3A : memref<!tpu.dma_semaphore, #tpu.memory_space<semaphore_mem>>) src(%arg5 : memref<128x16xf32, #tpu.memory_space<vmem>>) dst(%dma_wait3A_68 : memref<128x16xf32, #tpu.memory_space<vmem_shared>>)
      tpu.yield
    }) : () -> ()
    %add3A_25 = arith.constant 768 : i32
    %add3A_26 = arith.addi %mul3A_12, %add3A_25 : i32
    "tpu.region"() ({
      %run_scoped3A = tpu.sem_alloc : memref<!tpu.dma_semaphore, #tpu.memory_space<semaphore_mem>>
      %dma_start3A = arith.constant 0 : i32
      %dma_start3A_63 = tpu.memref_slice %arg6[%add3A_26, %dma_start3A] : memref<30080x16xf32, #tpu.memory_space<vmem_shared>> -> memref<128x16xf32, #tpu.memory_space<vmem_shared>>
      %dma_start3A_64 = arith.constant 0 : i32
      %dma_start3A_65 = tpu.memref_slice %arg6[%add3A_26, %dma_start3A_64] : memref<30080x16xf32, #tpu.memory_space<vmem_shared>> -> memref<128x16xf32, #tpu.memory_space<vmem_shared>>
      tpu.enqueue_dma source(%arg5 : memref<128x16xf32, #tpu.memory_space<vmem>>) target(%dma_start3A_65 : memref<128x16xf32, #tpu.memory_space<vmem_shared>>) target_semaphore(%run_scoped3A : memref<!tpu.dma_semaphore, #tpu.memory_space<semaphore_mem>>)
      %dma_wait3A = arith.constant 0 : i32
      %dma_wait3A_66 = tpu.memref_slice %arg6[%add3A_26, %dma_wait3A] : memref<30080x16xf32, #tpu.memory_space<vmem_shared>> -> memref<128x16xf32, #tpu.memory_space<vmem_shared>>
      %dma_wait3A_67 = arith.constant 0 : i32
      %dma_wait3A_68 = tpu.memref_slice %arg6[%add3A_26, %dma_wait3A_67] : memref<30080x16xf32, #tpu.memory_space<vmem_shared>> -> memref<128x16xf32, #tpu.memory_space<vmem_shared>>
      tpu.wait_dma2 semaphore(%run_scoped3A : memref<!tpu.dma_semaphore, #tpu.memory_space<semaphore_mem>>) src(%arg5 : memref<128x16xf32, #tpu.memory_space<vmem>>) dst(%dma_wait3A_68 : memref<128x16xf32, #tpu.memory_space<vmem_shared>>)
      tpu.yield
    }) : () -> ()
    %add3A_27 = arith.constant 896 : i32
    %add3A_28 = arith.addi %mul3A_12, %add3A_27 : i32
    "tpu.region"() ({
      %run_scoped3A = tpu.sem_alloc : memref<!tpu.dma_semaphore, #tpu.memory_space<semaphore_mem>>
      %dma_start3A = arith.constant 0 : i32
      %dma_start3A_63 = tpu.memref_slice %arg6[%add3A_28, %dma_start3A] : memref<30080x16xf32, #tpu.memory_space<vmem_shared>> -> memref<128x16xf32, #tpu.memory_space<vmem_shared>>
      %dma_start3A_64 = arith.constant 0 : i32
      %dma_start3A_65 = tpu.memref_slice %arg6[%add3A_28, %dma_start3A_64] : memref<30080x16xf32, #tpu.memory_space<vmem_shared>> -> memref<128x16xf32, #tpu.memory_space<vmem_shared>>
      tpu.enqueue_dma source(%arg5 : memref<128x16xf32, #tpu.memory_space<vmem>>) target(%dma_start3A_65 : memref<128x16xf32, #tpu.memory_space<vmem_shared>>) target_semaphore(%run_scoped3A : memref<!tpu.dma_semaphore, #tpu.memory_space<semaphore_mem>>)
      %dma_wait3A = arith.constant 0 : i32
      %dma_wait3A_66 = tpu.memref_slice %arg6[%add3A_28, %dma_wait3A] : memref<30080x16xf32, #tpu.memory_space<vmem_shared>> -> memref<128x16xf32, #tpu.memory_space<vmem_shared>>
      %dma_wait3A_67 = arith.constant 0 : i32
      %dma_wait3A_68 = tpu.memref_slice %arg6[%add3A_28, %dma_wait3A_67] : memref<30080x16xf32, #tpu.memory_space<vmem_shared>> -> memref<128x16xf32, #tpu.memory_space<vmem_shared>>
      tpu.wait_dma2 semaphore(%run_scoped3A : memref<!tpu.dma_semaphore, #tpu.memory_space<semaphore_mem>>) src(%arg5 : memref<128x16xf32, #tpu.memory_space<vmem>>) dst(%dma_wait3A_68 : memref<128x16xf32, #tpu.memory_space<vmem_shared>>)
      tpu.yield
    }) : () -> ()
    %add3A_29 = arith.constant 1024 : i32
    %add3A_30 = arith.addi %mul3A_12, %add3A_29 : i32
    "tpu.region"() ({
      %run_scoped3A = tpu.sem_alloc : memref<!tpu.dma_semaphore, #tpu.memory_space<semaphore_mem>>
      %dma_start3A = arith.constant 0 : i32
      %dma_start3A_63 = tpu.memref_slice %arg6[%add3A_30, %dma_start3A] : memref<30080x16xf32, #tpu.memory_space<vmem_shared>> -> memref<128x16xf32, #tpu.memory_space<vmem_shared>>
      %dma_start3A_64 = arith.constant 0 : i32
      %dma_start3A_65 = tpu.memref_slice %arg6[%add3A_30, %dma_start3A_64] : memref<30080x16xf32, #tpu.memory_space<vmem_shared>> -> memref<128x16xf32, #tpu.memory_space<vmem_shared>>
      tpu.enqueue_dma source(%arg5 : memref<128x16xf32, #tpu.memory_space<vmem>>) target(%dma_start3A_65 : memref<128x16xf32, #tpu.memory_space<vmem_shared>>) target_semaphore(%run_scoped3A : memref<!tpu.dma_semaphore, #tpu.memory_space<semaphore_mem>>)
      %dma_wait3A = arith.constant 0 : i32
      %dma_wait3A_66 = tpu.memref_slice %arg6[%add3A_30, %dma_wait3A] : memref<30080x16xf32, #tpu.memory_space<vmem_shared>> -> memref<128x16xf32, #tpu.memory_space<vmem_shared>>
      %dma_wait3A_67 = arith.constant 0 : i32
      %dma_wait3A_68 = tpu.memref_slice %arg6[%add3A_30, %dma_wait3A_67] : memref<30080x16xf32, #tpu.memory_space<vmem_shared>> -> memref<128x16xf32, #tpu.memory_space<vmem_shared>>
      tpu.wait_dma2 semaphore(%run_scoped3A : memref<!tpu.dma_semaphore, #tpu.memory_space<semaphore_mem>>) src(%arg5 : memref<128x16xf32, #tpu.memory_space<vmem>>) dst(%dma_wait3A_68 : memref<128x16xf32, #tpu.memory_space<vmem_shared>>)
      tpu.yield
    }) : () -> ()
    %add3A_31 = arith.constant 1152 : i32
    %add3A_32 = arith.addi %mul3A_12, %add3A_31 : i32
    "tpu.region"() ({
      %run_scoped3A = tpu.sem_alloc : memref<!tpu.dma_semaphore, #tpu.memory_space<semaphore_mem>>
      %dma_start3A = arith.constant 0 : i32
      %dma_start3A_63 = tpu.memref_slice %arg6[%add3A_32, %dma_start3A] : memref<30080x16xf32, #tpu.memory_space<vmem_shared>> -> memref<128x16xf32, #tpu.memory_space<vmem_shared>>
      %dma_start3A_64 = arith.constant 0 : i32
      %dma_start3A_65 = tpu.memref_slice %arg6[%add3A_32, %dma_start3A_64] : memref<30080x16xf32, #tpu.memory_space<vmem_shared>> -> memref<128x16xf32, #tpu.memory_space<vmem_shared>>
      tpu.enqueue_dma source(%arg5 : memref<128x16xf32, #tpu.memory_space<vmem>>) target(%dma_start3A_65 : memref<128x16xf32, #tpu.memory_space<vmem_shared>>) target_semaphore(%run_scoped3A : memref<!tpu.dma_semaphore, #tpu.memory_space<semaphore_mem>>)
      %dma_wait3A = arith.constant 0 : i32
      %dma_wait3A_66 = tpu.memref_slice %arg6[%add3A_32, %dma_wait3A] : memref<30080x16xf32, #tpu.memory_space<vmem_shared>> -> memref<128x16xf32, #tpu.memory_space<vmem_shared>>
      %dma_wait3A_67 = arith.constant 0 : i32
      %dma_wait3A_68 = tpu.memref_slice %arg6[%add3A_32, %dma_wait3A_67] : memref<30080x16xf32, #tpu.memory_space<vmem_shared>> -> memref<128x16xf32, #tpu.memory_space<vmem_shared>>
      tpu.wait_dma2 semaphore(%run_scoped3A : memref<!tpu.dma_semaphore, #tpu.memory_space<semaphore_mem>>) src(%arg5 : memref<128x16xf32, #tpu.memory_space<vmem>>) dst(%dma_wait3A_68 : memref<128x16xf32, #tpu.memory_space<vmem_shared>>)
      tpu.yield
    }) : () -> ()
    %add3A_33 = arith.constant 1280 : i32
    %add3A_34 = arith.addi %mul3A_12, %add3A_33 : i32
    "tpu.region"() ({
      %run_scoped3A = tpu.sem_alloc : memref<!tpu.dma_semaphore, #tpu.memory_space<semaphore_mem>>
      %dma_start3A = arith.constant 0 : i32
      %dma_start3A_63 = tpu.memref_slice %arg6[%add3A_34, %dma_start3A] : memref<30080x16xf32, #tpu.memory_space<vmem_shared>> -> memref<128x16xf32, #tpu.memory_space<vmem_shared>>
      %dma_start3A_64 = arith.constant 0 : i32
      %dma_start3A_65 = tpu.memref_slice %arg6[%add3A_34, %dma_start3A_64] : memref<30080x16xf32, #tpu.memory_space<vmem_shared>> -> memref<128x16xf32, #tpu.memory_space<vmem_shared>>
      tpu.enqueue_dma source(%arg5 : memref<128x16xf32, #tpu.memory_space<vmem>>) target(%dma_start3A_65 : memref<128x16xf32, #tpu.memory_space<vmem_shared>>) target_semaphore(%run_scoped3A : memref<!tpu.dma_semaphore, #tpu.memory_space<semaphore_mem>>)
      %dma_wait3A = arith.constant 0 : i32
      %dma_wait3A_66 = tpu.memref_slice %arg6[%add3A_34, %dma_wait3A] : memref<30080x16xf32, #tpu.memory_space<vmem_shared>> -> memref<128x16xf32, #tpu.memory_space<vmem_shared>>
      %dma_wait3A_67 = arith.constant 0 : i32
      %dma_wait3A_68 = tpu.memref_slice %arg6[%add3A_34, %dma_wait3A_67] : memref<30080x16xf32, #tpu.memory_space<vmem_shared>> -> memref<128x16xf32, #tpu.memory_space<vmem_shared>>
      tpu.wait_dma2 semaphore(%run_scoped3A : memref<!tpu.dma_semaphore, #tpu.memory_space<semaphore_mem>>) src(%arg5 : memref<128x16xf32, #tpu.memory_space<vmem>>) dst(%dma_wait3A_68 : memref<128x16xf32, #tpu.memory_space<vmem_shared>>)
      tpu.yield
    }) : () -> ()
    %add3A_35 = arith.constant 1408 : i32
    %add3A_36 = arith.addi %mul3A_12, %add3A_35 : i32
    "tpu.region"() ({
      %run_scoped3A = tpu.sem_alloc : memref<!tpu.dma_semaphore, #tpu.memory_space<semaphore_mem>>
      %dma_start3A = arith.constant 0 : i32
      %dma_start3A_63 = tpu.memref_slice %arg6[%add3A_36, %dma_start3A] : memref<30080x16xf32, #tpu.memory_space<vmem_shared>> -> memref<128x16xf32, #tpu.memory_space<vmem_shared>>
      %dma_start3A_64 = arith.constant 0 : i32
      %dma_start3A_65 = tpu.memref_slice %arg6[%add3A_36, %dma_start3A_64] : memref<30080x16xf32, #tpu.memory_space<vmem_shared>> -> memref<128x16xf32, #tpu.memory_space<vmem_shared>>
      tpu.enqueue_dma source(%arg5 : memref<128x16xf32, #tpu.memory_space<vmem>>) target(%dma_start3A_65 : memref<128x16xf32, #tpu.memory_space<vmem_shared>>) target_semaphore(%run_scoped3A : memref<!tpu.dma_semaphore, #tpu.memory_space<semaphore_mem>>)
      %dma_wait3A = arith.constant 0 : i32
      %dma_wait3A_66 = tpu.memref_slice %arg6[%add3A_36, %dma_wait3A] : memref<30080x16xf32, #tpu.memory_space<vmem_shared>> -> memref<128x16xf32, #tpu.memory_space<vmem_shared>>
      %dma_wait3A_67 = arith.constant 0 : i32
      %dma_wait3A_68 = tpu.memref_slice %arg6[%add3A_36, %dma_wait3A_67] : memref<30080x16xf32, #tpu.memory_space<vmem_shared>> -> memref<128x16xf32, #tpu.memory_space<vmem_shared>>
      tpu.wait_dma2 semaphore(%run_scoped3A : memref<!tpu.dma_semaphore, #tpu.memory_space<semaphore_mem>>) src(%arg5 : memref<128x16xf32, #tpu.memory_space<vmem>>) dst(%dma_wait3A_68 : memref<128x16xf32, #tpu.memory_space<vmem_shared>>)
      tpu.yield
    }) : () -> ()
    %add3A_37 = arith.constant 1536 : i32
    %add3A_38 = arith.addi %mul3A_12, %add3A_37 : i32
    "tpu.region"() ({
      %run_scoped3A = tpu.sem_alloc : memref<!tpu.dma_semaphore, #tpu.memory_space<semaphore_mem>>
      %dma_start3A = arith.constant 0 : i32
      %dma_start3A_63 = tpu.memref_slice %arg6[%add3A_38, %dma_start3A] : memref<30080x16xf32, #tpu.memory_space<vmem_shared>> -> memref<128x16xf32, #tpu.memory_space<vmem_shared>>
      %dma_start3A_64 = arith.constant 0 : i32
      %dma_start3A_65 = tpu.memref_slice %arg6[%add3A_38, %dma_start3A_64] : memref<30080x16xf32, #tpu.memory_space<vmem_shared>> -> memref<128x16xf32, #tpu.memory_space<vmem_shared>>
      tpu.enqueue_dma source(%arg5 : memref<128x16xf32, #tpu.memory_space<vmem>>) target(%dma_start3A_65 : memref<128x16xf32, #tpu.memory_space<vmem_shared>>) target_semaphore(%run_scoped3A : memref<!tpu.dma_semaphore, #tpu.memory_space<semaphore_mem>>)
      %dma_wait3A = arith.constant 0 : i32
      %dma_wait3A_66 = tpu.memref_slice %arg6[%add3A_38, %dma_wait3A] : memref<30080x16xf32, #tpu.memory_space<vmem_shared>> -> memref<128x16xf32, #tpu.memory_space<vmem_shared>>
      %dma_wait3A_67 = arith.constant 0 : i32
      %dma_wait3A_68 = tpu.memref_slice %arg6[%add3A_38, %dma_wait3A_67] : memref<30080x16xf32, #tpu.memory_space<vmem_shared>> -> memref<128x16xf32, #tpu.memory_space<vmem_shared>>
      tpu.wait_dma2 semaphore(%run_scoped3A : memref<!tpu.dma_semaphore, #tpu.memory_space<semaphore_mem>>) src(%arg5 : memref<128x16xf32, #tpu.memory_space<vmem>>) dst(%dma_wait3A_68 : memref<128x16xf32, #tpu.memory_space<vmem_shared>>)
      tpu.yield
    }) : () -> ()
    %add3A_39 = arith.constant 1664 : i32
    %add3A_40 = arith.addi %mul3A_12, %add3A_39 : i32
    "tpu.region"() ({
      %run_scoped3A = tpu.sem_alloc : memref<!tpu.dma_semaphore, #tpu.memory_space<semaphore_mem>>
      %dma_start3A = arith.constant 0 : i32
      %dma_start3A_63 = tpu.memref_slice %arg6[%add3A_40, %dma_start3A] : memref<30080x16xf32, #tpu.memory_space<vmem_shared>> -> memref<128x16xf32, #tpu.memory_space<vmem_shared>>
      %dma_start3A_64 = arith.constant 0 : i32
      %dma_start3A_65 = tpu.memref_slice %arg6[%add3A_40, %dma_start3A_64] : memref<30080x16xf32, #tpu.memory_space<vmem_shared>> -> memref<128x16xf32, #tpu.memory_space<vmem_shared>>
      tpu.enqueue_dma source(%arg5 : memref<128x16xf32, #tpu.memory_space<vmem>>) target(%dma_start3A_65 : memref<128x16xf32, #tpu.memory_space<vmem_shared>>) target_semaphore(%run_scoped3A : memref<!tpu.dma_semaphore, #tpu.memory_space<semaphore_mem>>)
      %dma_wait3A = arith.constant 0 : i32
      %dma_wait3A_66 = tpu.memref_slice %arg6[%add3A_40, %dma_wait3A] : memref<30080x16xf32, #tpu.memory_space<vmem_shared>> -> memref<128x16xf32, #tpu.memory_space<vmem_shared>>
      %dma_wait3A_67 = arith.constant 0 : i32
      %dma_wait3A_68 = tpu.memref_slice %arg6[%add3A_40, %dma_wait3A_67] : memref<30080x16xf32, #tpu.memory_space<vmem_shared>> -> memref<128x16xf32, #tpu.memory_space<vmem_shared>>
      tpu.wait_dma2 semaphore(%run_scoped3A : memref<!tpu.dma_semaphore, #tpu.memory_space<semaphore_mem>>) src(%arg5 : memref<128x16xf32, #tpu.memory_space<vmem>>) dst(%dma_wait3A_68 : memref<128x16xf32, #tpu.memory_space<vmem_shared>>)
      tpu.yield
    }) : () -> ()
    %add3A_41 = arith.constant 1792 : i32
    %add3A_42 = arith.addi %mul3A_12, %add3A_41 : i32
    "tpu.region"() ({
      %run_scoped3A = tpu.sem_alloc : memref<!tpu.dma_semaphore, #tpu.memory_space<semaphore_mem>>
      %dma_start3A = arith.constant 0 : i32
      %dma_start3A_63 = arith.constant 0 : i32
      %dma_start3A_64 = tpu.memref_slice %arg5[%dma_start3A, %dma_start3A_63] : memref<128x16xf32, #tpu.memory_space<vmem>> -> memref<88x16xf32, #tpu.memory_space<vmem>>
      %dma_start3A_65 = arith.constant 0 : i32
      %dma_start3A_66 = tpu.memref_slice %arg6[%add3A_42, %dma_start3A_65] : memref<30080x16xf32, #tpu.memory_space<vmem_shared>> -> memref<88x16xf32, #tpu.memory_space<vmem_shared>>
      %dma_start3A_67 = arith.constant 0 : i32
      %dma_start3A_68 = tpu.memref_slice %arg6[%add3A_42, %dma_start3A_67] : memref<30080x16xf32, #tpu.memory_space<vmem_shared>> -> memref<88x16xf32, #tpu.memory_space<vmem_shared>>
      %dma_start3A_69 = arith.constant 0 : i32
      %dma_start3A_70 = arith.constant 0 : i32
      %dma_start3A_71 = tpu.memref_slice %arg5[%dma_start3A_69, %dma_start3A_70] : memref<128x16xf32, #tpu.memory_space<vmem>> -> memref<88x16xf32, #tpu.memory_space<vmem>>
      tpu.enqueue_dma source(%dma_start3A_71 : memref<88x16xf32, #tpu.memory_space<vmem>>) target(%dma_start3A_68 : memref<88x16xf32, #tpu.memory_space<vmem_shared>>) target_semaphore(%run_scoped3A : memref<!tpu.dma_semaphore, #tpu.memory_space<semaphore_mem>>)
      %dma_wait3A = arith.constant 0 : i32
      %dma_wait3A_72 = arith.constant 0 : i32
      %dma_wait3A_73 = tpu.memref_slice %arg5[%dma_wait3A, %dma_wait3A_72] : memref<128x16xf32, #tpu.memory_space<vmem>> -> memref<88x16xf32, #tpu.memory_space<vmem>>
      %dma_wait3A_74 = arith.constant 0 : i32
      %dma_wait3A_75 = tpu.memref_slice %arg6[%add3A_42, %dma_wait3A_74] : memref<30080x16xf32, #tpu.memory_space<vmem_shared>> -> memref<88x16xf32, #tpu.memory_space<vmem_shared>>
      %dma_wait3A_76 = arith.constant 0 : i32
      %dma_wait3A_77 = tpu.memref_slice %arg6[%add3A_42, %dma_wait3A_76] : memref<30080x16xf32, #tpu.memory_space<vmem_shared>> -> memref<88x16xf32, #tpu.memory_space<vmem_shared>>
      %dma_wait3A_78 = arith.constant 0 : i32
      %dma_wait3A_79 = arith.constant 0 : i32
      %dma_wait3A_80 = tpu.memref_slice %arg5[%dma_wait3A_78, %dma_wait3A_79] : memref<128x16xf32, #tpu.memory_space<vmem>> -> memref<88x16xf32, #tpu.memory_space<vmem>>
      tpu.wait_dma2 semaphore(%run_scoped3A : memref<!tpu.dma_semaphore, #tpu.memory_space<semaphore_mem>>) src(%dma_wait3A_80 : memref<88x16xf32, #tpu.memory_space<vmem>>) dst(%dma_wait3A_77 : memref<88x16xf32, #tpu.memory_space<vmem_shared>>)
      tpu.yield
    }) : () -> ()
    %broadcast_in_dim3A_43 = arith.constant 0.000000e+00 : f32
    %broadcast_in_dim3A_44 = vector.broadcast %broadcast_in_dim3A_43 : f32 to vector<16xf32>
    %add3A_45 = arith.constant 1.000000e+00 : f32
    %add3A_46 = vector.broadcast %add3A_45 : f32 to vector<16xf32>
    %add3A_47 = arith.addf %broadcast_in_dim3A_44, %add3A_46 : vector<16xf32>
    %scan3A_48 = arith.constant 0 : i32
    %scan3A_49 = arith.constant 0 : i32
    %scan3A_50 = arith.constant 128 : i32
    %scan3A_51 = arith.addi %scan3A_49, %scan3A_50 : i32
    %scan3A_52 = arith.constant 1 : i32
    %scan3A_53 = scf.for %scan3A_63 = %scan3A_49 to %scan3A_51 step %scan3A_52 iter_args(%scan3A_64 = %scan3A_48) -> (i32)  : i32 {
      %swap3A = arith.index_cast %scan3A_63 : i32 to index
      %swap3A_65 = arith.constant 0 : index
      %swap3A_66 = tpu.vector_load %arg5[%swap3A, %swap3A_65] {strides = array<i32>} : memref<128x16xf32, #tpu.memory_space<vmem>>, vector<1x16xf32>,
      %swap3A_67 = vector.shape_cast %swap3A_66 : vector<1x16xf32> to vector<16xf32>
      %swap3A_68 = vector.shape_cast %add3A_47 : vector<16xf32> to vector<1x16xf32>
      tpu.vector_store %arg5[%swap3A, %swap3A_65], %swap3A_68 {strides = array<i32>} : memref<128x16xf32, #tpu.memory_space<vmem>>, vector<1x16xf32>,
      %scan3A_69 = arith.constant 0 : i32
      scf.yield %scan3A_69 : i32
    }
    %scan3A_54 = arith.constant 128 : i32
    %barrier3A = arith.constant 0 : index
    tpu.barrier barrier_id(%barrier3A)
    %scan3A_55 = arith.constant 0 : i32
    %scan3A_56 = arith.constant 0 : i32
    %scan3A_57 = arith.constant 79 : i32
    %scan3A_58 = arith.addi %scan3A_56, %scan3A_57 : i32
    %scan3A_59 = arith.constant 1 : i32
    %scan3A_60 = scf.for %scan3A_63 = %scan3A_56 to %scan3A_58 step %scan3A_59 iter_args(%scan3A_64 = %scan3A_55) -> (i32)  : i32 {
      "tpu.region"() ({
        %run_scoped3A = tpu.sem_alloc : memref<!tpu.dma_semaphore, #tpu.memory_space<semaphore_mem>>
        %dma_start3A = arith.constant 0 : i32
        %dma_start3A_66 = tpu.memref_slice %arg4[%scan3A_63, %dma_start3A] : memref<79x128xi32, #tpu.memory_space<vmem>> -> memref<1x128xi32, #tpu.memory_space<vmem>>
        %dma_start3A_67 = tpu.memref_squeeze %dma_start3A_66 : memref<1x128xi32, #tpu.memory_space<vmem>> -> memref<128xi32, #tpu.memory_space<vmem>>
        %dma_start3A_68 = arith.constant 0 : i32
        %dma_start3A_69 = arith.constant 0 : i32
        %dma_start3A_70 = tpu.memref_slice %arg6[%dma_start3A_68, %dma_start3A_69] : memref<30080x16xf32, #tpu.memory_space<vmem_shared>> -> memref<30080x16xf32, #tpu.memory_space<vmem_shared>>
        tpu.enqueue_indirect_dma source(%arg5 : memref<128x16xf32, #tpu.memory_space<vmem>>) target(%dma_start3A_70 : memref<30080x16xf32, #tpu.memory_space<vmem_shared>>) offsets(%dma_start3A_67 : memref<128xi32, #tpu.memory_space<vmem>>) semaphore(%run_scoped3A : memref<!tpu.dma_semaphore, #tpu.memory_space<semaphore_mem>>) {add = true}
        %dma_wait3A = arith.constant 0 : i32
        %dma_wait3A_71 = tpu.memref_slice %arg4[%scan3A_63, %dma_wait3A] : memref<79x128xi32, #tpu.memory_space<vmem>> -> memref<1x128xi32, #tpu.memory_space<vmem>>
        %dma_wait3A_72 = tpu.memref_squeeze %dma_wait3A_71 : memref<1x128xi32, #tpu.memory_space<vmem>> -> memref<128xi32, #tpu.memory_space<vmem>>
        %dma_wait3A_73 = arith.constant 0 : i32
        %dma_wait3A_74 = arith.constant 0 : i32
        %dma_wait3A_75 = tpu.memref_slice %arg6[%dma_wait3A_73, %dma_wait3A_74] : memref<30080x16xf32, #tpu.memory_space<vmem_shared>> -> memref<30080x16xf32, #tpu.memory_space<vmem_shared>>
        tpu.wait_indirect_dma semaphore(%run_scoped3A : memref<!tpu.dma_semaphore, #tpu.memory_space<semaphore_mem>>) src(%arg5 : memref<128x16xf32, #tpu.memory_space<vmem>>) dst(%dma_wait3A_75 : memref<30080x16xf32, #tpu.memory_space<vmem_shared>>)
        tpu.yield
      }) : () -> ()
      %scan3A_65 = arith.constant 0 : i32
      scf.yield %scan3A_65 : i32
    }
    %scan3A_61 = arith.constant 79 : i32
    %barrier3A_62 = arith.constant 0 : index
    tpu.barrier barrier_id(%barrier3A_62)
    "tpu.region"() ({
      %run_scoped3A = tpu.sem_alloc : memref<!tpu.dma_semaphore, #tpu.memory_space<semaphore_mem>>
      %dma_start3A = arith.constant 0 : i32
      %dma_start3A_63 = arith.constant 0 : i32
      %dma_start3A_64 = tpu.memref_slice %arg3[%arg0, %dma_start3A, %dma_start3A_63] : memref<2x30080x16xf32, #tpu.memory_space<hbm>> -> memref<1x30080x16xf32, #tpu.memory_space<hbm>>
      %dma_start3A_65 = tpu.memref_squeeze %dma_start3A_64 : memref<1x30080x16xf32, #tpu.memory_space<hbm>> -> memref<30080x16xf32, #tpu.memory_space<hbm>>
      %dma_start3A_66 = arith.constant 0 : i32
      %dma_start3A_67 = tpu.memref_slice %dma_start3A_65[%mul3A_12, %dma_start3A_66] : memref<30080x16xf32, #tpu.memory_space<hbm>> -> memref<1880x16xf32, #tpu.memory_space<hbm>>
      %dma_start3A_68 = arith.constant 0 : i32
      %dma_start3A_69 = tpu.memref_slice %arg6[%mul3A_12, %dma_start3A_68] : memref<30080x16xf32, #tpu.memory_space<vmem_shared>> -> memref<1880x16xf32, #tpu.memory_space<vmem_shared>>
      tpu.enqueue_dma source(%dma_start3A_69 : memref<1880x16xf32, #tpu.memory_space<vmem_shared>>) target(%dma_start3A_67 : memref<1880x16xf32, #tpu.memory_space<hbm>>) target_semaphore(%run_scoped3A : memref<!tpu.dma_semaphore, #tpu.memory_space<semaphore_mem>>)
      %dma_wait3A = arith.constant 0 : i32
      %dma_wait3A_70 = arith.constant 0 : i32
      %dma_wait3A_71 = tpu.memref_slice %arg3[%arg0, %dma_wait3A, %dma_wait3A_70] : memref<2x30080x16xf32, #tpu.memory_space<hbm>> -> memref<1x30080x16xf32, #tpu.memory_space<hbm>>
      %dma_wait3A_72 = tpu.memref_squeeze %dma_wait3A_71 : memref<1x30080x16xf32, #tpu.memory_space<hbm>> -> memref<30080x16xf32, #tpu.memory_space<hbm>>
      %dma_wait3A_73 = arith.constant 0 : i32
      %dma_wait3A_74 = tpu.memref_slice %dma_wait3A_72[%mul3A_12, %dma_wait3A_73] : memref<30080x16xf32, #tpu.memory_space<hbm>> -> memref<1880x16xf32, #tpu.memory_space<hbm>>
      %dma_wait3A_75 = arith.constant 0 : i32
      %dma_wait3A_76 = tpu.memref_slice %arg6[%mul3A_12, %dma_wait3A_75] : memref<30080x16xf32, #tpu.memory_space<vmem_shared>> -> memref<1880x16xf32, #tpu.memory_space<vmem_shared>>
      tpu.wait_dma2 semaphore(%run_scoped3A : memref<!tpu.dma_semaphore, #tpu.memory_space<semaphore_mem>>) src(%dma_wait3A_76 : memref<1880x16xf32, #tpu.memory_space<vmem_shared>>) dst(%dma_wait3A_74 : memref<1880x16xf32, #tpu.memory_space<hbm>>)
      tpu.yield
    }) : () -> ()
    return
  }
}

#map = affine_map<(d0, d1) -> (0, 0)>
#map1 = affine_map<(d0, d1) -> (0, 0, 0)>
#map2 = affine_map<(d0, d1) -> (0, 0, 0, 0)>
module attributes {stable_mosaic.version = 14 : i64} {
  func.func @agg(%arg0: i32, %arg1: i32, %arg2: memref<30080x32xf32, #tpu.memory_space<hbm>>, %arg3: memref<30080x32xf32, #tpu.memory_space<hbm>>, %arg4: memref<32x79x128xi32, #tpu.memory_space<hbm>>, %arg5: memref<32x79x128xi32, #tpu.memory_space<hbm>>, %arg6: memref<2x2x30080x32xf32, #tpu.memory_space<hbm>>, %arg7: memref<79x128xi32, #tpu.memory_space<vmem>>, %arg8: memref<79x128xi32, #tpu.memory_space<vmem>>, %arg9: memref<128x32xf32, #tpu.memory_space<vmem>>, %arg10: memref<30080x32xf32, #tpu.memory_space<vmem_shared>>) attributes {dimension_semantics = [#tpu.dimension_semantics<core_parallel>, #tpu.dimension_semantics<subcore_parallel>], iteration_bounds = array<i64: 2, 16>, scalar_prefetch = 0 : i64, scratch_operands = 4 : i64, tpu.core_type = #tpu.core_type<sc_vector_subcore>, window_params = [{transform_indices = #map}, {transform_indices = #map}, {transform_indices = #map1}, {transform_indices = #map1}, {transform_indices = #map2}]} {
    %mul3A = arith.constant 16 : i32
    %mul3A_0 = arith.muli %arg0, %mul3A : i32
    %add3A = arith.addi %mul3A_0, %arg1 : i32
    %broadcast_in_dim3A = arith.constant 0.000000e+00 : f32
    %broadcast_in_dim3A_1 = vector.broadcast %broadcast_in_dim3A : f32 to vector<16xf32>
    %mul3A_2 = arith.constant 1880 : i32
    %mul3A_3 = arith.muli %arg1, %mul3A_2 : i32
    "tpu.region"() ({
      %run_scoped3A_96 = tpu.sem_alloc : memref<!tpu.dma_semaphore, #tpu.memory_space<semaphore_mem>>
      %dma_start3A = arith.constant 0 : i32
      %dma_start3A_97 = arith.constant 0 : i32
      %dma_start3A_98 = tpu.memref_slice %arg4[%add3A, %dma_start3A, %dma_start3A_97] : memref<32x79x128xi32, #tpu.memory_space<hbm>> -> memref<1x79x128xi32, #tpu.memory_space<hbm>>
      %dma_start3A_99 = tpu.memref_squeeze %dma_start3A_98 : memref<1x79x128xi32, #tpu.memory_space<hbm>> -> memref<79x128xi32, #tpu.memory_space<hbm>>
      %dma_start3A_100 = arith.constant 0 : i32
      %dma_start3A_101 = arith.constant 0 : i32
      %dma_start3A_102 = tpu.memref_slice %arg4[%add3A, %dma_start3A_100, %dma_start3A_101] : memref<32x79x128xi32, #tpu.memory_space<hbm>> -> memref<1x79x128xi32, #tpu.memory_space<hbm>>
      %dma_start3A_103 = tpu.memref_squeeze %dma_start3A_102 : memref<1x79x128xi32, #tpu.memory_space<hbm>> -> memref<79x128xi32, #tpu.memory_space<hbm>>
      tpu.enqueue_dma source(%dma_start3A_103 : memref<79x128xi32, #tpu.memory_space<hbm>>) target(%arg7 : memref<79x128xi32, #tpu.memory_space<vmem>>) target_semaphore(%run_scoped3A_96 : memref<!tpu.dma_semaphore, #tpu.memory_space<semaphore_mem>>)
      %dma_wait3A = arith.constant 0 : i32
      %dma_wait3A_104 = arith.constant 0 : i32
      %dma_wait3A_105 = tpu.memref_slice %arg4[%add3A, %dma_wait3A, %dma_wait3A_104] : memref<32x79x128xi32, #tpu.memory_space<hbm>> -> memref<1x79x128xi32, #tpu.memory_space<hbm>>
      %dma_wait3A_106 = tpu.memref_squeeze %dma_wait3A_105 : memref<1x79x128xi32, #tpu.memory_space<hbm>> -> memref<79x128xi32, #tpu.memory_space<hbm>>
      %dma_wait3A_107 = arith.constant 0 : i32
      %dma_wait3A_108 = arith.constant 0 : i32
      %dma_wait3A_109 = tpu.memref_slice %arg4[%add3A, %dma_wait3A_107, %dma_wait3A_108] : memref<32x79x128xi32, #tpu.memory_space<hbm>> -> memref<1x79x128xi32, #tpu.memory_space<hbm>>
      %dma_wait3A_110 = tpu.memref_squeeze %dma_wait3A_109 : memref<1x79x128xi32, #tpu.memory_space<hbm>> -> memref<79x128xi32, #tpu.memory_space<hbm>>
      tpu.wait_dma2 semaphore(%run_scoped3A_96 : memref<!tpu.dma_semaphore, #tpu.memory_space<semaphore_mem>>) src(%dma_wait3A_110 : memref<79x128xi32, #tpu.memory_space<hbm>>) dst(%arg7 : memref<79x128xi32, #tpu.memory_space<vmem>>)
      tpu.yield
    }) : () -> ()
    "tpu.region"() ({
      %run_scoped3A_96 = tpu.sem_alloc : memref<!tpu.dma_semaphore, #tpu.memory_space<semaphore_mem>>
      %dma_start3A = arith.constant 0 : i32
      %dma_start3A_97 = arith.constant 0 : i32
      %dma_start3A_98 = tpu.memref_slice %arg5[%add3A, %dma_start3A, %dma_start3A_97] : memref<32x79x128xi32, #tpu.memory_space<hbm>> -> memref<1x79x128xi32, #tpu.memory_space<hbm>>
      %dma_start3A_99 = tpu.memref_squeeze %dma_start3A_98 : memref<1x79x128xi32, #tpu.memory_space<hbm>> -> memref<79x128xi32, #tpu.memory_space<hbm>>
      %dma_start3A_100 = arith.constant 0 : i32
      %dma_start3A_101 = arith.constant 0 : i32
      %dma_start3A_102 = tpu.memref_slice %arg5[%add3A, %dma_start3A_100, %dma_start3A_101] : memref<32x79x128xi32, #tpu.memory_space<hbm>> -> memref<1x79x128xi32, #tpu.memory_space<hbm>>
      %dma_start3A_103 = tpu.memref_squeeze %dma_start3A_102 : memref<1x79x128xi32, #tpu.memory_space<hbm>> -> memref<79x128xi32, #tpu.memory_space<hbm>>
      tpu.enqueue_dma source(%dma_start3A_103 : memref<79x128xi32, #tpu.memory_space<hbm>>) target(%arg8 : memref<79x128xi32, #tpu.memory_space<vmem>>) target_semaphore(%run_scoped3A_96 : memref<!tpu.dma_semaphore, #tpu.memory_space<semaphore_mem>>)
      %dma_wait3A = arith.constant 0 : i32
      %dma_wait3A_104 = arith.constant 0 : i32
      %dma_wait3A_105 = tpu.memref_slice %arg5[%add3A, %dma_wait3A, %dma_wait3A_104] : memref<32x79x128xi32, #tpu.memory_space<hbm>> -> memref<1x79x128xi32, #tpu.memory_space<hbm>>
      %dma_wait3A_106 = tpu.memref_squeeze %dma_wait3A_105 : memref<1x79x128xi32, #tpu.memory_space<hbm>> -> memref<79x128xi32, #tpu.memory_space<hbm>>
      %dma_wait3A_107 = arith.constant 0 : i32
      %dma_wait3A_108 = arith.constant 0 : i32
      %dma_wait3A_109 = tpu.memref_slice %arg5[%add3A, %dma_wait3A_107, %dma_wait3A_108] : memref<32x79x128xi32, #tpu.memory_space<hbm>> -> memref<1x79x128xi32, #tpu.memory_space<hbm>>
      %dma_wait3A_110 = tpu.memref_squeeze %dma_wait3A_109 : memref<1x79x128xi32, #tpu.memory_space<hbm>> -> memref<79x128xi32, #tpu.memory_space<hbm>>
      tpu.wait_dma2 semaphore(%run_scoped3A_96 : memref<!tpu.dma_semaphore, #tpu.memory_space<semaphore_mem>>) src(%dma_wait3A_110 : memref<79x128xi32, #tpu.memory_space<hbm>>) dst(%arg8 : memref<79x128xi32, #tpu.memory_space<vmem>>)
      tpu.yield
    }) : () -> ()
    %scan3A = arith.constant 0 : i32
    %scan3A_4 = arith.constant 0 : i32
    %scan3A_5 = arith.constant 128 : i32
    %scan3A_6 = arith.addi %scan3A_4, %scan3A_5 : i32
    %scan3A_7 = arith.constant 1 : i32
    %scan3A_8 = scf.for %scan3A_96 = %scan3A_4 to %scan3A_6 step %scan3A_7 iter_args(%scan3A_97 = %scan3A) -> (i32)  : i32 {
      %swap3A = arith.index_cast %scan3A_96 : i32 to index
      %swap3A_98 = arith.constant 0 : index
      %swap3A_99 = tpu.vector_load %arg9[%swap3A, %swap3A_98] {strides = array<i32>} : memref<128x32xf32, #tpu.memory_space<vmem>>, vector<1x16xf32>,
      %swap3A_100 = vector.shape_cast %swap3A_99 : vector<1x16xf32> to vector<16xf32>
      %swap3A_101 = vector.shape_cast %broadcast_in_dim3A_1 : vector<16xf32> to vector<1x16xf32>
      tpu.vector_store %arg9[%swap3A, %swap3A_98], %swap3A_101 {strides = array<i32>} : memref<128x32xf32, #tpu.memory_space<vmem>>, vector<1x16xf32>,
      %swap3A_102 = arith.index_cast %scan3A_96 : i32 to index
      %swap3A_103 = arith.constant 16 : index
      %swap3A_104 = tpu.vector_load %arg9[%swap3A_102, %swap3A_103] {strides = array<i32>} : memref<128x32xf32, #tpu.memory_space<vmem>>, vector<1x16xf32>,
      %swap3A_105 = vector.shape_cast %swap3A_104 : vector<1x16xf32> to vector<16xf32>
      %swap3A_106 = vector.shape_cast %broadcast_in_dim3A_1 : vector<16xf32> to vector<1x16xf32>
      tpu.vector_store %arg9[%swap3A_102, %swap3A_103], %swap3A_106 {strides = array<i32>} : memref<128x32xf32, #tpu.memory_space<vmem>>, vector<1x16xf32>,
      %scan3A_107 = arith.constant 0 : i32
      scf.yield %scan3A_107 : i32
    }
    %scan3A_9 = arith.constant 128 : i32
    %add3A_10 = arith.constant 0 : i32
    %add3A_11 = arith.addi %mul3A_3, %add3A_10 : i32
    "tpu.region"() ({
      %run_scoped3A_96 = tpu.sem_alloc : memref<!tpu.dma_semaphore, #tpu.memory_space<semaphore_mem>>
      %dma_start3A = arith.constant 0 : i32
      %dma_start3A_97 = tpu.memref_slice %arg10[%add3A_11, %dma_start3A] : memref<30080x32xf32, #tpu.memory_space<vmem_shared>> -> memref<128x32xf32, #tpu.memory_space<vmem_shared>>
      %dma_start3A_98 = arith.constant 0 : i32
      %dma_start3A_99 = tpu.memref_slice %arg10[%add3A_11, %dma_start3A_98] : memref<30080x32xf32, #tpu.memory_space<vmem_shared>> -> memref<128x32xf32, #tpu.memory_space<vmem_shared>>
      tpu.enqueue_dma source(%arg9 : memref<128x32xf32, #tpu.memory_space<vmem>>) target(%dma_start3A_99 : memref<128x32xf32, #tpu.memory_space<vmem_shared>>) target_semaphore(%run_scoped3A_96 : memref<!tpu.dma_semaphore, #tpu.memory_space<semaphore_mem>>)
      %dma_wait3A = arith.constant 0 : i32
      %dma_wait3A_100 = tpu.memref_slice %arg10[%add3A_11, %dma_wait3A] : memref<30080x32xf32, #tpu.memory_space<vmem_shared>> -> memref<128x32xf32, #tpu.memory_space<vmem_shared>>
      %dma_wait3A_101 = arith.constant 0 : i32
      %dma_wait3A_102 = tpu.memref_slice %arg10[%add3A_11, %dma_wait3A_101] : memref<30080x32xf32, #tpu.memory_space<vmem_shared>> -> memref<128x32xf32, #tpu.memory_space<vmem_shared>>
      tpu.wait_dma2 semaphore(%run_scoped3A_96 : memref<!tpu.dma_semaphore, #tpu.memory_space<semaphore_mem>>) src(%arg9 : memref<128x32xf32, #tpu.memory_space<vmem>>) dst(%dma_wait3A_102 : memref<128x32xf32, #tpu.memory_space<vmem_shared>>)
      tpu.yield
    }) : () -> ()
    %add3A_12 = arith.constant 128 : i32
    %add3A_13 = arith.addi %mul3A_3, %add3A_12 : i32
    "tpu.region"() ({
      %run_scoped3A_96 = tpu.sem_alloc : memref<!tpu.dma_semaphore, #tpu.memory_space<semaphore_mem>>
      %dma_start3A = arith.constant 0 : i32
      %dma_start3A_97 = tpu.memref_slice %arg10[%add3A_13, %dma_start3A] : memref<30080x32xf32, #tpu.memory_space<vmem_shared>> -> memref<128x32xf32, #tpu.memory_space<vmem_shared>>
      %dma_start3A_98 = arith.constant 0 : i32
      %dma_start3A_99 = tpu.memref_slice %arg10[%add3A_13, %dma_start3A_98] : memref<30080x32xf32, #tpu.memory_space<vmem_shared>> -> memref<128x32xf32, #tpu.memory_space<vmem_shared>>
      tpu.enqueue_dma source(%arg9 : memref<128x32xf32, #tpu.memory_space<vmem>>) target(%dma_start3A_99 : memref<128x32xf32, #tpu.memory_space<vmem_shared>>) target_semaphore(%run_scoped3A_96 : memref<!tpu.dma_semaphore, #tpu.memory_space<semaphore_mem>>)
      %dma_wait3A = arith.constant 0 : i32
      %dma_wait3A_100 = tpu.memref_slice %arg10[%add3A_13, %dma_wait3A] : memref<30080x32xf32, #tpu.memory_space<vmem_shared>> -> memref<128x32xf32, #tpu.memory_space<vmem_shared>>
      %dma_wait3A_101 = arith.constant 0 : i32
      %dma_wait3A_102 = tpu.memref_slice %arg10[%add3A_13, %dma_wait3A_101] : memref<30080x32xf32, #tpu.memory_space<vmem_shared>> -> memref<128x32xf32, #tpu.memory_space<vmem_shared>>
      tpu.wait_dma2 semaphore(%run_scoped3A_96 : memref<!tpu.dma_semaphore, #tpu.memory_space<semaphore_mem>>) src(%arg9 : memref<128x32xf32, #tpu.memory_space<vmem>>) dst(%dma_wait3A_102 : memref<128x32xf32, #tpu.memory_space<vmem_shared>>)
      tpu.yield
    }) : () -> ()
    %add3A_14 = arith.constant 256 : i32
    %add3A_15 = arith.addi %mul3A_3, %add3A_14 : i32
    "tpu.region"() ({
      %run_scoped3A_96 = tpu.sem_alloc : memref<!tpu.dma_semaphore, #tpu.memory_space<semaphore_mem>>
      %dma_start3A = arith.constant 0 : i32
      %dma_start3A_97 = tpu.memref_slice %arg10[%add3A_15, %dma_start3A] : memref<30080x32xf32, #tpu.memory_space<vmem_shared>> -> memref<128x32xf32, #tpu.memory_space<vmem_shared>>
      %dma_start3A_98 = arith.constant 0 : i32
      %dma_start3A_99 = tpu.memref_slice %arg10[%add3A_15, %dma_start3A_98] : memref<30080x32xf32, #tpu.memory_space<vmem_shared>> -> memref<128x32xf32, #tpu.memory_space<vmem_shared>>
      tpu.enqueue_dma source(%arg9 : memref<128x32xf32, #tpu.memory_space<vmem>>) target(%dma_start3A_99 : memref<128x32xf32, #tpu.memory_space<vmem_shared>>) target_semaphore(%run_scoped3A_96 : memref<!tpu.dma_semaphore, #tpu.memory_space<semaphore_mem>>)
      %dma_wait3A = arith.constant 0 : i32
      %dma_wait3A_100 = tpu.memref_slice %arg10[%add3A_15, %dma_wait3A] : memref<30080x32xf32, #tpu.memory_space<vmem_shared>> -> memref<128x32xf32, #tpu.memory_space<vmem_shared>>
      %dma_wait3A_101 = arith.constant 0 : i32
      %dma_wait3A_102 = tpu.memref_slice %arg10[%add3A_15, %dma_wait3A_101] : memref<30080x32xf32, #tpu.memory_space<vmem_shared>> -> memref<128x32xf32, #tpu.memory_space<vmem_shared>>
      tpu.wait_dma2 semaphore(%run_scoped3A_96 : memref<!tpu.dma_semaphore, #tpu.memory_space<semaphore_mem>>) src(%arg9 : memref<128x32xf32, #tpu.memory_space<vmem>>) dst(%dma_wait3A_102 : memref<128x32xf32, #tpu.memory_space<vmem_shared>>)
      tpu.yield
    }) : () -> ()
    %add3A_16 = arith.constant 384 : i32
    %add3A_17 = arith.addi %mul3A_3, %add3A_16 : i32
    "tpu.region"() ({
      %run_scoped3A_96 = tpu.sem_alloc : memref<!tpu.dma_semaphore, #tpu.memory_space<semaphore_mem>>
      %dma_start3A = arith.constant 0 : i32
      %dma_start3A_97 = tpu.memref_slice %arg10[%add3A_17, %dma_start3A] : memref<30080x32xf32, #tpu.memory_space<vmem_shared>> -> memref<128x32xf32, #tpu.memory_space<vmem_shared>>
      %dma_start3A_98 = arith.constant 0 : i32
      %dma_start3A_99 = tpu.memref_slice %arg10[%add3A_17, %dma_start3A_98] : memref<30080x32xf32, #tpu.memory_space<vmem_shared>> -> memref<128x32xf32, #tpu.memory_space<vmem_shared>>
      tpu.enqueue_dma source(%arg9 : memref<128x32xf32, #tpu.memory_space<vmem>>) target(%dma_start3A_99 : memref<128x32xf32, #tpu.memory_space<vmem_shared>>) target_semaphore(%run_scoped3A_96 : memref<!tpu.dma_semaphore, #tpu.memory_space<semaphore_mem>>)
      %dma_wait3A = arith.constant 0 : i32
      %dma_wait3A_100 = tpu.memref_slice %arg10[%add3A_17, %dma_wait3A] : memref<30080x32xf32, #tpu.memory_space<vmem_shared>> -> memref<128x32xf32, #tpu.memory_space<vmem_shared>>
      %dma_wait3A_101 = arith.constant 0 : i32
      %dma_wait3A_102 = tpu.memref_slice %arg10[%add3A_17, %dma_wait3A_101] : memref<30080x32xf32, #tpu.memory_space<vmem_shared>> -> memref<128x32xf32, #tpu.memory_space<vmem_shared>>
      tpu.wait_dma2 semaphore(%run_scoped3A_96 : memref<!tpu.dma_semaphore, #tpu.memory_space<semaphore_mem>>) src(%arg9 : memref<128x32xf32, #tpu.memory_space<vmem>>) dst(%dma_wait3A_102 : memref<128x32xf32, #tpu.memory_space<vmem_shared>>)
      tpu.yield
    }) : () -> ()
    %add3A_18 = arith.constant 512 : i32
    %add3A_19 = arith.addi %mul3A_3, %add3A_18 : i32
    "tpu.region"() ({
      %run_scoped3A_96 = tpu.sem_alloc : memref<!tpu.dma_semaphore, #tpu.memory_space<semaphore_mem>>
      %dma_start3A = arith.constant 0 : i32
      %dma_start3A_97 = tpu.memref_slice %arg10[%add3A_19, %dma_start3A] : memref<30080x32xf32, #tpu.memory_space<vmem_shared>> -> memref<128x32xf32, #tpu.memory_space<vmem_shared>>
      %dma_start3A_98 = arith.constant 0 : i32
      %dma_start3A_99 = tpu.memref_slice %arg10[%add3A_19, %dma_start3A_98] : memref<30080x32xf32, #tpu.memory_space<vmem_shared>> -> memref<128x32xf32, #tpu.memory_space<vmem_shared>>
      tpu.enqueue_dma source(%arg9 : memref<128x32xf32, #tpu.memory_space<vmem>>) target(%dma_start3A_99 : memref<128x32xf32, #tpu.memory_space<vmem_shared>>) target_semaphore(%run_scoped3A_96 : memref<!tpu.dma_semaphore, #tpu.memory_space<semaphore_mem>>)
      %dma_wait3A = arith.constant 0 : i32
      %dma_wait3A_100 = tpu.memref_slice %arg10[%add3A_19, %dma_wait3A] : memref<30080x32xf32, #tpu.memory_space<vmem_shared>> -> memref<128x32xf32, #tpu.memory_space<vmem_shared>>
      %dma_wait3A_101 = arith.constant 0 : i32
      %dma_wait3A_102 = tpu.memref_slice %arg10[%add3A_19, %dma_wait3A_101] : memref<30080x32xf32, #tpu.memory_space<vmem_shared>> -> memref<128x32xf32, #tpu.memory_space<vmem_shared>>
      tpu.wait_dma2 semaphore(%run_scoped3A_96 : memref<!tpu.dma_semaphore, #tpu.memory_space<semaphore_mem>>) src(%arg9 : memref<128x32xf32, #tpu.memory_space<vmem>>) dst(%dma_wait3A_102 : memref<128x32xf32, #tpu.memory_space<vmem_shared>>)
      tpu.yield
    }) : () -> ()
    %add3A_20 = arith.constant 640 : i32
    %add3A_21 = arith.addi %mul3A_3, %add3A_20 : i32
    "tpu.region"() ({
      %run_scoped3A_96 = tpu.sem_alloc : memref<!tpu.dma_semaphore, #tpu.memory_space<semaphore_mem>>
      %dma_start3A = arith.constant 0 : i32
      %dma_start3A_97 = tpu.memref_slice %arg10[%add3A_21, %dma_start3A] : memref<30080x32xf32, #tpu.memory_space<vmem_shared>> -> memref<128x32xf32, #tpu.memory_space<vmem_shared>>
      %dma_start3A_98 = arith.constant 0 : i32
      %dma_start3A_99 = tpu.memref_slice %arg10[%add3A_21, %dma_start3A_98] : memref<30080x32xf32, #tpu.memory_space<vmem_shared>> -> memref<128x32xf32, #tpu.memory_space<vmem_shared>>
      tpu.enqueue_dma source(%arg9 : memref<128x32xf32, #tpu.memory_space<vmem>>) target(%dma_start3A_99 : memref<128x32xf32, #tpu.memory_space<vmem_shared>>) target_semaphore(%run_scoped3A_96 : memref<!tpu.dma_semaphore, #tpu.memory_space<semaphore_mem>>)
      %dma_wait3A = arith.constant 0 : i32
      %dma_wait3A_100 = tpu.memref_slice %arg10[%add3A_21, %dma_wait3A] : memref<30080x32xf32, #tpu.memory_space<vmem_shared>> -> memref<128x32xf32, #tpu.memory_space<vmem_shared>>
      %dma_wait3A_101 = arith.constant 0 : i32
      %dma_wait3A_102 = tpu.memref_slice %arg10[%add3A_21, %dma_wait3A_101] : memref<30080x32xf32, #tpu.memory_space<vmem_shared>> -> memref<128x32xf32, #tpu.memory_space<vmem_shared>>
      tpu.wait_dma2 semaphore(%run_scoped3A_96 : memref<!tpu.dma_semaphore, #tpu.memory_space<semaphore_mem>>) src(%arg9 : memref<128x32xf32, #tpu.memory_space<vmem>>) dst(%dma_wait3A_102 : memref<128x32xf32, #tpu.memory_space<vmem_shared>>)
      tpu.yield
    }) : () -> ()
    %add3A_22 = arith.constant 768 : i32
    %add3A_23 = arith.addi %mul3A_3, %add3A_22 : i32
    "tpu.region"() ({
      %run_scoped3A_96 = tpu.sem_alloc : memref<!tpu.dma_semaphore, #tpu.memory_space<semaphore_mem>>
      %dma_start3A = arith.constant 0 : i32
      %dma_start3A_97 = tpu.memref_slice %arg10[%add3A_23, %dma_start3A] : memref<30080x32xf32, #tpu.memory_space<vmem_shared>> -> memref<128x32xf32, #tpu.memory_space<vmem_shared>>
      %dma_start3A_98 = arith.constant 0 : i32
      %dma_start3A_99 = tpu.memref_slice %arg10[%add3A_23, %dma_start3A_98] : memref<30080x32xf32, #tpu.memory_space<vmem_shared>> -> memref<128x32xf32, #tpu.memory_space<vmem_shared>>
      tpu.enqueue_dma source(%arg9 : memref<128x32xf32, #tpu.memory_space<vmem>>) target(%dma_start3A_99 : memref<128x32xf32, #tpu.memory_space<vmem_shared>>) target_semaphore(%run_scoped3A_96 : memref<!tpu.dma_semaphore, #tpu.memory_space<semaphore_mem>>)
      %dma_wait3A = arith.constant 0 : i32
      %dma_wait3A_100 = tpu.memref_slice %arg10[%add3A_23, %dma_wait3A] : memref<30080x32xf32, #tpu.memory_space<vmem_shared>> -> memref<128x32xf32, #tpu.memory_space<vmem_shared>>
      %dma_wait3A_101 = arith.constant 0 : i32
      %dma_wait3A_102 = tpu.memref_slice %arg10[%add3A_23, %dma_wait3A_101] : memref<30080x32xf32, #tpu.memory_space<vmem_shared>> -> memref<128x32xf32, #tpu.memory_space<vmem_shared>>
      tpu.wait_dma2 semaphore(%run_scoped3A_96 : memref<!tpu.dma_semaphore, #tpu.memory_space<semaphore_mem>>) src(%arg9 : memref<128x32xf32, #tpu.memory_space<vmem>>) dst(%dma_wait3A_102 : memref<128x32xf32, #tpu.memory_space<vmem_shared>>)
      tpu.yield
    }) : () -> ()
    %add3A_24 = arith.constant 896 : i32
    %add3A_25 = arith.addi %mul3A_3, %add3A_24 : i32
    "tpu.region"() ({
      %run_scoped3A_96 = tpu.sem_alloc : memref<!tpu.dma_semaphore, #tpu.memory_space<semaphore_mem>>
      %dma_start3A = arith.constant 0 : i32
      %dma_start3A_97 = tpu.memref_slice %arg10[%add3A_25, %dma_start3A] : memref<30080x32xf32, #tpu.memory_space<vmem_shared>> -> memref<128x32xf32, #tpu.memory_space<vmem_shared>>
      %dma_start3A_98 = arith.constant 0 : i32
      %dma_start3A_99 = tpu.memref_slice %arg10[%add3A_25, %dma_start3A_98] : memref<30080x32xf32, #tpu.memory_space<vmem_shared>> -> memref<128x32xf32, #tpu.memory_space<vmem_shared>>
      tpu.enqueue_dma source(%arg9 : memref<128x32xf32, #tpu.memory_space<vmem>>) target(%dma_start3A_99 : memref<128x32xf32, #tpu.memory_space<vmem_shared>>) target_semaphore(%run_scoped3A_96 : memref<!tpu.dma_semaphore, #tpu.memory_space<semaphore_mem>>)
      %dma_wait3A = arith.constant 0 : i32
      %dma_wait3A_100 = tpu.memref_slice %arg10[%add3A_25, %dma_wait3A] : memref<30080x32xf32, #tpu.memory_space<vmem_shared>> -> memref<128x32xf32, #tpu.memory_space<vmem_shared>>
      %dma_wait3A_101 = arith.constant 0 : i32
      %dma_wait3A_102 = tpu.memref_slice %arg10[%add3A_25, %dma_wait3A_101] : memref<30080x32xf32, #tpu.memory_space<vmem_shared>> -> memref<128x32xf32, #tpu.memory_space<vmem_shared>>
      tpu.wait_dma2 semaphore(%run_scoped3A_96 : memref<!tpu.dma_semaphore, #tpu.memory_space<semaphore_mem>>) src(%arg9 : memref<128x32xf32, #tpu.memory_space<vmem>>) dst(%dma_wait3A_102 : memref<128x32xf32, #tpu.memory_space<vmem_shared>>)
      tpu.yield
    }) : () -> ()
    %add3A_26 = arith.constant 1024 : i32
    %add3A_27 = arith.addi %mul3A_3, %add3A_26 : i32
    "tpu.region"() ({
      %run_scoped3A_96 = tpu.sem_alloc : memref<!tpu.dma_semaphore, #tpu.memory_space<semaphore_mem>>
      %dma_start3A = arith.constant 0 : i32
      %dma_start3A_97 = tpu.memref_slice %arg10[%add3A_27, %dma_start3A] : memref<30080x32xf32, #tpu.memory_space<vmem_shared>> -> memref<128x32xf32, #tpu.memory_space<vmem_shared>>
      %dma_start3A_98 = arith.constant 0 : i32
      %dma_start3A_99 = tpu.memref_slice %arg10[%add3A_27, %dma_start3A_98] : memref<30080x32xf32, #tpu.memory_space<vmem_shared>> -> memref<128x32xf32, #tpu.memory_space<vmem_shared>>
      tpu.enqueue_dma source(%arg9 : memref<128x32xf32, #tpu.memory_space<vmem>>) target(%dma_start3A_99 : memref<128x32xf32, #tpu.memory_space<vmem_shared>>) target_semaphore(%run_scoped3A_96 : memref<!tpu.dma_semaphore, #tpu.memory_space<semaphore_mem>>)
      %dma_wait3A = arith.constant 0 : i32
      %dma_wait3A_100 = tpu.memref_slice %arg10[%add3A_27, %dma_wait3A] : memref<30080x32xf32, #tpu.memory_space<vmem_shared>> -> memref<128x32xf32, #tpu.memory_space<vmem_shared>>
      %dma_wait3A_101 = arith.constant 0 : i32
      %dma_wait3A_102 = tpu.memref_slice %arg10[%add3A_27, %dma_wait3A_101] : memref<30080x32xf32, #tpu.memory_space<vmem_shared>> -> memref<128x32xf32, #tpu.memory_space<vmem_shared>>
      tpu.wait_dma2 semaphore(%run_scoped3A_96 : memref<!tpu.dma_semaphore, #tpu.memory_space<semaphore_mem>>) src(%arg9 : memref<128x32xf32, #tpu.memory_space<vmem>>) dst(%dma_wait3A_102 : memref<128x32xf32, #tpu.memory_space<vmem_shared>>)
      tpu.yield
    }) : () -> ()
    %add3A_28 = arith.constant 1152 : i32
    %add3A_29 = arith.addi %mul3A_3, %add3A_28 : i32
    "tpu.region"() ({
      %run_scoped3A_96 = tpu.sem_alloc : memref<!tpu.dma_semaphore, #tpu.memory_space<semaphore_mem>>
      %dma_start3A = arith.constant 0 : i32
      %dma_start3A_97 = tpu.memref_slice %arg10[%add3A_29, %dma_start3A] : memref<30080x32xf32, #tpu.memory_space<vmem_shared>> -> memref<128x32xf32, #tpu.memory_space<vmem_shared>>
      %dma_start3A_98 = arith.constant 0 : i32
      %dma_start3A_99 = tpu.memref_slice %arg10[%add3A_29, %dma_start3A_98] : memref<30080x32xf32, #tpu.memory_space<vmem_shared>> -> memref<128x32xf32, #tpu.memory_space<vmem_shared>>
      tpu.enqueue_dma source(%arg9 : memref<128x32xf32, #tpu.memory_space<vmem>>) target(%dma_start3A_99 : memref<128x32xf32, #tpu.memory_space<vmem_shared>>) target_semaphore(%run_scoped3A_96 : memref<!tpu.dma_semaphore, #tpu.memory_space<semaphore_mem>>)
      %dma_wait3A = arith.constant 0 : i32
      %dma_wait3A_100 = tpu.memref_slice %arg10[%add3A_29, %dma_wait3A] : memref<30080x32xf32, #tpu.memory_space<vmem_shared>> -> memref<128x32xf32, #tpu.memory_space<vmem_shared>>
      %dma_wait3A_101 = arith.constant 0 : i32
      %dma_wait3A_102 = tpu.memref_slice %arg10[%add3A_29, %dma_wait3A_101] : memref<30080x32xf32, #tpu.memory_space<vmem_shared>> -> memref<128x32xf32, #tpu.memory_space<vmem_shared>>
      tpu.wait_dma2 semaphore(%run_scoped3A_96 : memref<!tpu.dma_semaphore, #tpu.memory_space<semaphore_mem>>) src(%arg9 : memref<128x32xf32, #tpu.memory_space<vmem>>) dst(%dma_wait3A_102 : memref<128x32xf32, #tpu.memory_space<vmem_shared>>)
      tpu.yield
    }) : () -> ()
    %add3A_30 = arith.constant 1280 : i32
    %add3A_31 = arith.addi %mul3A_3, %add3A_30 : i32
    "tpu.region"() ({
      %run_scoped3A_96 = tpu.sem_alloc : memref<!tpu.dma_semaphore, #tpu.memory_space<semaphore_mem>>
      %dma_start3A = arith.constant 0 : i32
      %dma_start3A_97 = tpu.memref_slice %arg10[%add3A_31, %dma_start3A] : memref<30080x32xf32, #tpu.memory_space<vmem_shared>> -> memref<128x32xf32, #tpu.memory_space<vmem_shared>>
      %dma_start3A_98 = arith.constant 0 : i32
      %dma_start3A_99 = tpu.memref_slice %arg10[%add3A_31, %dma_start3A_98] : memref<30080x32xf32, #tpu.memory_space<vmem_shared>> -> memref<128x32xf32, #tpu.memory_space<vmem_shared>>
      tpu.enqueue_dma source(%arg9 : memref<128x32xf32, #tpu.memory_space<vmem>>) target(%dma_start3A_99 : memref<128x32xf32, #tpu.memory_space<vmem_shared>>) target_semaphore(%run_scoped3A_96 : memref<!tpu.dma_semaphore, #tpu.memory_space<semaphore_mem>>)
      %dma_wait3A = arith.constant 0 : i32
      %dma_wait3A_100 = tpu.memref_slice %arg10[%add3A_31, %dma_wait3A] : memref<30080x32xf32, #tpu.memory_space<vmem_shared>> -> memref<128x32xf32, #tpu.memory_space<vmem_shared>>
      %dma_wait3A_101 = arith.constant 0 : i32
      %dma_wait3A_102 = tpu.memref_slice %arg10[%add3A_31, %dma_wait3A_101] : memref<30080x32xf32, #tpu.memory_space<vmem_shared>> -> memref<128x32xf32, #tpu.memory_space<vmem_shared>>
      tpu.wait_dma2 semaphore(%run_scoped3A_96 : memref<!tpu.dma_semaphore, #tpu.memory_space<semaphore_mem>>) src(%arg9 : memref<128x32xf32, #tpu.memory_space<vmem>>) dst(%dma_wait3A_102 : memref<128x32xf32, #tpu.memory_space<vmem_shared>>)
      tpu.yield
    }) : () -> ()
    %add3A_32 = arith.constant 1408 : i32
    %add3A_33 = arith.addi %mul3A_3, %add3A_32 : i32
    "tpu.region"() ({
      %run_scoped3A_96 = tpu.sem_alloc : memref<!tpu.dma_semaphore, #tpu.memory_space<semaphore_mem>>
      %dma_start3A = arith.constant 0 : i32
      %dma_start3A_97 = tpu.memref_slice %arg10[%add3A_33, %dma_start3A] : memref<30080x32xf32, #tpu.memory_space<vmem_shared>> -> memref<128x32xf32, #tpu.memory_space<vmem_shared>>
      %dma_start3A_98 = arith.constant 0 : i32
      %dma_start3A_99 = tpu.memref_slice %arg10[%add3A_33, %dma_start3A_98] : memref<30080x32xf32, #tpu.memory_space<vmem_shared>> -> memref<128x32xf32, #tpu.memory_space<vmem_shared>>
      tpu.enqueue_dma source(%arg9 : memref<128x32xf32, #tpu.memory_space<vmem>>) target(%dma_start3A_99 : memref<128x32xf32, #tpu.memory_space<vmem_shared>>) target_semaphore(%run_scoped3A_96 : memref<!tpu.dma_semaphore, #tpu.memory_space<semaphore_mem>>)
      %dma_wait3A = arith.constant 0 : i32
      %dma_wait3A_100 = tpu.memref_slice %arg10[%add3A_33, %dma_wait3A] : memref<30080x32xf32, #tpu.memory_space<vmem_shared>> -> memref<128x32xf32, #tpu.memory_space<vmem_shared>>
      %dma_wait3A_101 = arith.constant 0 : i32
      %dma_wait3A_102 = tpu.memref_slice %arg10[%add3A_33, %dma_wait3A_101] : memref<30080x32xf32, #tpu.memory_space<vmem_shared>> -> memref<128x32xf32, #tpu.memory_space<vmem_shared>>
      tpu.wait_dma2 semaphore(%run_scoped3A_96 : memref<!tpu.dma_semaphore, #tpu.memory_space<semaphore_mem>>) src(%arg9 : memref<128x32xf32, #tpu.memory_space<vmem>>) dst(%dma_wait3A_102 : memref<128x32xf32, #tpu.memory_space<vmem_shared>>)
      tpu.yield
    }) : () -> ()
    %add3A_34 = arith.constant 1536 : i32
    %add3A_35 = arith.addi %mul3A_3, %add3A_34 : i32
    "tpu.region"() ({
      %run_scoped3A_96 = tpu.sem_alloc : memref<!tpu.dma_semaphore, #tpu.memory_space<semaphore_mem>>
      %dma_start3A = arith.constant 0 : i32
      %dma_start3A_97 = tpu.memref_slice %arg10[%add3A_35, %dma_start3A] : memref<30080x32xf32, #tpu.memory_space<vmem_shared>> -> memref<128x32xf32, #tpu.memory_space<vmem_shared>>
      %dma_start3A_98 = arith.constant 0 : i32
      %dma_start3A_99 = tpu.memref_slice %arg10[%add3A_35, %dma_start3A_98] : memref<30080x32xf32, #tpu.memory_space<vmem_shared>> -> memref<128x32xf32, #tpu.memory_space<vmem_shared>>
      tpu.enqueue_dma source(%arg9 : memref<128x32xf32, #tpu.memory_space<vmem>>) target(%dma_start3A_99 : memref<128x32xf32, #tpu.memory_space<vmem_shared>>) target_semaphore(%run_scoped3A_96 : memref<!tpu.dma_semaphore, #tpu.memory_space<semaphore_mem>>)
      %dma_wait3A = arith.constant 0 : i32
      %dma_wait3A_100 = tpu.memref_slice %arg10[%add3A_35, %dma_wait3A] : memref<30080x32xf32, #tpu.memory_space<vmem_shared>> -> memref<128x32xf32, #tpu.memory_space<vmem_shared>>
      %dma_wait3A_101 = arith.constant 0 : i32
      %dma_wait3A_102 = tpu.memref_slice %arg10[%add3A_35, %dma_wait3A_101] : memref<30080x32xf32, #tpu.memory_space<vmem_shared>> -> memref<128x32xf32, #tpu.memory_space<vmem_shared>>
      tpu.wait_dma2 semaphore(%run_scoped3A_96 : memref<!tpu.dma_semaphore, #tpu.memory_space<semaphore_mem>>) src(%arg9 : memref<128x32xf32, #tpu.memory_space<vmem>>) dst(%dma_wait3A_102 : memref<128x32xf32, #tpu.memory_space<vmem_shared>>)
      tpu.yield
    }) : () -> ()
    %add3A_36 = arith.constant 1664 : i32
    %add3A_37 = arith.addi %mul3A_3, %add3A_36 : i32
    "tpu.region"() ({
      %run_scoped3A_96 = tpu.sem_alloc : memref<!tpu.dma_semaphore, #tpu.memory_space<semaphore_mem>>
      %dma_start3A = arith.constant 0 : i32
      %dma_start3A_97 = tpu.memref_slice %arg10[%add3A_37, %dma_start3A] : memref<30080x32xf32, #tpu.memory_space<vmem_shared>> -> memref<128x32xf32, #tpu.memory_space<vmem_shared>>
      %dma_start3A_98 = arith.constant 0 : i32
      %dma_start3A_99 = tpu.memref_slice %arg10[%add3A_37, %dma_start3A_98] : memref<30080x32xf32, #tpu.memory_space<vmem_shared>> -> memref<128x32xf32, #tpu.memory_space<vmem_shared>>
      tpu.enqueue_dma source(%arg9 : memref<128x32xf32, #tpu.memory_space<vmem>>) target(%dma_start3A_99 : memref<128x32xf32, #tpu.memory_space<vmem_shared>>) target_semaphore(%run_scoped3A_96 : memref<!tpu.dma_semaphore, #tpu.memory_space<semaphore_mem>>)
      %dma_wait3A = arith.constant 0 : i32
      %dma_wait3A_100 = tpu.memref_slice %arg10[%add3A_37, %dma_wait3A] : memref<30080x32xf32, #tpu.memory_space<vmem_shared>> -> memref<128x32xf32, #tpu.memory_space<vmem_shared>>
      %dma_wait3A_101 = arith.constant 0 : i32
      %dma_wait3A_102 = tpu.memref_slice %arg10[%add3A_37, %dma_wait3A_101] : memref<30080x32xf32, #tpu.memory_space<vmem_shared>> -> memref<128x32xf32, #tpu.memory_space<vmem_shared>>
      tpu.wait_dma2 semaphore(%run_scoped3A_96 : memref<!tpu.dma_semaphore, #tpu.memory_space<semaphore_mem>>) src(%arg9 : memref<128x32xf32, #tpu.memory_space<vmem>>) dst(%dma_wait3A_102 : memref<128x32xf32, #tpu.memory_space<vmem_shared>>)
      tpu.yield
    }) : () -> ()
    %add3A_38 = arith.constant 1792 : i32
    %add3A_39 = arith.addi %mul3A_3, %add3A_38 : i32
    "tpu.region"() ({
      %run_scoped3A_96 = tpu.sem_alloc : memref<!tpu.dma_semaphore, #tpu.memory_space<semaphore_mem>>
      %dma_start3A = arith.constant 0 : i32
      %dma_start3A_97 = arith.constant 0 : i32
      %dma_start3A_98 = tpu.memref_slice %arg9[%dma_start3A, %dma_start3A_97] : memref<128x32xf32, #tpu.memory_space<vmem>> -> memref<88x32xf32, #tpu.memory_space<vmem>>
      %dma_start3A_99 = arith.constant 0 : i32
      %dma_start3A_100 = tpu.memref_slice %arg10[%add3A_39, %dma_start3A_99] : memref<30080x32xf32, #tpu.memory_space<vmem_shared>> -> memref<88x32xf32, #tpu.memory_space<vmem_shared>>
      %dma_start3A_101 = arith.constant 0 : i32
      %dma_start3A_102 = tpu.memref_slice %arg10[%add3A_39, %dma_start3A_101] : memref<30080x32xf32, #tpu.memory_space<vmem_shared>> -> memref<88x32xf32, #tpu.memory_space<vmem_shared>>
      %dma_start3A_103 = arith.constant 0 : i32
      %dma_start3A_104 = arith.constant 0 : i32
      %dma_start3A_105 = tpu.memref_slice %arg9[%dma_start3A_103, %dma_start3A_104] : memref<128x32xf32, #tpu.memory_space<vmem>> -> memref<88x32xf32, #tpu.memory_space<vmem>>
      tpu.enqueue_dma source(%dma_start3A_105 : memref<88x32xf32, #tpu.memory_space<vmem>>) target(%dma_start3A_102 : memref<88x32xf32, #tpu.memory_space<vmem_shared>>) target_semaphore(%run_scoped3A_96 : memref<!tpu.dma_semaphore, #tpu.memory_space<semaphore_mem>>)
      %dma_wait3A = arith.constant 0 : i32
      %dma_wait3A_106 = arith.constant 0 : i32
      %dma_wait3A_107 = tpu.memref_slice %arg9[%dma_wait3A, %dma_wait3A_106] : memref<128x32xf32, #tpu.memory_space<vmem>> -> memref<88x32xf32, #tpu.memory_space<vmem>>
      %dma_wait3A_108 = arith.constant 0 : i32
      %dma_wait3A_109 = tpu.memref_slice %arg10[%add3A_39, %dma_wait3A_108] : memref<30080x32xf32, #tpu.memory_space<vmem_shared>> -> memref<88x32xf32, #tpu.memory_space<vmem_shared>>
      %dma_wait3A_110 = arith.constant 0 : i32
      %dma_wait3A_111 = tpu.memref_slice %arg10[%add3A_39, %dma_wait3A_110] : memref<30080x32xf32, #tpu.memory_space<vmem_shared>> -> memref<88x32xf32, #tpu.memory_space<vmem_shared>>
      %dma_wait3A_112 = arith.constant 0 : i32
      %dma_wait3A_113 = arith.constant 0 : i32
      %dma_wait3A_114 = tpu.memref_slice %arg9[%dma_wait3A_112, %dma_wait3A_113] : memref<128x32xf32, #tpu.memory_space<vmem>> -> memref<88x32xf32, #tpu.memory_space<vmem>>
      tpu.wait_dma2 semaphore(%run_scoped3A_96 : memref<!tpu.dma_semaphore, #tpu.memory_space<semaphore_mem>>) src(%dma_wait3A_114 : memref<88x32xf32, #tpu.memory_space<vmem>>) dst(%dma_wait3A_111 : memref<88x32xf32, #tpu.memory_space<vmem_shared>>)
      tpu.yield
    }) : () -> ()
    %barrier3A = arith.constant 0 : index
    tpu.barrier barrier_id(%barrier3A)
    %scan3A_40 = arith.constant 0 : i32
    %scan3A_41 = arith.constant 0 : i32
    %scan3A_42 = arith.constant 79 : i32
    %scan3A_43 = arith.addi %scan3A_41, %scan3A_42 : i32
    %scan3A_44 = arith.constant 1 : i32
    %scan3A_45 = scf.for %scan3A_96 = %scan3A_41 to %scan3A_43 step %scan3A_44 iter_args(%scan3A_97 = %scan3A_40) -> (i32)  : i32 {
      "tpu.region"() ({
        %run_scoped3A_99 = tpu.sem_alloc : memref<!tpu.dma_semaphore, #tpu.memory_space<semaphore_mem>>
        %dma_start3A = arith.constant 0 : i32
        %dma_start3A_100 = tpu.memref_slice %arg7[%scan3A_96, %dma_start3A] : memref<79x128xi32, #tpu.memory_space<vmem>> -> memref<1x128xi32, #tpu.memory_space<vmem>>
        %dma_start3A_101 = tpu.memref_squeeze %dma_start3A_100 : memref<1x128xi32, #tpu.memory_space<vmem>> -> memref<128xi32, #tpu.memory_space<vmem>>
        %dma_start3A_102 = arith.constant 0 : i32
        %dma_start3A_103 = arith.constant 0 : i32
        %dma_start3A_104 = tpu.memref_slice %arg2[%dma_start3A_102, %dma_start3A_103] : memref<30080x32xf32, #tpu.memory_space<hbm>> -> memref<30080x32xf32, #tpu.memory_space<hbm>>
        tpu.enqueue_indirect_dma source(%dma_start3A_104 : memref<30080x32xf32, #tpu.memory_space<hbm>>) target(%arg9 : memref<128x32xf32, #tpu.memory_space<vmem>>) offsets(%dma_start3A_101 : memref<128xi32, #tpu.memory_space<vmem>>) semaphore(%run_scoped3A_99 : memref<!tpu.dma_semaphore, #tpu.memory_space<semaphore_mem>>)
        %dma_wait3A = arith.constant 0 : i32
        %dma_wait3A_105 = tpu.memref_slice %arg7[%scan3A_96, %dma_wait3A] : memref<79x128xi32, #tpu.memory_space<vmem>> -> memref<1x128xi32, #tpu.memory_space<vmem>>
        %dma_wait3A_106 = tpu.memref_squeeze %dma_wait3A_105 : memref<1x128xi32, #tpu.memory_space<vmem>> -> memref<128xi32, #tpu.memory_space<vmem>>
        %dma_wait3A_107 = arith.constant 0 : i32
        %dma_wait3A_108 = arith.constant 0 : i32
        %dma_wait3A_109 = tpu.memref_slice %arg2[%dma_wait3A_107, %dma_wait3A_108] : memref<30080x32xf32, #tpu.memory_space<hbm>> -> memref<30080x32xf32, #tpu.memory_space<hbm>>
        tpu.wait_indirect_dma semaphore(%run_scoped3A_99 : memref<!tpu.dma_semaphore, #tpu.memory_space<semaphore_mem>>) src(%dma_wait3A_109 : memref<30080x32xf32, #tpu.memory_space<hbm>>) dst(%arg9 : memref<128x32xf32, #tpu.memory_space<vmem>>)
        tpu.yield
      }) : () -> ()
      "tpu.region"() ({
        %run_scoped3A_99 = tpu.sem_alloc : memref<!tpu.dma_semaphore, #tpu.memory_space<semaphore_mem>>
        %dma_start3A = arith.constant 0 : i32
        %dma_start3A_100 = tpu.memref_slice %arg8[%scan3A_96, %dma_start3A] : memref<79x128xi32, #tpu.memory_space<vmem>> -> memref<1x128xi32, #tpu.memory_space<vmem>>
        %dma_start3A_101 = tpu.memref_squeeze %dma_start3A_100 : memref<1x128xi32, #tpu.memory_space<vmem>> -> memref<128xi32, #tpu.memory_space<vmem>>
        %dma_start3A_102 = arith.constant 0 : i32
        %dma_start3A_103 = arith.constant 0 : i32
        %dma_start3A_104 = tpu.memref_slice %arg10[%dma_start3A_102, %dma_start3A_103] : memref<30080x32xf32, #tpu.memory_space<vmem_shared>> -> memref<30080x32xf32, #tpu.memory_space<vmem_shared>>
        tpu.enqueue_indirect_dma source(%arg9 : memref<128x32xf32, #tpu.memory_space<vmem>>) target(%dma_start3A_104 : memref<30080x32xf32, #tpu.memory_space<vmem_shared>>) offsets(%dma_start3A_101 : memref<128xi32, #tpu.memory_space<vmem>>) semaphore(%run_scoped3A_99 : memref<!tpu.dma_semaphore, #tpu.memory_space<semaphore_mem>>) {add = true}
        %dma_wait3A = arith.constant 0 : i32
        %dma_wait3A_105 = tpu.memref_slice %arg8[%scan3A_96, %dma_wait3A] : memref<79x128xi32, #tpu.memory_space<vmem>> -> memref<1x128xi32, #tpu.memory_space<vmem>>
        %dma_wait3A_106 = tpu.memref_squeeze %dma_wait3A_105 : memref<1x128xi32, #tpu.memory_space<vmem>> -> memref<128xi32, #tpu.memory_space<vmem>>
        %dma_wait3A_107 = arith.constant 0 : i32
        %dma_wait3A_108 = arith.constant 0 : i32
        %dma_wait3A_109 = tpu.memref_slice %arg10[%dma_wait3A_107, %dma_wait3A_108] : memref<30080x32xf32, #tpu.memory_space<vmem_shared>> -> memref<30080x32xf32, #tpu.memory_space<vmem_shared>>
        tpu.wait_indirect_dma semaphore(%run_scoped3A_99 : memref<!tpu.dma_semaphore, #tpu.memory_space<semaphore_mem>>) src(%arg9 : memref<128x32xf32, #tpu.memory_space<vmem>>) dst(%dma_wait3A_109 : memref<30080x32xf32, #tpu.memory_space<vmem_shared>>)
        tpu.yield
      }) : () -> ()
      %scan3A_98 = arith.constant 0 : i32
      scf.yield %scan3A_98 : i32
    }
    %scan3A_46 = arith.constant 79 : i32
    %barrier3A_47 = arith.constant 0 : index
    tpu.barrier barrier_id(%barrier3A_47)
    %run_scoped3A = arith.constant 0 : i32
    "tpu.region"() ({
      %run_scoped3A_96 = tpu.sem_alloc : memref<!tpu.dma_semaphore, #tpu.memory_space<semaphore_mem>>
      %dma_start3A = arith.constant 0 : i32
      %dma_start3A_97 = arith.constant 0 : i32
      %dma_start3A_98 = arith.constant 0 : i32
      %dma_start3A_99 = tpu.memref_slice %arg6[%arg0, %dma_start3A, %dma_start3A_97, %dma_start3A_98] : memref<2x2x30080x32xf32, #tpu.memory_space<hbm>> -> memref<1x2x30080x32xf32, #tpu.memory_space<hbm>>
      %dma_start3A_100 = tpu.memref_squeeze %dma_start3A_99 : memref<1x2x30080x32xf32, #tpu.memory_space<hbm>> -> memref<2x30080x32xf32, #tpu.memory_space<hbm>>
      %dma_start3A_101 = arith.constant 0 : i32
      %dma_start3A_102 = arith.constant 0 : i32
      %dma_start3A_103 = tpu.memref_slice %dma_start3A_100[%run_scoped3A, %dma_start3A_101, %dma_start3A_102] : memref<2x30080x32xf32, #tpu.memory_space<hbm>> -> memref<1x30080x32xf32, #tpu.memory_space<hbm>>
      %dma_start3A_104 = tpu.memref_squeeze %dma_start3A_103 : memref<1x30080x32xf32, #tpu.memory_space<hbm>> -> memref<30080x32xf32, #tpu.memory_space<hbm>>
      %dma_start3A_105 = arith.constant 0 : i32
      %dma_start3A_106 = tpu.memref_slice %dma_start3A_104[%mul3A_3, %dma_start3A_105] : memref<30080x32xf32, #tpu.memory_space<hbm>> -> memref<1880x32xf32, #tpu.memory_space<hbm>>
      %dma_start3A_107 = arith.constant 0 : i32
      %dma_start3A_108 = tpu.memref_slice %arg10[%mul3A_3, %dma_start3A_107] : memref<30080x32xf32, #tpu.memory_space<vmem_shared>> -> memref<1880x32xf32, #tpu.memory_space<vmem_shared>>
      tpu.enqueue_dma source(%dma_start3A_108 : memref<1880x32xf32, #tpu.memory_space<vmem_shared>>) target(%dma_start3A_106 : memref<1880x32xf32, #tpu.memory_space<hbm>>) target_semaphore(%run_scoped3A_96 : memref<!tpu.dma_semaphore, #tpu.memory_space<semaphore_mem>>)
      %dma_wait3A = arith.constant 0 : i32
      %dma_wait3A_109 = arith.constant 0 : i32
      %dma_wait3A_110 = arith.constant 0 : i32
      %dma_wait3A_111 = tpu.memref_slice %arg6[%arg0, %dma_wait3A, %dma_wait3A_109, %dma_wait3A_110] : memref<2x2x30080x32xf32, #tpu.memory_space<hbm>> -> memref<1x2x30080x32xf32, #tpu.memory_space<hbm>>
      %dma_wait3A_112 = tpu.memref_squeeze %dma_wait3A_111 : memref<1x2x30080x32xf32, #tpu.memory_space<hbm>> -> memref<2x30080x32xf32, #tpu.memory_space<hbm>>
      %dma_wait3A_113 = arith.constant 0 : i32
      %dma_wait3A_114 = arith.constant 0 : i32
      %dma_wait3A_115 = tpu.memref_slice %dma_wait3A_112[%run_scoped3A, %dma_wait3A_113, %dma_wait3A_114] : memref<2x30080x32xf32, #tpu.memory_space<hbm>> -> memref<1x30080x32xf32, #tpu.memory_space<hbm>>
      %dma_wait3A_116 = tpu.memref_squeeze %dma_wait3A_115 : memref<1x30080x32xf32, #tpu.memory_space<hbm>> -> memref<30080x32xf32, #tpu.memory_space<hbm>>
      %dma_wait3A_117 = arith.constant 0 : i32
      %dma_wait3A_118 = tpu.memref_slice %dma_wait3A_116[%mul3A_3, %dma_wait3A_117] : memref<30080x32xf32, #tpu.memory_space<hbm>> -> memref<1880x32xf32, #tpu.memory_space<hbm>>
      %dma_wait3A_119 = arith.constant 0 : i32
      %dma_wait3A_120 = tpu.memref_slice %arg10[%mul3A_3, %dma_wait3A_119] : memref<30080x32xf32, #tpu.memory_space<vmem_shared>> -> memref<1880x32xf32, #tpu.memory_space<vmem_shared>>
      tpu.wait_dma2 semaphore(%run_scoped3A_96 : memref<!tpu.dma_semaphore, #tpu.memory_space<semaphore_mem>>) src(%dma_wait3A_120 : memref<1880x32xf32, #tpu.memory_space<vmem_shared>>) dst(%dma_wait3A_118 : memref<1880x32xf32, #tpu.memory_space<hbm>>)
      tpu.yield
    }) : () -> ()
    %barrier3A_48 = arith.constant 0 : index
    tpu.barrier barrier_id(%barrier3A_48)
    %scan3A_49 = arith.constant 0 : i32
    %scan3A_50 = arith.constant 0 : i32
    %scan3A_51 = arith.constant 128 : i32
    %scan3A_52 = arith.addi %scan3A_50, %scan3A_51 : i32
    %scan3A_53 = arith.constant 1 : i32
    %scan3A_54 = scf.for %scan3A_96 = %scan3A_50 to %scan3A_52 step %scan3A_53 iter_args(%scan3A_97 = %scan3A_49) -> (i32)  : i32 {
      %swap3A = arith.index_cast %scan3A_96 : i32 to index
      %swap3A_98 = arith.constant 0 : index
      %swap3A_99 = tpu.vector_load %arg9[%swap3A, %swap3A_98] {strides = array<i32>} : memref<128x32xf32, #tpu.memory_space<vmem>>, vector<1x16xf32>,
      %swap3A_100 = vector.shape_cast %swap3A_99 : vector<1x16xf32> to vector<16xf32>
      %swap3A_101 = vector.shape_cast %broadcast_in_dim3A_1 : vector<16xf32> to vector<1x16xf32>
      tpu.vector_store %arg9[%swap3A, %swap3A_98], %swap3A_101 {strides = array<i32>} : memref<128x32xf32, #tpu.memory_space<vmem>>, vector<1x16xf32>,
      %swap3A_102 = arith.index_cast %scan3A_96 : i32 to index
      %swap3A_103 = arith.constant 16 : index
      %swap3A_104 = tpu.vector_load %arg9[%swap3A_102, %swap3A_103] {strides = array<i32>} : memref<128x32xf32, #tpu.memory_space<vmem>>, vector<1x16xf32>,
      %swap3A_105 = vector.shape_cast %swap3A_104 : vector<1x16xf32> to vector<16xf32>
      %swap3A_106 = vector.shape_cast %broadcast_in_dim3A_1 : vector<16xf32> to vector<1x16xf32>
      tpu.vector_store %arg9[%swap3A_102, %swap3A_103], %swap3A_106 {strides = array<i32>} : memref<128x32xf32, #tpu.memory_space<vmem>>, vector<1x16xf32>,
      %scan3A_107 = arith.constant 0 : i32
      scf.yield %scan3A_107 : i32
    }
    %scan3A_55 = arith.constant 128 : i32
    %add3A_56 = arith.constant 0 : i32
    %add3A_57 = arith.addi %mul3A_3, %add3A_56 : i32
    "tpu.region"() ({
      %run_scoped3A_96 = tpu.sem_alloc : memref<!tpu.dma_semaphore, #tpu.memory_space<semaphore_mem>>
      %dma_start3A = arith.constant 0 : i32
      %dma_start3A_97 = tpu.memref_slice %arg10[%add3A_57, %dma_start3A] : memref<30080x32xf32, #tpu.memory_space<vmem_shared>> -> memref<128x32xf32, #tpu.memory_space<vmem_shared>>
      %dma_start3A_98 = arith.constant 0 : i32
      %dma_start3A_99 = tpu.memref_slice %arg10[%add3A_57, %dma_start3A_98] : memref<30080x32xf32, #tpu.memory_space<vmem_shared>> -> memref<128x32xf32, #tpu.memory_space<vmem_shared>>
      tpu.enqueue_dma source(%arg9 : memref<128x32xf32, #tpu.memory_space<vmem>>) target(%dma_start3A_99 : memref<128x32xf32, #tpu.memory_space<vmem_shared>>) target_semaphore(%run_scoped3A_96 : memref<!tpu.dma_semaphore, #tpu.memory_space<semaphore_mem>>)
      %dma_wait3A = arith.constant 0 : i32
      %dma_wait3A_100 = tpu.memref_slice %arg10[%add3A_57, %dma_wait3A] : memref<30080x32xf32, #tpu.memory_space<vmem_shared>> -> memref<128x32xf32, #tpu.memory_space<vmem_shared>>
      %dma_wait3A_101 = arith.constant 0 : i32
      %dma_wait3A_102 = tpu.memref_slice %arg10[%add3A_57, %dma_wait3A_101] : memref<30080x32xf32, #tpu.memory_space<vmem_shared>> -> memref<128x32xf32, #tpu.memory_space<vmem_shared>>
      tpu.wait_dma2 semaphore(%run_scoped3A_96 : memref<!tpu.dma_semaphore, #tpu.memory_space<semaphore_mem>>) src(%arg9 : memref<128x32xf32, #tpu.memory_space<vmem>>) dst(%dma_wait3A_102 : memref<128x32xf32, #tpu.memory_space<vmem_shared>>)
      tpu.yield
    }) : () -> ()
    %add3A_58 = arith.constant 128 : i32
    %add3A_59 = arith.addi %mul3A_3, %add3A_58 : i32
    "tpu.region"() ({
      %run_scoped3A_96 = tpu.sem_alloc : memref<!tpu.dma_semaphore, #tpu.memory_space<semaphore_mem>>
      %dma_start3A = arith.constant 0 : i32
      %dma_start3A_97 = tpu.memref_slice %arg10[%add3A_59, %dma_start3A] : memref<30080x32xf32, #tpu.memory_space<vmem_shared>> -> memref<128x32xf32, #tpu.memory_space<vmem_shared>>
      %dma_start3A_98 = arith.constant 0 : i32
      %dma_start3A_99 = tpu.memref_slice %arg10[%add3A_59, %dma_start3A_98] : memref<30080x32xf32, #tpu.memory_space<vmem_shared>> -> memref<128x32xf32, #tpu.memory_space<vmem_shared>>
      tpu.enqueue_dma source(%arg9 : memref<128x32xf32, #tpu.memory_space<vmem>>) target(%dma_start3A_99 : memref<128x32xf32, #tpu.memory_space<vmem_shared>>) target_semaphore(%run_scoped3A_96 : memref<!tpu.dma_semaphore, #tpu.memory_space<semaphore_mem>>)
      %dma_wait3A = arith.constant 0 : i32
      %dma_wait3A_100 = tpu.memref_slice %arg10[%add3A_59, %dma_wait3A] : memref<30080x32xf32, #tpu.memory_space<vmem_shared>> -> memref<128x32xf32, #tpu.memory_space<vmem_shared>>
      %dma_wait3A_101 = arith.constant 0 : i32
      %dma_wait3A_102 = tpu.memref_slice %arg10[%add3A_59, %dma_wait3A_101] : memref<30080x32xf32, #tpu.memory_space<vmem_shared>> -> memref<128x32xf32, #tpu.memory_space<vmem_shared>>
      tpu.wait_dma2 semaphore(%run_scoped3A_96 : memref<!tpu.dma_semaphore, #tpu.memory_space<semaphore_mem>>) src(%arg9 : memref<128x32xf32, #tpu.memory_space<vmem>>) dst(%dma_wait3A_102 : memref<128x32xf32, #tpu.memory_space<vmem_shared>>)
      tpu.yield
    }) : () -> ()
    %add3A_60 = arith.constant 256 : i32
    %add3A_61 = arith.addi %mul3A_3, %add3A_60 : i32
    "tpu.region"() ({
      %run_scoped3A_96 = tpu.sem_alloc : memref<!tpu.dma_semaphore, #tpu.memory_space<semaphore_mem>>
      %dma_start3A = arith.constant 0 : i32
      %dma_start3A_97 = tpu.memref_slice %arg10[%add3A_61, %dma_start3A] : memref<30080x32xf32, #tpu.memory_space<vmem_shared>> -> memref<128x32xf32, #tpu.memory_space<vmem_shared>>
      %dma_start3A_98 = arith.constant 0 : i32
      %dma_start3A_99 = tpu.memref_slice %arg10[%add3A_61, %dma_start3A_98] : memref<30080x32xf32, #tpu.memory_space<vmem_shared>> -> memref<128x32xf32, #tpu.memory_space<vmem_shared>>
      tpu.enqueue_dma source(%arg9 : memref<128x32xf32, #tpu.memory_space<vmem>>) target(%dma_start3A_99 : memref<128x32xf32, #tpu.memory_space<vmem_shared>>) target_semaphore(%run_scoped3A_96 : memref<!tpu.dma_semaphore, #tpu.memory_space<semaphore_mem>>)
      %dma_wait3A = arith.constant 0 : i32
      %dma_wait3A_100 = tpu.memref_slice %arg10[%add3A_61, %dma_wait3A] : memref<30080x32xf32, #tpu.memory_space<vmem_shared>> -> memref<128x32xf32, #tpu.memory_space<vmem_shared>>
      %dma_wait3A_101 = arith.constant 0 : i32
      %dma_wait3A_102 = tpu.memref_slice %arg10[%add3A_61, %dma_wait3A_101] : memref<30080x32xf32, #tpu.memory_space<vmem_shared>> -> memref<128x32xf32, #tpu.memory_space<vmem_shared>>
      tpu.wait_dma2 semaphore(%run_scoped3A_96 : memref<!tpu.dma_semaphore, #tpu.memory_space<semaphore_mem>>) src(%arg9 : memref<128x32xf32, #tpu.memory_space<vmem>>) dst(%dma_wait3A_102 : memref<128x32xf32, #tpu.memory_space<vmem_shared>>)
      tpu.yield
    }) : () -> ()
    %add3A_62 = arith.constant 384 : i32
    %add3A_63 = arith.addi %mul3A_3, %add3A_62 : i32
    "tpu.region"() ({
      %run_scoped3A_96 = tpu.sem_alloc : memref<!tpu.dma_semaphore, #tpu.memory_space<semaphore_mem>>
      %dma_start3A = arith.constant 0 : i32
      %dma_start3A_97 = tpu.memref_slice %arg10[%add3A_63, %dma_start3A] : memref<30080x32xf32, #tpu.memory_space<vmem_shared>> -> memref<128x32xf32, #tpu.memory_space<vmem_shared>>
      %dma_start3A_98 = arith.constant 0 : i32
      %dma_start3A_99 = tpu.memref_slice %arg10[%add3A_63, %dma_start3A_98] : memref<30080x32xf32, #tpu.memory_space<vmem_shared>> -> memref<128x32xf32, #tpu.memory_space<vmem_shared>>
      tpu.enqueue_dma source(%arg9 : memref<128x32xf32, #tpu.memory_space<vmem>>) target(%dma_start3A_99 : memref<128x32xf32, #tpu.memory_space<vmem_shared>>) target_semaphore(%run_scoped3A_96 : memref<!tpu.dma_semaphore, #tpu.memory_space<semaphore_mem>>)
      %dma_wait3A = arith.constant 0 : i32
      %dma_wait3A_100 = tpu.memref_slice %arg10[%add3A_63, %dma_wait3A] : memref<30080x32xf32, #tpu.memory_space<vmem_shared>> -> memref<128x32xf32, #tpu.memory_space<vmem_shared>>
      %dma_wait3A_101 = arith.constant 0 : i32
      %dma_wait3A_102 = tpu.memref_slice %arg10[%add3A_63, %dma_wait3A_101] : memref<30080x32xf32, #tpu.memory_space<vmem_shared>> -> memref<128x32xf32, #tpu.memory_space<vmem_shared>>
      tpu.wait_dma2 semaphore(%run_scoped3A_96 : memref<!tpu.dma_semaphore, #tpu.memory_space<semaphore_mem>>) src(%arg9 : memref<128x32xf32, #tpu.memory_space<vmem>>) dst(%dma_wait3A_102 : memref<128x32xf32, #tpu.memory_space<vmem_shared>>)
      tpu.yield
    }) : () -> ()
    %add3A_64 = arith.constant 512 : i32
    %add3A_65 = arith.addi %mul3A_3, %add3A_64 : i32
    "tpu.region"() ({
      %run_scoped3A_96 = tpu.sem_alloc : memref<!tpu.dma_semaphore, #tpu.memory_space<semaphore_mem>>
      %dma_start3A = arith.constant 0 : i32
      %dma_start3A_97 = tpu.memref_slice %arg10[%add3A_65, %dma_start3A] : memref<30080x32xf32, #tpu.memory_space<vmem_shared>> -> memref<128x32xf32, #tpu.memory_space<vmem_shared>>
      %dma_start3A_98 = arith.constant 0 : i32
      %dma_start3A_99 = tpu.memref_slice %arg10[%add3A_65, %dma_start3A_98] : memref<30080x32xf32, #tpu.memory_space<vmem_shared>> -> memref<128x32xf32, #tpu.memory_space<vmem_shared>>
      tpu.enqueue_dma source(%arg9 : memref<128x32xf32, #tpu.memory_space<vmem>>) target(%dma_start3A_99 : memref<128x32xf32, #tpu.memory_space<vmem_shared>>) target_semaphore(%run_scoped3A_96 : memref<!tpu.dma_semaphore, #tpu.memory_space<semaphore_mem>>)
      %dma_wait3A = arith.constant 0 : i32
      %dma_wait3A_100 = tpu.memref_slice %arg10[%add3A_65, %dma_wait3A] : memref<30080x32xf32, #tpu.memory_space<vmem_shared>> -> memref<128x32xf32, #tpu.memory_space<vmem_shared>>
      %dma_wait3A_101 = arith.constant 0 : i32
      %dma_wait3A_102 = tpu.memref_slice %arg10[%add3A_65, %dma_wait3A_101] : memref<30080x32xf32, #tpu.memory_space<vmem_shared>> -> memref<128x32xf32, #tpu.memory_space<vmem_shared>>
      tpu.wait_dma2 semaphore(%run_scoped3A_96 : memref<!tpu.dma_semaphore, #tpu.memory_space<semaphore_mem>>) src(%arg9 : memref<128x32xf32, #tpu.memory_space<vmem>>) dst(%dma_wait3A_102 : memref<128x32xf32, #tpu.memory_space<vmem_shared>>)
      tpu.yield
    }) : () -> ()
    %add3A_66 = arith.constant 640 : i32
    %add3A_67 = arith.addi %mul3A_3, %add3A_66 : i32
    "tpu.region"() ({
      %run_scoped3A_96 = tpu.sem_alloc : memref<!tpu.dma_semaphore, #tpu.memory_space<semaphore_mem>>
      %dma_start3A = arith.constant 0 : i32
      %dma_start3A_97 = tpu.memref_slice %arg10[%add3A_67, %dma_start3A] : memref<30080x32xf32, #tpu.memory_space<vmem_shared>> -> memref<128x32xf32, #tpu.memory_space<vmem_shared>>
      %dma_start3A_98 = arith.constant 0 : i32
      %dma_start3A_99 = tpu.memref_slice %arg10[%add3A_67, %dma_start3A_98] : memref<30080x32xf32, #tpu.memory_space<vmem_shared>> -> memref<128x32xf32, #tpu.memory_space<vmem_shared>>
      tpu.enqueue_dma source(%arg9 : memref<128x32xf32, #tpu.memory_space<vmem>>) target(%dma_start3A_99 : memref<128x32xf32, #tpu.memory_space<vmem_shared>>) target_semaphore(%run_scoped3A_96 : memref<!tpu.dma_semaphore, #tpu.memory_space<semaphore_mem>>)
      %dma_wait3A = arith.constant 0 : i32
      %dma_wait3A_100 = tpu.memref_slice %arg10[%add3A_67, %dma_wait3A] : memref<30080x32xf32, #tpu.memory_space<vmem_shared>> -> memref<128x32xf32, #tpu.memory_space<vmem_shared>>
      %dma_wait3A_101 = arith.constant 0 : i32
      %dma_wait3A_102 = tpu.memref_slice %arg10[%add3A_67, %dma_wait3A_101] : memref<30080x32xf32, #tpu.memory_space<vmem_shared>> -> memref<128x32xf32, #tpu.memory_space<vmem_shared>>
      tpu.wait_dma2 semaphore(%run_scoped3A_96 : memref<!tpu.dma_semaphore, #tpu.memory_space<semaphore_mem>>) src(%arg9 : memref<128x32xf32, #tpu.memory_space<vmem>>) dst(%dma_wait3A_102 : memref<128x32xf32, #tpu.memory_space<vmem_shared>>)
      tpu.yield
    }) : () -> ()
    %add3A_68 = arith.constant 768 : i32
    %add3A_69 = arith.addi %mul3A_3, %add3A_68 : i32
    "tpu.region"() ({
      %run_scoped3A_96 = tpu.sem_alloc : memref<!tpu.dma_semaphore, #tpu.memory_space<semaphore_mem>>
      %dma_start3A = arith.constant 0 : i32
      %dma_start3A_97 = tpu.memref_slice %arg10[%add3A_69, %dma_start3A] : memref<30080x32xf32, #tpu.memory_space<vmem_shared>> -> memref<128x32xf32, #tpu.memory_space<vmem_shared>>
      %dma_start3A_98 = arith.constant 0 : i32
      %dma_start3A_99 = tpu.memref_slice %arg10[%add3A_69, %dma_start3A_98] : memref<30080x32xf32, #tpu.memory_space<vmem_shared>> -> memref<128x32xf32, #tpu.memory_space<vmem_shared>>
      tpu.enqueue_dma source(%arg9 : memref<128x32xf32, #tpu.memory_space<vmem>>) target(%dma_start3A_99 : memref<128x32xf32, #tpu.memory_space<vmem_shared>>) target_semaphore(%run_scoped3A_96 : memref<!tpu.dma_semaphore, #tpu.memory_space<semaphore_mem>>)
      %dma_wait3A = arith.constant 0 : i32
      %dma_wait3A_100 = tpu.memref_slice %arg10[%add3A_69, %dma_wait3A] : memref<30080x32xf32, #tpu.memory_space<vmem_shared>> -> memref<128x32xf32, #tpu.memory_space<vmem_shared>>
      %dma_wait3A_101 = arith.constant 0 : i32
      %dma_wait3A_102 = tpu.memref_slice %arg10[%add3A_69, %dma_wait3A_101] : memref<30080x32xf32, #tpu.memory_space<vmem_shared>> -> memref<128x32xf32, #tpu.memory_space<vmem_shared>>
      tpu.wait_dma2 semaphore(%run_scoped3A_96 : memref<!tpu.dma_semaphore, #tpu.memory_space<semaphore_mem>>) src(%arg9 : memref<128x32xf32, #tpu.memory_space<vmem>>) dst(%dma_wait3A_102 : memref<128x32xf32, #tpu.memory_space<vmem_shared>>)
      tpu.yield
    }) : () -> ()
    %add3A_70 = arith.constant 896 : i32
    %add3A_71 = arith.addi %mul3A_3, %add3A_70 : i32
    "tpu.region"() ({
      %run_scoped3A_96 = tpu.sem_alloc : memref<!tpu.dma_semaphore, #tpu.memory_space<semaphore_mem>>
      %dma_start3A = arith.constant 0 : i32
      %dma_start3A_97 = tpu.memref_slice %arg10[%add3A_71, %dma_start3A] : memref<30080x32xf32, #tpu.memory_space<vmem_shared>> -> memref<128x32xf32, #tpu.memory_space<vmem_shared>>
      %dma_start3A_98 = arith.constant 0 : i32
      %dma_start3A_99 = tpu.memref_slice %arg10[%add3A_71, %dma_start3A_98] : memref<30080x32xf32, #tpu.memory_space<vmem_shared>> -> memref<128x32xf32, #tpu.memory_space<vmem_shared>>
      tpu.enqueue_dma source(%arg9 : memref<128x32xf32, #tpu.memory_space<vmem>>) target(%dma_start3A_99 : memref<128x32xf32, #tpu.memory_space<vmem_shared>>) target_semaphore(%run_scoped3A_96 : memref<!tpu.dma_semaphore, #tpu.memory_space<semaphore_mem>>)
      %dma_wait3A = arith.constant 0 : i32
      %dma_wait3A_100 = tpu.memref_slice %arg10[%add3A_71, %dma_wait3A] : memref<30080x32xf32, #tpu.memory_space<vmem_shared>> -> memref<128x32xf32, #tpu.memory_space<vmem_shared>>
      %dma_wait3A_101 = arith.constant 0 : i32
      %dma_wait3A_102 = tpu.memref_slice %arg10[%add3A_71, %dma_wait3A_101] : memref<30080x32xf32, #tpu.memory_space<vmem_shared>> -> memref<128x32xf32, #tpu.memory_space<vmem_shared>>
      tpu.wait_dma2 semaphore(%run_scoped3A_96 : memref<!tpu.dma_semaphore, #tpu.memory_space<semaphore_mem>>) src(%arg9 : memref<128x32xf32, #tpu.memory_space<vmem>>) dst(%dma_wait3A_102 : memref<128x32xf32, #tpu.memory_space<vmem_shared>>)
      tpu.yield
    }) : () -> ()
    %add3A_72 = arith.constant 1024 : i32
    %add3A_73 = arith.addi %mul3A_3, %add3A_72 : i32
    "tpu.region"() ({
      %run_scoped3A_96 = tpu.sem_alloc : memref<!tpu.dma_semaphore, #tpu.memory_space<semaphore_mem>>
      %dma_start3A = arith.constant 0 : i32
      %dma_start3A_97 = tpu.memref_slice %arg10[%add3A_73, %dma_start3A] : memref<30080x32xf32, #tpu.memory_space<vmem_shared>> -> memref<128x32xf32, #tpu.memory_space<vmem_shared>>
      %dma_start3A_98 = arith.constant 0 : i32
      %dma_start3A_99 = tpu.memref_slice %arg10[%add3A_73, %dma_start3A_98] : memref<30080x32xf32, #tpu.memory_space<vmem_shared>> -> memref<128x32xf32, #tpu.memory_space<vmem_shared>>
      tpu.enqueue_dma source(%arg9 : memref<128x32xf32, #tpu.memory_space<vmem>>) target(%dma_start3A_99 : memref<128x32xf32, #tpu.memory_space<vmem_shared>>) target_semaphore(%run_scoped3A_96 : memref<!tpu.dma_semaphore, #tpu.memory_space<semaphore_mem>>)
      %dma_wait3A = arith.constant 0 : i32
      %dma_wait3A_100 = tpu.memref_slice %arg10[%add3A_73, %dma_wait3A] : memref<30080x32xf32, #tpu.memory_space<vmem_shared>> -> memref<128x32xf32, #tpu.memory_space<vmem_shared>>
      %dma_wait3A_101 = arith.constant 0 : i32
      %dma_wait3A_102 = tpu.memref_slice %arg10[%add3A_73, %dma_wait3A_101] : memref<30080x32xf32, #tpu.memory_space<vmem_shared>> -> memref<128x32xf32, #tpu.memory_space<vmem_shared>>
      tpu.wait_dma2 semaphore(%run_scoped3A_96 : memref<!tpu.dma_semaphore, #tpu.memory_space<semaphore_mem>>) src(%arg9 : memref<128x32xf32, #tpu.memory_space<vmem>>) dst(%dma_wait3A_102 : memref<128x32xf32, #tpu.memory_space<vmem_shared>>)
      tpu.yield
    }) : () -> ()
    %add3A_74 = arith.constant 1152 : i32
    %add3A_75 = arith.addi %mul3A_3, %add3A_74 : i32
    "tpu.region"() ({
      %run_scoped3A_96 = tpu.sem_alloc : memref<!tpu.dma_semaphore, #tpu.memory_space<semaphore_mem>>
      %dma_start3A = arith.constant 0 : i32
      %dma_start3A_97 = tpu.memref_slice %arg10[%add3A_75, %dma_start3A] : memref<30080x32xf32, #tpu.memory_space<vmem_shared>> -> memref<128x32xf32, #tpu.memory_space<vmem_shared>>
      %dma_start3A_98 = arith.constant 0 : i32
      %dma_start3A_99 = tpu.memref_slice %arg10[%add3A_75, %dma_start3A_98] : memref<30080x32xf32, #tpu.memory_space<vmem_shared>> -> memref<128x32xf32, #tpu.memory_space<vmem_shared>>
      tpu.enqueue_dma source(%arg9 : memref<128x32xf32, #tpu.memory_space<vmem>>) target(%dma_start3A_99 : memref<128x32xf32, #tpu.memory_space<vmem_shared>>) target_semaphore(%run_scoped3A_96 : memref<!tpu.dma_semaphore, #tpu.memory_space<semaphore_mem>>)
      %dma_wait3A = arith.constant 0 : i32
      %dma_wait3A_100 = tpu.memref_slice %arg10[%add3A_75, %dma_wait3A] : memref<30080x32xf32, #tpu.memory_space<vmem_shared>> -> memref<128x32xf32, #tpu.memory_space<vmem_shared>>
      %dma_wait3A_101 = arith.constant 0 : i32
      %dma_wait3A_102 = tpu.memref_slice %arg10[%add3A_75, %dma_wait3A_101] : memref<30080x32xf32, #tpu.memory_space<vmem_shared>> -> memref<128x32xf32, #tpu.memory_space<vmem_shared>>
      tpu.wait_dma2 semaphore(%run_scoped3A_96 : memref<!tpu.dma_semaphore, #tpu.memory_space<semaphore_mem>>) src(%arg9 : memref<128x32xf32, #tpu.memory_space<vmem>>) dst(%dma_wait3A_102 : memref<128x32xf32, #tpu.memory_space<vmem_shared>>)
      tpu.yield
    }) : () -> ()
    %add3A_76 = arith.constant 1280 : i32
    %add3A_77 = arith.addi %mul3A_3, %add3A_76 : i32
    "tpu.region"() ({
      %run_scoped3A_96 = tpu.sem_alloc : memref<!tpu.dma_semaphore, #tpu.memory_space<semaphore_mem>>
      %dma_start3A = arith.constant 0 : i32
      %dma_start3A_97 = tpu.memref_slice %arg10[%add3A_77, %dma_start3A] : memref<30080x32xf32, #tpu.memory_space<vmem_shared>> -> memref<128x32xf32, #tpu.memory_space<vmem_shared>>
      %dma_start3A_98 = arith.constant 0 : i32
      %dma_start3A_99 = tpu.memref_slice %arg10[%add3A_77, %dma_start3A_98] : memref<30080x32xf32, #tpu.memory_space<vmem_shared>> -> memref<128x32xf32, #tpu.memory_space<vmem_shared>>
      tpu.enqueue_dma source(%arg9 : memref<128x32xf32, #tpu.memory_space<vmem>>) target(%dma_start3A_99 : memref<128x32xf32, #tpu.memory_space<vmem_shared>>) target_semaphore(%run_scoped3A_96 : memref<!tpu.dma_semaphore, #tpu.memory_space<semaphore_mem>>)
      %dma_wait3A = arith.constant 0 : i32
      %dma_wait3A_100 = tpu.memref_slice %arg10[%add3A_77, %dma_wait3A] : memref<30080x32xf32, #tpu.memory_space<vmem_shared>> -> memref<128x32xf32, #tpu.memory_space<vmem_shared>>
      %dma_wait3A_101 = arith.constant 0 : i32
      %dma_wait3A_102 = tpu.memref_slice %arg10[%add3A_77, %dma_wait3A_101] : memref<30080x32xf32, #tpu.memory_space<vmem_shared>> -> memref<128x32xf32, #tpu.memory_space<vmem_shared>>
      tpu.wait_dma2 semaphore(%run_scoped3A_96 : memref<!tpu.dma_semaphore, #tpu.memory_space<semaphore_mem>>) src(%arg9 : memref<128x32xf32, #tpu.memory_space<vmem>>) dst(%dma_wait3A_102 : memref<128x32xf32, #tpu.memory_space<vmem_shared>>)
      tpu.yield
    }) : () -> ()
    %add3A_78 = arith.constant 1408 : i32
    %add3A_79 = arith.addi %mul3A_3, %add3A_78 : i32
    "tpu.region"() ({
      %run_scoped3A_96 = tpu.sem_alloc : memref<!tpu.dma_semaphore, #tpu.memory_space<semaphore_mem>>
      %dma_start3A = arith.constant 0 : i32
      %dma_start3A_97 = tpu.memref_slice %arg10[%add3A_79, %dma_start3A] : memref<30080x32xf32, #tpu.memory_space<vmem_shared>> -> memref<128x32xf32, #tpu.memory_space<vmem_shared>>
      %dma_start3A_98 = arith.constant 0 : i32
      %dma_start3A_99 = tpu.memref_slice %arg10[%add3A_79, %dma_start3A_98] : memref<30080x32xf32, #tpu.memory_space<vmem_shared>> -> memref<128x32xf32, #tpu.memory_space<vmem_shared>>
      tpu.enqueue_dma source(%arg9 : memref<128x32xf32, #tpu.memory_space<vmem>>) target(%dma_start3A_99 : memref<128x32xf32, #tpu.memory_space<vmem_shared>>) target_semaphore(%run_scoped3A_96 : memref<!tpu.dma_semaphore, #tpu.memory_space<semaphore_mem>>)
      %dma_wait3A = arith.constant 0 : i32
      %dma_wait3A_100 = tpu.memref_slice %arg10[%add3A_79, %dma_wait3A] : memref<30080x32xf32, #tpu.memory_space<vmem_shared>> -> memref<128x32xf32, #tpu.memory_space<vmem_shared>>
      %dma_wait3A_101 = arith.constant 0 : i32
      %dma_wait3A_102 = tpu.memref_slice %arg10[%add3A_79, %dma_wait3A_101] : memref<30080x32xf32, #tpu.memory_space<vmem_shared>> -> memref<128x32xf32, #tpu.memory_space<vmem_shared>>
      tpu.wait_dma2 semaphore(%run_scoped3A_96 : memref<!tpu.dma_semaphore, #tpu.memory_space<semaphore_mem>>) src(%arg9 : memref<128x32xf32, #tpu.memory_space<vmem>>) dst(%dma_wait3A_102 : memref<128x32xf32, #tpu.memory_space<vmem_shared>>)
      tpu.yield
    }) : () -> ()
    %add3A_80 = arith.constant 1536 : i32
    %add3A_81 = arith.addi %mul3A_3, %add3A_80 : i32
    "tpu.region"() ({
      %run_scoped3A_96 = tpu.sem_alloc : memref<!tpu.dma_semaphore, #tpu.memory_space<semaphore_mem>>
      %dma_start3A = arith.constant 0 : i32
      %dma_start3A_97 = tpu.memref_slice %arg10[%add3A_81, %dma_start3A] : memref<30080x32xf32, #tpu.memory_space<vmem_shared>> -> memref<128x32xf32, #tpu.memory_space<vmem_shared>>
      %dma_start3A_98 = arith.constant 0 : i32
      %dma_start3A_99 = tpu.memref_slice %arg10[%add3A_81, %dma_start3A_98] : memref<30080x32xf32, #tpu.memory_space<vmem_shared>> -> memref<128x32xf32, #tpu.memory_space<vmem_shared>>
      tpu.enqueue_dma source(%arg9 : memref<128x32xf32, #tpu.memory_space<vmem>>) target(%dma_start3A_99 : memref<128x32xf32, #tpu.memory_space<vmem_shared>>) target_semaphore(%run_scoped3A_96 : memref<!tpu.dma_semaphore, #tpu.memory_space<semaphore_mem>>)
      %dma_wait3A = arith.constant 0 : i32
      %dma_wait3A_100 = tpu.memref_slice %arg10[%add3A_81, %dma_wait3A] : memref<30080x32xf32, #tpu.memory_space<vmem_shared>> -> memref<128x32xf32, #tpu.memory_space<vmem_shared>>
      %dma_wait3A_101 = arith.constant 0 : i32
      %dma_wait3A_102 = tpu.memref_slice %arg10[%add3A_81, %dma_wait3A_101] : memref<30080x32xf32, #tpu.memory_space<vmem_shared>> -> memref<128x32xf32, #tpu.memory_space<vmem_shared>>
      tpu.wait_dma2 semaphore(%run_scoped3A_96 : memref<!tpu.dma_semaphore, #tpu.memory_space<semaphore_mem>>) src(%arg9 : memref<128x32xf32, #tpu.memory_space<vmem>>) dst(%dma_wait3A_102 : memref<128x32xf32, #tpu.memory_space<vmem_shared>>)
      tpu.yield
    }) : () -> ()
    %add3A_82 = arith.constant 1664 : i32
    %add3A_83 = arith.addi %mul3A_3, %add3A_82 : i32
    "tpu.region"() ({
      %run_scoped3A_96 = tpu.sem_alloc : memref<!tpu.dma_semaphore, #tpu.memory_space<semaphore_mem>>
      %dma_start3A = arith.constant 0 : i32
      %dma_start3A_97 = tpu.memref_slice %arg10[%add3A_83, %dma_start3A] : memref<30080x32xf32, #tpu.memory_space<vmem_shared>> -> memref<128x32xf32, #tpu.memory_space<vmem_shared>>
      %dma_start3A_98 = arith.constant 0 : i32
      %dma_start3A_99 = tpu.memref_slice %arg10[%add3A_83, %dma_start3A_98] : memref<30080x32xf32, #tpu.memory_space<vmem_shared>> -> memref<128x32xf32, #tpu.memory_space<vmem_shared>>
      tpu.enqueue_dma source(%arg9 : memref<128x32xf32, #tpu.memory_space<vmem>>) target(%dma_start3A_99 : memref<128x32xf32, #tpu.memory_space<vmem_shared>>) target_semaphore(%run_scoped3A_96 : memref<!tpu.dma_semaphore, #tpu.memory_space<semaphore_mem>>)
      %dma_wait3A = arith.constant 0 : i32
      %dma_wait3A_100 = tpu.memref_slice %arg10[%add3A_83, %dma_wait3A] : memref<30080x32xf32, #tpu.memory_space<vmem_shared>> -> memref<128x32xf32, #tpu.memory_space<vmem_shared>>
      %dma_wait3A_101 = arith.constant 0 : i32
      %dma_wait3A_102 = tpu.memref_slice %arg10[%add3A_83, %dma_wait3A_101] : memref<30080x32xf32, #tpu.memory_space<vmem_shared>> -> memref<128x32xf32, #tpu.memory_space<vmem_shared>>
      tpu.wait_dma2 semaphore(%run_scoped3A_96 : memref<!tpu.dma_semaphore, #tpu.memory_space<semaphore_mem>>) src(%arg9 : memref<128x32xf32, #tpu.memory_space<vmem>>) dst(%dma_wait3A_102 : memref<128x32xf32, #tpu.memory_space<vmem_shared>>)
      tpu.yield
    }) : () -> ()
    %add3A_84 = arith.constant 1792 : i32
    %add3A_85 = arith.addi %mul3A_3, %add3A_84 : i32
    "tpu.region"() ({
      %run_scoped3A_96 = tpu.sem_alloc : memref<!tpu.dma_semaphore, #tpu.memory_space<semaphore_mem>>
      %dma_start3A = arith.constant 0 : i32
      %dma_start3A_97 = arith.constant 0 : i32
      %dma_start3A_98 = tpu.memref_slice %arg9[%dma_start3A, %dma_start3A_97] : memref<128x32xf32, #tpu.memory_space<vmem>> -> memref<88x32xf32, #tpu.memory_space<vmem>>
      %dma_start3A_99 = arith.constant 0 : i32
      %dma_start3A_100 = tpu.memref_slice %arg10[%add3A_85, %dma_start3A_99] : memref<30080x32xf32, #tpu.memory_space<vmem_shared>> -> memref<88x32xf32, #tpu.memory_space<vmem_shared>>
      %dma_start3A_101 = arith.constant 0 : i32
      %dma_start3A_102 = tpu.memref_slice %arg10[%add3A_85, %dma_start3A_101] : memref<30080x32xf32, #tpu.memory_space<vmem_shared>> -> memref<88x32xf32, #tpu.memory_space<vmem_shared>>
      %dma_start3A_103 = arith.constant 0 : i32
      %dma_start3A_104 = arith.constant 0 : i32
      %dma_start3A_105 = tpu.memref_slice %arg9[%dma_start3A_103, %dma_start3A_104] : memref<128x32xf32, #tpu.memory_space<vmem>> -> memref<88x32xf32, #tpu.memory_space<vmem>>
      tpu.enqueue_dma source(%dma_start3A_105 : memref<88x32xf32, #tpu.memory_space<vmem>>) target(%dma_start3A_102 : memref<88x32xf32, #tpu.memory_space<vmem_shared>>) target_semaphore(%run_scoped3A_96 : memref<!tpu.dma_semaphore, #tpu.memory_space<semaphore_mem>>)
      %dma_wait3A = arith.constant 0 : i32
      %dma_wait3A_106 = arith.constant 0 : i32
      %dma_wait3A_107 = tpu.memref_slice %arg9[%dma_wait3A, %dma_wait3A_106] : memref<128x32xf32, #tpu.memory_space<vmem>> -> memref<88x32xf32, #tpu.memory_space<vmem>>
      %dma_wait3A_108 = arith.constant 0 : i32
      %dma_wait3A_109 = tpu.memref_slice %arg10[%add3A_85, %dma_wait3A_108] : memref<30080x32xf32, #tpu.memory_space<vmem_shared>> -> memref<88x32xf32, #tpu.memory_space<vmem_shared>>
      %dma_wait3A_110 = arith.constant 0 : i32
      %dma_wait3A_111 = tpu.memref_slice %arg10[%add3A_85, %dma_wait3A_110] : memref<30080x32xf32, #tpu.memory_space<vmem_shared>> -> memref<88x32xf32, #tpu.memory_space<vmem_shared>>
      %dma_wait3A_112 = arith.constant 0 : i32
      %dma_wait3A_113 = arith.constant 0 : i32
      %dma_wait3A_114 = tpu.memref_slice %arg9[%dma_wait3A_112, %dma_wait3A_113] : memref<128x32xf32, #tpu.memory_space<vmem>> -> memref<88x32xf32, #tpu.memory_space<vmem>>
      tpu.wait_dma2 semaphore(%run_scoped3A_96 : memref<!tpu.dma_semaphore, #tpu.memory_space<semaphore_mem>>) src(%dma_wait3A_114 : memref<88x32xf32, #tpu.memory_space<vmem>>) dst(%dma_wait3A_111 : memref<88x32xf32, #tpu.memory_space<vmem_shared>>)
      tpu.yield
    }) : () -> ()
    %barrier3A_86 = arith.constant 0 : index
    tpu.barrier barrier_id(%barrier3A_86)
    %scan3A_87 = arith.constant 0 : i32
    %scan3A_88 = arith.constant 0 : i32
    %scan3A_89 = arith.constant 79 : i32
    %scan3A_90 = arith.addi %scan3A_88, %scan3A_89 : i32
    %scan3A_91 = arith.constant 1 : i32
    %scan3A_92 = scf.for %scan3A_96 = %scan3A_88 to %scan3A_90 step %scan3A_91 iter_args(%scan3A_97 = %scan3A_87) -> (i32)  : i32 {
      "tpu.region"() ({
        %run_scoped3A_99 = tpu.sem_alloc : memref<!tpu.dma_semaphore, #tpu.memory_space<semaphore_mem>>
        %dma_start3A = arith.constant 0 : i32
        %dma_start3A_100 = tpu.memref_slice %arg7[%scan3A_96, %dma_start3A] : memref<79x128xi32, #tpu.memory_space<vmem>> -> memref<1x128xi32, #tpu.memory_space<vmem>>
        %dma_start3A_101 = tpu.memref_squeeze %dma_start3A_100 : memref<1x128xi32, #tpu.memory_space<vmem>> -> memref<128xi32, #tpu.memory_space<vmem>>
        %dma_start3A_102 = arith.constant 0 : i32
        %dma_start3A_103 = arith.constant 0 : i32
        %dma_start3A_104 = tpu.memref_slice %arg3[%dma_start3A_102, %dma_start3A_103] : memref<30080x32xf32, #tpu.memory_space<hbm>> -> memref<30080x32xf32, #tpu.memory_space<hbm>>
        tpu.enqueue_indirect_dma source(%dma_start3A_104 : memref<30080x32xf32, #tpu.memory_space<hbm>>) target(%arg9 : memref<128x32xf32, #tpu.memory_space<vmem>>) offsets(%dma_start3A_101 : memref<128xi32, #tpu.memory_space<vmem>>) semaphore(%run_scoped3A_99 : memref<!tpu.dma_semaphore, #tpu.memory_space<semaphore_mem>>)
        %dma_wait3A = arith.constant 0 : i32
        %dma_wait3A_105 = tpu.memref_slice %arg7[%scan3A_96, %dma_wait3A] : memref<79x128xi32, #tpu.memory_space<vmem>> -> memref<1x128xi32, #tpu.memory_space<vmem>>
        %dma_wait3A_106 = tpu.memref_squeeze %dma_wait3A_105 : memref<1x128xi32, #tpu.memory_space<vmem>> -> memref<128xi32, #tpu.memory_space<vmem>>
        %dma_wait3A_107 = arith.constant 0 : i32
        %dma_wait3A_108 = arith.constant 0 : i32
        %dma_wait3A_109 = tpu.memref_slice %arg3[%dma_wait3A_107, %dma_wait3A_108] : memref<30080x32xf32, #tpu.memory_space<hbm>> -> memref<30080x32xf32, #tpu.memory_space<hbm>>
        tpu.wait_indirect_dma semaphore(%run_scoped3A_99 : memref<!tpu.dma_semaphore, #tpu.memory_space<semaphore_mem>>) src(%dma_wait3A_109 : memref<30080x32xf32, #tpu.memory_space<hbm>>) dst(%arg9 : memref<128x32xf32, #tpu.memory_space<vmem>>)
        tpu.yield
      }) : () -> ()
      "tpu.region"() ({
        %run_scoped3A_99 = tpu.sem_alloc : memref<!tpu.dma_semaphore, #tpu.memory_space<semaphore_mem>>
        %dma_start3A = arith.constant 0 : i32
        %dma_start3A_100 = tpu.memref_slice %arg8[%scan3A_96, %dma_start3A] : memref<79x128xi32, #tpu.memory_space<vmem>> -> memref<1x128xi32, #tpu.memory_space<vmem>>
        %dma_start3A_101 = tpu.memref_squeeze %dma_start3A_100 : memref<1x128xi32, #tpu.memory_space<vmem>> -> memref<128xi32, #tpu.memory_space<vmem>>
        %dma_start3A_102 = arith.constant 0 : i32
        %dma_start3A_103 = arith.constant 0 : i32
        %dma_start3A_104 = tpu.memref_slice %arg10[%dma_start3A_102, %dma_start3A_103] : memref<30080x32xf32, #tpu.memory_space<vmem_shared>> -> memref<30080x32xf32, #tpu.memory_space<vmem_shared>>
        tpu.enqueue_indirect_dma source(%arg9 : memref<128x32xf32, #tpu.memory_space<vmem>>) target(%dma_start3A_104 : memref<30080x32xf32, #tpu.memory_space<vmem_shared>>) offsets(%dma_start3A_101 : memref<128xi32, #tpu.memory_space<vmem>>) semaphore(%run_scoped3A_99 : memref<!tpu.dma_semaphore, #tpu.memory_space<semaphore_mem>>) {add = true}
        %dma_wait3A = arith.constant 0 : i32
        %dma_wait3A_105 = tpu.memref_slice %arg8[%scan3A_96, %dma_wait3A] : memref<79x128xi32, #tpu.memory_space<vmem>> -> memref<1x128xi32, #tpu.memory_space<vmem>>
        %dma_wait3A_106 = tpu.memref_squeeze %dma_wait3A_105 : memref<1x128xi32, #tpu.memory_space<vmem>> -> memref<128xi32, #tpu.memory_space<vmem>>
        %dma_wait3A_107 = arith.constant 0 : i32
        %dma_wait3A_108 = arith.constant 0 : i32
        %dma_wait3A_109 = tpu.memref_slice %arg10[%dma_wait3A_107, %dma_wait3A_108] : memref<30080x32xf32, #tpu.memory_space<vmem_shared>> -> memref<30080x32xf32, #tpu.memory_space<vmem_shared>>
        tpu.wait_indirect_dma semaphore(%run_scoped3A_99 : memref<!tpu.dma_semaphore, #tpu.memory_space<semaphore_mem>>) src(%arg9 : memref<128x32xf32, #tpu.memory_space<vmem>>) dst(%dma_wait3A_109 : memref<30080x32xf32, #tpu.memory_space<vmem_shared>>)
        tpu.yield
      }) : () -> ()
      %scan3A_98 = arith.constant 0 : i32
      scf.yield %scan3A_98 : i32
    }
    %scan3A_93 = arith.constant 79 : i32
    %barrier3A_94 = arith.constant 0 : index
    tpu.barrier barrier_id(%barrier3A_94)
    %run_scoped3A_95 = arith.constant 1 : i32
    "tpu.region"() ({
      %run_scoped3A_96 = tpu.sem_alloc : memref<!tpu.dma_semaphore, #tpu.memory_space<semaphore_mem>>
      %dma_start3A = arith.constant 0 : i32
      %dma_start3A_97 = arith.constant 0 : i32
      %dma_start3A_98 = arith.constant 0 : i32
      %dma_start3A_99 = tpu.memref_slice %arg6[%arg0, %dma_start3A, %dma_start3A_97, %dma_start3A_98] : memref<2x2x30080x32xf32, #tpu.memory_space<hbm>> -> memref<1x2x30080x32xf32, #tpu.memory_space<hbm>>
      %dma_start3A_100 = tpu.memref_squeeze %dma_start3A_99 : memref<1x2x30080x32xf32, #tpu.memory_space<hbm>> -> memref<2x30080x32xf32, #tpu.memory_space<hbm>>
      %dma_start3A_101 = arith.constant 0 : i32
      %dma_start3A_102 = arith.constant 0 : i32
      %dma_start3A_103 = tpu.memref_slice %dma_start3A_100[%run_scoped3A_95, %dma_start3A_101, %dma_start3A_102] : memref<2x30080x32xf32, #tpu.memory_space<hbm>> -> memref<1x30080x32xf32, #tpu.memory_space<hbm>>
      %dma_start3A_104 = tpu.memref_squeeze %dma_start3A_103 : memref<1x30080x32xf32, #tpu.memory_space<hbm>> -> memref<30080x32xf32, #tpu.memory_space<hbm>>
      %dma_start3A_105 = arith.constant 0 : i32
      %dma_start3A_106 = tpu.memref_slice %dma_start3A_104[%mul3A_3, %dma_start3A_105] : memref<30080x32xf32, #tpu.memory_space<hbm>> -> memref<1880x32xf32, #tpu.memory_space<hbm>>
      %dma_start3A_107 = arith.constant 0 : i32
      %dma_start3A_108 = tpu.memref_slice %arg10[%mul3A_3, %dma_start3A_107] : memref<30080x32xf32, #tpu.memory_space<vmem_shared>> -> memref<1880x32xf32, #tpu.memory_space<vmem_shared>>
      tpu.enqueue_dma source(%dma_start3A_108 : memref<1880x32xf32, #tpu.memory_space<vmem_shared>>) target(%dma_start3A_106 : memref<1880x32xf32, #tpu.memory_space<hbm>>) target_semaphore(%run_scoped3A_96 : memref<!tpu.dma_semaphore, #tpu.memory_space<semaphore_mem>>)
      %dma_wait3A = arith.constant 0 : i32
      %dma_wait3A_109 = arith.constant 0 : i32
      %dma_wait3A_110 = arith.constant 0 : i32
      %dma_wait3A_111 = tpu.memref_slice %arg6[%arg0, %dma_wait3A, %dma_wait3A_109, %dma_wait3A_110] : memref<2x2x30080x32xf32, #tpu.memory_space<hbm>> -> memref<1x2x30080x32xf32, #tpu.memory_space<hbm>>
      %dma_wait3A_112 = tpu.memref_squeeze %dma_wait3A_111 : memref<1x2x30080x32xf32, #tpu.memory_space<hbm>> -> memref<2x30080x32xf32, #tpu.memory_space<hbm>>
      %dma_wait3A_113 = arith.constant 0 : i32
      %dma_wait3A_114 = arith.constant 0 : i32
      %dma_wait3A_115 = tpu.memref_slice %dma_wait3A_112[%run_scoped3A_95, %dma_wait3A_113, %dma_wait3A_114] : memref<2x30080x32xf32, #tpu.memory_space<hbm>> -> memref<1x30080x32xf32, #tpu.memory_space<hbm>>
      %dma_wait3A_116 = tpu.memref_squeeze %dma_wait3A_115 : memref<1x30080x32xf32, #tpu.memory_space<hbm>> -> memref<30080x32xf32, #tpu.memory_space<hbm>>
      %dma_wait3A_117 = arith.constant 0 : i32
      %dma_wait3A_118 = tpu.memref_slice %dma_wait3A_116[%mul3A_3, %dma_wait3A_117] : memref<30080x32xf32, #tpu.memory_space<hbm>> -> memref<1880x32xf32, #tpu.memory_space<hbm>>
      %dma_wait3A_119 = arith.constant 0 : i32
      %dma_wait3A_120 = tpu.memref_slice %arg10[%mul3A_3, %dma_wait3A_119] : memref<30080x32xf32, #tpu.memory_space<vmem_shared>> -> memref<1880x32xf32, #tpu.memory_space<vmem_shared>>
      tpu.wait_dma2 semaphore(%run_scoped3A_96 : memref<!tpu.dma_semaphore, #tpu.memory_space<semaphore_mem>>) src(%dma_wait3A_120 : memref<1880x32xf32, #tpu.memory_space<vmem_shared>>) dst(%dma_wait3A_118 : memref<1880x32xf32, #tpu.memory_space<hbm>>)
      tpu.yield
    }) : () -> ()
    return
  }
}

#map = affine_map<(d0, d1) -> (0, 0)>
#map1 = affine_map<(d0, d1) -> (0, 0, 0)>
#map2 = affine_map<(d0, d1) -> (0)>
module attributes {stable_mosaic.version = 14 : i64} {
  func.func @_decode(%arg0: i32, %arg1: i32, %arg2: memref<20008x64xf32, #tpu.memory_space<hbm>>, %arg3: memref<32x79x128xi32, #tpu.memory_space<hbm>>, %arg4: memref<32x79x128xi32, #tpu.memory_space<hbm>>, %arg5: memref<64xf32, #tpu.memory_space<hbm>>, %arg6: memref<323584xf32, #tpu.memory_space<hbm>>, %arg7: memref<79x128xi32, #tpu.memory_space<vmem>>, %arg8: memref<79x128xi32, #tpu.memory_space<vmem>>, %arg9: memref<128x64xf32, #tpu.memory_space<vmem>>, %arg10: memref<128x64xf32, #tpu.memory_space<vmem>>, %arg11: memref<128xf32, #tpu.memory_space<vmem>>, %arg12: memref<64xf32, #tpu.memory_space<vmem>>) attributes {dimension_semantics = [#tpu.dimension_semantics<core_parallel>, #tpu.dimension_semantics<subcore_parallel>], iteration_bounds = array<i64: 2, 16>, scalar_prefetch = 0 : i64, scratch_operands = 6 : i64, tpu.core_type = #tpu.core_type<sc_vector_subcore>, window_params = [{transform_indices = #map}, {transform_indices = #map1}, {transform_indices = #map1}, {transform_indices = #map2}, {transform_indices = #map2}]} {
    %mul3A = arith.constant 16 : i32
    %mul3A_0 = arith.muli %arg0, %mul3A : i32
    %add3A = arith.addi %mul3A_0, %arg1 : i32
    "tpu.region"() ({
      %run_scoped3A = tpu.sem_alloc : memref<!tpu.dma_semaphore, #tpu.memory_space<semaphore_mem>>
      %dma_start3A = arith.constant 0 : i32
      %dma_start3A_7 = arith.constant 0 : i32
      %dma_start3A_8 = tpu.memref_slice %arg3[%add3A, %dma_start3A, %dma_start3A_7] : memref<32x79x128xi32, #tpu.memory_space<hbm>> -> memref<1x79x128xi32, #tpu.memory_space<hbm>>
      %dma_start3A_9 = tpu.memref_squeeze %dma_start3A_8 : memref<1x79x128xi32, #tpu.memory_space<hbm>> -> memref<79x128xi32, #tpu.memory_space<hbm>>
      %dma_start3A_10 = arith.constant 0 : i32
      %dma_start3A_11 = arith.constant 0 : i32
      %dma_start3A_12 = tpu.memref_slice %arg3[%add3A, %dma_start3A_10, %dma_start3A_11] : memref<32x79x128xi32, #tpu.memory_space<hbm>> -> memref<1x79x128xi32, #tpu.memory_space<hbm>>
      %dma_start3A_13 = tpu.memref_squeeze %dma_start3A_12 : memref<1x79x128xi32, #tpu.memory_space<hbm>> -> memref<79x128xi32, #tpu.memory_space<hbm>>
      tpu.enqueue_dma source(%dma_start3A_13 : memref<79x128xi32, #tpu.memory_space<hbm>>) target(%arg7 : memref<79x128xi32, #tpu.memory_space<vmem>>) target_semaphore(%run_scoped3A : memref<!tpu.dma_semaphore, #tpu.memory_space<semaphore_mem>>)
      %dma_wait3A = arith.constant 0 : i32
      %dma_wait3A_14 = arith.constant 0 : i32
      %dma_wait3A_15 = tpu.memref_slice %arg3[%add3A, %dma_wait3A, %dma_wait3A_14] : memref<32x79x128xi32, #tpu.memory_space<hbm>> -> memref<1x79x128xi32, #tpu.memory_space<hbm>>
      %dma_wait3A_16 = tpu.memref_squeeze %dma_wait3A_15 : memref<1x79x128xi32, #tpu.memory_space<hbm>> -> memref<79x128xi32, #tpu.memory_space<hbm>>
      %dma_wait3A_17 = arith.constant 0 : i32
      %dma_wait3A_18 = arith.constant 0 : i32
      %dma_wait3A_19 = tpu.memref_slice %arg3[%add3A, %dma_wait3A_17, %dma_wait3A_18] : memref<32x79x128xi32, #tpu.memory_space<hbm>> -> memref<1x79x128xi32, #tpu.memory_space<hbm>>
      %dma_wait3A_20 = tpu.memref_squeeze %dma_wait3A_19 : memref<1x79x128xi32, #tpu.memory_space<hbm>> -> memref<79x128xi32, #tpu.memory_space<hbm>>
      tpu.wait_dma2 semaphore(%run_scoped3A : memref<!tpu.dma_semaphore, #tpu.memory_space<semaphore_mem>>) src(%dma_wait3A_20 : memref<79x128xi32, #tpu.memory_space<hbm>>) dst(%arg7 : memref<79x128xi32, #tpu.memory_space<vmem>>)
      tpu.yield
    }) : () -> ()
    "tpu.region"() ({
      %run_scoped3A = tpu.sem_alloc : memref<!tpu.dma_semaphore, #tpu.memory_space<semaphore_mem>>
      %dma_start3A = arith.constant 0 : i32
      %dma_start3A_7 = arith.constant 0 : i32
      %dma_start3A_8 = tpu.memref_slice %arg4[%add3A, %dma_start3A, %dma_start3A_7] : memref<32x79x128xi32, #tpu.memory_space<hbm>> -> memref<1x79x128xi32, #tpu.memory_space<hbm>>
      %dma_start3A_9 = tpu.memref_squeeze %dma_start3A_8 : memref<1x79x128xi32, #tpu.memory_space<hbm>> -> memref<79x128xi32, #tpu.memory_space<hbm>>
      %dma_start3A_10 = arith.constant 0 : i32
      %dma_start3A_11 = arith.constant 0 : i32
      %dma_start3A_12 = tpu.memref_slice %arg4[%add3A, %dma_start3A_10, %dma_start3A_11] : memref<32x79x128xi32, #tpu.memory_space<hbm>> -> memref<1x79x128xi32, #tpu.memory_space<hbm>>
      %dma_start3A_13 = tpu.memref_squeeze %dma_start3A_12 : memref<1x79x128xi32, #tpu.memory_space<hbm>> -> memref<79x128xi32, #tpu.memory_space<hbm>>
      tpu.enqueue_dma source(%dma_start3A_13 : memref<79x128xi32, #tpu.memory_space<hbm>>) target(%arg8 : memref<79x128xi32, #tpu.memory_space<vmem>>) target_semaphore(%run_scoped3A : memref<!tpu.dma_semaphore, #tpu.memory_space<semaphore_mem>>)
      %dma_wait3A = arith.constant 0 : i32
      %dma_wait3A_14 = arith.constant 0 : i32
      %dma_wait3A_15 = tpu.memref_slice %arg4[%add3A, %dma_wait3A, %dma_wait3A_14] : memref<32x79x128xi32, #tpu.memory_space<hbm>> -> memref<1x79x128xi32, #tpu.memory_space<hbm>>
      %dma_wait3A_16 = tpu.memref_squeeze %dma_wait3A_15 : memref<1x79x128xi32, #tpu.memory_space<hbm>> -> memref<79x128xi32, #tpu.memory_space<hbm>>
      %dma_wait3A_17 = arith.constant 0 : i32
      %dma_wait3A_18 = arith.constant 0 : i32
      %dma_wait3A_19 = tpu.memref_slice %arg4[%add3A, %dma_wait3A_17, %dma_wait3A_18] : memref<32x79x128xi32, #tpu.memory_space<hbm>> -> memref<1x79x128xi32, #tpu.memory_space<hbm>>
      %dma_wait3A_20 = tpu.memref_squeeze %dma_wait3A_19 : memref<1x79x128xi32, #tpu.memory_space<hbm>> -> memref<79x128xi32, #tpu.memory_space<hbm>>
      tpu.wait_dma2 semaphore(%run_scoped3A : memref<!tpu.dma_semaphore, #tpu.memory_space<semaphore_mem>>) src(%dma_wait3A_20 : memref<79x128xi32, #tpu.memory_space<hbm>>) dst(%arg8 : memref<79x128xi32, #tpu.memory_space<vmem>>)
      tpu.yield
    }) : () -> ()
    "tpu.region"() ({
      %run_scoped3A = tpu.sem_alloc : memref<!tpu.dma_semaphore, #tpu.memory_space<semaphore_mem>>
      tpu.enqueue_dma source(%arg5 : memref<64xf32, #tpu.memory_space<hbm>>) target(%arg12 : memref<64xf32, #tpu.memory_space<vmem>>) target_semaphore(%run_scoped3A : memref<!tpu.dma_semaphore, #tpu.memory_space<semaphore_mem>>)
      tpu.wait_dma2 semaphore(%run_scoped3A : memref<!tpu.dma_semaphore, #tpu.memory_space<semaphore_mem>>) src(%arg5 : memref<64xf32, #tpu.memory_space<hbm>>) dst(%arg12 : memref<64xf32, #tpu.memory_space<vmem>>)
      tpu.yield
    }) : () -> ()
    %scan3A = arith.constant 0 : i32
    %scan3A_1 = arith.constant 0 : i32
    %scan3A_2 = arith.constant 79 : i32
    %scan3A_3 = arith.addi %scan3A_1, %scan3A_2 : i32
    %scan3A_4 = arith.constant 1 : i32
    %scan3A_5 = scf.for %scan3A_7 = %scan3A_1 to %scan3A_3 step %scan3A_4 iter_args(%scan3A_8 = %scan3A) -> (i32)  : i32 {
      "tpu.region"() ({
        %run_scoped3A = tpu.sem_alloc : memref<!tpu.dma_semaphore, #tpu.memory_space<semaphore_mem>>
        %dma_start3A = arith.constant 0 : i32
        %dma_start3A_22 = tpu.memref_slice %arg7[%scan3A_7, %dma_start3A] : memref<79x128xi32, #tpu.memory_space<vmem>> -> memref<1x128xi32, #tpu.memory_space<vmem>>
        %dma_start3A_23 = tpu.memref_squeeze %dma_start3A_22 : memref<1x128xi32, #tpu.memory_space<vmem>> -> memref<128xi32, #tpu.memory_space<vmem>>
        %dma_start3A_24 = arith.constant 0 : i32
        %dma_start3A_25 = arith.constant 0 : i32
        %dma_start3A_26 = tpu.memref_slice %arg2[%dma_start3A_24, %dma_start3A_25] : memref<20008x64xf32, #tpu.memory_space<hbm>> -> memref<20008x64xf32, #tpu.memory_space<hbm>>
        tpu.enqueue_indirect_dma source(%dma_start3A_26 : memref<20008x64xf32, #tpu.memory_space<hbm>>) target(%arg9 : memref<128x64xf32, #tpu.memory_space<vmem>>) offsets(%dma_start3A_23 : memref<128xi32, #tpu.memory_space<vmem>>) semaphore(%run_scoped3A : memref<!tpu.dma_semaphore, #tpu.memory_space<semaphore_mem>>)
        %dma_wait3A = arith.constant 0 : i32
        %dma_wait3A_27 = tpu.memref_slice %arg7[%scan3A_7, %dma_wait3A] : memref<79x128xi32, #tpu.memory_space<vmem>> -> memref<1x128xi32, #tpu.memory_space<vmem>>
        %dma_wait3A_28 = tpu.memref_squeeze %dma_wait3A_27 : memref<1x128xi32, #tpu.memory_space<vmem>> -> memref<128xi32, #tpu.memory_space<vmem>>
        %dma_wait3A_29 = arith.constant 0 : i32
        %dma_wait3A_30 = arith.constant 0 : i32
        %dma_wait3A_31 = tpu.memref_slice %arg2[%dma_wait3A_29, %dma_wait3A_30] : memref<20008x64xf32, #tpu.memory_space<hbm>> -> memref<20008x64xf32, #tpu.memory_space<hbm>>
        tpu.wait_indirect_dma semaphore(%run_scoped3A : memref<!tpu.dma_semaphore, #tpu.memory_space<semaphore_mem>>) src(%dma_wait3A_31 : memref<20008x64xf32, #tpu.memory_space<hbm>>) dst(%arg9 : memref<128x64xf32, #tpu.memory_space<vmem>>)
        tpu.yield
      }) : () -> ()
      "tpu.region"() ({
        %run_scoped3A = tpu.sem_alloc : memref<!tpu.dma_semaphore, #tpu.memory_space<semaphore_mem>>
        %dma_start3A = arith.constant 0 : i32
        %dma_start3A_22 = tpu.memref_slice %arg8[%scan3A_7, %dma_start3A] : memref<79x128xi32, #tpu.memory_space<vmem>> -> memref<1x128xi32, #tpu.memory_space<vmem>>
        %dma_start3A_23 = tpu.memref_squeeze %dma_start3A_22 : memref<1x128xi32, #tpu.memory_space<vmem>> -> memref<128xi32, #tpu.memory_space<vmem>>
        %dma_start3A_24 = arith.constant 0 : i32
        %dma_start3A_25 = arith.constant 0 : i32
        %dma_start3A_26 = tpu.memref_slice %arg2[%dma_start3A_24, %dma_start3A_25] : memref<20008x64xf32, #tpu.memory_space<hbm>> -> memref<20008x64xf32, #tpu.memory_space<hbm>>
        tpu.enqueue_indirect_dma source(%dma_start3A_26 : memref<20008x64xf32, #tpu.memory_space<hbm>>) target(%arg10 : memref<128x64xf32, #tpu.memory_space<vmem>>) offsets(%dma_start3A_23 : memref<128xi32, #tpu.memory_space<vmem>>) semaphore(%run_scoped3A : memref<!tpu.dma_semaphore, #tpu.memory_space<semaphore_mem>>)
        %dma_wait3A = arith.constant 0 : i32
        %dma_wait3A_27 = tpu.memref_slice %arg8[%scan3A_7, %dma_wait3A] : memref<79x128xi32, #tpu.memory_space<vmem>> -> memref<1x128xi32, #tpu.memory_space<vmem>>
        %dma_wait3A_28 = tpu.memref_squeeze %dma_wait3A_27 : memref<1x128xi32, #tpu.memory_space<vmem>> -> memref<128xi32, #tpu.memory_space<vmem>>
        %dma_wait3A_29 = arith.constant 0 : i32
        %dma_wait3A_30 = arith.constant 0 : i32
        %dma_wait3A_31 = tpu.memref_slice %arg2[%dma_wait3A_29, %dma_wait3A_30] : memref<20008x64xf32, #tpu.memory_space<hbm>> -> memref<20008x64xf32, #tpu.memory_space<hbm>>
        tpu.wait_indirect_dma semaphore(%run_scoped3A : memref<!tpu.dma_semaphore, #tpu.memory_space<semaphore_mem>>) src(%dma_wait3A_31 : memref<20008x64xf32, #tpu.memory_space<hbm>>) dst(%arg10 : memref<128x64xf32, #tpu.memory_space<vmem>>)
        tpu.yield
      }) : () -> ()
      %iota3A = tpu.iota {dimensions = array<i32: 0>} : vector<16xi32>
      %scan3A_9 = arith.constant 0 : i32
      %scan3A_10 = arith.constant 0 : i32
      %scan3A_11 = arith.constant 128 : i32
      %scan3A_12 = arith.addi %scan3A_10, %scan3A_11 : i32
      %scan3A_13 = arith.constant 1 : i32
      %scan3A_14 = scf.for %scan3A_22 = %scan3A_10 to %scan3A_12 step %scan3A_13 iter_args(%scan3A_23 = %scan3A_9) -> (i32)  : i32 {
        %broadcast_in_dim3A = arith.constant 0.000000e+00 : f32
        %broadcast_in_dim3A_24 = vector.broadcast %broadcast_in_dim3A : f32 to vector<16xf32>
        %get3A = arith.index_cast %scan3A_22 : i32 to index
        %get3A_25 = arith.constant 0 : index
        %get3A_26 = tpu.vector_load %arg9[%get3A, %get3A_25] {strides = array<i32>} : memref<128x64xf32, #tpu.memory_space<vmem>>, vector<16xf32>,
        %get3A_27 = arith.index_cast %scan3A_22 : i32 to index
        %get3A_28 = arith.constant 0 : index
        %get3A_29 = tpu.vector_load %arg10[%get3A_27, %get3A_28] {strides = array<i32>} : memref<128x64xf32, #tpu.memory_space<vmem>>, vector<16xf32>,
        %get3A_30 = arith.constant 0 : index
        %get3A_31 = tpu.vector_load %arg12[%get3A_30] {strides = array<i32>} : memref<64xf32, #tpu.memory_space<vmem>>, vector<16xf32>,
        %add3A_32 = arith.addf %get3A_26, %get3A_29 : vector<16xf32>
        %max3A = arith.constant 0.000000e+00 : f32
        %max3A_33 = vector.broadcast %max3A : f32 to vector<16xf32>
        %max3A_34 = arith.maximumf %add3A_32, %max3A_33 : vector<16xf32>
        %mul3A_35 = arith.mulf %max3A_34, %get3A_31 : vector<16xf32>
        %add3A_36 = arith.addf %broadcast_in_dim3A_24, %mul3A_35 : vector<16xf32>
        %get3A_37 = arith.index_cast %scan3A_22 : i32 to index
        %get3A_38 = arith.constant 16 : index
        %get3A_39 = tpu.vector_load %arg9[%get3A_37, %get3A_38] {strides = array<i32>} : memref<128x64xf32, #tpu.memory_space<vmem>>, vector<16xf32>,
        %get3A_40 = arith.index_cast %scan3A_22 : i32 to index
        %get3A_41 = arith.constant 16 : index
        %get3A_42 = tpu.vector_load %arg10[%get3A_40, %get3A_41] {strides = array<i32>} : memref<128x64xf32, #tpu.memory_space<vmem>>, vector<16xf32>,
        %get3A_43 = arith.constant 16 : index
        %get3A_44 = tpu.vector_load %arg12[%get3A_43] {strides = array<i32>} : memref<64xf32, #tpu.memory_space<vmem>>, vector<16xf32>,
        %add3A_45 = arith.addf %get3A_39, %get3A_42 : vector<16xf32>
        %max3A_46 = arith.constant 0.000000e+00 : f32
        %max3A_47 = vector.broadcast %max3A_46 : f32 to vector<16xf32>
        %max3A_48 = arith.maximumf %add3A_45, %max3A_47 : vector<16xf32>
        %mul3A_49 = arith.mulf %max3A_48, %get3A_44 : vector<16xf32>
        %add3A_50 = arith.addf %add3A_36, %mul3A_49 : vector<16xf32>
        %get3A_51 = arith.index_cast %scan3A_22 : i32 to index
        %get3A_52 = arith.constant 32 : index
        %get3A_53 = tpu.vector_load %arg9[%get3A_51, %get3A_52] {strides = array<i32>} : memref<128x64xf32, #tpu.memory_space<vmem>>, vector<16xf32>,
        %get3A_54 = arith.index_cast %scan3A_22 : i32 to index
        %get3A_55 = arith.constant 32 : index
        %get3A_56 = tpu.vector_load %arg10[%get3A_54, %get3A_55] {strides = array<i32>} : memref<128x64xf32, #tpu.memory_space<vmem>>, vector<16xf32>,
        %get3A_57 = arith.constant 32 : index
        %get3A_58 = tpu.vector_load %arg12[%get3A_57] {strides = array<i32>} : memref<64xf32, #tpu.memory_space<vmem>>, vector<16xf32>,
        %add3A_59 = arith.addf %get3A_53, %get3A_56 : vector<16xf32>
        %max3A_60 = arith.constant 0.000000e+00 : f32
        %max3A_61 = vector.broadcast %max3A_60 : f32 to vector<16xf32>
        %max3A_62 = arith.maximumf %add3A_59, %max3A_61 : vector<16xf32>
        %mul3A_63 = arith.mulf %max3A_62, %get3A_58 : vector<16xf32>
        %add3A_64 = arith.addf %add3A_50, %mul3A_63 : vector<16xf32>
        %get3A_65 = arith.index_cast %scan3A_22 : i32 to index
        %get3A_66 = arith.constant 48 : index
        %get3A_67 = tpu.vector_load %arg9[%get3A_65, %get3A_66] {strides = array<i32>} : memref<128x64xf32, #tpu.memory_space<vmem>>, vector<16xf32>,
        %get3A_68 = arith.index_cast %scan3A_22 : i32 to index
        %get3A_69 = arith.constant 48 : index
        %get3A_70 = tpu.vector_load %arg10[%get3A_68, %get3A_69] {strides = array<i32>} : memref<128x64xf32, #tpu.memory_space<vmem>>, vector<16xf32>,
        %get3A_71 = arith.constant 48 : index
        %get3A_72 = tpu.vector_load %arg12[%get3A_71] {strides = array<i32>} : memref<64xf32, #tpu.memory_space<vmem>>, vector<16xf32>,
        %add3A_73 = arith.addf %get3A_67, %get3A_70 : vector<16xf32>
        %max3A_74 = arith.constant 0.000000e+00 : f32
        %max3A_75 = vector.broadcast %max3A_74 : f32 to vector<16xf32>
        %max3A_76 = arith.maximumf %add3A_73, %max3A_75 : vector<16xf32>
        %mul3A_77 = arith.mulf %max3A_76, %get3A_72 : vector<16xf32>
        %add3A_78 = arith.addf %add3A_64, %mul3A_77 : vector<16xf32>
        %xor3A = arith.constant 1 : i32
        %xor3A_79 = vector.broadcast %xor3A : i32 to vector<16xi32>
        %xor3A_80 = arith.xori %iota3A, %xor3A_79 : vector<16xi32>
        %broadcast_in_dim3A_81 = vector.shape_cast %xor3A_80 : vector<16xi32> to vector<16x1xi32>
        %gather3A = vector.shape_cast %broadcast_in_dim3A_81 : vector<16x1xi32> to vector<16xi32>
        %gather3A_82 = tpu.dynamic_gather %add3A_78[%gather3A] in [0] : vector<16xf32>, vector<16xi32> -> vector<16xf32>
        %add3A_83 = arith.addf %add3A_78, %gather3A_82 : vector<16xf32>
        %xor3A_84 = arith.constant 2 : i32
        %xor3A_85 = vector.broadcast %xor3A_84 : i32 to vector<16xi32>
        %xor3A_86 = arith.xori %iota3A, %xor3A_85 : vector<16xi32>
        %broadcast_in_dim3A_87 = vector.shape_cast %xor3A_86 : vector<16xi32> to vector<16x1xi32>
        %gather3A_88 = vector.shape_cast %broadcast_in_dim3A_87 : vector<16x1xi32> to vector<16xi32>
        %gather3A_89 = tpu.dynamic_gather %add3A_83[%gather3A_88] in [0] : vector<16xf32>, vector<16xi32> -> vector<16xf32>
        %add3A_90 = arith.addf %add3A_83, %gather3A_89 : vector<16xf32>
        %xor3A_91 = arith.constant 4 : i32
        %xor3A_92 = vector.broadcast %xor3A_91 : i32 to vector<16xi32>
        %xor3A_93 = arith.xori %iota3A, %xor3A_92 : vector<16xi32>
        %broadcast_in_dim3A_94 = vector.shape_cast %xor3A_93 : vector<16xi32> to vector<16x1xi32>
        %gather3A_95 = vector.shape_cast %broadcast_in_dim3A_94 : vector<16x1xi32> to vector<16xi32>
        %gather3A_96 = tpu.dynamic_gather %add3A_90[%gather3A_95] in [0] : vector<16xf32>, vector<16xi32> -> vector<16xf32>
        %add3A_97 = arith.addf %add3A_90, %gather3A_96 : vector<16xf32>
        %xor3A_98 = arith.constant 8 : i32
        %xor3A_99 = vector.broadcast %xor3A_98 : i32 to vector<16xi32>
        %xor3A_100 = arith.xori %iota3A, %xor3A_99 : vector<16xi32>
        %broadcast_in_dim3A_101 = vector.shape_cast %xor3A_100 : vector<16xi32> to vector<16x1xi32>
        %gather3A_102 = vector.shape_cast %broadcast_in_dim3A_101 : vector<16x1xi32> to vector<16xi32>
        %gather3A_103 = tpu.dynamic_gather %add3A_97[%gather3A_102] in [0] : vector<16xf32>, vector<16xi32> -> vector<16xf32>
        %add3A_104 = arith.addf %add3A_97, %gather3A_103 : vector<16xf32>
        %broadcast_in_dim3A_105 = arith.constant 0 : i32
        %broadcast_in_dim3A_106 = vector.broadcast %broadcast_in_dim3A_105 : i32 to vector<16xi32>
        %add3A_107 = vector.broadcast %scan3A_22 : i32 to vector<16xi32>
        %add3A_108 = arith.addi %broadcast_in_dim3A_106, %add3A_107 : vector<16xi32>
        %eq3A = arith.constant 0 : i32
        %eq3A_109 = vector.broadcast %eq3A : i32 to vector<16xi32>
        %eq3A_110 = arith.cmpi eq, %iota3A, %eq3A_109 : vector<16xi32>
        tpu.vector_store_idx %arg11[%add3A_108], %add3A_104 masked %eq3A_110 : memref<128xf32, #tpu.memory_space<vmem>>[vector<16xi32>], vector<16xf32>, vector<16xi1>
        %scan3A_111 = arith.constant 0 : i32
        scf.yield %scan3A_111 : i32
      }
      %scan3A_15 = arith.constant 128 : i32
      %mul3A_16 = arith.constant 10112 : i32
      %mul3A_17 = arith.muli %add3A, %mul3A_16 : i32
      %mul3A_18 = arith.constant 128 : i32
      %mul3A_19 = arith.muli %scan3A_7, %mul3A_18 : i32
      %add3A_20 = arith.addi %mul3A_17, %mul3A_19 : i32
      "tpu.region"() ({
        %run_scoped3A = tpu.sem_alloc : memref<!tpu.dma_semaphore, #tpu.memory_space<semaphore_mem>>
        %dma_start3A = tpu.memref_slice %arg6[%add3A_20] : memref<323584xf32, #tpu.memory_space<hbm>> -> memref<128xf32, #tpu.memory_space<hbm>>
        %dma_start3A_22 = tpu.memref_slice %arg6[%add3A_20] : memref<323584xf32, #tpu.memory_space<hbm>> -> memref<128xf32, #tpu.memory_space<hbm>>
        tpu.enqueue_dma source(%arg11 : memref<128xf32, #tpu.memory_space<vmem>>) target(%dma_start3A_22 : memref<128xf32, #tpu.memory_space<hbm>>) target_semaphore(%run_scoped3A : memref<!tpu.dma_semaphore, #tpu.memory_space<semaphore_mem>>)
        %dma_wait3A = tpu.memref_slice %arg6[%add3A_20] : memref<323584xf32, #tpu.memory_space<hbm>> -> memref<128xf32, #tpu.memory_space<hbm>>
        %dma_wait3A_23 = tpu.memref_slice %arg6[%add3A_20] : memref<323584xf32, #tpu.memory_space<hbm>> -> memref<128xf32, #tpu.memory_space<hbm>>
        tpu.wait_dma2 semaphore(%run_scoped3A : memref<!tpu.dma_semaphore, #tpu.memory_space<semaphore_mem>>) src(%arg11 : memref<128xf32, #tpu.memory_space<vmem>>) dst(%dma_wait3A_23 : memref<128xf32, #tpu.memory_space<hbm>>)
        tpu.yield
      }) : () -> ()
      %scan3A_21 = arith.constant 0 : i32
      scf.yield %scan3A_21 : i32
    }
    %scan3A_6 = arith.constant 79 : i32
    return
  }
}

module attributes {stable_mosaic.version = 14 : i64} {
  func.func @_enc1_body(%arg0: memref<10000x128xf32, #tpu.memory_space<vmem>>, %arg1: memref<3x128x64xf32, #tpu.memory_space<vmem>>, %arg2: memref<128x64xf32, #tpu.memory_space<vmem>>, %arg3: memref<1x64xf32, #tpu.memory_space<vmem>>, %arg4: memref<3x10000x64xf32, #tpu.memory_space<vmem>>, %arg5: memref<10000x64xf32, #tpu.memory_space<vmem>>) attributes {dimension_semantics = [], scalar_prefetch = 0 : i64, scratch_operands = 0 : i64, tpu.core_type = #tpu.core_type<tc>} {
    %get3A = arith.constant 0 : index
    %get3A_0 = arith.constant 0 : index
    %get3A_1 = vector.load %arg0[%get3A, %get3A_0] : memref<10000x128xf32, #tpu.memory_space<vmem>>, vector<10000x128xf32>
    %get3A_2 = arith.constant 0 : index
    %get3A_3 = arith.constant 0 : index
    %get3A_4 = arith.constant 0 : index
    %get3A_5 = vector.load %arg1[%get3A_2, %get3A_3, %get3A_4] : memref<3x128x64xf32, #tpu.memory_space<vmem>>, vector<1x128x64xf32>
    %get3A_6 = vector.shape_cast %get3A_5 : vector<1x128x64xf32> to vector<128x64xf32>
    %dot_general3A = arith.constant dense<0.000000e+00> : vector<10000x64xf32>
    %dot_general3A_7 = tpu.matmul %get3A_1, %get3A_6, %dot_general3A {dimension_numbers = #tpu.dot_dimension_numbers<[1], [0], [0], [1], [0, 0, 1, 1], [], []>, transpose_lhs_hint = false} : vector<10000x128xf32>, vector<128x64xf32>, vector<10000x64xf32> -> vector<10000x64xf32>
    %swap3A = arith.constant 0 : index
    %swap3A_8 = arith.constant 0 : index
    %swap3A_9 = arith.constant 0 : index
    %swap3A_10 = vector.load %arg4[%swap3A, %swap3A_8, %swap3A_9] : memref<3x10000x64xf32, #tpu.memory_space<vmem>>, vector<1x10000x64xf32>
    %swap3A_11 = vector.shape_cast %swap3A_10 : vector<1x10000x64xf32> to vector<10000x64xf32>
    %swap3A_12 = vector.shape_cast %dot_general3A_7 : vector<10000x64xf32> to vector<1x10000x64xf32>
    tpu.vector_store %arg4[%swap3A, %swap3A_8, %swap3A_9], %swap3A_12 {strides = array<i32>} : memref<3x10000x64xf32, #tpu.memory_space<vmem>>, vector<1x10000x64xf32>,
    %get3A_13 = arith.constant 1 : index
    %get3A_14 = arith.constant 0 : index
    %get3A_15 = arith.constant 0 : index
    %get3A_16 = vector.load %arg1[%get3A_13, %get3A_14, %get3A_15] : memref<3x128x64xf32, #tpu.memory_space<vmem>>, vector<1x128x64xf32>
    %get3A_17 = vector.shape_cast %get3A_16 : vector<1x128x64xf32> to vector<128x64xf32>
    %dot_general3A_18 = arith.constant dense<0.000000e+00> : vector<10000x64xf32>
    %dot_general3A_19 = tpu.matmul %get3A_1, %get3A_17, %dot_general3A_18 {dimension_numbers = #tpu.dot_dimension_numbers<[1], [0], [0], [1], [0, 0, 1, 1], [], []>, transpose_lhs_hint = false} : vector<10000x128xf32>, vector<128x64xf32>, vector<10000x64xf32> -> vector<10000x64xf32>
    %swap3A_20 = arith.constant 1 : index
    %swap3A_21 = arith.constant 0 : index
    %swap3A_22 = arith.constant 0 : index
    %swap3A_23 = vector.load %arg4[%swap3A_20, %swap3A_21, %swap3A_22] : memref<3x10000x64xf32, #tpu.memory_space<vmem>>, vector<1x10000x64xf32>
    %swap3A_24 = vector.shape_cast %swap3A_23 : vector<1x10000x64xf32> to vector<10000x64xf32>
    %swap3A_25 = vector.shape_cast %dot_general3A_19 : vector<10000x64xf32> to vector<1x10000x64xf32>
    tpu.vector_store %arg4[%swap3A_20, %swap3A_21, %swap3A_22], %swap3A_25 {strides = array<i32>} : memref<3x10000x64xf32, #tpu.memory_space<vmem>>, vector<1x10000x64xf32>,
    %get3A_26 = arith.constant 2 : index
    %get3A_27 = arith.constant 0 : index
    %get3A_28 = arith.constant 0 : index
    %get3A_29 = vector.load %arg1[%get3A_26, %get3A_27, %get3A_28] : memref<3x128x64xf32, #tpu.memory_space<vmem>>, vector<1x128x64xf32>
    %get3A_30 = vector.shape_cast %get3A_29 : vector<1x128x64xf32> to vector<128x64xf32>
    %dot_general3A_31 = arith.constant dense<0.000000e+00> : vector<10000x64xf32>
    %dot_general3A_32 = tpu.matmul %get3A_1, %get3A_30, %dot_general3A_31 {dimension_numbers = #tpu.dot_dimension_numbers<[1], [0], [0], [1], [0, 0, 1, 1], [], []>, transpose_lhs_hint = false} : vector<10000x128xf32>, vector<128x64xf32>, vector<10000x64xf32> -> vector<10000x64xf32>
    %swap3A_33 = arith.constant 2 : index
    %swap3A_34 = arith.constant 0 : index
    %swap3A_35 = arith.constant 0 : index
    %swap3A_36 = vector.load %arg4[%swap3A_33, %swap3A_34, %swap3A_35] : memref<3x10000x64xf32, #tpu.memory_space<vmem>>, vector<1x10000x64xf32>
    %swap3A_37 = vector.shape_cast %swap3A_36 : vector<1x10000x64xf32> to vector<10000x64xf32>
    %swap3A_38 = vector.shape_cast %dot_general3A_32 : vector<10000x64xf32> to vector<1x10000x64xf32>
    tpu.vector_store %arg4[%swap3A_33, %swap3A_34, %swap3A_35], %swap3A_38 {strides = array<i32>} : memref<3x10000x64xf32, #tpu.memory_space<vmem>>, vector<1x10000x64xf32>,
    %get3A_39 = arith.constant 0 : index
    %get3A_40 = arith.constant 0 : index
    %get3A_41 = vector.load %arg2[%get3A_39, %get3A_40] : memref<128x64xf32, #tpu.memory_space<vmem>>, vector<128x64xf32>
    %dot_general3A_42 = arith.constant dense<0.000000e+00> : vector<10000x64xf32>
    %dot_general3A_43 = tpu.matmul %get3A_1, %get3A_41, %dot_general3A_42 {dimension_numbers = #tpu.dot_dimension_numbers<[1], [0], [0], [1], [0, 0, 1, 1], [], []>, transpose_lhs_hint = false} : vector<10000x128xf32>, vector<128x64xf32>, vector<10000x64xf32> -> vector<10000x64xf32>
    %get3A_44 = arith.constant 0 : index
    %get3A_45 = arith.constant 0 : index
    %get3A_46 = vector.load %arg3[%get3A_44, %get3A_45] : memref<1x64xf32, #tpu.memory_space<vmem>>, vector<1x64xf32>
    %add3A = vector.broadcast %get3A_46 : vector<1x64xf32> to vector<10000x64xf32>
    %add3A_47 = arith.addf %dot_general3A_43, %add3A : vector<10000x64xf32>
    %swap3A_48 = arith.constant 0 : index
    %swap3A_49 = arith.constant 0 : index
    %swap3A_50 = vector.load %arg5[%swap3A_48, %swap3A_49] : memref<10000x64xf32, #tpu.memory_space<vmem>>, vector<10000x64xf32>
    tpu.vector_store %arg5[%swap3A_48, %swap3A_49], %add3A_47 {strides = array<i32>} : memref<10000x64xf32, #tpu.memory_space<vmem>>, vector<10000x64xf32>,
    return
  }
}

module attributes {stable_mosaic.version = 14 : i64} {
  func.func @_inv_body(%arg0: memref<2x30080x16xf32, #tpu.memory_space<vmem>>, %arg1: memref<30080x16xf32, #tpu.memory_space<vmem>>) attributes {dimension_semantics = [], scalar_prefetch = 0 : i64, scratch_operands = 0 : i64, tpu.core_type = #tpu.core_type<tc>} {
    %get3A = arith.constant 0 : index
    %get3A_0 = arith.constant 0 : index
    %get3A_1 = arith.constant 0 : index
    %get3A_2 = vector.load %arg0[%get3A, %get3A_0, %get3A_1] : memref<2x30080x16xf32, #tpu.memory_space<vmem>>, vector<2x30080x16xf32>
    %slice3A = vector.extract_strided_slice %get3A_2 {offsets = [0, 0, 0], sizes = [1, 30080, 16], strides = [1, 1, 1]} : vector<2x30080x16xf32> to vector<1x30080x16xf32>
    %squeeze3A = vector.shape_cast %slice3A : vector<1x30080x16xf32> to vector<30080x16xf32>
    %slice3A_3 = vector.extract_strided_slice %get3A_2 {offsets = [1, 0, 0], sizes = [1, 30080, 16], strides = [1, 1, 1]} : vector<2x30080x16xf32> to vector<1x30080x16xf32>
    %squeeze3A_4 = vector.shape_cast %slice3A_3 : vector<1x30080x16xf32> to vector<30080x16xf32>
    %add3A = arith.addf %squeeze3A, %squeeze3A_4 : vector<30080x16xf32>
    %max3A = arith.constant 1.000000e+00 : f32
    %max3A_5 = vector.broadcast %max3A : f32 to vector<30080x16xf32>
    %max3A_6 = arith.maximumf %add3A, %max3A_5 : vector<30080x16xf32>
    %div3A = arith.constant 1.000000e+00 : f32
    %div3A_7 = vector.broadcast %div3A : f32 to vector<30080x16xf32>
    %div3A_8 = arith.divf %div3A_7, %max3A_6 : vector<30080x16xf32>
    %swap3A = arith.constant 0 : index
    %swap3A_9 = arith.constant 0 : index
    %swap3A_10 = vector.load %arg1[%swap3A, %swap3A_9] : memref<30080x16xf32, #tpu.memory_space<vmem>>, vector<30080x16xf32>
    tpu.vector_store %arg1[%swap3A, %swap3A_9], %div3A_8 {strides = array<i32>} : memref<30080x16xf32, #tpu.memory_space<vmem>>, vector<30080x16xf32>,
    return
  }
}

module attributes {stable_mosaic.version = 14 : i64} {
  func.func @_combine1_body(%arg0: i32, %arg1: memref<2x2x3x1000x32xf32, #tpu.memory_space<vmem>>, %arg2: memref<3x1000x1xf32, #tpu.memory_space<vmem>>, %arg3: memref<1000x64xf32, #tpu.memory_space<vmem>>, %arg4: memref<3x64x64xf32, #tpu.memory_space<vmem>>, %arg5: memref<64x64xf32, #tpu.memory_space<vmem>>, %arg6: memref<1x64xf32, #tpu.memory_space<vmem>>, %arg7: memref<3x1000x64xf32, #tpu.memory_space<vmem>>, %arg8: memref<1000x64xf32, #tpu.memory_space<vmem>>) attributes {dimension_semantics = [#tpu.dimension_semantics<arbitrary>], iteration_bounds = array<i64: 10>, scalar_prefetch = 0 : i64, scratch_operands = 0 : i64, tpu.core_type = #tpu.core_type<tc>, window_params = [{transform_indices = @transform_0, window_bounds = array<i64: 2, 2, 3, 1000, 32>}, {transform_indices = @transform_1, window_bounds = array<i64: 3, 1000, 1>}, {transform_indices = @transform_2, window_bounds = array<i64: 1000, 64>}, {pipeline_mode = #tpu.pipeline_mode<synchronous>, transform_indices = @transform_3, window_bounds = array<i64: 3, 64, 64>}, {pipeline_mode = #tpu.pipeline_mode<synchronous>, transform_indices = @transform_4, window_bounds = array<i64: 64, 64>}, {pipeline_mode = #tpu.pipeline_mode<synchronous>, transform_indices = @transform_5, window_bounds = array<i64: 1, 64>}, {transform_indices = @transform_6, window_bounds = array<i64: 3, 1000, 64>}, {transform_indices = @transform_7, window_bounds = array<i64: 1000, 64>}]} {
    %get3A = arith.constant 0 : index
    %get3A_0 = arith.constant 0 : index
    %get3A_1 = arith.constant 0 : index
    %get3A_2 = arith.constant 0 : index
    %get3A_3 = arith.constant 0 : index
    %get3A_4 = vector.load %arg1[%get3A, %get3A_0, %get3A_1, %get3A_2, %get3A_3] : memref<2x2x3x1000x32xf32, #tpu.memory_space<vmem>>, vector<2x2x3x1000x32xf32>
    %slice3A = vector.extract_strided_slice %get3A_4 {offsets = [0, 0, 0, 0, 0], sizes = [1, 2, 3, 1000, 32], strides = [1, 1, 1, 1, 1]} : vector<2x2x3x1000x32xf32> to vector<1x2x3x1000x32xf32>
    %squeeze3A = vector.shape_cast %slice3A : vector<1x2x3x1000x32xf32> to vector<2x3x1000x32xf32>
    %slice3A_5 = vector.extract_strided_slice %get3A_4 {offsets = [1, 0, 0, 0, 0], sizes = [1, 2, 3, 1000, 32], strides = [1, 1, 1, 1, 1]} : vector<2x2x3x1000x32xf32> to vector<1x2x3x1000x32xf32>
    %squeeze3A_6 = vector.shape_cast %slice3A_5 : vector<1x2x3x1000x32xf32> to vector<2x3x1000x32xf32>
    %add3A = arith.addf %squeeze3A, %squeeze3A_6 : vector<2x3x1000x32xf32>
    %get3A_7 = arith.constant 0 : index
    %get3A_8 = arith.constant 0 : index
    %get3A_9 = arith.constant 0 : index
    %get3A_10 = vector.load %arg2[%get3A_7, %get3A_8, %get3A_9] : memref<3x1000x1xf32, #tpu.memory_space<vmem>>, vector<3x1000x1xf32>
    %broadcast_in_dim3A = vector.shape_cast %get3A_10 : vector<3x1000x1xf32> to vector<1x3x1000x1xf32>
    %mul3A = vector.broadcast %broadcast_in_dim3A : vector<1x3x1000x1xf32> to vector<2x3x1000x32xf32>
    %mul3A_11 = arith.mulf %add3A, %mul3A : vector<2x3x1000x32xf32>
    %slice3A_12 = vector.extract_strided_slice %mul3A_11 {offsets = [0, 0, 0, 0], sizes = [1, 1, 1000, 32], strides = [1, 1, 1, 1]} : vector<2x3x1000x32xf32> to vector<1x1x1000x32xf32>
    %squeeze3A_13 = vector.shape_cast %slice3A_12 : vector<1x1x1000x32xf32> to vector<1000x32xf32>
    %slice3A_14 = vector.extract_strided_slice %mul3A_11 {offsets = [0, 1, 0, 0], sizes = [1, 1, 1000, 32], strides = [1, 1, 1, 1]} : vector<2x3x1000x32xf32> to vector<1x1x1000x32xf32>
    %squeeze3A_15 = vector.shape_cast %slice3A_14 : vector<1x1x1000x32xf32> to vector<1000x32xf32>
    %add3A_16 = arith.addf %squeeze3A_13, %squeeze3A_15 : vector<1000x32xf32>
    %slice3A_17 = vector.extract_strided_slice %mul3A_11 {offsets = [0, 2, 0, 0], sizes = [1, 1, 1000, 32], strides = [1, 1, 1, 1]} : vector<2x3x1000x32xf32> to vector<1x1x1000x32xf32>
    %squeeze3A_18 = vector.shape_cast %slice3A_17 : vector<1x1x1000x32xf32> to vector<1000x32xf32>
    %add3A_19 = arith.addf %add3A_16, %squeeze3A_18 : vector<1000x32xf32>
    %slice3A_20 = vector.extract_strided_slice %mul3A_11 {offsets = [1, 0, 0, 0], sizes = [1, 1, 1000, 32], strides = [1, 1, 1, 1]} : vector<2x3x1000x32xf32> to vector<1x1x1000x32xf32>
    %squeeze3A_21 = vector.shape_cast %slice3A_20 : vector<1x1x1000x32xf32> to vector<1000x32xf32>
    %slice3A_22 = vector.extract_strided_slice %mul3A_11 {offsets = [1, 1, 0, 0], sizes = [1, 1, 1000, 32], strides = [1, 1, 1, 1]} : vector<2x3x1000x32xf32> to vector<1x1x1000x32xf32>
    %squeeze3A_23 = vector.shape_cast %slice3A_22 : vector<1x1x1000x32xf32> to vector<1000x32xf32>
    %add3A_24 = arith.addf %squeeze3A_21, %squeeze3A_23 : vector<1000x32xf32>
    %slice3A_25 = vector.extract_strided_slice %mul3A_11 {offsets = [1, 2, 0, 0], sizes = [1, 1, 1000, 32], strides = [1, 1, 1, 1]} : vector<2x3x1000x32xf32> to vector<1x1x1000x32xf32>
    %squeeze3A_26 = vector.shape_cast %slice3A_25 : vector<1x1x1000x32xf32> to vector<1000x32xf32>
    %add3A_27 = arith.addf %add3A_24, %squeeze3A_26 : vector<1000x32xf32>
    %get3A_28 = arith.constant 0 : index
    %get3A_29 = arith.constant 0 : index
    %get3A_30 = vector.load %arg3[%get3A_28, %get3A_29] : memref<1000x64xf32, #tpu.memory_space<vmem>>, vector<1000x64xf32>
    %concatenate3A = tpu.concatenate %add3A_19, %add3A_27 in 1 : vector<1000x32xf32>, vector<1000x32xf32> -> vector<1000x64xf32>
    %add3A_31 = arith.addf %get3A_30, %concatenate3A : vector<1000x64xf32>
    %max3A = arith.constant 0.000000e+00 : f32
    %max3A_32 = vector.broadcast %max3A : f32 to vector<1000x64xf32>
    %max3A_33 = arith.maximumf %add3A_31, %max3A_32 : vector<1000x64xf32>
    %get3A_34 = arith.constant 0 : index
    %get3A_35 = arith.constant 0 : index
    %get3A_36 = arith.constant 0 : index
    %get3A_37 = vector.load %arg4[%get3A_34, %get3A_35, %get3A_36] : memref<3x64x64xf32, #tpu.memory_space<vmem>>, vector<1x64x64xf32>
    %get3A_38 = vector.shape_cast %get3A_37 : vector<1x64x64xf32> to vector<64x64xf32>
    %dot_general3A = arith.constant dense<0.000000e+00> : vector<1000x64xf32>
    %dot_general3A_39 = tpu.matmul %max3A_33, %get3A_38, %dot_general3A {dimension_numbers = #tpu.dot_dimension_numbers<[1], [0], [0], [1], [0, 0, 1, 1], [], []>, transpose_lhs_hint = false} : vector<1000x64xf32>, vector<64x64xf32>, vector<1000x64xf32> -> vector<1000x64xf32>
    %swap3A = arith.constant 0 : index
    %swap3A_40 = arith.constant 0 : index
    %swap3A_41 = arith.constant 0 : index
    %swap3A_42 = vector.load %arg7[%swap3A, %swap3A_40, %swap3A_41] : memref<3x1000x64xf32, #tpu.memory_space<vmem>>, vector<1x1000x64xf32>
    %swap3A_43 = vector.shape_cast %swap3A_42 : vector<1x1000x64xf32> to vector<1000x64xf32>
    %swap3A_44 = vector.shape_cast %dot_general3A_39 : vector<1000x64xf32> to vector<1x1000x64xf32>
    tpu.vector_store %arg7[%swap3A, %swap3A_40, %swap3A_41], %swap3A_44 {strides = array<i32>} : memref<3x1000x64xf32, #tpu.memory_space<vmem>>, vector<1x1000x64xf32>,
    %get3A_45 = arith.constant 1 : index
    %get3A_46 = arith.constant 0 : index
    %get3A_47 = arith.constant 0 : index
    %get3A_48 = vector.load %arg4[%get3A_45, %get3A_46, %get3A_47] : memref<3x64x64xf32, #tpu.memory_space<vmem>>, vector<1x64x64xf32>
    %get3A_49 = vector.shape_cast %get3A_48 : vector<1x64x64xf32> to vector<64x64xf32>
    %dot_general3A_50 = arith.constant dense<0.000000e+00> : vector<1000x64xf32>
    %dot_general3A_51 = tpu.matmul %max3A_33, %get3A_49, %dot_general3A_50 {dimension_numbers = #tpu.dot_dimension_numbers<[1], [0], [0], [1], [0, 0, 1, 1], [], []>, transpose_lhs_hint = false} : vector<1000x64xf32>, vector<64x64xf32>, vector<1000x64xf32> -> vector<1000x64xf32>
    %swap3A_52 = arith.constant 1 : index
    %swap3A_53 = arith.constant 0 : index
    %swap3A_54 = arith.constant 0 : index
    %swap3A_55 = vector.load %arg7[%swap3A_52, %swap3A_53, %swap3A_54] : memref<3x1000x64xf32, #tpu.memory_space<vmem>>, vector<1x1000x64xf32>
    %swap3A_56 = vector.shape_cast %swap3A_55 : vector<1x1000x64xf32> to vector<1000x64xf32>
    %swap3A_57 = vector.shape_cast %dot_general3A_51 : vector<1000x64xf32> to vector<1x1000x64xf32>
    tpu.vector_store %arg7[%swap3A_52, %swap3A_53, %swap3A_54], %swap3A_57 {strides = array<i32>} : memref<3x1000x64xf32, #tpu.memory_space<vmem>>, vector<1x1000x64xf32>,
    %get3A_58 = arith.constant 2 : index
    %get3A_59 = arith.constant 0 : index
    %get3A_60 = arith.constant 0 : index
    %get3A_61 = vector.load %arg4[%get3A_58, %get3A_59, %get3A_60] : memref<3x64x64xf32, #tpu.memory_space<vmem>>, vector<1x64x64xf32>
    %get3A_62 = vector.shape_cast %get3A_61 : vector<1x64x64xf32> to vector<64x64xf32>
    %dot_general3A_63 = arith.constant dense<0.000000e+00> : vector<1000x64xf32>
    %dot_general3A_64 = tpu.matmul %max3A_33, %get3A_62, %dot_general3A_63 {dimension_numbers = #tpu.dot_dimension_numbers<[1], [0], [0], [1], [0, 0, 1, 1], [], []>, transpose_lhs_hint = false} : vector<1000x64xf32>, vector<64x64xf32>, vector<1000x64xf32> -> vector<1000x64xf32>
    %swap3A_65 = arith.constant 2 : index
    %swap3A_66 = arith.constant 0 : index
    %swap3A_67 = arith.constant 0 : index
    %swap3A_68 = vector.load %arg7[%swap3A_65, %swap3A_66, %swap3A_67] : memref<3x1000x64xf32, #tpu.memory_space<vmem>>, vector<1x1000x64xf32>
    %swap3A_69 = vector.shape_cast %swap3A_68 : vector<1x1000x64xf32> to vector<1000x64xf32>
    %swap3A_70 = vector.shape_cast %dot_general3A_64 : vector<1000x64xf32> to vector<1x1000x64xf32>
    tpu.vector_store %arg7[%swap3A_65, %swap3A_66, %swap3A_67], %swap3A_70 {strides = array<i32>} : memref<3x1000x64xf32, #tpu.memory_space<vmem>>, vector<1x1000x64xf32>,
    %get3A_71 = arith.constant 0 : index
    %get3A_72 = arith.constant 0 : index
    %get3A_73 = vector.load %arg5[%get3A_71, %get3A_72] : memref<64x64xf32, #tpu.memory_space<vmem>>, vector<64x64xf32>
    %dot_general3A_74 = arith.constant dense<0.000000e+00> : vector<1000x64xf32>
    %dot_general3A_75 = tpu.matmul %max3A_33, %get3A_73, %dot_general3A_74 {dimension_numbers = #tpu.dot_dimension_numbers<[1], [0], [0], [1], [0, 0, 1, 1], [], []>, transpose_lhs_hint = false} : vector<1000x64xf32>, vector<64x64xf32>, vector<1000x64xf32> -> vector<1000x64xf32>
    %get3A_76 = arith.constant 0 : index
    %get3A_77 = arith.constant 0 : index
    %get3A_78 = vector.load %arg6[%get3A_76, %get3A_77] : memref<1x64xf32, #tpu.memory_space<vmem>>, vector<1x64xf32>
    %add3A_79 = vector.broadcast %get3A_78 : vector<1x64xf32> to vector<1000x64xf32>
    %add3A_80 = arith.addf %dot_general3A_75, %add3A_79 : vector<1000x64xf32>
    %swap3A_81 = arith.constant 0 : index
    %swap3A_82 = arith.constant 0 : index
    %swap3A_83 = vector.load %arg8[%swap3A_81, %swap3A_82] : memref<1000x64xf32, #tpu.memory_space<vmem>>, vector<1000x64xf32>
    tpu.vector_store %arg8[%swap3A_81, %swap3A_82], %add3A_80 {strides = array<i32>} : memref<1000x64xf32, #tpu.memory_space<vmem>>, vector<1000x64xf32>,
    return
  }
  func.func @transform_0(%arg0: i32) -> (i32, i32, i32, i32, i32) {
    %c0_i32 = arith.constant 0 : i32
    %c0_i32_0 = arith.constant 0 : i32
    %c0_i32_1 = arith.constant 0 : i32
    %c0_i32_2 = arith.constant 0 : i32
    %c0_i32_3 = arith.constant 0 : i32
    return %c0_i32, %c0_i32_0, %c0_i32_1, %arg0, %c0_i32_2 : i32, i32, i32, i32, i32
  }
  func.func @transform_1(%arg0: i32) -> (i32, i32, i32) {
    %c0_i32 = arith.constant 0 : i32
    %c0_i32_0 = arith.constant 0 : i32
    %c0_i32_1 = arith.constant 0 : i32
    return %c0_i32, %arg0, %c0_i32_0 : i32, i32, i32
  }
  func.func @transform_2(%arg0: i32) -> (i32, i32) {
    %c0_i32 = arith.constant 0 : i32
    %c0_i32_0 = arith.constant 0 : i32
    return %arg0, %c0_i32 : i32, i32
  }
  func.func @transform_3(%arg0: i32) -> (i32, i32, i32) {
    %c0_i32 = arith.constant 0 : i32
    %c0_i32_0 = arith.constant 0 : i32
    %c0_i32_1 = arith.constant 0 : i32
    %c0_i32_2 = arith.constant 0 : i32
    return %c0_i32, %c0_i32_0, %c0_i32_1 : i32, i32, i32
  }
  func.func @transform_4(%arg0: i32) -> (i32, i32) {
    %c0_i32 = arith.constant 0 : i32
    %c0_i32_0 = arith.constant 0 : i32
    %c0_i32_1 = arith.constant 0 : i32
    return %c0_i32, %c0_i32_0 : i32, i32
  }
  func.func @transform_5(%arg0: i32) -> (i32, i32) {
    %c0_i32 = arith.constant 0 : i32
    %c0_i32_0 = arith.constant 0 : i32
    %c0_i32_1 = arith.constant 0 : i32
    return %c0_i32, %c0_i32_0 : i32, i32
  }
  func.func @transform_6(%arg0: i32) -> (i32, i32, i32) {
    %c0_i32 = arith.constant 0 : i32
    %c0_i32_0 = arith.constant 0 : i32
    %c0_i32_1 = arith.constant 0 : i32
    return %c0_i32, %arg0, %c0_i32_0 : i32, i32, i32
  }
  func.func @transform_7(%arg0: i32) -> (i32, i32) {
    %c0_i32 = arith.constant 0 : i32
    %c0_i32_0 = arith.constant 0 : i32
    return %arg0, %c0_i32 : i32, i32
  }
}

module attributes {stable_mosaic.version = 14 : i64} {
  func.func @_combine2_body(%arg0: i32, %arg1: memref<2x2x3x1000x32xf32, #tpu.memory_space<vmem>>, %arg2: memref<3x1000x1xf32, #tpu.memory_space<vmem>>, %arg3: memref<1000x64xf32, #tpu.memory_space<vmem>>, %arg4: memref<2x64x64xf32, #tpu.memory_space<vmem>>, %arg5: memref<1x64xf32, #tpu.memory_space<vmem>>, %arg6: memref<2x1000x64xf32, #tpu.memory_space<vmem>>) attributes {dimension_semantics = [#tpu.dimension_semantics<arbitrary>], iteration_bounds = array<i64: 10>, scalar_prefetch = 0 : i64, scratch_operands = 0 : i64, tpu.core_type = #tpu.core_type<tc>, window_params = [{transform_indices = @transform_0, window_bounds = array<i64: 2, 2, 3, 1000, 32>}, {transform_indices = @transform_1, window_bounds = array<i64: 3, 1000, 1>}, {transform_indices = @transform_2, window_bounds = array<i64: 1000, 64>}, {pipeline_mode = #tpu.pipeline_mode<synchronous>, transform_indices = @transform_3, window_bounds = array<i64: 2, 64, 64>}, {pipeline_mode = #tpu.pipeline_mode<synchronous>, transform_indices = @transform_4, window_bounds = array<i64: 1, 64>}, {transform_indices = @transform_5, window_bounds = array<i64: 2, 1000, 64>}]} {
    %get3A = arith.constant 0 : index
    %get3A_0 = arith.constant 0 : index
    %get3A_1 = arith.constant 0 : index
    %get3A_2 = arith.constant 0 : index
    %get3A_3 = arith.constant 0 : index
    %get3A_4 = vector.load %arg1[%get3A, %get3A_0, %get3A_1, %get3A_2, %get3A_3] : memref<2x2x3x1000x32xf32, #tpu.memory_space<vmem>>, vector<2x2x3x1000x32xf32>
    %slice3A = vector.extract_strided_slice %get3A_4 {offsets = [0, 0, 0, 0, 0], sizes = [1, 2, 3, 1000, 32], strides = [1, 1, 1, 1, 1]} : vector<2x2x3x1000x32xf32> to vector<1x2x3x1000x32xf32>
    %squeeze3A = vector.shape_cast %slice3A : vector<1x2x3x1000x32xf32> to vector<2x3x1000x32xf32>
    %slice3A_5 = vector.extract_strided_slice %get3A_4 {offsets = [1, 0, 0, 0, 0], sizes = [1, 2, 3, 1000, 32], strides = [1, 1, 1, 1, 1]} : vector<2x2x3x1000x32xf32> to vector<1x2x3x1000x32xf32>
    %squeeze3A_6 = vector.shape_cast %slice3A_5 : vector<1x2x3x1000x32xf32> to vector<2x3x1000x32xf32>
    %add3A = arith.addf %squeeze3A, %squeeze3A_6 : vector<2x3x1000x32xf32>
    %get3A_7 = arith.constant 0 : index
    %get3A_8 = arith.constant 0 : index
    %get3A_9 = arith.constant 0 : index
    %get3A_10 = vector.load %arg2[%get3A_7, %get3A_8, %get3A_9] : memref<3x1000x1xf32, #tpu.memory_space<vmem>>, vector<3x1000x1xf32>
    %broadcast_in_dim3A = vector.shape_cast %get3A_10 : vector<3x1000x1xf32> to vector<1x3x1000x1xf32>
    %mul3A = vector.broadcast %broadcast_in_dim3A : vector<1x3x1000x1xf32> to vector<2x3x1000x32xf32>
    %mul3A_11 = arith.mulf %add3A, %mul3A : vector<2x3x1000x32xf32>
    %slice3A_12 = vector.extract_strided_slice %mul3A_11 {offsets = [0, 0, 0, 0], sizes = [1, 1, 1000, 32], strides = [1, 1, 1, 1]} : vector<2x3x1000x32xf32> to vector<1x1x1000x32xf32>
    %squeeze3A_13 = vector.shape_cast %slice3A_12 : vector<1x1x1000x32xf32> to vector<1000x32xf32>
    %slice3A_14 = vector.extract_strided_slice %mul3A_11 {offsets = [0, 1, 0, 0], sizes = [1, 1, 1000, 32], strides = [1, 1, 1, 1]} : vector<2x3x1000x32xf32> to vector<1x1x1000x32xf32>
    %squeeze3A_15 = vector.shape_cast %slice3A_14 : vector<1x1x1000x32xf32> to vector<1000x32xf32>
    %add3A_16 = arith.addf %squeeze3A_13, %squeeze3A_15 : vector<1000x32xf32>
    %slice3A_17 = vector.extract_strided_slice %mul3A_11 {offsets = [0, 2, 0, 0], sizes = [1, 1, 1000, 32], strides = [1, 1, 1, 1]} : vector<2x3x1000x32xf32> to vector<1x1x1000x32xf32>
    %squeeze3A_18 = vector.shape_cast %slice3A_17 : vector<1x1x1000x32xf32> to vector<1000x32xf32>
    %add3A_19 = arith.addf %add3A_16, %squeeze3A_18 : vector<1000x32xf32>
    %slice3A_20 = vector.extract_strided_slice %mul3A_11 {offsets = [1, 0, 0, 0], sizes = [1, 1, 1000, 32], strides = [1, 1, 1, 1]} : vector<2x3x1000x32xf32> to vector<1x1x1000x32xf32>
    %squeeze3A_21 = vector.shape_cast %slice3A_20 : vector<1x1x1000x32xf32> to vector<1000x32xf32>
    %slice3A_22 = vector.extract_strided_slice %mul3A_11 {offsets = [1, 1, 0, 0], sizes = [1, 1, 1000, 32], strides = [1, 1, 1, 1]} : vector<2x3x1000x32xf32> to vector<1x1x1000x32xf32>
    %squeeze3A_23 = vector.shape_cast %slice3A_22 : vector<1x1x1000x32xf32> to vector<1000x32xf32>
    %add3A_24 = arith.addf %squeeze3A_21, %squeeze3A_23 : vector<1000x32xf32>
    %slice3A_25 = vector.extract_strided_slice %mul3A_11 {offsets = [1, 2, 0, 0], sizes = [1, 1, 1000, 32], strides = [1, 1, 1, 1]} : vector<2x3x1000x32xf32> to vector<1x1x1000x32xf32>
    %squeeze3A_26 = vector.shape_cast %slice3A_25 : vector<1x1x1000x32xf32> to vector<1000x32xf32>
    %add3A_27 = arith.addf %add3A_24, %squeeze3A_26 : vector<1000x32xf32>
    %get3A_28 = arith.constant 0 : index
    %get3A_29 = arith.constant 0 : index
    %get3A_30 = vector.load %arg3[%get3A_28, %get3A_29] : memref<1000x64xf32, #tpu.memory_space<vmem>>, vector<1000x64xf32>
    %concatenate3A = tpu.concatenate %add3A_19, %add3A_27 in 1 : vector<1000x32xf32>, vector<1000x32xf32> -> vector<1000x64xf32>
    %add3A_31 = arith.addf %get3A_30, %concatenate3A : vector<1000x64xf32>
    %get3A_32 = arith.constant 0 : index
    %get3A_33 = arith.constant 0 : index
    %get3A_34 = arith.constant 0 : index
    %get3A_35 = vector.load %arg4[%get3A_32, %get3A_33, %get3A_34] : memref<2x64x64xf32, #tpu.memory_space<vmem>>, vector<1x64x64xf32>
    %get3A_36 = vector.shape_cast %get3A_35 : vector<1x64x64xf32> to vector<64x64xf32>
    %dot_general3A = arith.constant dense<0.000000e+00> : vector<1000x64xf32>
    %dot_general3A_37 = tpu.matmul %add3A_31, %get3A_36, %dot_general3A {dimension_numbers = #tpu.dot_dimension_numbers<[1], [0], [0], [1], [0, 0, 1, 1], [], []>, transpose_lhs_hint = false} : vector<1000x64xf32>, vector<64x64xf32>, vector<1000x64xf32> -> vector<1000x64xf32>
    %get3A_38 = arith.constant 0 : index
    %get3A_39 = arith.constant 0 : index
    %get3A_40 = vector.load %arg5[%get3A_38, %get3A_39] : memref<1x64xf32, #tpu.memory_space<vmem>>, vector<1x64xf32>
    %add3A_41 = vector.broadcast %get3A_40 : vector<1x64xf32> to vector<1000x64xf32>
    %add3A_42 = arith.addf %dot_general3A_37, %add3A_41 : vector<1000x64xf32>
    %swap3A = arith.constant 0 : index
    %swap3A_43 = arith.constant 0 : index
    %swap3A_44 = arith.constant 0 : index
    %swap3A_45 = vector.load %arg6[%swap3A, %swap3A_43, %swap3A_44] : memref<2x1000x64xf32, #tpu.memory_space<vmem>>, vector<1x1000x64xf32>
    %swap3A_46 = vector.shape_cast %swap3A_45 : vector<1x1000x64xf32> to vector<1000x64xf32>
    %swap3A_47 = vector.shape_cast %add3A_42 : vector<1000x64xf32> to vector<1x1000x64xf32>
    tpu.vector_store %arg6[%swap3A, %swap3A_43, %swap3A_44], %swap3A_47 {strides = array<i32>} : memref<2x1000x64xf32, #tpu.memory_space<vmem>>, vector<1x1000x64xf32>,
    %get3A_48 = arith.constant 1 : index
    %get3A_49 = arith.constant 0 : index
    %get3A_50 = arith.constant 0 : index
    %get3A_51 = vector.load %arg4[%get3A_48, %get3A_49, %get3A_50] : memref<2x64x64xf32, #tpu.memory_space<vmem>>, vector<1x64x64xf32>
    %get3A_52 = vector.shape_cast %get3A_51 : vector<1x64x64xf32> to vector<64x64xf32>
    %dot_general3A_53 = arith.constant dense<0.000000e+00> : vector<1000x64xf32>
    %dot_general3A_54 = tpu.matmul %add3A_31, %get3A_52, %dot_general3A_53 {dimension_numbers = #tpu.dot_dimension_numbers<[1], [0], [0], [1], [0, 0, 1, 1], [], []>, transpose_lhs_hint = false} : vector<1000x64xf32>, vector<64x64xf32>, vector<1000x64xf32> -> vector<1000x64xf32>
    %swap3A_55 = arith.constant 1 : index
    %swap3A_56 = arith.constant 0 : index
    %swap3A_57 = arith.constant 0 : index
    %swap3A_58 = vector.load %arg6[%swap3A_55, %swap3A_56, %swap3A_57] : memref<2x1000x64xf32, #tpu.memory_space<vmem>>, vector<1x1000x64xf32>
    %swap3A_59 = vector.shape_cast %swap3A_58 : vector<1x1000x64xf32> to vector<1000x64xf32>
    %swap3A_60 = vector.shape_cast %dot_general3A_54 : vector<1000x64xf32> to vector<1x1000x64xf32>
    tpu.vector_store %arg6[%swap3A_55, %swap3A_56, %swap3A_57], %swap3A_60 {strides = array<i32>} : memref<2x1000x64xf32, #tpu.memory_space<vmem>>, vector<1x1000x64xf32>,
    return
  }
  func.func @transform_0(%arg0: i32) -> (i32, i32, i32, i32, i32) {
    %c0_i32 = arith.constant 0 : i32
    %c0_i32_0 = arith.constant 0 : i32
    %c0_i32_1 = arith.constant 0 : i32
    %c0_i32_2 = arith.constant 0 : i32
    %c0_i32_3 = arith.constant 0 : i32
    return %c0_i32, %c0_i32_0, %c0_i32_1, %arg0, %c0_i32_2 : i32, i32, i32, i32, i32
  }
  func.func @transform_1(%arg0: i32) -> (i32, i32, i32) {
    %c0_i32 = arith.constant 0 : i32
    %c0_i32_0 = arith.constant 0 : i32
    %c0_i32_1 = arith.constant 0 : i32
    return %c0_i32, %arg0, %c0_i32_0 : i32, i32, i32
  }
  func.func @transform_2(%arg0: i32) -> (i32, i32) {
    %c0_i32 = arith.constant 0 : i32
    %c0_i32_0 = arith.constant 0 : i32
    return %arg0, %c0_i32 : i32, i32
  }
  func.func @transform_3(%arg0: i32) -> (i32, i32, i32) {
    %c0_i32 = arith.constant 0 : i32
    %c0_i32_0 = arith.constant 0 : i32
    %c0_i32_1 = arith.constant 0 : i32
    %c0_i32_2 = arith.constant 0 : i32
    return %c0_i32, %c0_i32_0, %c0_i32_1 : i32, i32, i32
  }
  func.func @transform_4(%arg0: i32) -> (i32, i32) {
    %c0_i32 = arith.constant 0 : i32
    %c0_i32_0 = arith.constant 0 : i32
    %c0_i32_1 = arith.constant 0 : i32
    return %c0_i32, %c0_i32_0 : i32, i32
  }
  func.func @transform_5(%arg0: i32) -> (i32, i32, i32) {
    %c0_i32 = arith.constant 0 : i32
    %c0_i32_0 = arith.constant 0 : i32
    %c0_i32_1 = arith.constant 0 : i32
    return %c0_i32, %arg0, %c0_i32_0 : i32, i32, i32
  }
}

</mosaic_0001>

<sc_bundles>
// kernel: kernel.10.cloned.1.call-start
scs
__scs_entry_jumppad:
0x0: {  	(pc) =	sbr.rel $0x88, $3  }
0x1: {  	(tag) =	ssettag $0x0;
	lr =	simm.s32 $0x1  }
0x2: {  	[smem:$0x3F94] =	sst lr;
	_ =	strace $0xD0000000  }
0x3: {  	_ = 	snop  }
0x4: {  	_ = 	snop  }
0x5: {  	_ = 	snop  }
0x6: {  	_ = 	snop  }
0x7: {  	_ = 	snop  }
__scs_overlays_trampoline_lowered:
0x8: {  	[smem:$0x3FA3] =	sst s0  }
0x9: {  	[smem:$0x3FA4] =	sst s1  }
0xa: {  	[smem:$0x3FA5] =	sst s2  }
0xb: {  	[smem:$0x3FA6] =	sst s3  }
0xc: {  	[smem:$0x3FA7] =	sst s4  }
0xd: {  	[smem:$0x3FA8] =	sst s5  }
0xe: {  	[smem:$0x3FA9] =	sst s6  }
0xf: {  	[smem:$0x3FAA] =	sst s7  }
0x10: {  	[smem:$0x3FAB] =	sst s8  }
0x11: {  	[smem:$0x3FAC] =	sst s9;
	s0 =	simm.s32 @!p0 $0x0  }
0x12: {  	s1 =	sld [smem:$0x3F92];
	s0 =	simm.s32 @p0 $0x1  }
0x13: {  	[smem:$0x3FAD] =	sst s0;
	s0 =	simm.s32 @!p1 $0x0  }
0x14: {  	s2 =	sld [smem:$0x3F91];
	s0 =	simm.s32 @p1 $0x1  }
0x15: {  	[smem:$0x3FAE] =	sst s0;
	s0 =	simm.s32 @!p2 $0x0  }
0x16: {  	s3 =	sld [smem:$0x3FDB];
	s0 =	simm.s32 @p2 $0x1  }
0x17: {  	s4 =	simm.s32 $0x1BF5;
	[smem:$0x3FB0] =	sst s0  }
0x18: {  	s0 =	sld [smem:$0x3F93];
	_ =	swait.ge [sflag:s4], $0x0  }
0x19: {  	s7 =	sld [smem:$0x3F94]  }
0x1a: {  	s8 =	sadd.s32 $0xFFFFE003, lr  }
0x1b: {  	s9 =	sadd.s32 $0xFFFFFEF7, lr;
	s5 =	simm.s32 $0xFFFFFFFF;
	p2 =	slt.u32 s8, $0xFFFFF086  }
0x1c: {  	p1 =	slt.u32 s9, $0xF7A;
	s5 =	simm.s32 @!p2 $0x0  }
0x1d: {  	s5 =	simm.s32 @p1 $0x1;
	p0 =	seq.s32 s7, s2  }
0x1e: {  	s7 =	smul.u32 @!p0 $0xF7A, s2;
	p2 =	seq.s32 @!p0 s5, $0x0  }
0x1f: {  	s9 =	smul.u32 $0xF7A, s1;
	s8 =	simm.s32 @!p0 $0x1BF5;
	p2 =	por !p2, p0  }
0x20: {  	[sflag:s8] =	ssyncset.s32 @!p0 $0xFFFFF086;
	s6 =	sadd.s32 @!p0 s3, s7;
	s7 =	simm.s32 @!p0 $0x108  }
0x21: {  	s3 =	sadd.s32 s3, s9;
	s6 =	sadd.s32 @!p0 $0x88, s6;
	s7 =	simm.s32 @p2 $0x1082  }
0x22: {  	[simem:s7], [sflag:s8] =	dma.local @!p0 [hbm:s6], $0xF7A  }
0x23: {  	s9 =	sor.u32 $0xD0000000, s2;
	s6 =	simm.s32 $0x108;
	_ =	swait.ge @!p0 [sflag:s8], $0x0  }
0x24: {  	s3 =	sadd.s32 $0x88, s3;
	s6 =	simm.s32 @!p1 $0x1082;
	[sflag:s4] =	ssyncset.s32 $0xFFFFF086  }
0x25: {  	[simem:s6], [sflag:s4] =	dma.local [hbm:s3], $0xF7A  }
0x26: {  	[smem:$0x3F94] =	sst s1;
	(tag) =	ssettag s2;
	_ =	strace s9  }
0x27: {  	s1 =	sld [smem:$0x3FA4]  }
0x28: {  	s2 =	sld [smem:$0x3FA5]  }
0x29: {  	s4 =	sld [smem:$0x3FA7]  }
0x2a: {  	p0 =	seq.s32 s5, $0x0;
	s5 =	sld [smem:$0x3FA8]  }
0x2b: {  	s6 =	sld [smem:$0x3FA9]  }
0x2c: {  	s7 =	sld [smem:$0x3FAA]  }
0x2d: {  	s3 =	simm.s32 $0x108;
	s8 =	sld [smem:$0x3FAB]  }
0x2e: {  	s3 =	simm.s32 @!p0 $0x1082;
	s9 =	sld [smem:$0x3FAC]  }
0x2f: {  	lr =	sadd.s32 s0, s3;
	s0 =	sld [smem:$0x3FA3]  }
0x30: {  	s3 =	sld [smem:$0x3FA6]  }
0x31: {  	[smem:$0x3FAF] =	sst s10  }
0x32: {  	s10 =	sld [smem:$0x3FAD];
	_ =	sdelay $0x3  }
0x33: {  	p0 =	seq.s32 s10, $0x1;
	s10 =	sld [smem:$0x3FAF];
	_ =	sdelay $0x3  }
0x34: {  	[smem:$0x3FAF] =	sst s10  }
0x35: {  	s10 =	sld [smem:$0x3FAE];
	_ =	sdelay $0x3  }
0x36: {  	p1 =	seq.s32 s10, $0x1;
	s10 =	sld [smem:$0x3FAF];
	_ =	sdelay $0x3  }
0x37: {  	[smem:$0x3FAF] =	sst s10  }
0x38: {  	s10 =	sld [smem:$0x3FB0]  }
0x39: {  	_ = 	snop;
	(pc) =	sbr.ind lr, $3  }
0x3a: {  	_ = 	snop  }
0x3b: {  	_ = 	snop  }
0x3c: {  	p2 =	seq.s32 s10, $0x1;
	s10 =	sld [smem:$0x3FAF]  }
0x3d: {  	_ =	shalt  }
0x3e: {  	_ =	shalt  }
0x3f: {  	_ =	shalt  }
0x40: {  	_ =	shalt  }
0x41: {  	_ =	shalt  }
0x42: {  	_ =	shalt  }
0x43: {  	_ =	shalt  }
0x44: {  	_ =	shalt  }
0x45: {  	_ =	shalt  }
0x46: {  	_ =	shalt  }
0x47: {  	_ =	shalt  }
0x48: {  	_ =	shalt  }
0x49: {  	_ =	shalt  }
0x4a: {  	_ =	shalt  }
0x4b: {  	_ =	shalt  }
0x4c: {  	_ =	shalt  }
0x4d: {  	_ =	shalt  }
0x4e: {  	_ =	shalt  }
0x4f: {  	_ =	shalt  }
0x50: {  	_ =	shalt  }
0x51: {  	_ =	shalt  }
0x52: {  	_ =	shalt  }
0x53: {  	_ =	shalt  }
0x54: {  	_ =	shalt  }
0x55: {  	_ =	shalt  }
0x56: {  	_ =	shalt  }
0x57: {  	_ =	shalt  }
0x58: {  	_ =	shalt  }
0x59: {  	_ =	shalt  }
0x5a: {  	_ =	shalt  }
0x5b: {  	_ =	shalt  }
0x5c: {  	_ =	shalt  }
0x5d: {  	_ =	shalt  }
0x5e: {  	_ =	shalt  }
0x5f: {  	_ =	shalt  }
0x60: {  	_ =	shalt  }
0x61: {  	_ =	shalt  }
0x62: {  	_ =	shalt  }
0x63: {  	_ =	shalt  }
0x64: {  	_ =	shalt  }
0x65: {  	_ =	shalt  }
0x66: {  	_ =	shalt  }
0x67: {  	_ =	shalt  }
0x68: {  	_ =	shalt  }
0x69: {  	_ =	shalt  }
0x6a: {  	_ =	shalt  }
0x6b: {  	_ =	shalt  }
0x6c: {  	_ =	shalt  }
0x6d: {  	_ =	shalt  }
0x6e: {  	_ =	shalt  }
0x6f: {  	_ =	shalt  }
0x70: {  	_ =	shalt  }
0x71: {  	_ =	shalt  }
0x72: {  	_ =	shalt  }
0x73: {  	_ =	shalt  }
0x74: {  	_ =	shalt  }
0x75: {  	_ =	shalt  }
0x76: {  	_ =	shalt  }
0x77: {  	_ =	shalt  }
0x78: {  	_ =	shalt  }
0x79: {  	_ =	shalt  }
0x7a: {  	_ =	shalt  }
0x7b: {  	_ =	shalt  }
0x7c: {  	_ =	shalt  }
0x7d: {  	_ =	shalt  }
0x7e: {  	_ =	shalt  }
0x7f: {  	_ =	shalt  }
0x80: {  	_ =	shalt  }
0x81: {  	_ =	shalt  }
0x82: {  	_ =	shalt  }
0x83: {  	_ =	shalt  }
0x84: {  	_ =	shalt  }
0x85: {  	_ =	shalt  }
0x86: {  	_ =	shalt  }
0x87: {  	_ =	shalt  }
.Lfunc_end0:
.L_simem_size_0:
called_computation_lowered:
.L_overlay_start_0:
0x88: {  	s2 =	sld [smem:$0x3FD9]  }
0x89: {  	s3 =	sld [smem:$0x3FFE];
	_ =	sdelay $0x1  }
0x8a: {  	s1 =	srdreg.scid  }
0x8b: {  	s0 =	sand.u32 $0x1, s1  }
0x8c: {  	s17 =	sshll.u32 s0, $0xA;
	s2 =	sadd.s32 s3, s2  }
0x8d: {  	s2 =	sadd.s32 s2, s17  }
0x8e: {  	[smem:$0x3FBB] =	sst s2  }
0x8f: {  	_ = 	snop  }
0x90: {  	(tm) =	ssettm $0x1  }
0x91: {  	s18 =	sld [smem:$0x3FFB];
	_ =	sdelay $0x3  }
0x92: {  	_ =	strace s18  }
0x93: {  	s2 =	sld [smem:$0x3FFC];
	_ =	sdelay $0x3  }
0x94: {  	_ =	strace s2  }
0x95: {  	s2 =	sld [smem:$0x3FFD];
	_ =	sdelay $0x3  }
0x96: {  	_ =	strace s2  }
0x97: {  	_ =	strace $0x8FFFFFFF  }
0x98: {  	s19 =	sld [smem:$0x3FDB];
	_ =	sdelay $0x1  }
0x99: {  	s20 =	simm.s32 $_scs_section_size  }
0x9a: {  	s4 =	simm.s32 $_size__tile_overlayer_lowered;
	s5 =	simm.s32 $_tile_overlayer_lowered  }
0x9b: {  	s6 =	simm.s32 $0x1BFF;
	s21 =	sshll.u32 s5, $0x1;
	s3 =	sadd.s32 s20, s19  }
0x9c: {  	s22 =	simm.s32 $0x0;
	s4 =	sshll.u32 s4, $0x1;
	s5 =	sadd.s32 s21, s3  }
0x9d: {  	[timem:s22], [sflag:s6] =	dma.local [hbm:s5], s4  }
0x9e: {  	_ =	swait.ge [sflag:s6], s4  }
0x9f: {  	s4 =	ssub.s32 $0x0, s4;
	[sflag:s6] =	ssyncset.done $0x0  }
0xa0: {  	[sflag:s6] =	ssyncadd.s32 s4;
	_ =	sdelay $0x1  }
0xa1: {  	s23 =	simm.s32 $0x1B8B  }
0xa2: {  	_ =	swait.ge [sflag:s23], $0x1  }
0xa3: {  	[sflag:s23] =	ssyncset.done $0x0  }
0xa4: {  	[sflag:s23] =	ssyncadd.s32 $0xFFFFFFFF  }
0xa5: {  	s4 =	sld [smem:$0x0]  }
0xa6: {  	s5 =	sand.u32 $0xFFFFFFFE, s1  }
0xa7: {  	p0 =	sne.s32 s1, s5  }
0xa8: {  	s5 =	sshll.u32 @p0 s5, $0xE  }
0xa9: {  	s5 =	sadd.s32 @p0 $0x11B8D, s5;
	s6 =	sshll.u32 @p0 s4, $0x11  }
0xaa: {  	s5 =	sor.u32 @p0 s6, s5  }
0xab: {  	[sflag:s5] =	ssyncadd.remote.s32 @p0 $0x1;
	_ =	sdelay $0x1  }
0xac: {  	s5 =	simm.s32 @p0 $0x1B8D  }
0xad: {  	_ =	swait.eq @p0 [sflag:s5], $0x1  }
0xae: {  	[sflag:s5] =	ssyncadd.s32 @p0 $0xFFFFFFFF  }
0xaf: {  	s6 =	sshll.u32 @!p0 s1, $0xE  }
0xb0: {  	s6 =	sor.u32 @!p0 $0x4000, s6;
	s5 =	simm.s32 @!p0 $0x1B8D  }
0xb1: {  	s4 =	sshll.u32 @!p0 s4, $0x11;
	s6 =	sadd.s32 @!p0 $0x11B8D, s6;
	_ =	swait.eq @!p0 [sflag:s5], $0x1  }
0xb2: {  	s4 =	sor.u32 @!p0 s4, s6;
	[sflag:s5] =	ssyncadd.s32 @!p0 $0xFFFFFFFF  }
0xb3: {  	s25 =	simm.s32 $0x1B8E;
	s24 =	sld [smem:$0x3FFE];
	[sflag:s4] =	ssyncadd.remote.s32 @!p0 $0x1  }
0xb4: {  	s26 =	simm.s32 $execute0_lowered;
	[smem:$0x3FD2] =	sst s25  }
0xb5: {  	s5 =	sshll.u32 s26, $0x1;
	_ =	strace $0x80000049;
	[dreg:$0x1] =	wrdreg $0xFFFFFFFF  }
0xb6: {  	s28 =	simm.s32 $_size_execute0_lowered;
	s3 =	sadd.s32 s3, s5;
	[dreg:$0x0] =	wrdreg $0x0  }
0xb7: {  	s5 =	sshll.u32 s28, $0x1;
	[dreg:$0x2] =	wrdreg s3  }
0xb8: {  	[dreg:$0x3] =	wrdreg s5  }
0xb9: {  	[dreg:$0x4] =	wrdreg $0xC0  }
0xba: {  	_ =	task [dreg:s22], $0x5FFFF  }
0xbb: {  	[dreg:$0x1] =	wrdreg $0xFFFFFFFF  }
0xbc: {  	[dreg:$0x0] =	wrdreg $0x60  }
0xbd: {  	[dreg:$0x2] =	wrdreg s24  }
0xbe: {  	[dreg:$0x3] =	wrdreg $0x2F800  }
0xbf: {  	[dreg:$0x4] =	wrdreg $0x9  }
0xc0: {  	_ =	task.clear_ibuf [dreg:s22], $0x5FFFF;
	_ =	strace $0x90000049  }
0xc1: {  	s29 =	simm.s32 $0x9;
	_ =	strace $0x8000004B  }
0xc2: {  	_ =	swait.ge [sflag:s29], $0x1  }
0xc3: {  	[sflag:s29] =	ssyncadd.s32 $0xFFFFFFFF  }
0xc4: {  	_ =	strace $0x9000004B  }
0xc5: {  	_ =	sfence  }
0xc6: {  	s30 =	sld [smem:$0x0];
	_ =	sdelay $0x2  }
0xc7: {  	s31 =	sshll.u32 s1, $0xD;
	s1 =	sshrl.u32 s1, $0x2  }
0xc8: {  	s4 =	sand.u32 $0x4000, s31;
	s1 =	sadd.s32 s1, s30  }
0xc9: {  	s0 =	sor.u32 s4, s0;
	s1 =	sshll.u32 s1, $0x11  }
0xca: {  	s0 =	sor.u32 s1, s0  }
0xcb: {  	s0 =	sadd.s32 $0x8F2B, s0  }
0xcc: {  	[sflag:s0] =	ssyncadd.remote.s32 $0x1  }
0xcd: {  	_ =	sfence.sel $0xFFFF  }
0xce: {  	[dreg:$0x0] =	wrdreg $0xFFFFFFFF;
	(pc) =	sbr.abs _section_cstart, $3  }
0xcf: {  	[dreg:$0x1] =	wrdreg $0xFFFFFFFF  }
0xd0: {  	_ =	task.clear_ibuf [dreg:s22], $0x2FFFF;
	_ =	strace $0x9FFFFFFF  }
0xd1: {  	(tm) =	ssettm $0x7FFFFFFF  }
tec
execute0_lowered:
.L_overlay_start_1:
0x0: {  	(tag) =	ssettag $0x1  }
0x1: {  	s0 =	srdreg.scid;
	s4 =	rddreg [dreg:$0x0]  }
0x2: {  	s2 =	rddreg [dreg:$0x1];
	s1 =	stileid.u32  }
0x3: {  	s3 =	simm.s32 $0x0;
	s5 =	sand.u32 $0x1, s0;
	s0 =	rddreg [dreg:$0x2]  }
0x4: {  	s23 =	simm.s32 $0x80;
	[smem:$0x7FF] =	sst s3;
	s7 =	smul.u32 $0x1D600, s1  }
0x5: {  	s20 =	smul.u32 $0x7580, s1;
	s6 =	sshll.u32 s5, $0x4;
	_ =	strace $0x8000004A  }
0x6: {  	s8 =	smul.u32 $0xEB00, s5;
	s5 =	ssub.s32 $0x2, s5;
	s6 =	sor.u32 s1, s6  }
0x7: {  	s9 =	sshrl.u32 s5, $0x1;
	s7 =	sshrl.u32 s7, $0x2;
	s25 =	sshrl.u32 s20, $0x3  }
0x8: {  	s6 =	smul.u32 $0x4F0, s6;
	s21 =	sadd.s32 s8, s4;
	s19 =	sadd.s32 s7, s2  }
0x9: {  	s22 =	ssub.s32 s5, s9;
	s5 =	sadd.s32 s20, s2;
	s7 =	sadd.s32 $0x1000, s19  }
0xa: {  	s8 =	sadd.s32 $0x1800, s19;
	s9 =	sadd.s32 $0x2000, s19;
	s10 =	sadd.s32 $0x2800, s19  }
0xb: {  	s11 =	sadd.s32 $0x3000, s19;
	s12 =	sadd.s32 $0x3800, s19;
	s13 =	sadd.s32 $0x4000, s19  }
0xc: {  	s14 =	sadd.s32 $0x4800, s19;
	s15 =	sadd.s32 $0x5000, s19;
	s16 =	sadd.s32 $0x5800, s19  }
0xd: {  	s17 =	sadd.s32 $0x6000, s19;
	s18 =	sadd.s32 $0x6800, s19;
	s24 =	sadd.s32 $0xD1000, s21  }
0xe: {  	s20 =	smax.u32 s22, $0x1;
	s21 =	simm.s32 $0x1;
	s22 =	simm.s32 $0x2780  }
0xf: {  	s6 =	sadd.s32 s6, s4;
	s24 =	sadd.s32 s25, s24;
	s25 =	simm.s32 $0x0  }
0x10: {  	v0 =	vimm.f32 $0.0e+00;
	v1 =	vimm.f32 $1.000000000e+00;
	s4 =	sadd.s32 $0xD000, s6;
	s6 =	sadd.s32 $0x800, s19;
	s19 =	sadd.s32 $0x7000, s19  }
.LBB2_1:
0x11: {  	[tilespmem:s3], [sflag:$0x1] =	stream.linear.gather [hbm4b:s4+s3], $0x2780, $0x38;
	[tilespmem:$0xA500] =	vst v63  }
0x12: {  	_ =	swait.ge [sflag:s21], $0x2780  }
0x13: {  	[sflag:s21] =	ssyncset.done $0x0  }
0x14: {  	s26 =	simm.s32 $0x40;
	s28 =	simm.s32 $0x0;
	[sflag:s21] =	ssyncadd.s32 $0xFFFFD880  }
.LBB2_2:
0x15: {  	p0 =	sne.s32 s26, $0x1FC0;
	[tilespmem:s28+$0x2780] =	vst v0;
	s28 =	smov.u32 s26;
	s26 =	sadd.s32 $0x40, s26  }
.Ltmp0:
0x16: {  	(pc) =	sbr.rel @p0 .LBB2_2-.Ltmp0, $2  }
0x17: {  	_ =	sdelay $0x2  }
0x18: {  	s28 =	sshra.s32 s28, $0x2  }
0x19: {  	[tilespmem:s28+$0x2780] =	vst v0  }
0x1a: {  	[spmem:s5] =	stream.linear.scatter [tilespmem:s22], [sflag:$0x1], $0x800, $0x38;
	[tilespmem:$0xA500] =	vst v63  }
0x1b: {  	_ =	swait.ge [sflag:s21], $0x800  }
0x1c: {  	[sflag:s21] =	ssyncset.done $0x0  }
0x1d: {  	[sflag:s21] =	ssyncadd.s32 $0xFFFFF800  }
0x1e: {  	[spmem:s6] =	stream.linear.scatter [tilespmem:s22], [sflag:$0x1], $0x800, $0x38;
	[tilespmem:$0xA500] =	vst v63  }
0x1f: {  	_ =	swait.ge [sflag:s21], $0x800  }
0x20: {  	[sflag:s21] =	ssyncset.done $0x0  }
0x21: {  	[sflag:s21] =	ssyncadd.s32 $0xFFFFF800  }
0x22: {  	[spmem:s7] =	stream.linear.scatter [tilespmem:s22], [sflag:$0x1], $0x800, $0x38;
	[tilespmem:$0xA500] =	vst v63  }
0x23: {  	_ =	swait.ge [sflag:s21], $0x800  }
0x24: {  	[sflag:s21] =	ssyncset.done $0x0  }
0x25: {  	[sflag:s21] =	ssyncadd.s32 $0xFFFFF800  }
0x26: {  	[spmem:s8] =	stream.linear.scatter [tilespmem:s22], [sflag:$0x1], $0x800, $0x38;
	[tilespmem:$0xA500] =	vst v63  }
0x27: {  	_ =	swait.ge [sflag:s21], $0x800  }
0x28: {  	[sflag:s21] =	ssyncset.done $0x0  }
0x29: {  	[sflag:s21] =	ssyncadd.s32 $0xFFFFF800  }
0x2a: {  	[spmem:s9] =	stream.linear.scatter [tilespmem:s22], [sflag:$0x1], $0x800, $0x38;
	[tilespmem:$0xA500] =	vst v63  }
0x2b: {  	_ =	swait.ge [sflag:s21], $0x800  }
0x2c: {  	[sflag:s21] =	ssyncset.done $0x0  }
0x2d: {  	[sflag:s21] =	ssyncadd.s32 $0xFFFFF800  }
0x2e: {  	[spmem:s10] =	stream.linear.scatter [tilespmem:s22], [sflag:$0x1], $0x800, $0x38;
	[tilespmem:$0xA500] =	vst v63  }
0x2f: {  	_ =	swait.ge [sflag:s21], $0x800  }
0x30: {  	[sflag:s21] =	ssyncset.done $0x0  }
0x31: {  	[sflag:s21] =	ssyncadd.s32 $0xFFFFF800  }
0x32: {  	[spmem:s11] =	stream.linear.scatter [tilespmem:s22], [sflag:$0x1], $0x800, $0x38;
	[tilespmem:$0xA500] =	vst v63  }
0x33: {  	_ =	swait.ge [sflag:s21], $0x800  }
0x34: {  	[sflag:s21] =	ssyncset.done $0x0  }
0x35: {  	[sflag:s21] =	ssyncadd.s32 $0xFFFFF800  }
0x36: {  	[spmem:s12] =	stream.linear.scatter [tilespmem:s22], [sflag:$0x1], $0x800, $0x38;
	[tilespmem:$0xA500] =	vst v63  }
0x37: {  	_ =	swait.ge [sflag:s21], $0x800  }
0x38: {  	[sflag:s21] =	ssyncset.done $0x0  }
0x39: {  	[sflag:s21] =	ssyncadd.s32 $0xFFFFF800  }
0x3a: {  	[spmem:s13] =	stream.linear.scatter [tilespmem:s22], [sflag:$0x1], $0x800, $0x38;
	[tilespmem:$0xA500] =	vst v63  }
0x3b: {  	_ =	swait.ge [sflag:s21], $0x800  }
0x3c: {  	[sflag:s21] =	ssyncset.done $0x0  }
0x3d: {  	[sflag:s21] =	ssyncadd.s32 $0xFFFFF800  }
0x3e: {  	[spmem:s14] =	stream.linear.scatter [tilespmem:s22], [sflag:$0x1], $0x800, $0x38;
	[tilespmem:$0xA500] =	vst v63  }
0x3f: {  	_ =	swait.ge [sflag:s21], $0x800  }
0x40: {  	[sflag:s21] =	ssyncset.done $0x0  }
0x41: {  	[sflag:s21] =	ssyncadd.s32 $0xFFFFF800  }
0x42: {  	[spmem:s15] =	stream.linear.scatter [tilespmem:s22], [sflag:$0x1], $0x800, $0x38;
	[tilespmem:$0xA500] =	vst v63  }
0x43: {  	_ =	swait.ge [sflag:s21], $0x800  }
0x44: {  	[sflag:s21] =	ssyncset.done $0x0  }
0x45: {  	[sflag:s21] =	ssyncadd.s32 $0xFFFFF800  }
0x46: {  	[spmem:s16] =	stream.linear.scatter [tilespmem:s22], [sflag:$0x1], $0x800, $0x38;
	[tilespmem:$0xA500] =	vst v63  }
0x47: {  	_ =	swait.ge [sflag:s21], $0x800  }
0x48: {  	[sflag:s21] =	ssyncset.done $0x0  }
0x49: {  	[sflag:s21] =	ssyncadd.s32 $0xFFFFF800  }
0x4a: {  	[spmem:s17] =	stream.linear.scatter [tilespmem:s22], [sflag:$0x1], $0x800, $0x38;
	[tilespmem:$0xA500] =	vst v63  }
0x4b: {  	_ =	swait.ge [sflag:s21], $0x800  }
0x4c: {  	[sflag:s21] =	ssyncset.done $0x0  }
0x4d: {  	[sflag:s21] =	ssyncadd.s32 $0xFFFFF800  }
0x4e: {  	[spmem:s18] =	stream.linear.scatter [tilespmem:s22], [sflag:$0x1], $0x800, $0x38;
	[tilespmem:$0xA500] =	vst v63  }
0x4f: {  	_ =	swait.ge [sflag:s21], $0x800  }
0x50: {  	[sflag:s21] =	ssyncset.done $0x0  }
0x51: {  	[sflag:s21] =	ssyncadd.s32 $0xFFFFF800  }
0x52: {  	[spmem:s19] =	stream.linear.scatter [tilespmem:s22], [sflag:$0x1], $0x580, $0x38;
	[tilespmem:$0xA500] =	vst v63  }
0x53: {  	_ =	swait.ge [sflag:s21], $0x580  }
0x54: {  	[sflag:s21] =	ssyncset.done $0x0  }
0x55: {  	s26 =	simm.s32 $0x40;
	s28 =	simm.s32 $0x0;
	[sflag:s21] =	ssyncadd.s32 $0xFFFFFA80  }
.LBB2_4:
0x56: {  	p0 =	sne.s32 s26, $0x1FC0;
	[tilespmem:s28+$0x2780] =	vst v1;
	s28 =	smov.u32 s26;
	s26 =	sadd.s32 $0x40, s26  }
.Ltmp1:
0x57: {  	(pc) =	sbr.rel @p0 .LBB2_4-.Ltmp1, $2  }
0x58: {  	_ =	sdelay $0x2  }
0x59: {  	s28 =	sshra.s32 s28, $0x2  }
0x5a: {  	[tilespmem:s28+$0x2780] =	vst v1  }
0x5b: {  	s26 =	simm.s32 $0x0;
	[bflag:$0x0] =	sbarrier.arrive $0xFFFF  }
0x5c: {  	[spmem:s2] =	stream.indirect.scatter.add.f32 [tilespmem:s22], [sflag:$0x1], $0x10, s26, s23, $0xb8;
	[tilespmem:$0xA500] =	vst v63  }
0x5d: {  	_ =	swait.ge [sflag:s21], $0x800  }
0x5e: {  	s26 =	simm.s32 $0x200;
	[sflag:s21] =	ssyncset.done $0x0  }
.LBB2_6:
0x5f: {  	s28 =	sshra.s32 s26, $0x2;
	[sflag:s21] =	ssyncadd.s32 $0xFFFFF800;
	p0 =	sne.s32 s26, $0x9C00  }
0x60: {  	[spmem:s2] =	stream.indirect.scatter.add.f32 [tilespmem:s22], [sflag:$0x1], $0x10, s28, s23, $0xb8;
	[tilespmem:$0xA500] =	vst v63  }
.Ltmp2:
0x61: {  	_ = 	snop;
	(pc) =	sbr.rel @p0 .LBB2_6-.Ltmp2, $4  }
0x62: {  	_ = 	snop  }
0x63: {  	s26 =	sadd.s32 $0x200, s26  }
0x64: {  	_ =	swait.ge [sflag:s21], $0x800  }
0x65: {  	[sflag:s21] =	ssyncset.done $0x0  }
0x66: {  	[sflag:s21] =	ssyncadd.s32 $0xFFFFF800;
	s25 =	sadd.s32 $0x1, s25  }
0x67: {  	s26 =	sshll.u32 s1, $0x6;
	s28 =	sshrl.u32 s5, $0x3;
	p0 =	sne.s32 s25, s20  }
.Ltmp3:
0x68: {  	[bflag:$0x0] =	sbarrier.arrive $0xFFFF;
	s26 =	sor.u32 $0x1C01, s26;
	(pc) =	sbr.rel @p0 .LBB2_1-.Ltmp3, $4  }
0x69: {  	[hbm:s24], [sflag:s26] =	dma.local [spmem:s28], $0xEB0  }
0x6a: {  	_ =	swait.ge [sflag:s21], $0xEB0  }
0x6b: {  	[sflag:s21] =	ssyncset.done $0x0  }
0x6c: {  	[sflag:s21] =	ssyncadd.s32 $0xFFFFF150  }
0x6d: {  	_ =	sfence.sel $0x180000  }
0x6e: {  	[bflag:$0x0] =	sbarrier.arrive $0xFFFF  }
0x6f: {  	p0 =	sne.s32 s1, $0x0;
	_ =	strace $0x9000004A  }
0x70: {  	s0 =	sadd.s32 @!p0 $0x100000, s0;
	[bflag:$0x2] =	sbarrier.arrive $0xFFFF  }
0x71: {  	[sflag:s0] =	ssyncadd.tile.s32 @!p0 $0x1;
	_ =	shalt  }
.Lfunc_end2:
_tile_overlayer_lowered:
.L_overlay_start_2:
0x72: {  	(tag) =	ssettag $0x2  }
0x73: {  	s0 =	rddreg [dreg:$0x0];
	s2 =	stileid.u32  }
0x74: {  	s1 =	rddreg [dreg:$0x1];
	p0 =	sne.s32 s2, $0x0  }
0x75: {  	s3 =	rddreg [dreg:$0x2];
	[bflag:$0x3] =	sbarrier.arrive $0xFFFF;
	s2 =	simm.s32 @!p0 $0x1C01  }
0x76: {  	[timem:s3], [sflag:s2] =	dma.local @!p0 [hbm:s0], s1  }
0x77: {  	s0 =	simm.s32 @!p0 $0x1  }
0x78: {  	_ =	swait.ge @!p0 [sflag:s0], s1  }
0x79: {  	s1 =	ssub.s32 @!p0 $0x0, s1;
	[sflag:s0] =	ssyncset.done @!p0 $0x0  }
0x7a: {  	[sflag:s0] =	ssyncadd.s32 @!p0 s1  }
0x7b: {  	[bflag:$0x3] =	sbarrier.arrive $0xFFFF  }
0x7c: {  	_ =	shalt  }

// kernel: kernel.13.cloned.1.call-start
scs
__scs_entry_jumppad:
0x0: {  	(pc) =	sbr.rel $0x88, $3  }
0x1: {  	(tag) =	ssettag $0x0;
	lr =	simm.s32 $0x1  }
0x2: {  	[smem:$0x3F94] =	sst lr;
	_ =	strace $0xD0000000  }
0x3: {  	_ = 	snop  }
0x4: {  	_ = 	snop  }
0x5: {  	_ = 	snop  }
0x6: {  	_ = 	snop  }
0x7: {  	_ = 	snop  }
__scs_overlays_trampoline_lowered:
0x8: {  	[smem:$0x3FA3] =	sst s0  }
0x9: {  	[smem:$0x3FA4] =	sst s1  }
0xa: {  	[smem:$0x3FA5] =	sst s2  }
0xb: {  	[smem:$0x3FA6] =	sst s3  }
0xc: {  	[smem:$0x3FA7] =	sst s4  }
0xd: {  	[smem:$0x3FA8] =	sst s5  }
0xe: {  	[smem:$0x3FA9] =	sst s6  }
0xf: {  	[smem:$0x3FAA] =	sst s7  }
0x10: {  	[smem:$0x3FAB] =	sst s8  }
0x11: {  	[smem:$0x3FAC] =	sst s9;
	s0 =	simm.s32 @!p0 $0x0  }
0x12: {  	s1 =	sld [smem:$0x3F92];
	s0 =	simm.s32 @p0 $0x1  }
0x13: {  	[smem:$0x3FAD] =	sst s0;
	s0 =	simm.s32 @!p1 $0x0  }
0x14: {  	s2 =	sld [smem:$0x3F91];
	s0 =	simm.s32 @p1 $0x1  }
0x15: {  	[smem:$0x3FAE] =	sst s0;
	s0 =	simm.s32 @!p2 $0x0  }
0x16: {  	s3 =	sld [smem:$0x3FDB];
	s0 =	simm.s32 @p2 $0x1  }
0x17: {  	s4 =	simm.s32 $0x1BF5;
	[smem:$0x3FB0] =	sst s0  }
0x18: {  	s0 =	sld [smem:$0x3F93];
	_ =	swait.ge [sflag:s4], $0x0  }
0x19: {  	s7 =	sld [smem:$0x3F94]  }
0x1a: {  	s8 =	sadd.s32 $0xFFFFE003, lr  }
0x1b: {  	s9 =	sadd.s32 $0xFFFFFEF7, lr;
	s5 =	simm.s32 $0xFFFFFFFF;
	p2 =	slt.u32 s8, $0xFFFFF086  }
0x1c: {  	p1 =	slt.u32 s9, $0xF7A;
	s5 =	simm.s32 @!p2 $0x0  }
0x1d: {  	s5 =	simm.s32 @p1 $0x1;
	p0 =	seq.s32 s7, s2  }
0x1e: {  	s7 =	smul.u32 @!p0 $0xF7A, s2;
	p2 =	seq.s32 @!p0 s5, $0x0  }
0x1f: {  	s9 =	smul.u32 $0xF7A, s1;
	s8 =	simm.s32 @!p0 $0x1BF5;
	p2 =	por !p2, p0  }
0x20: {  	[sflag:s8] =	ssyncset.s32 @!p0 $0xFFFFF086;
	s6 =	sadd.s32 @!p0 s3, s7;
	s7 =	simm.s32 @!p0 $0x108  }
0x21: {  	s3 =	sadd.s32 s3, s9;
	s6 =	sadd.s32 @!p0 $0x88, s6;
	s7 =	simm.s32 @p2 $0x1082  }
0x22: {  	[simem:s7], [sflag:s8] =	dma.local @!p0 [hbm:s6], $0xF7A  }
0x23: {  	s9 =	sor.u32 $0xD0000000, s2;
	s6 =	simm.s32 $0x108;
	_ =	swait.ge @!p0 [sflag:s8], $0x0  }
0x24: {  	s3 =	sadd.s32 $0x88, s3;
	s6 =	simm.s32 @!p1 $0x1082;
	[sflag:s4] =	ssyncset.s32 $0xFFFFF086  }
0x25: {  	[simem:s6], [sflag:s4] =	dma.local [hbm:s3], $0xF7A  }
0x26: {  	[smem:$0x3F94] =	sst s1;
	(tag) =	ssettag s2;
	_ =	strace s9  }
0x27: {  	s1 =	sld [smem:$0x3FA4]  }
0x28: {  	s2 =	sld [smem:$0x3FA5]  }
0x29: {  	s4 =	sld [smem:$0x3FA7]  }
0x2a: {  	p0 =	seq.s32 s5, $0x0;
	s5 =	sld [smem:$0x3FA8]  }
0x2b: {  	s6 =	sld [smem:$0x3FA9]  }
0x2c: {  	s7 =	sld [smem:$0x3FAA]  }
0x2d: {  	s3 =	simm.s32 $0x108;
	s8 =	sld [smem:$0x3FAB]  }
0x2e: {  	s3 =	simm.s32 @!p0 $0x1082;
	s9 =	sld [smem:$0x3FAC]  }
0x2f: {  	lr =	sadd.s32 s0, s3;
	s0 =	sld [smem:$0x3FA3]  }
0x30: {  	s3 =	sld [smem:$0x3FA6]  }
0x31: {  	[smem:$0x3FAF] =	sst s10  }
0x32: {  	s10 =	sld [smem:$0x3FAD];
	_ =	sdelay $0x3  }
0x33: {  	p0 =	seq.s32 s10, $0x1;
	s10 =	sld [smem:$0x3FAF];
	_ =	sdelay $0x3  }
0x34: {  	[smem:$0x3FAF] =	sst s10  }
0x35: {  	s10 =	sld [smem:$0x3FAE];
	_ =	sdelay $0x3  }
0x36: {  	p1 =	seq.s32 s10, $0x1;
	s10 =	sld [smem:$0x3FAF];
	_ =	sdelay $0x3  }
0x37: {  	[smem:$0x3FAF] =	sst s10  }
0x38: {  	s10 =	sld [smem:$0x3FB0]  }
0x39: {  	_ = 	snop;
	(pc) =	sbr.ind lr, $3  }
0x3a: {  	_ = 	snop  }
0x3b: {  	_ = 	snop  }
0x3c: {  	p2 =	seq.s32 s10, $0x1;
	s10 =	sld [smem:$0x3FAF]  }
0x3d: {  	_ =	shalt  }
0x3e: {  	_ =	shalt  }
0x3f: {  	_ =	shalt  }
0x40: {  	_ =	shalt  }
0x41: {  	_ =	shalt  }
0x42: {  	_ =	shalt  }
0x43: {  	_ =	shalt  }
0x44: {  	_ =	shalt  }
0x45: {  	_ =	shalt  }
0x46: {  	_ =	shalt  }
0x47: {  	_ =	shalt  }
0x48: {  	_ =	shalt  }
0x49: {  	_ =	shalt  }
0x4a: {  	_ =	shalt  }
0x4b: {  	_ =	shalt  }
0x4c: {  	_ =	shalt  }
0x4d: {  	_ =	shalt  }
0x4e: {  	_ =	shalt  }
0x4f: {  	_ =	shalt  }
0x50: {  	_ =	shalt  }
0x51: {  	_ =	shalt  }
0x52: {  	_ =	shalt  }
0x53: {  	_ =	shalt  }
0x54: {  	_ =	shalt  }
0x55: {  	_ =	shalt  }
0x56: {  	_ =	shalt  }
0x57: {  	_ =	shalt  }
0x58: {  	_ =	shalt  }
0x59: {  	_ =	shalt  }
0x5a: {  	_ =	shalt  }
0x5b: {  	_ =	shalt  }
0x5c: {  	_ =	shalt  }
0x5d: {  	_ =	shalt  }
0x5e: {  	_ =	shalt  }
0x5f: {  	_ =	shalt  }
0x60: {  	_ =	shalt  }
0x61: {  	_ =	shalt  }
0x62: {  	_ =	shalt  }
0x63: {  	_ =	shalt  }
0x64: {  	_ =	shalt  }
0x65: {  	_ =	shalt  }
0x66: {  	_ =	shalt  }
0x67: {  	_ =	shalt  }
0x68: {  	_ =	shalt  }
0x69: {  	_ =	shalt  }
0x6a: {  	_ =	shalt  }
0x6b: {  	_ =	shalt  }
0x6c: {  	_ =	shalt  }
0x6d: {  	_ =	shalt  }
0x6e: {  	_ =	shalt  }
0x6f: {  	_ =	shalt  }
0x70: {  	_ =	shalt  }
0x71: {  	_ =	shalt  }
0x72: {  	_ =	shalt  }
0x73: {  	_ =	shalt  }
0x74: {  	_ =	shalt  }
0x75: {  	_ =	shalt  }
0x76: {  	_ =	shalt  }
0x77: {  	_ =	shalt  }
0x78: {  	_ =	shalt  }
0x79: {  	_ =	shalt  }
0x7a: {  	_ =	shalt  }
0x7b: {  	_ =	shalt  }
0x7c: {  	_ =	shalt  }
0x7d: {  	_ =	shalt  }
0x7e: {  	_ =	shalt  }
0x7f: {  	_ =	shalt  }
0x80: {  	_ =	shalt  }
0x81: {  	_ =	shalt  }
0x82: {  	_ =	shalt  }
0x83: {  	_ =	shalt  }
0x84: {  	_ =	shalt  }
0x85: {  	_ =	shalt  }
0x86: {  	_ =	shalt  }
0x87: {  	_ =	shalt  }
.Lfunc_end0:
.L_simem_size_0:
called_computation.1_lowered:
.L_overlay_start_0:
0x88: {  	s2 =	sld [smem:$0x3FD9]  }
0x89: {  	s3 =	sld [smem:$0x3FFE];
	_ =	sdelay $0x1  }
0x8a: {  	s1 =	srdreg.scid  }
0x8b: {  	s0 =	sand.u32 $0x1, s1  }
0x8c: {  	s16 =	sshll.u32 s0, $0xA;
	s2 =	sadd.s32 s3, s2  }
0x8d: {  	s2 =	sadd.s32 s2, s16  }
0x8e: {  	[smem:$0x3FBB] =	sst s2  }
0x8f: {  	_ = 	snop  }
0x90: {  	(tm) =	ssettm $0x1  }
0x91: {  	s17 =	sld [smem:$0x3FFB];
	_ =	sdelay $0x3  }
0x92: {  	_ =	strace s17  }
0x93: {  	s2 =	sld [smem:$0x3FFC];
	_ =	sdelay $0x3  }
0x94: {  	_ =	strace s2  }
0x95: {  	s2 =	sld [smem:$0x3FFD];
	_ =	sdelay $0x3  }
0x96: {  	_ =	strace s2  }
0x97: {  	_ =	strace $0x8FFFFFFF  }
0x98: {  	s18 =	sld [smem:$0x3FDB];
	_ =	sdelay $0x1  }
0x99: {  	s19 =	simm.s32 $_scs_section_size  }
0x9a: {  	s4 =	simm.s32 $_size__tile_overlayer_lowered;
	s5 =	simm.s32 $_tile_overlayer_lowered  }
0x9b: {  	s22 =	simm.s32 $0x1BFF;
	s21 =	sshll.u32 s5, $0x1;
	s2 =	sadd.s32 s19, s18  }
0x9c: {  	s6 =	simm.s32 $0x0;
	s20 =	sshll.u32 s4, $0x1;
	s4 =	sadd.s32 s21, s2  }
0x9d: {  	[timem:s6], [sflag:s22] =	dma.local [hbm:s4], s20  }
0x9e: {  	_ =	swait.ge [sflag:s22], s20  }
0x9f: {  	s3 =	ssub.s32 $0x0, s20;
	[sflag:s22] =	ssyncset.done $0x0  }
0xa0: {  	[sflag:s22] =	ssyncadd.s32 s3;
	_ =	sdelay $0x1  }
0xa1: {  	s23 =	simm.s32 $0x1B8B  }
0xa2: {  	_ =	swait.ge [sflag:s23], $0x1  }
0xa3: {  	[sflag:s23] =	ssyncset.done $0x0  }
0xa4: {  	s25 =	simm.s32 $0x1B8E;
	s24 =	sld [smem:$0x3FFE];
	[sflag:s23] =	ssyncadd.s32 $0xFFFFFFFF  }
0xa5: {  	s26 =	simm.s32 $execute0_lowered;
	[smem:$0x3FD2] =	sst s25  }
0xa6: {  	s4 =	sshll.u32 s26, $0x1;
	_ =	strace $0x80000046;
	[dreg:$0x1] =	wrdreg $0xFFFFFFFF  }
0xa7: {  	s28 =	simm.s32 $_size_execute0_lowered;
	s2 =	sadd.s32 s2, s4;
	[dreg:$0x0] =	wrdreg $0x0  }
0xa8: {  	s4 =	sshll.u32 s28, $0x1;
	[dreg:$0x2] =	wrdreg s2  }
0xa9: {  	[dreg:$0x3] =	wrdreg s4  }
0xaa: {  	[dreg:$0x4] =	wrdreg $0xC0  }
0xab: {  	_ =	task [dreg:s6], $0x5FFFF  }
0xac: {  	[dreg:$0x1] =	wrdreg $0xFFFFFFFF  }
0xad: {  	[dreg:$0x0] =	wrdreg $0x60  }
0xae: {  	[dreg:$0x2] =	wrdreg s24  }
0xaf: {  	[dreg:$0x3] =	wrdreg $0x5F000  }
0xb0: {  	[dreg:$0x4] =	wrdreg $0xA  }
0xb1: {  	_ =	task.clear_ibuf [dreg:s6], $0x5FFFF;
	_ =	strace $0x90000046  }
0xb2: {  	s29 =	simm.s32 $0xA;
	_ =	strace $0x80000048  }
0xb3: {  	_ =	swait.ge [sflag:s29], $0x1  }
0xb4: {  	[sflag:s29] =	ssyncadd.s32 $0xFFFFFFFF  }
0xb5: {  	_ =	strace $0x90000048  }
0xb6: {  	_ =	sfence  }
0xb7: {  	s30 =	sld [smem:$0x0];
	_ =	sdelay $0x2  }
0xb8: {  	s31 =	sshll.u32 s1, $0xD;
	s1 =	sshrl.u32 s1, $0x2  }
0xb9: {  	s3 =	sand.u32 $0x4000, s31;
	s1 =	sadd.s32 s1, s30  }
0xba: {  	s0 =	sor.u32 s3, s0;
	s1 =	sshll.u32 s1, $0x11  }
0xbb: {  	s0 =	sor.u32 s1, s0  }
0xbc: {  	s0 =	sadd.s32 $0x8F2B, s0  }
0xbd: {  	[sflag:s0] =	ssyncadd.remote.s32 $0x1  }
0xbe: {  	_ =	sfence.sel $0xFFFF  }
0xbf: {  	[dreg:$0x0] =	wrdreg $0xFFFFFFFF;
	(pc) =	sbr.abs _section_cstart, $3  }
0xc0: {  	[dreg:$0x1] =	wrdreg $0xFFFFFFFF  }
0xc1: {  	_ =	task.clear_ibuf [dreg:s6], $0x2FFFF;
	_ =	strace $0x9FFFFFFF  }
0xc2: {  	(tm) =	ssettm $0x7FFFFFFF  }
0xc3: {  	_ =	shalt  }
tec
execute0_lowered:
.L_overlay_start_1:
0x0: {  	(tag) =	ssettag $0x1  }
0x1: {  	s0 =	srdreg.scid;
	s1 =	rddreg [dreg:$0x0]  }
0x2: {  	s2 =	rddreg [dreg:$0x1];
	s8 =	stileid.u32;
	s4 =	simm.s32 $0x0  }
0x3: {  	s29 =	simm.s32 $0x4F00;
	s30 =	simm.s32 $0x80;
	s31 =	simm.s32 $0x0  }
0x4: {  	s0 =	sand.u32 $0x1, s0;
	[smem:$0x7FF] =	sst s4;
	s7 =	smul.u32 $0x3AC00, s8  }
0x5: {  	s4 =	sadd.s32 $0x3E200, s1;
	s5 =	sadd.s32 $0x20C00, s1;
	s24 =	smul.u32 $0xEB00, s8  }
0x6: {  	s3 =	sshll.u32 s0, $0x4;
	s6 =	smul.u32 $0x3AC00, s0;
	s0 =	ssub.s32 $0x2, s0  }
0x7: {  	_ =	strace $0x80000047;
	s3 =	sor.u32 s8, s3;
	s25 =	sshrl.u32 s0, $0x1  }
0x8: {  	s7 =	sshrl.u32 s7, $0x2;
	s8 =	sadd.s32 s24, s2;
	s24 =	sshrl.u32 s24, $0x3  }
0x9: {  	s3 =	smul.u32 $0x4F0, s3;
	s0 =	ssub.s32 s0, s25;
	s28 =	sadd.s32 s7, s2  }
0xa: {  	s9 =	sadd.s32 $0x1000, s28;
	s10 =	sadd.s32 $0x2000, s28;
	s11 =	sadd.s32 $0x3000, s28  }
0xb: {  	s12 =	sadd.s32 $0x4000, s28;
	s13 =	sadd.s32 $0x5000, s28;
	s14 =	sadd.s32 $0x6000, s28  }
0xc: {  	s15 =	sadd.s32 $0x7000, s28;
	s16 =	sadd.s32 $0x8000, s28;
	s17 =	sadd.s32 $0x9000, s28  }
0xd: {  	s18 =	sadd.s32 $0xA000, s28;
	s19 =	sadd.s32 $0xB000, s28;
	s3 =	sadd.s32 s3, s1  }
0xe: {  	s20 =	sadd.s32 $0xC000, s28;
	s21 =	sadd.s32 $0xD000, s28;
	s26 =	sadd.s32 $0x16E00, s3  }
0xf: {  	s1 =	sadd.s32 s6, s1;
	s3 =	sadd.s32 $0xD000, s3;
	[dreg:$0x3] =	wrdreg s26  }
0x10: {  	s22 =	sadd.s32 $0xE000, s28;
	s1 =	sadd.s32 $0x5B800, s1;
	[dreg:$0x4] =	wrdreg s3  }
0x11: {  	v0 =	vimm.f32 $0.0e+00;
	s25 =	smax.u32 s0, $0x1;
	[dreg:$0x5] =	wrdreg s1;
	s26 =	simm.s32 $0x1  }
.LBB2_1:
0x12: {  	s0 =	simm.s32 $0x0;
	s1 =	rddreg [dreg:$0x3]  }
0x13: {  	[tilespmem:s0], [sflag:$0x1] =	stream.linear.gather [hbm4b:s1+s0], $0x2780, $0x38;
	[tilespmem:$0x14A00] =	vst v63  }
0x14: {  	_ =	swait.ge [sflag:s26], $0x2780  }
0x15: {  	[sflag:s26] =	ssyncset.done $0x0  }
0x16: {  	s3 =	simm.s32 $0x2780;
	s28 =	rddreg [dreg:$0x4];
	[sflag:s26] =	ssyncadd.s32 $0xFFFFD880  }
0x17: {  	[tilespmem:s3], [sflag:$0x1] =	stream.linear.gather [hbm4b:s28+s0], $0x2780, $0x38;
	[tilespmem:$0x14A00] =	vst v63  }
0x18: {  	_ =	swait.ge [sflag:s26], $0x2780  }
0x19: {  	[sflag:s26] =	ssyncset.done $0x0  }
0x1a: {  	s1 =	simm.s32 $0x0;
	s0 =	simm.s32 $0x80;
	[sflag:s26] =	ssyncadd.s32 $0xFFFFD880  }
.LBB2_2:
0x1b: {  	p0 =	sne.s32 s0, $0x3F80;
	[tilespmem:s1+$0x4F00] =	vst v0;
	s3 =	smov.u32 s0;
	s0 =	sadd.s32 $0x80, s0  }
.Ltmp0:
0x1c: {  	[tilespmem:s1+$0x4F10] =	vst v0;
	(pc) =	sbr.rel @p0 .LBB2_2-.Ltmp0, $2  }
0x1d: {  	_ =	sdelay $0x2  }
0x1e: {  	s1 =	sshra.s32 s3, $0x2  }
0x1f: {  	[tilespmem:s1+$0x4F00] =	vst v0  }
0x20: {  	[tilespmem:s1+$0x4F10] =	vst v0  }
0x21: {  	[spmem:s8] =	stream.linear.scatter [tilespmem:s29], [sflag:$0x1], $0x1000, $0x38;
	[tilespmem:$0x14A00] =	vst v63  }
0x22: {  	_ =	swait.ge [sflag:s26], $0x1000  }
0x23: {  	[sflag:s26] =	ssyncset.done $0x0  }
0x24: {  	[sflag:s26] =	ssyncadd.s32 $0xFFFFF000  }
0x25: {  	[spmem:s9] =	stream.linear.scatter [tilespmem:s29], [sflag:$0x1], $0x1000, $0x38;
	[tilespmem:$0x14A00] =	vst v63  }
0x26: {  	_ =	swait.ge [sflag:s26], $0x1000  }
0x27: {  	[sflag:s26] =	ssyncset.done $0x0  }
0x28: {  	[sflag:s26] =	ssyncadd.s32 $0xFFFFF000  }
0x29: {  	[spmem:s10] =	stream.linear.scatter [tilespmem:s29], [sflag:$0x1], $0x1000, $0x38;
	[tilespmem:$0x14A00] =	vst v63  }
0x2a: {  	_ =	swait.ge [sflag:s26], $0x1000  }
0x2b: {  	[sflag:s26] =	ssyncset.done $0x0  }
0x2c: {  	[sflag:s26] =	ssyncadd.s32 $0xFFFFF000  }
0x2d: {  	[spmem:s11] =	stream.linear.scatter [tilespmem:s29], [sflag:$0x1], $0x1000, $0x38;
	[tilespmem:$0x14A00] =	vst v63  }
0x2e: {  	_ =	swait.ge [sflag:s26], $0x1000  }
0x2f: {  	[sflag:s26] =	ssyncset.done $0x0  }
0x30: {  	[sflag:s26] =	ssyncadd.s32 $0xFFFFF000  }
0x31: {  	[spmem:s12] =	stream.linear.scatter [tilespmem:s29], [sflag:$0x1], $0x1000, $0x38;
	[tilespmem:$0x14A00] =	vst v63  }
0x32: {  	_ =	swait.ge [sflag:s26], $0x1000  }
0x33: {  	[sflag:s26] =	ssyncset.done $0x0  }
0x34: {  	[sflag:s26] =	ssyncadd.s32 $0xFFFFF000  }
0x35: {  	[spmem:s13] =	stream.linear.scatter [tilespmem:s29], [sflag:$0x1], $0x1000, $0x38;
	[tilespmem:$0x14A00] =	vst v63  }
0x36: {  	_ =	swait.ge [sflag:s26], $0x1000  }
0x37: {  	[sflag:s26] =	ssyncset.done $0x0  }
0x38: {  	[sflag:s26] =	ssyncadd.s32 $0xFFFFF000  }
0x39: {  	[spmem:s14] =	stream.linear.scatter [tilespmem:s29], [sflag:$0x1], $0x1000, $0x38;
	[tilespmem:$0x14A00] =	vst v63  }
0x3a: {  	_ =	swait.ge [sflag:s26], $0x1000  }
0x3b: {  	[sflag:s26] =	ssyncset.done $0x0  }
0x3c: {  	[sflag:s26] =	ssyncadd.s32 $0xFFFFF000  }
0x3d: {  	[spmem:s15] =	stream.linear.scatter [tilespmem:s29], [sflag:$0x1], $0x1000, $0x38;
	[tilespmem:$0x14A00] =	vst v63  }
0x3e: {  	_ =	swait.ge [sflag:s26], $0x1000  }
0x3f: {  	[sflag:s26] =	ssyncset.done $0x0  }
0x40: {  	[sflag:s26] =	ssyncadd.s32 $0xFFFFF000  }
0x41: {  	[spmem:s16] =	stream.linear.scatter [tilespmem:s29], [sflag:$0x1], $0x1000, $0x38;
	[tilespmem:$0x14A00] =	vst v63  }
0x42: {  	_ =	swait.ge [sflag:s26], $0x1000  }
0x43: {  	[sflag:s26] =	ssyncset.done $0x0  }
0x44: {  	[sflag:s26] =	ssyncadd.s32 $0xFFFFF000  }
0x45: {  	[spmem:s17] =	stream.linear.scatter [tilespmem:s29], [sflag:$0x1], $0x1000, $0x38;
	[tilespmem:$0x14A00] =	vst v63  }
0x46: {  	_ =	swait.ge [sflag:s26], $0x1000  }
0x47: {  	[sflag:s26] =	ssyncset.done $0x0  }
0x48: {  	[sflag:s26] =	ssyncadd.s32 $0xFFFFF000  }
0x49: {  	[spmem:s18] =	stream.linear.scatter [tilespmem:s29], [sflag:$0x1], $0x1000, $0x38;
	[tilespmem:$0x14A00] =	vst v63  }
0x4a: {  	_ =	swait.ge [sflag:s26], $0x1000  }
0x4b: {  	[sflag:s26] =	ssyncset.done $0x0  }
0x4c: {  	[sflag:s26] =	ssyncadd.s32 $0xFFFFF000  }
0x4d: {  	[spmem:s19] =	stream.linear.scatter [tilespmem:s29], [sflag:$0x1], $0x1000, $0x38;
	[tilespmem:$0x14A00] =	vst v63  }
0x4e: {  	_ =	swait.ge [sflag:s26], $0x1000  }
0x4f: {  	[sflag:s26] =	ssyncset.done $0x0  }
0x50: {  	[sflag:s26] =	ssyncadd.s32 $0xFFFFF000  }
0x51: {  	[spmem:s20] =	stream.linear.scatter [tilespmem:s29], [sflag:$0x1], $0x1000, $0x38;
	[tilespmem:$0x14A00] =	vst v63  }
0x52: {  	_ =	swait.ge [sflag:s26], $0x1000  }
0x53: {  	[sflag:s26] =	ssyncset.done $0x0  }
0x54: {  	[sflag:s26] =	ssyncadd.s32 $0xFFFFF000  }
0x55: {  	[spmem:s21] =	stream.linear.scatter [tilespmem:s29], [sflag:$0x1], $0x1000, $0x38;
	[tilespmem:$0x14A00] =	vst v63  }
0x56: {  	_ =	swait.ge [sflag:s26], $0x1000  }
0x57: {  	[sflag:s26] =	ssyncset.done $0x0  }
0x58: {  	[sflag:s26] =	ssyncadd.s32 $0xFFFFF000  }
0x59: {  	[spmem:s22] =	stream.linear.scatter [tilespmem:s29], [sflag:$0x1], $0xB00, $0x38;
	[tilespmem:$0x14A00] =	vst v63  }
0x5a: {  	_ =	swait.ge [sflag:s26], $0xB00  }
0x5b: {  	[sflag:s26] =	ssyncset.done $0x0  }
0x5c: {  	[sflag:s26] =	ssyncadd.s32 $0xFFFFF500  }
0x5d: {  	s0 =	simm.s32 $0x0;
	[bflag:$0x0] =	sbarrier.arrive $0xFFFF  }
0x5e: {  	[tilespmem:s29], [sflag:$0x1] =	stream.indirect.gather [hbm4b:s4+s30], $0x20, s0, s30, $0xb8;
	[tilespmem:$0x14A00] =	vst v63  }
0x5f: {  	_ =	swait.ge [sflag:s26], $0x1000  }
0x60: {  	[sflag:s26] =	ssyncset.done $0x0  }
0x61: {  	s28 =	simm.s32 $0x2780;
	[sflag:s26] =	ssyncadd.s32 $0xFFFFF000  }
0x62: {  	[spmem:s2] =	stream.indirect.scatter.add.f32 [tilespmem:s29], [sflag:$0x1], $0x20, s28, s30, $0xb8;
	[tilespmem:$0x14A00] =	vst v63  }
0x63: {  	_ =	swait.ge [sflag:s26], $0x1000  }
0x64: {  	s1 =	simm.s32 $0x400;
	s0 =	simm.s32 $0x200;
	[sflag:s26] =	ssyncset.done $0x0  }
.LBB2_4:
0x65: {  	s3 =	sshra.s32 s0, $0x2  }
0x66: {  	[sflag:s26] =	ssyncadd.s32 $0xFFFFF000;
	s0 =	smov.u32 s1;
	s6 =	sadd.s32 $0x200, s1  }
0x67: {  	[tilespmem:s29], [sflag:$0x1] =	stream.indirect.gather [hbm4b:s4+s30], $0x20, s3, s30, $0xb8;
	[tilespmem:$0x14A00] =	vst v63  }
0x68: {  	p0 =	sne.s32 s1, $0x9C00;
	_ =	swait.ge [sflag:s26], $0x1000  }
.Ltmp1:
0x69: {  	[sflag:s26] =	ssyncset.done $0x0;
	(pc) =	sbr.rel @p0 .LBB2_4-.Ltmp1, $4  }
0x6a: {  	s1 =	sadd.s32 $0x2780, s3;
	[sflag:s26] =	ssyncadd.s32 $0xFFFFF000  }
0x6b: {  	[spmem:s2] =	stream.indirect.scatter.add.f32 [tilespmem:s29], [sflag:$0x1], $0x20, s1, s30, $0xb8;
	[tilespmem:$0x14A00] =	vst v63  }
0x6c: {  	_ =	swait.ge [sflag:s26], $0x1000  }
0x6d: {  	s1 =	smov.u32 s6;
	[sflag:s26] =	ssyncset.done $0x0  }
0x6e: {  	s0 =	sshra.s32 s0, $0x2;
	[sflag:s26] =	ssyncadd.s32 $0xFFFFF000  }
0x6f: {  	[tilespmem:s29], [sflag:$0x1] =	stream.indirect.gather [hbm4b:s4+s30], $0x20, s0, s30, $0xb8;
	[tilespmem:$0x14A00] =	vst v63  }
0x70: {  	_ =	swait.ge [sflag:s26], $0x1000  }
0x71: {  	[sflag:s26] =	ssyncset.done $0x0  }
0x72: {  	s0 =	sadd.s32 $0x2780, s0;
	[sflag:s26] =	ssyncadd.s32 $0xFFFFF000  }
0x73: {  	[spmem:s2] =	stream.indirect.scatter.add.f32 [tilespmem:s29], [sflag:$0x1], $0x20, s0, s30, $0xb8;
	[tilespmem:$0x14A00] =	vst v63  }
0x74: {  	_ =	swait.ge [sflag:s26], $0x1000  }
0x75: {  	[sflag:s26] =	ssyncset.done $0x0  }
0x76: {  	[sflag:s26] =	ssyncadd.s32 $0xFFFFF000  }
0x77: {  	s23 =	stileid.u32;
	[bflag:$0x0] =	sbarrier.arrive $0xFFFF  }
0x78: {  	s0 =	sshll.u32 s23, $0x6;
	s1 =	rddreg [dreg:$0x5]  }
0x79: {  	s28 =	sshrl.u32 s8, $0x3;
	s0 =	sor.u32 $0x1C01, s0;
	s1 =	sadd.s32 s24, s1  }
0x7a: {  	[hbm:s1], [sflag:s0] =	dma.local [spmem:s28], $0x1D60  }
0x7b: {  	_ =	swait.ge [sflag:s26], $0x1D60  }
0x7c: {  	[sflag:s26] =	ssyncset.done $0x0  }
0x7d: {  	[sflag:s26] =	ssyncadd.s32 $0xFFFFE2A0  }
0x7e: {  	s3 =	simm.s32 $0x80;
	s6 =	simm.s32 $0x0;
	[bflag:$0x0] =	sbarrier.arrive $0xFFFF  }
.LBB2_6:
0x7f: {  	p0 =	sne.s32 s3, $0x3F80;
	[tilespmem:s6+$0x4F00] =	vst v0;
	s7 =	smov.u32 s3;
	s3 =	sadd.s32 $0x80, s3  }
.Ltmp2:
0x80: {  	[tilespmem:s6+$0x4F10] =	vst v0;
	(pc) =	sbr.rel @p0 .LBB2_6-.Ltmp2, $2  }
0x81: {  	_ =	sdelay $0x2  }
0x82: {  	s6 =	sshra.s32 s7, $0x2  }
0x83: {  	[tilespmem:s6+$0x4F00] =	vst v0  }
0x84: {  	[tilespmem:s6+$0x4F10] =	vst v0  }
0x85: {  	[spmem:s8] =	stream.linear.scatter [tilespmem:s29], [sflag:$0x1], $0x1000, $0x38;
	[tilespmem:$0x14A00] =	vst v63  }
0x86: {  	_ =	swait.ge [sflag:s26], $0x1000  }
0x87: {  	[sflag:s26] =	ssyncset.done $0x0  }
0x88: {  	[sflag:s26] =	ssyncadd.s32 $0xFFFFF000  }
0x89: {  	[spmem:s9] =	stream.linear.scatter [tilespmem:s29], [sflag:$0x1], $0x1000, $0x38;
	[tilespmem:$0x14A00] =	vst v63  }
0x8a: {  	_ =	swait.ge [sflag:s26], $0x1000  }
0x8b: {  	[sflag:s26] =	ssyncset.done $0x0  }
0x8c: {  	[sflag:s26] =	ssyncadd.s32 $0xFFFFF000  }
0x8d: {  	[spmem:s10] =	stream.linear.scatter [tilespmem:s29], [sflag:$0x1], $0x1000, $0x38;
	[tilespmem:$0x14A00] =	vst v63  }
0x8e: {  	_ =	swait.ge [sflag:s26], $0x1000  }
0x8f: {  	[sflag:s26] =	ssyncset.done $0x0  }
0x90: {  	[sflag:s26] =	ssyncadd.s32 $0xFFFFF000  }
0x91: {  	[spmem:s11] =	stream.linear.scatter [tilespmem:s29], [sflag:$0x1], $0x1000, $0x38;
	[tilespmem:$0x14A00] =	vst v63  }
0x92: {  	_ =	swait.ge [sflag:s26], $0x1000  }
0x93: {  	[sflag:s26] =	ssyncset.done $0x0  }
0x94: {  	[sflag:s26] =	ssyncadd.s32 $0xFFFFF000  }
0x95: {  	[spmem:s12] =	stream.linear.scatter [tilespmem:s29], [sflag:$0x1], $0x1000, $0x38;
	[tilespmem:$0x14A00] =	vst v63  }
0x96: {  	_ =	swait.ge [sflag:s26], $0x1000  }
0x97: {  	[sflag:s26] =	ssyncset.done $0x0  }
0x98: {  	[sflag:s26] =	ssyncadd.s32 $0xFFFFF000  }
0x99: {  	[spmem:s13] =	stream.linear.scatter [tilespmem:s29], [sflag:$0x1], $0x1000, $0x38;
	[tilespmem:$0x14A00] =	vst v63  }
0x9a: {  	_ =	swait.ge [sflag:s26], $0x1000  }
0x9b: {  	[sflag:s26] =	ssyncset.done $0x0  }
0x9c: {  	[sflag:s26] =	ssyncadd.s32 $0xFFFFF000  }
0x9d: {  	[spmem:s14] =	stream.linear.scatter [tilespmem:s29], [sflag:$0x1], $0x1000, $0x38;
	[tilespmem:$0x14A00] =	vst v63  }
0x9e: {  	_ =	swait.ge [sflag:s26], $0x1000  }
0x9f: {  	[sflag:s26] =	ssyncset.done $0x0  }
0xa0: {  	[sflag:s26] =	ssyncadd.s32 $0xFFFFF000  }
0xa1: {  	[spmem:s15] =	stream.linear.scatter [tilespmem:s29], [sflag:$0x1], $0x1000, $0x38;
	[tilespmem:$0x14A00] =	vst v63  }
0xa2: {  	_ =	swait.ge [sflag:s26], $0x1000  }
0xa3: {  	[sflag:s26] =	ssyncset.done $0x0  }
0xa4: {  	[sflag:s26] =	ssyncadd.s32 $0xFFFFF000  }
0xa5: {  	[spmem:s16] =	stream.linear.scatter [tilespmem:s29], [sflag:$0x1], $0x1000, $0x38;
	[tilespmem:$0x14A00] =	vst v63  }
0xa6: {  	_ =	swait.ge [sflag:s26], $0x1000  }
0xa7: {  	[sflag:s26] =	ssyncset.done $0x0  }
0xa8: {  	[sflag:s26] =	ssyncadd.s32 $0xFFFFF000  }
0xa9: {  	[spmem:s17] =	stream.linear.scatter [tilespmem:s29], [sflag:$0x1], $0x1000, $0x38;
	[tilespmem:$0x14A00] =	vst v63  }
0xaa: {  	_ =	swait.ge [sflag:s26], $0x1000  }
0xab: {  	[sflag:s26] =	ssyncset.done $0x0  }
0xac: {  	[sflag:s26] =	ssyncadd.s32 $0xFFFFF000  }
0xad: {  	[spmem:s18] =	stream.linear.scatter [tilespmem:s29], [sflag:$0x1], $0x1000, $0x38;
	[tilespmem:$0x14A00] =	vst v63  }
0xae: {  	_ =	swait.ge [sflag:s26], $0x1000  }
0xaf: {  	[sflag:s26] =	ssyncset.done $0x0  }
0xb0: {  	[sflag:s26] =	ssyncadd.s32 $0xFFFFF000  }
0xb1: {  	[spmem:s19] =	stream.linear.scatter [tilespmem:s29], [sflag:$0x1], $0x1000, $0x38;
	[tilespmem:$0x14A00] =	vst v63  }
0xb2: {  	_ =	swait.ge [sflag:s26], $0x1000  }
0xb3: {  	[sflag:s26] =	ssyncset.done $0x0  }
0xb4: {  	[sflag:s26] =	ssyncadd.s32 $0xFFFFF000  }
0xb5: {  	[spmem:s20] =	stream.linear.scatter [tilespmem:s29], [sflag:$0x1], $0x1000, $0x38;
	[tilespmem:$0x14A00] =	vst v63  }
0xb6: {  	_ =	swait.ge [sflag:s26], $0x1000  }
0xb7: {  	[sflag:s26] =	ssyncset.done $0x0  }
0xb8: {  	[sflag:s26] =	ssyncadd.s32 $0xFFFFF000  }
0xb9: {  	[spmem:s21] =	stream.linear.scatter [tilespmem:s29], [sflag:$0x1], $0x1000, $0x38;
	[tilespmem:$0x14A00] =	vst v63  }
0xba: {  	_ =	swait.ge [sflag:s26], $0x1000  }
0xbb: {  	[sflag:s26] =	ssyncset.done $0x0  }
0xbc: {  	[sflag:s26] =	ssyncadd.s32 $0xFFFFF000  }
0xbd: {  	[spmem:s22] =	stream.linear.scatter [tilespmem:s29], [sflag:$0x1], $0xB00, $0x38;
	[tilespmem:$0x14A00] =	vst v63  }
0xbe: {  	_ =	swait.ge [sflag:s26], $0xB00  }
0xbf: {  	[sflag:s26] =	ssyncset.done $0x0  }
0xc0: {  	[sflag:s26] =	ssyncadd.s32 $0xFFFFF500  }
0xc1: {  	s3 =	simm.s32 $0x0;
	[bflag:$0x0] =	sbarrier.arrive $0xFFFF  }
0xc2: {  	[tilespmem:s29], [sflag:$0x1] =	stream.indirect.gather [hbm4b:s5+s30], $0x20, s3, s30, $0xb8;
	[tilespmem:$0x14A00] =	vst v63  }
0xc3: {  	_ =	swait.ge [sflag:s26], $0x1000  }
0xc4: {  	[sflag:s26] =	ssyncset.done $0x0  }
0xc5: {  	s23 =	simm.s32 $0x2780;
	[sflag:s26] =	ssyncadd.s32 $0xFFFFF000  }
0xc6: {  	[spmem:s2] =	stream.indirect.scatter.add.f32 [tilespmem:s29], [sflag:$0x1], $0x20, s23, s30, $0xb8;
	[tilespmem:$0x14A00] =	vst v63  }
0xc7: {  	_ =	swait.ge [sflag:s26], $0x1000  }
0xc8: {  	s6 =	simm.s32 $0x400;
	s3 =	simm.s32 $0x200;
	[sflag:s26] =	ssyncset.done $0x0  }
.LBB2_8:
0xc9: {  	s7 =	sshra.s32 s3, $0x2  }
0xca: {  	[sflag:s26] =	ssyncadd.s32 $0xFFFFF000;
	s3 =	smov.u32 s6;
	s23 =	sadd.s32 $0x200, s6  }
0xcb: {  	[tilespmem:s29], [sflag:$0x1] =	stream.indirect.gather [hbm4b:s5+s30], $0x20, s7, s30, $0xb8;
	[tilespmem:$0x14A00] =	vst v63  }
0xcc: {  	p0 =	sne.s32 s6, $0x9C00;
	_ =	swait.ge [sflag:s26], $0x1000  }
.Ltmp3:
0xcd: {  	[sflag:s26] =	ssyncset.done $0x0;
	(pc) =	sbr.rel @p0 .LBB2_8-.Ltmp3, $4  }
0xce: {  	s6 =	sadd.s32 $0x2780, s7;
	[sflag:s26] =	ssyncadd.s32 $0xFFFFF000  }
0xcf: {  	[spmem:s2] =	stream.indirect.scatter.add.f32 [tilespmem:s29], [sflag:$0x1], $0x20, s6, s30, $0xb8;
	[tilespmem:$0x14A00] =	vst v63  }
0xd0: {  	_ =	swait.ge [sflag:s26], $0x1000  }
0xd1: {  	s6 =	smov.u32 s23;
	[sflag:s26] =	ssyncset.done $0x0  }
0xd2: {  	s3 =	sshra.s32 s3, $0x2;
	[sflag:s26] =	ssyncadd.s32 $0xFFFFF000  }
0xd3: {  	[tilespmem:s29], [sflag:$0x1] =	stream.indirect.gather [hbm4b:s5+s30], $0x20, s3, s30, $0xb8;
	[tilespmem:$0x14A00] =	vst v63  }
0xd4: {  	_ =	swait.ge [sflag:s26], $0x1000  }
0xd5: {  	[sflag:s26] =	ssyncset.done $0x0  }
0xd6: {  	s3 =	sadd.s32 $0x2780, s3;
	[sflag:s26] =	ssyncadd.s32 $0xFFFFF000  }
0xd7: {  	[spmem:s2] =	stream.indirect.scatter.add.f32 [tilespmem:s29], [sflag:$0x1], $0x20, s3, s30, $0xb8;
	[tilespmem:$0x14A00] =	vst v63  }
0xd8: {  	_ =	swait.ge [sflag:s26], $0x1000  }
0xd9: {  	s31 =	sadd.s32 $0x1, s31;
	[sflag:s26] =	ssyncset.done $0x0  }
0xda: {  	p0 =	sne.s32 s31, s25;
	[sflag:s26] =	ssyncadd.s32 $0xFFFFF000  }
.Ltmp4:
0xdb: {  	s1 =	sadd.s32 $0x1D600, s1;
	[bflag:$0x0] =	sbarrier.arrive $0xFFFF;
	(pc) =	sbr.rel @p0 .LBB2_1-.Ltmp4, $4  }
0xdc: {  	[hbm:s1], [sflag:s0] =	dma.local [spmem:s28], $0x1D60  }
0xdd: {  	_ =	swait.ge [sflag:s26], $0x1D60  }
0xde: {  	[sflag:s26] =	ssyncset.done $0x0  }
0xdf: {  	[sflag:s26] =	ssyncadd.s32 $0xFFFFE2A0  }
0xe0: {  	_ =	sfence.sel $0x180000  }
0xe1: {  	[bflag:$0x0] =	sbarrier.arrive $0xFFFF  }
0xe2: {  	_ =	strace $0x90000047  }
0xe3: {  	s0 =	stileid.u32;
	[bflag:$0x2] =	sbarrier.arrive $0xFFFF  }
0xe4: {  	p0 =	sne.s32 s0, $0x0;
	s0 =	rddreg [dreg:$0x2]  }
0xe5: {  	s0 =	sadd.s32 @!p0 $0x100000, s0  }
0xe6: {  	[sflag:s0] =	ssyncadd.tile.s32 @!p0 $0x1;
	_ =	shalt  }
.Lfunc_end2:
_tile_overlayer_lowered:
.L_overlay_start_2:
0xe7: {  	(tag) =	ssettag $0x2  }
0xe8: {  	s0 =	rddreg [dreg:$0x0];
	s2 =	stileid.u32  }
0xe9: {  	s1 =	rddreg [dreg:$0x1];
	p0 =	sne.s32 s2, $0x0  }
0xea: {  	s3 =	rddreg [dreg:$0x2];
	[bflag:$0x3] =	sbarrier.arrive $0xFFFF;
	s2 =	simm.s32 @!p0 $0x1C01  }
0xeb: {  	[timem:s3], [sflag:s2] =	dma.local @!p0 [hbm:s0], s1  }
0xec: {  	s0 =	simm.s32 @!p0 $0x1  }
0xed: {  	_ =	swait.ge @!p0 [sflag:s0], s1  }
0xee: {  	s1 =	ssub.s32 @!p0 $0x0, s1;
	[sflag:s0] =	ssyncset.done @!p0 $0x0  }
0xef: {  	[sflag:s0] =	ssyncadd.s32 @!p0 s1  }
0xf0: {  	[bflag:$0x3] =	sbarrier.arrive $0xFFFF  }
0xf1: {  	_ =	shalt  }

// kernel: kernel.16.cloned.1.call-start
scs
__scs_entry_jumppad:
0x0: {  	(pc) =	sbr.rel $0x88, $3  }
0x1: {  	(tag) =	ssettag $0x0;
	lr =	simm.s32 $0x1  }
0x2: {  	[smem:$0x3F94] =	sst lr;
	_ =	strace $0xD0000000  }
0x3: {  	_ = 	snop  }
0x4: {  	_ = 	snop  }
0x5: {  	_ = 	snop  }
0x6: {  	_ = 	snop  }
0x7: {  	_ = 	snop  }
__scs_overlays_trampoline_lowered:
0x8: {  	[smem:$0x3FA3] =	sst s0  }
0x9: {  	[smem:$0x3FA4] =	sst s1  }
0xa: {  	[smem:$0x3FA5] =	sst s2  }
0xb: {  	[smem:$0x3FA6] =	sst s3  }
0xc: {  	[smem:$0x3FA7] =	sst s4  }
0xd: {  	[smem:$0x3FA8] =	sst s5  }
0xe: {  	[smem:$0x3FA9] =	sst s6  }
0xf: {  	[smem:$0x3FAA] =	sst s7  }
0x10: {  	[smem:$0x3FAB] =	sst s8  }
0x11: {  	[smem:$0x3FAC] =	sst s9;
	s0 =	simm.s32 @!p0 $0x0  }
0x12: {  	s1 =	sld [smem:$0x3F92];
	s0 =	simm.s32 @p0 $0x1  }
0x13: {  	[smem:$0x3FAD] =	sst s0;
	s0 =	simm.s32 @!p1 $0x0  }
0x14: {  	s2 =	sld [smem:$0x3F91];
	s0 =	simm.s32 @p1 $0x1  }
0x15: {  	[smem:$0x3FAE] =	sst s0;
	s0 =	simm.s32 @!p2 $0x0  }
0x16: {  	s3 =	sld [smem:$0x3FDB];
	s0 =	simm.s32 @p2 $0x1  }
0x17: {  	s4 =	simm.s32 $0x1BF5;
	[smem:$0x3FB0] =	sst s0  }
0x18: {  	s0 =	sld [smem:$0x3F93];
	_ =	swait.ge [sflag:s4], $0x0  }
0x19: {  	s7 =	sld [smem:$0x3F94]  }
0x1a: {  	s8 =	sadd.s32 $0xFFFFE003, lr  }
0x1b: {  	s9 =	sadd.s32 $0xFFFFFEF7, lr;
	s5 =	simm.s32 $0xFFFFFFFF;
	p2 =	slt.u32 s8, $0xFFFFF086  }
0x1c: {  	p1 =	slt.u32 s9, $0xF7A;
	s5 =	simm.s32 @!p2 $0x0  }
0x1d: {  	s5 =	simm.s32 @p1 $0x1;
	p0 =	seq.s32 s7, s2  }
0x1e: {  	s7 =	smul.u32 @!p0 $0xF7A, s2;
	p2 =	seq.s32 @!p0 s5, $0x0  }
0x1f: {  	s9 =	smul.u32 $0xF7A, s1;
	s8 =	simm.s32 @!p0 $0x1BF5;
	p2 =	por !p2, p0  }
0x20: {  	[sflag:s8] =	ssyncset.s32 @!p0 $0xFFFFF086;
	s6 =	sadd.s32 @!p0 s3, s7;
	s7 =	simm.s32 @!p0 $0x108  }
0x21: {  	s3 =	sadd.s32 s3, s9;
	s6 =	sadd.s32 @!p0 $0x88, s6;
	s7 =	simm.s32 @p2 $0x1082  }
0x22: {  	[simem:s7], [sflag:s8] =	dma.local @!p0 [hbm:s6], $0xF7A  }
0x23: {  	s9 =	sor.u32 $0xD0000000, s2;
	s6 =	simm.s32 $0x108;
	_ =	swait.ge @!p0 [sflag:s8], $0x0  }
0x24: {  	s3 =	sadd.s32 $0x88, s3;
	s6 =	simm.s32 @!p1 $0x1082;
	[sflag:s4] =	ssyncset.s32 $0xFFFFF086  }
0x25: {  	[simem:s6], [sflag:s4] =	dma.local [hbm:s3], $0xF7A  }
0x26: {  	[smem:$0x3F94] =	sst s1;
	(tag) =	ssettag s2;
	_ =	strace s9  }
0x27: {  	s1 =	sld [smem:$0x3FA4]  }
0x28: {  	s2 =	sld [smem:$0x3FA5]  }
0x29: {  	s4 =	sld [smem:$0x3FA7]  }
0x2a: {  	p0 =	seq.s32 s5, $0x0;
	s5 =	sld [smem:$0x3FA8]  }
0x2b: {  	s6 =	sld [smem:$0x3FA9]  }
0x2c: {  	s7 =	sld [smem:$0x3FAA]  }
0x2d: {  	s3 =	simm.s32 $0x108;
	s8 =	sld [smem:$0x3FAB]  }
0x2e: {  	s3 =	simm.s32 @!p0 $0x1082;
	s9 =	sld [smem:$0x3FAC]  }
0x2f: {  	lr =	sadd.s32 s0, s3;
	s0 =	sld [smem:$0x3FA3]  }
0x30: {  	s3 =	sld [smem:$0x3FA6]  }
0x31: {  	[smem:$0x3FAF] =	sst s10  }
0x32: {  	s10 =	sld [smem:$0x3FAD];
	_ =	sdelay $0x3  }
0x33: {  	p0 =	seq.s32 s10, $0x1;
	s10 =	sld [smem:$0x3FAF];
	_ =	sdelay $0x3  }
0x34: {  	[smem:$0x3FAF] =	sst s10  }
0x35: {  	s10 =	sld [smem:$0x3FAE];
	_ =	sdelay $0x3  }
0x36: {  	p1 =	seq.s32 s10, $0x1;
	s10 =	sld [smem:$0x3FAF];
	_ =	sdelay $0x3  }
0x37: {  	[smem:$0x3FAF] =	sst s10  }
0x38: {  	s10 =	sld [smem:$0x3FB0]  }
0x39: {  	_ = 	snop;
	(pc) =	sbr.ind lr, $3  }
0x3a: {  	_ = 	snop  }
0x3b: {  	_ = 	snop  }
0x3c: {  	p2 =	seq.s32 s10, $0x1;
	s10 =	sld [smem:$0x3FAF]  }
0x3d: {  	_ =	shalt  }
0x3e: {  	_ =	shalt  }
0x3f: {  	_ =	shalt  }
0x40: {  	_ =	shalt  }
0x41: {  	_ =	shalt  }
0x42: {  	_ =	shalt  }
0x43: {  	_ =	shalt  }
0x44: {  	_ =	shalt  }
0x45: {  	_ =	shalt  }
0x46: {  	_ =	shalt  }
0x47: {  	_ =	shalt  }
0x48: {  	_ =	shalt  }
0x49: {  	_ =	shalt  }
0x4a: {  	_ =	shalt  }
0x4b: {  	_ =	shalt  }
0x4c: {  	_ =	shalt  }
0x4d: {  	_ =	shalt  }
0x4e: {  	_ =	shalt  }
0x4f: {  	_ =	shalt  }
0x50: {  	_ =	shalt  }
0x51: {  	_ =	shalt  }
0x52: {  	_ =	shalt  }
0x53: {  	_ =	shalt  }
0x54: {  	_ =	shalt  }
0x55: {  	_ =	shalt  }
0x56: {  	_ =	shalt  }
0x57: {  	_ =	shalt  }
0x58: {  	_ =	shalt  }
0x59: {  	_ =	shalt  }
0x5a: {  	_ =	shalt  }
0x5b: {  	_ =	shalt  }
0x5c: {  	_ =	shalt  }
0x5d: {  	_ =	shalt  }
0x5e: {  	_ =	shalt  }
0x5f: {  	_ =	shalt  }
0x60: {  	_ =	shalt  }
0x61: {  	_ =	shalt  }
0x62: {  	_ =	shalt  }
0x63: {  	_ =	shalt  }
0x64: {  	_ =	shalt  }
0x65: {  	_ =	shalt  }
0x66: {  	_ =	shalt  }
0x67: {  	_ =	shalt  }
0x68: {  	_ =	shalt  }
0x69: {  	_ =	shalt  }
0x6a: {  	_ =	shalt  }
0x6b: {  	_ =	shalt  }
0x6c: {  	_ =	shalt  }
0x6d: {  	_ =	shalt  }
0x6e: {  	_ =	shalt  }
0x6f: {  	_ =	shalt  }
0x70: {  	_ =	shalt  }
0x71: {  	_ =	shalt  }
0x72: {  	_ =	shalt  }
0x73: {  	_ =	shalt  }
0x74: {  	_ =	shalt  }
0x75: {  	_ =	shalt  }
0x76: {  	_ =	shalt  }
0x77: {  	_ =	shalt  }
0x78: {  	_ =	shalt  }
0x79: {  	_ =	shalt  }
0x7a: {  	_ =	shalt  }
0x7b: {  	_ =	shalt  }
0x7c: {  	_ =	shalt  }
0x7d: {  	_ =	shalt  }
0x7e: {  	_ =	shalt  }
0x7f: {  	_ =	shalt  }
0x80: {  	_ =	shalt  }
0x81: {  	_ =	shalt  }
0x82: {  	_ =	shalt  }
0x83: {  	_ =	shalt  }
0x84: {  	_ =	shalt  }
0x85: {  	_ =	shalt  }
0x86: {  	_ =	shalt  }
0x87: {  	_ =	shalt  }
.Lfunc_end0:
.L_simem_size_0:
called_computation.2_lowered:
.L_overlay_start_0:
0x88: {  	s2 =	sld [smem:$0x3FD9]  }
0x89: {  	s3 =	sld [smem:$0x3FFE];
	_ =	sdelay $0x1  }
0x8a: {  	s1 =	srdreg.scid  }
0x8b: {  	s0 =	sand.u32 $0x1, s1  }
0x8c: {  	s16 =	sshll.u32 s0, $0xA;
	s2 =	sadd.s32 s3, s2  }
0x8d: {  	s2 =	sadd.s32 s2, s16  }
0x8e: {  	[smem:$0x3FBB] =	sst s2  }
0x8f: {  	_ = 	snop  }
0x90: {  	(tm) =	ssettm $0x1  }
0x91: {  	s17 =	sld [smem:$0x3FFB];
	_ =	sdelay $0x3  }
0x92: {  	_ =	strace s17  }
0x93: {  	s2 =	sld [smem:$0x3FFC];
	_ =	sdelay $0x3  }
0x94: {  	_ =	strace s2  }
0x95: {  	s2 =	sld [smem:$0x3FFD];
	_ =	sdelay $0x3  }
0x96: {  	_ =	strace s2  }
0x97: {  	_ =	strace $0x8FFFFFFF  }
0x98: {  	s18 =	sld [smem:$0x3FDB];
	_ =	sdelay $0x1  }
0x99: {  	s19 =	simm.s32 $_scs_section_size  }
0x9a: {  	s4 =	simm.s32 $_size__tile_overlayer_lowered;
	s5 =	simm.s32 $_tile_overlayer_lowered  }
0x9b: {  	s22 =	simm.s32 $0x1BFF;
	s21 =	sshll.u32 s5, $0x1;
	s2 =	sadd.s32 s19, s18  }
0x9c: {  	s6 =	simm.s32 $0x0;
	s20 =	sshll.u32 s4, $0x1;
	s4 =	sadd.s32 s21, s2  }
0x9d: {  	[timem:s6], [sflag:s22] =	dma.local [hbm:s4], s20  }
0x9e: {  	_ =	swait.ge [sflag:s22], s20  }
0x9f: {  	s3 =	ssub.s32 $0x0, s20;
	[sflag:s22] =	ssyncset.done $0x0  }
0xa0: {  	[sflag:s22] =	ssyncadd.s32 s3;
	_ =	sdelay $0x1  }
0xa1: {  	s23 =	simm.s32 $0x1B8B  }
0xa2: {  	_ =	swait.ge [sflag:s23], $0x1  }
0xa3: {  	[sflag:s23] =	ssyncset.done $0x0  }
0xa4: {  	s25 =	simm.s32 $0x1B8E;
	s24 =	sld [smem:$0x3FFE];
	[sflag:s23] =	ssyncadd.s32 $0xFFFFFFFF  }
0xa5: {  	s26 =	simm.s32 $execute0_lowered;
	[smem:$0x3FD2] =	sst s25  }
0xa6: {  	s4 =	sshll.u32 s26, $0x1;
	_ =	strace $0x8000004C;
	[dreg:$0x1] =	wrdreg $0xFFFFFFFF  }
0xa7: {  	s28 =	simm.s32 $_size_execute0_lowered;
	s2 =	sadd.s32 s2, s4;
	[dreg:$0x0] =	wrdreg $0x0  }
0xa8: {  	s4 =	sshll.u32 s28, $0x1;
	[dreg:$0x2] =	wrdreg s2  }
0xa9: {  	[dreg:$0x3] =	wrdreg s4  }
0xaa: {  	[dreg:$0x4] =	wrdreg $0xC0  }
0xab: {  	_ =	task [dreg:s6], $0x5FFFF  }
0xac: {  	[dreg:$0x1] =	wrdreg $0xFFFFFFFF  }
0xad: {  	[dreg:$0x0] =	wrdreg $0x60  }
0xae: {  	[dreg:$0x2] =	wrdreg s24  }
0xaf: {  	[dreg:$0x3] =	wrdreg $0x5F000  }
0xb0: {  	[dreg:$0x4] =	wrdreg $0x9  }
0xb1: {  	_ =	task.clear_ibuf [dreg:s6], $0x5FFFF;
	_ =	strace $0x9000004C  }
0xb2: {  	s29 =	simm.s32 $0x9;
	_ =	strace $0x8000004E  }
0xb3: {  	_ =	swait.ge [sflag:s29], $0x1  }
0xb4: {  	[sflag:s29] =	ssyncadd.s32 $0xFFFFFFFF  }
0xb5: {  	_ =	strace $0x9000004E  }
0xb6: {  	_ =	sfence  }
0xb7: {  	s30 =	sld [smem:$0x0];
	_ =	sdelay $0x2  }
0xb8: {  	s31 =	sshll.u32 s1, $0xD;
	s1 =	sshrl.u32 s1, $0x2  }
0xb9: {  	s3 =	sand.u32 $0x4000, s31;
	s1 =	sadd.s32 s1, s30  }
0xba: {  	s0 =	sor.u32 s3, s0;
	s1 =	sshll.u32 s1, $0x11  }
0xbb: {  	s0 =	sor.u32 s1, s0  }
0xbc: {  	s0 =	sadd.s32 $0x8F2B, s0  }
0xbd: {  	[sflag:s0] =	ssyncadd.remote.s32 $0x1  }
0xbe: {  	_ =	sfence.sel $0xFFFF  }
0xbf: {  	[dreg:$0x0] =	wrdreg $0xFFFFFFFF;
	(pc) =	sbr.abs _section_cstart, $3  }
0xc0: {  	[dreg:$0x1] =	wrdreg $0xFFFFFFFF  }
0xc1: {  	_ =	task.clear_ibuf [dreg:s6], $0x2FFFF;
	_ =	strace $0x9FFFFFFF  }
0xc2: {  	(tm) =	ssettm $0x7FFFFFFF  }
0xc3: {  	_ =	shalt  }
tec
execute0_lowered:
.L_overlay_start_1:
0x0: {  	(tag) =	ssettag $0x1  }
0x1: {  	s0 =	srdreg.scid;
	s1 =	rddreg [dreg:$0x0]  }
0x2: {  	s2 =	rddreg [dreg:$0x1];
	s8 =	stileid.u32;
	s4 =	simm.s32 $0x0  }
0x3: {  	s29 =	simm.s32 $0x4F00;
	s30 =	simm.s32 $0x80;
	s31 =	simm.s32 $0x0  }
0x4: {  	s0 =	sand.u32 $0x1, s0;
	[smem:$0x7FF] =	sst s4;
	s7 =	smul.u32 $0x3AC00, s8  }
0x5: {  	s4 =	sadd.s32 $0xB3600, s1;
	s5 =	sadd.s32 $0x96000, s1;
	s24 =	smul.u32 $0xEB00, s8  }
0x6: {  	s3 =	sshll.u32 s0, $0x4;
	s6 =	smul.u32 $0x3AC00, s0;
	s0 =	ssub.s32 $0x2, s0  }
0x7: {  	_ =	strace $0x8000004D;
	s3 =	sor.u32 s8, s3;
	s25 =	sshrl.u32 s0, $0x1  }
0x8: {  	s7 =	sshrl.u32 s7, $0x2;
	s8 =	sadd.s32 s24, s2;
	s24 =	sshrl.u32 s24, $0x3  }
0x9: {  	s3 =	smul.u32 $0x4F0, s3;
	s0 =	ssub.s32 s0, s25;
	s28 =	sadd.s32 s7, s2  }
0xa: {  	s9 =	sadd.s32 $0x1000, s28;
	s10 =	sadd.s32 $0x2000, s28;
	s11 =	sadd.s32 $0x3000, s28  }
0xb: {  	s12 =	sadd.s32 $0x4000, s28;
	s13 =	sadd.s32 $0x5000, s28;
	s14 =	sadd.s32 $0x6000, s28  }
0xc: {  	s15 =	sadd.s32 $0x7000, s28;
	s16 =	sadd.s32 $0x8000, s28;
	s17 =	sadd.s32 $0x9000, s28  }
0xd: {  	s18 =	sadd.s32 $0xA000, s28;
	s19 =	sadd.s32 $0xB000, s28;
	s3 =	sadd.s32 s3, s1  }
0xe: {  	s20 =	sadd.s32 $0xC000, s28;
	s21 =	sadd.s32 $0xD000, s28;
	s26 =	sadd.s32 $0x16E00, s3  }
0xf: {  	s1 =	sadd.s32 s6, s1;
	s3 =	sadd.s32 $0xD000, s3;
	[dreg:$0x3] =	wrdreg s26  }
0x10: {  	s22 =	sadd.s32 $0xE000, s28;
	s1 =	sadd.s32 $0xD0C00, s1;
	[dreg:$0x4] =	wrdreg s3  }
0x11: {  	v0 =	vimm.f32 $0.0e+00;
	s25 =	smax.u32 s0, $0x1;
	[dreg:$0x5] =	wrdreg s1;
	s26 =	simm.s32 $0x1  }
.LBB2_1:
0x12: {  	s0 =	simm.s32 $0x0;
	s1 =	rddreg [dreg:$0x3]  }
0x13: {  	[tilespmem:s0], [sflag:$0x1] =	stream.linear.gather [hbm4b:s1+s0], $0x2780, $0x38;
	[tilespmem:$0x14A00] =	vst v63  }
0x14: {  	_ =	swait.ge [sflag:s26], $0x2780  }
0x15: {  	[sflag:s26] =	ssyncset.done $0x0  }
0x16: {  	s3 =	simm.s32 $0x2780;
	s28 =	rddreg [dreg:$0x4];
	[sflag:s26] =	ssyncadd.s32 $0xFFFFD880  }
0x17: {  	[tilespmem:s3], [sflag:$0x1] =	stream.linear.gather [hbm4b:s28+s0], $0x2780, $0x38;
	[tilespmem:$0x14A00] =	vst v63  }
0x18: {  	_ =	swait.ge [sflag:s26], $0x2780  }
0x19: {  	[sflag:s26] =	ssyncset.done $0x0  }
0x1a: {  	s1 =	simm.s32 $0x0;
	s0 =	simm.s32 $0x80;
	[sflag:s26] =	ssyncadd.s32 $0xFFFFD880  }
.LBB2_2:
0x1b: {  	p0 =	sne.s32 s0, $0x3F80;
	[tilespmem:s1+$0x4F00] =	vst v0;
	s3 =	smov.u32 s0;
	s0 =	sadd.s32 $0x80, s0  }
.Ltmp0:
0x1c: {  	[tilespmem:s1+$0x4F10] =	vst v0;
	(pc) =	sbr.rel @p0 .LBB2_2-.Ltmp0, $2  }
0x1d: {  	_ =	sdelay $0x2  }
0x1e: {  	s1 =	sshra.s32 s3, $0x2  }
0x1f: {  	[tilespmem:s1+$0x4F00] =	vst v0  }
0x20: {  	[tilespmem:s1+$0x4F10] =	vst v0  }
0x21: {  	[spmem:s8] =	stream.linear.scatter [tilespmem:s29], [sflag:$0x1], $0x1000, $0x38;
	[tilespmem:$0x14A00] =	vst v63  }
0x22: {  	_ =	swait.ge [sflag:s26], $0x1000  }
0x23: {  	[sflag:s26] =	ssyncset.done $0x0  }
0x24: {  	[sflag:s26] =	ssyncadd.s32 $0xFFFFF000  }
0x25: {  	[spmem:s9] =	stream.linear.scatter [tilespmem:s29], [sflag:$0x1], $0x1000, $0x38;
	[tilespmem:$0x14A00] =	vst v63  }
0x26: {  	_ =	swait.ge [sflag:s26], $0x1000  }
0x27: {  	[sflag:s26] =	ssyncset.done $0x0  }
0x28: {  	[sflag:s26] =	ssyncadd.s32 $0xFFFFF000  }
0x29: {  	[spmem:s10] =	stream.linear.scatter [tilespmem:s29], [sflag:$0x1], $0x1000, $0x38;
	[tilespmem:$0x14A00] =	vst v63  }
0x2a: {  	_ =	swait.ge [sflag:s26], $0x1000  }
0x2b: {  	[sflag:s26] =	ssyncset.done $0x0  }
0x2c: {  	[sflag:s26] =	ssyncadd.s32 $0xFFFFF000  }
0x2d: {  	[spmem:s11] =	stream.linear.scatter [tilespmem:s29], [sflag:$0x1], $0x1000, $0x38;
	[tilespmem:$0x14A00] =	vst v63  }
0x2e: {  	_ =	swait.ge [sflag:s26], $0x1000  }
0x2f: {  	[sflag:s26] =	ssyncset.done $0x0  }
0x30: {  	[sflag:s26] =	ssyncadd.s32 $0xFFFFF000  }
0x31: {  	[spmem:s12] =	stream.linear.scatter [tilespmem:s29], [sflag:$0x1], $0x1000, $0x38;
	[tilespmem:$0x14A00] =	vst v63  }
0x32: {  	_ =	swait.ge [sflag:s26], $0x1000  }
0x33: {  	[sflag:s26] =	ssyncset.done $0x0  }
0x34: {  	[sflag:s26] =	ssyncadd.s32 $0xFFFFF000  }
0x35: {  	[spmem:s13] =	stream.linear.scatter [tilespmem:s29], [sflag:$0x1], $0x1000, $0x38;
	[tilespmem:$0x14A00] =	vst v63  }
0x36: {  	_ =	swait.ge [sflag:s26], $0x1000  }
0x37: {  	[sflag:s26] =	ssyncset.done $0x0  }
0x38: {  	[sflag:s26] =	ssyncadd.s32 $0xFFFFF000  }
0x39: {  	[spmem:s14] =	stream.linear.scatter [tilespmem:s29], [sflag:$0x1], $0x1000, $0x38;
	[tilespmem:$0x14A00] =	vst v63  }
0x3a: {  	_ =	swait.ge [sflag:s26], $0x1000  }
0x3b: {  	[sflag:s26] =	ssyncset.done $0x0  }
0x3c: {  	[sflag:s26] =	ssyncadd.s32 $0xFFFFF000  }
0x3d: {  	[spmem:s15] =	stream.linear.scatter [tilespmem:s29], [sflag:$0x1], $0x1000, $0x38;
	[tilespmem:$0x14A00] =	vst v63  }
0x3e: {  	_ =	swait.ge [sflag:s26], $0x1000  }
0x3f: {  	[sflag:s26] =	ssyncset.done $0x0  }
0x40: {  	[sflag:s26] =	ssyncadd.s32 $0xFFFFF000  }
0x41: {  	[spmem:s16] =	stream.linear.scatter [tilespmem:s29], [sflag:$0x1], $0x1000, $0x38;
	[tilespmem:$0x14A00] =	vst v63  }
0x42: {  	_ =	swait.ge [sflag:s26], $0x1000  }
0x43: {  	[sflag:s26] =	ssyncset.done $0x0  }
0x44: {  	[sflag:s26] =	ssyncadd.s32 $0xFFFFF000  }
0x45: {  	[spmem:s17] =	stream.linear.scatter [tilespmem:s29], [sflag:$0x1], $0x1000, $0x38;
	[tilespmem:$0x14A00] =	vst v63  }
0x46: {  	_ =	swait.ge [sflag:s26], $0x1000  }
0x47: {  	[sflag:s26] =	ssyncset.done $0x0  }
0x48: {  	[sflag:s26] =	ssyncadd.s32 $0xFFFFF000  }
0x49: {  	[spmem:s18] =	stream.linear.scatter [tilespmem:s29], [sflag:$0x1], $0x1000, $0x38;
	[tilespmem:$0x14A00] =	vst v63  }
0x4a: {  	_ =	swait.ge [sflag:s26], $0x1000  }
0x4b: {  	[sflag:s26] =	ssyncset.done $0x0  }
0x4c: {  	[sflag:s26] =	ssyncadd.s32 $0xFFFFF000  }
0x4d: {  	[spmem:s19] =	stream.linear.scatter [tilespmem:s29], [sflag:$0x1], $0x1000, $0x38;
	[tilespmem:$0x14A00] =	vst v63  }
0x4e: {  	_ =	swait.ge [sflag:s26], $0x1000  }
0x4f: {  	[sflag:s26] =	ssyncset.done $0x0  }
0x50: {  	[sflag:s26] =	ssyncadd.s32 $0xFFFFF000  }
0x51: {  	[spmem:s20] =	stream.linear.scatter [tilespmem:s29], [sflag:$0x1], $0x1000, $0x38;
	[tilespmem:$0x14A00] =	vst v63  }
0x52: {  	_ =	swait.ge [sflag:s26], $0x1000  }
0x53: {  	[sflag:s26] =	ssyncset.done $0x0  }
0x54: {  	[sflag:s26] =	ssyncadd.s32 $0xFFFFF000  }
0x55: {  	[spmem:s21] =	stream.linear.scatter [tilespmem:s29], [sflag:$0x1], $0x1000, $0x38;
	[tilespmem:$0x14A00] =	vst v63  }
0x56: {  	_ =	swait.ge [sflag:s26], $0x1000  }
0x57: {  	[sflag:s26] =	ssyncset.done $0x0  }
0x58: {  	[sflag:s26] =	ssyncadd.s32 $0xFFFFF000  }
0x59: {  	[spmem:s22] =	stream.linear.scatter [tilespmem:s29], [sflag:$0x1], $0xB00, $0x38;
	[tilespmem:$0x14A00] =	vst v63  }
0x5a: {  	_ =	swait.ge [sflag:s26], $0xB00  }
0x5b: {  	[sflag:s26] =	ssyncset.done $0x0  }
0x5c: {  	[sflag:s26] =	ssyncadd.s32 $0xFFFFF500  }
0x5d: {  	s0 =	simm.s32 $0x0;
	[bflag:$0x0] =	sbarrier.arrive $0xFFFF  }
0x5e: {  	[tilespmem:s29], [sflag:$0x1] =	stream.indirect.gather [hbm4b:s4+s30], $0x20, s0, s30, $0xb8;
	[tilespmem:$0x14A00] =	vst v63  }
0x5f: {  	_ =	swait.ge [sflag:s26], $0x1000  }
0x60: {  	[sflag:s26] =	ssyncset.done $0x0  }
0x61: {  	s28 =	simm.s32 $0x2780;
	[sflag:s26] =	ssyncadd.s32 $0xFFFFF000  }
0x62: {  	[spmem:s2] =	stream.indirect.scatter.add.f32 [tilespmem:s29], [sflag:$0x1], $0x20, s28, s30, $0xb8;
	[tilespmem:$0x14A00] =	vst v63  }
0x63: {  	_ =	swait.ge [sflag:s26], $0x1000  }
0x64: {  	s1 =	simm.s32 $0x400;
	s0 =	simm.s32 $0x200;
	[sflag:s26] =	ssyncset.done $0x0  }
.LBB2_4:
0x65: {  	s3 =	sshra.s32 s0, $0x2  }
0x66: {  	[sflag:s26] =	ssyncadd.s32 $0xFFFFF000;
	s0 =	smov.u32 s1;
	s6 =	sadd.s32 $0x200, s1  }
0x67: {  	[tilespmem:s29], [sflag:$0x1] =	stream.indirect.gather [hbm4b:s4+s30], $0x20, s3, s30, $0xb8;
	[tilespmem:$0x14A00] =	vst v63  }
0x68: {  	p0 =	sne.s32 s1, $0x9C00;
	_ =	swait.ge [sflag:s26], $0x1000  }
.Ltmp1:
0x69: {  	[sflag:s26] =	ssyncset.done $0x0;
	(pc) =	sbr.rel @p0 .LBB2_4-.Ltmp1, $4  }
0x6a: {  	s1 =	sadd.s32 $0x2780, s3;
	[sflag:s26] =	ssyncadd.s32 $0xFFFFF000  }
0x6b: {  	[spmem:s2] =	stream.indirect.scatter.add.f32 [tilespmem:s29], [sflag:$0x1], $0x20, s1, s30, $0xb8;
	[tilespmem:$0x14A00] =	vst v63  }
0x6c: {  	_ =	swait.ge [sflag:s26], $0x1000  }
0x6d: {  	s1 =	smov.u32 s6;
	[sflag:s26] =	ssyncset.done $0x0  }
0x6e: {  	s0 =	sshra.s32 s0, $0x2;
	[sflag:s26] =	ssyncadd.s32 $0xFFFFF000  }
0x6f: {  	[tilespmem:s29], [sflag:$0x1] =	stream.indirect.gather [hbm4b:s4+s30], $0x20, s0, s30, $0xb8;
	[tilespmem:$0x14A00] =	vst v63  }
0x70: {  	_ =	swait.ge [sflag:s26], $0x1000  }
0x71: {  	[sflag:s26] =	ssyncset.done $0x0  }
0x72: {  	s0 =	sadd.s32 $0x2780, s0;
	[sflag:s26] =	ssyncadd.s32 $0xFFFFF000  }
0x73: {  	[spmem:s2] =	stream.indirect.scatter.add.f32 [tilespmem:s29], [sflag:$0x1], $0x20, s0, s30, $0xb8;
	[tilespmem:$0x14A00] =	vst v63  }
0x74: {  	_ =	swait.ge [sflag:s26], $0x1000  }
0x75: {  	[sflag:s26] =	ssyncset.done $0x0  }
0x76: {  	[sflag:s26] =	ssyncadd.s32 $0xFFFFF000  }
0x77: {  	s23 =	stileid.u32;
	[bflag:$0x0] =	sbarrier.arrive $0xFFFF  }
0x78: {  	s0 =	sshll.u32 s23, $0x6;
	s1 =	rddreg [dreg:$0x5]  }
0x79: {  	s28 =	sshrl.u32 s8, $0x3;
	s0 =	sor.u32 $0x1C01, s0;
	s1 =	sadd.s32 s24, s1  }
0x7a: {  	[hbm:s1], [sflag:s0] =	dma.local [spmem:s28], $0x1D60  }
0x7b: {  	_ =	swait.ge [sflag:s26], $0x1D60  }
0x7c: {  	[sflag:s26] =	ssyncset.done $0x0  }
0x7d: {  	[sflag:s26] =	ssyncadd.s32 $0xFFFFE2A0  }
0x7e: {  	s3 =	simm.s32 $0x80;
	s6 =	simm.s32 $0x0;
	[bflag:$0x0] =	sbarrier.arrive $0xFFFF  }
.LBB2_6:
0x7f: {  	p0 =	sne.s32 s3, $0x3F80;
	[tilespmem:s6+$0x4F00] =	vst v0;
	s7 =	smov.u32 s3;
	s3 =	sadd.s32 $0x80, s3  }
.Ltmp2:
0x80: {  	[tilespmem:s6+$0x4F10] =	vst v0;
	(pc) =	sbr.rel @p0 .LBB2_6-.Ltmp2, $2  }
0x81: {  	_ =	sdelay $0x2  }
0x82: {  	s6 =	sshra.s32 s7, $0x2  }
0x83: {  	[tilespmem:s6+$0x4F00] =	vst v0  }
0x84: {  	[tilespmem:s6+$0x4F10] =	vst v0  }
0x85: {  	[spmem:s8] =	stream.linear.scatter [tilespmem:s29], [sflag:$0x1], $0x1000, $0x38;
	[tilespmem:$0x14A00] =	vst v63  }
0x86: {  	_ =	swait.ge [sflag:s26], $0x1000  }
0x87: {  	[sflag:s26] =	ssyncset.done $0x0  }
0x88: {  	[sflag:s26] =	ssyncadd.s32 $0xFFFFF000  }
0x89: {  	[spmem:s9] =	stream.linear.scatter [tilespmem:s29], [sflag:$0x1], $0x1000, $0x38;
	[tilespmem:$0x14A00] =	vst v63  }
0x8a: {  	_ =	swait.ge [sflag:s26], $0x1000  }
0x8b: {  	[sflag:s26] =	ssyncset.done $0x0  }
0x8c: {  	[sflag:s26] =	ssyncadd.s32 $0xFFFFF000  }
0x8d: {  	[spmem:s10] =	stream.linear.scatter [tilespmem:s29], [sflag:$0x1], $0x1000, $0x38;
	[tilespmem:$0x14A00] =	vst v63  }
0x8e: {  	_ =	swait.ge [sflag:s26], $0x1000  }
0x8f: {  	[sflag:s26] =	ssyncset.done $0x0  }
0x90: {  	[sflag:s26] =	ssyncadd.s32 $0xFFFFF000  }
0x91: {  	[spmem:s11] =	stream.linear.scatter [tilespmem:s29], [sflag:$0x1], $0x1000, $0x38;
	[tilespmem:$0x14A00] =	vst v63  }
0x92: {  	_ =	swait.ge [sflag:s26], $0x1000  }
0x93: {  	[sflag:s26] =	ssyncset.done $0x0  }
0x94: {  	[sflag:s26] =	ssyncadd.s32 $0xFFFFF000  }
0x95: {  	[spmem:s12] =	stream.linear.scatter [tilespmem:s29], [sflag:$0x1], $0x1000, $0x38;
	[tilespmem:$0x14A00] =	vst v63  }
0x96: {  	_ =	swait.ge [sflag:s26], $0x1000  }
0x97: {  	[sflag:s26] =	ssyncset.done $0x0  }
0x98: {  	[sflag:s26] =	ssyncadd.s32 $0xFFFFF000  }
0x99: {  	[spmem:s13] =	stream.linear.scatter [tilespmem:s29], [sflag:$0x1], $0x1000, $0x38;
	[tilespmem:$0x14A00] =	vst v63  }
0x9a: {  	_ =	swait.ge [sflag:s26], $0x1000  }
0x9b: {  	[sflag:s26] =	ssyncset.done $0x0  }
0x9c: {  	[sflag:s26] =	ssyncadd.s32 $0xFFFFF000  }
0x9d: {  	[spmem:s14] =	stream.linear.scatter [tilespmem:s29], [sflag:$0x1], $0x1000, $0x38;
	[tilespmem:$0x14A00] =	vst v63  }
0x9e: {  	_ =	swait.ge [sflag:s26], $0x1000  }
0x9f: {  	[sflag:s26] =	ssyncset.done $0x0  }
0xa0: {  	[sflag:s26] =	ssyncadd.s32 $0xFFFFF000  }
0xa1: {  	[spmem:s15] =	stream.linear.scatter [tilespmem:s29], [sflag:$0x1], $0x1000, $0x38;
	[tilespmem:$0x14A00] =	vst v63  }
0xa2: {  	_ =	swait.ge [sflag:s26], $0x1000  }
0xa3: {  	[sflag:s26] =	ssyncset.done $0x0  }
0xa4: {  	[sflag:s26] =	ssyncadd.s32 $0xFFFFF000  }
0xa5: {  	[spmem:s16] =	stream.linear.scatter [tilespmem:s29], [sflag:$0x1], $0x1000, $0x38;
	[tilespmem:$0x14A00] =	vst v63  }
0xa6: {  	_ =	swait.ge [sflag:s26], $0x1000  }
0xa7: {  	[sflag:s26] =	ssyncset.done $0x0  }
0xa8: {  	[sflag:s26] =	ssyncadd.s32 $0xFFFFF000  }
0xa9: {  	[spmem:s17] =	stream.linear.scatter [tilespmem:s29], [sflag:$0x1], $0x1000, $0x38;
	[tilespmem:$0x14A00] =	vst v63  }
0xaa: {  	_ =	swait.ge [sflag:s26], $0x1000  }
0xab: {  	[sflag:s26] =	ssyncset.done $0x0  }
0xac: {  	[sflag:s26] =	ssyncadd.s32 $0xFFFFF000  }
0xad: {  	[spmem:s18] =	stream.linear.scatter [tilespmem:s29], [sflag:$0x1], $0x1000, $0x38;
	[tilespmem:$0x14A00] =	vst v63  }
0xae: {  	_ =	swait.ge [sflag:s26], $0x1000  }
0xaf: {  	[sflag:s26] =	ssyncset.done $0x0  }
0xb0: {  	[sflag:s26] =	ssyncadd.s32 $0xFFFFF000  }
0xb1: {  	[spmem:s19] =	stream.linear.scatter [tilespmem:s29], [sflag:$0x1], $0x1000, $0x38;
	[tilespmem:$0x14A00] =	vst v63  }
0xb2: {  	_ =	swait.ge [sflag:s26], $0x1000  }
0xb3: {  	[sflag:s26] =	ssyncset.done $0x0  }
0xb4: {  	[sflag:s26] =	ssyncadd.s32 $0xFFFFF000  }
0xb5: {  	[spmem:s20] =	stream.linear.scatter [tilespmem:s29], [sflag:$0x1], $0x1000, $0x38;
	[tilespmem:$0x14A00] =	vst v63  }
0xb6: {  	_ =	swait.ge [sflag:s26], $0x1000  }
0xb7: {  	[sflag:s26] =	ssyncset.done $0x0  }
0xb8: {  	[sflag:s26] =	ssyncadd.s32 $0xFFFFF000  }
0xb9: {  	[spmem:s21] =	stream.linear.scatter [tilespmem:s29], [sflag:$0x1], $0x1000, $0x38;
	[tilespmem:$0x14A00] =	vst v63  }
0xba: {  	_ =	swait.ge [sflag:s26], $0x1000  }
0xbb: {  	[sflag:s26] =	ssyncset.done $0x0  }
0xbc: {  	[sflag:s26] =	ssyncadd.s32 $0xFFFFF000  }
0xbd: {  	[spmem:s22] =	stream.linear.scatter [tilespmem:s29], [sflag:$0x1], $0xB00, $0x38;
	[tilespmem:$0x14A00] =	vst v63  }
0xbe: {  	_ =	swait.ge [sflag:s26], $0xB00  }
0xbf: {  	[sflag:s26] =	ssyncset.done $0x0  }
0xc0: {  	[sflag:s26] =	ssyncadd.s32 $0xFFFFF500  }
0xc1: {  	s3 =	simm.s32 $0x0;
	[bflag:$0x0] =	sbarrier.arrive $0xFFFF  }
0xc2: {  	[tilespmem:s29], [sflag:$0x1] =	stream.indirect.gather [hbm4b:s5+s30], $0x20, s3, s30, $0xb8;
	[tilespmem:$0x14A00] =	vst v63  }
0xc3: {  	_ =	swait.ge [sflag:s26], $0x1000  }
0xc4: {  	[sflag:s26] =	ssyncset.done $0x0  }
0xc5: {  	s23 =	simm.s32 $0x2780;
	[sflag:s26] =	ssyncadd.s32 $0xFFFFF000  }
0xc6: {  	[spmem:s2] =	stream.indirect.scatter.add.f32 [tilespmem:s29], [sflag:$0x1], $0x20, s23, s30, $0xb8;
	[tilespmem:$0x14A00] =	vst v63  }
0xc7: {  	_ =	swait.ge [sflag:s26], $0x1000  }
0xc8: {  	s6 =	simm.s32 $0x400;
	s3 =	simm.s32 $0x200;
	[sflag:s26] =	ssyncset.done $0x0  }
.LBB2_8:
0xc9: {  	s7 =	sshra.s32 s3, $0x2  }
0xca: {  	[sflag:s26] =	ssyncadd.s32 $0xFFFFF000;
	s3 =	smov.u32 s6;
	s23 =	sadd.s32 $0x200, s6  }
0xcb: {  	[tilespmem:s29], [sflag:$0x1] =	stream.indirect.gather [hbm4b:s5+s30], $0x20, s7, s30, $0xb8;
	[tilespmem:$0x14A00] =	vst v63  }
0xcc: {  	p0 =	sne.s32 s6, $0x9C00;
	_ =	swait.ge [sflag:s26], $0x1000  }
.Ltmp3:
0xcd: {  	[sflag:s26] =	ssyncset.done $0x0;
	(pc) =	sbr.rel @p0 .LBB2_8-.Ltmp3, $4  }
0xce: {  	s6 =	sadd.s32 $0x2780, s7;
	[sflag:s26] =	ssyncadd.s32 $0xFFFFF000  }
0xcf: {  	[spmem:s2] =	stream.indirect.scatter.add.f32 [tilespmem:s29], [sflag:$0x1], $0x20, s6, s30, $0xb8;
	[tilespmem:$0x14A00] =	vst v63  }
0xd0: {  	_ =	swait.ge [sflag:s26], $0x1000  }
0xd1: {  	s6 =	smov.u32 s23;
	[sflag:s26] =	ssyncset.done $0x0  }
0xd2: {  	s3 =	sshra.s32 s3, $0x2;
	[sflag:s26] =	ssyncadd.s32 $0xFFFFF000  }
0xd3: {  	[tilespmem:s29], [sflag:$0x1] =	stream.indirect.gather [hbm4b:s5+s30], $0x20, s3, s30, $0xb8;
	[tilespmem:$0x14A00] =	vst v63  }
0xd4: {  	_ =	swait.ge [sflag:s26], $0x1000  }
0xd5: {  	[sflag:s26] =	ssyncset.done $0x0  }
0xd6: {  	s3 =	sadd.s32 $0x2780, s3;
	[sflag:s26] =	ssyncadd.s32 $0xFFFFF000  }
0xd7: {  	[spmem:s2] =	stream.indirect.scatter.add.f32 [tilespmem:s29], [sflag:$0x1], $0x20, s3, s30, $0xb8;
	[tilespmem:$0x14A00] =	vst v63  }
0xd8: {  	_ =	swait.ge [sflag:s26], $0x1000  }
0xd9: {  	s31 =	sadd.s32 $0x1, s31;
	[sflag:s26] =	ssyncset.done $0x0  }
0xda: {  	p0 =	sne.s32 s31, s25;
	[sflag:s26] =	ssyncadd.s32 $0xFFFFF000  }
.Ltmp4:
0xdb: {  	s1 =	sadd.s32 $0x1D600, s1;
	[bflag:$0x0] =	sbarrier.arrive $0xFFFF;
	(pc) =	sbr.rel @p0 .LBB2_1-.Ltmp4, $4  }
0xdc: {  	[hbm:s1], [sflag:s0] =	dma.local [spmem:s28], $0x1D60  }
0xdd: {  	_ =	swait.ge [sflag:s26], $0x1D60  }
0xde: {  	[sflag:s26] =	ssyncset.done $0x0  }
0xdf: {  	[sflag:s26] =	ssyncadd.s32 $0xFFFFE2A0  }
0xe0: {  	_ =	sfence.sel $0x180000  }
0xe1: {  	[bflag:$0x0] =	sbarrier.arrive $0xFFFF  }
0xe2: {  	_ =	strace $0x9000004D  }
0xe3: {  	s0 =	stileid.u32;
	[bflag:$0x2] =	sbarrier.arrive $0xFFFF  }
0xe4: {  	p0 =	sne.s32 s0, $0x0;
	s0 =	rddreg [dreg:$0x2]  }
0xe5: {  	s0 =	sadd.s32 @!p0 $0x100000, s0  }
0xe6: {  	[sflag:s0] =	ssyncadd.tile.s32 @!p0 $0x1;
	_ =	shalt  }
.Lfunc_end2:
_tile_overlayer_lowered:
.L_overlay_start_2:
0xe7: {  	(tag) =	ssettag $0x2  }
0xe8: {  	s0 =	rddreg [dreg:$0x0];
	s2 =	stileid.u32  }
0xe9: {  	s1 =	rddreg [dreg:$0x1];
	p0 =	sne.s32 s2, $0x0  }
0xea: {  	s3 =	rddreg [dreg:$0x2];
	[bflag:$0x3] =	sbarrier.arrive $0xFFFF;
	s2 =	simm.s32 @!p0 $0x1C01  }
0xeb: {  	[timem:s3], [sflag:s2] =	dma.local @!p0 [hbm:s0], s1  }
0xec: {  	s0 =	simm.s32 @!p0 $0x1  }
0xed: {  	_ =	swait.ge @!p0 [sflag:s0], s1  }
0xee: {  	s1 =	ssub.s32 @!p0 $0x0, s1;
	[sflag:s0] =	ssyncset.done @!p0 $0x0  }
0xef: {  	[sflag:s0] =	ssyncadd.s32 @!p0 s1  }
0xf0: {  	[bflag:$0x3] =	sbarrier.arrive $0xFFFF  }
0xf1: {  	_ =	shalt  }

// kernel: kernel.19.cloned.1.call-start
scs
__scs_entry_jumppad:
0x0: {  	(pc) =	sbr.rel $0x88, $3  }
0x1: {  	(tag) =	ssettag $0x0;
	lr =	simm.s32 $0x1  }
0x2: {  	[smem:$0x3F94] =	sst lr;
	_ =	strace $0xD0000000  }
0x3: {  	_ = 	snop  }
0x4: {  	_ = 	snop  }
0x5: {  	_ = 	snop  }
0x6: {  	_ = 	snop  }
0x7: {  	_ = 	snop  }
__scs_overlays_trampoline_lowered:
0x8: {  	[smem:$0x3FA3] =	sst s0  }
0x9: {  	[smem:$0x3FA4] =	sst s1  }
0xa: {  	[smem:$0x3FA5] =	sst s2  }
0xb: {  	[smem:$0x3FA6] =	sst s3  }
0xc: {  	[smem:$0x3FA7] =	sst s4  }
0xd: {  	[smem:$0x3FA8] =	sst s5  }
0xe: {  	[smem:$0x3FA9] =	sst s6  }
0xf: {  	[smem:$0x3FAA] =	sst s7  }
0x10: {  	[smem:$0x3FAB] =	sst s8  }
0x11: {  	[smem:$0x3FAC] =	sst s9;
	s0 =	simm.s32 @!p0 $0x0  }
0x12: {  	s1 =	sld [smem:$0x3F92];
	s0 =	simm.s32 @p0 $0x1  }
0x13: {  	[smem:$0x3FAD] =	sst s0;
	s0 =	simm.s32 @!p1 $0x0  }
0x14: {  	s2 =	sld [smem:$0x3F91];
	s0 =	simm.s32 @p1 $0x1  }
0x15: {  	[smem:$0x3FAE] =	sst s0;
	s0 =	simm.s32 @!p2 $0x0  }
0x16: {  	s3 =	sld [smem:$0x3FDB];
	s0 =	simm.s32 @p2 $0x1  }
0x17: {  	s4 =	simm.s32 $0x1BF5;
	[smem:$0x3FB0] =	sst s0  }
0x18: {  	s0 =	sld [smem:$0x3F93];
	_ =	swait.ge [sflag:s4], $0x0  }
0x19: {  	s7 =	sld [smem:$0x3F94]  }
0x1a: {  	s8 =	sadd.s32 $0xFFFFE003, lr  }
0x1b: {  	s9 =	sadd.s32 $0xFFFFFEF7, lr;
	s5 =	simm.s32 $0xFFFFFFFF;
	p2 =	slt.u32 s8, $0xFFFFF086  }
0x1c: {  	p1 =	slt.u32 s9, $0xF7A;
	s5 =	simm.s32 @!p2 $0x0  }
0x1d: {  	s5 =	simm.s32 @p1 $0x1;
	p0 =	seq.s32 s7, s2  }
0x1e: {  	s7 =	smul.u32 @!p0 $0xF7A, s2;
	p2 =	seq.s32 @!p0 s5, $0x0  }
0x1f: {  	s9 =	smul.u32 $0xF7A, s1;
	s8 =	simm.s32 @!p0 $0x1BF5;
	p2 =	por !p2, p0  }
0x20: {  	[sflag:s8] =	ssyncset.s32 @!p0 $0xFFFFF086;
	s6 =	sadd.s32 @!p0 s3, s7;
	s7 =	simm.s32 @!p0 $0x108  }
0x21: {  	s3 =	sadd.s32 s3, s9;
	s6 =	sadd.s32 @!p0 $0x88, s6;
	s7 =	simm.s32 @p2 $0x1082  }
0x22: {  	[simem:s7], [sflag:s8] =	dma.local @!p0 [hbm:s6], $0xF7A  }
0x23: {  	s9 =	sor.u32 $0xD0000000, s2;
	s6 =	simm.s32 $0x108;
	_ =	swait.ge @!p0 [sflag:s8], $0x0  }
0x24: {  	s3 =	sadd.s32 $0x88, s3;
	s6 =	simm.s32 @!p1 $0x1082;
	[sflag:s4] =	ssyncset.s32 $0xFFFFF086  }
0x25: {  	[simem:s6], [sflag:s4] =	dma.local [hbm:s3], $0xF7A  }
0x26: {  	[smem:$0x3F94] =	sst s1;
	(tag) =	ssettag s2;
	_ =	strace s9  }
0x27: {  	s1 =	sld [smem:$0x3FA4]  }
0x28: {  	s2 =	sld [smem:$0x3FA5]  }
0x29: {  	s4 =	sld [smem:$0x3FA7]  }
0x2a: {  	p0 =	seq.s32 s5, $0x0;
	s5 =	sld [smem:$0x3FA8]  }
0x2b: {  	s6 =	sld [smem:$0x3FA9]  }
0x2c: {  	s7 =	sld [smem:$0x3FAA]  }
0x2d: {  	s3 =	simm.s32 $0x108;
	s8 =	sld [smem:$0x3FAB]  }
0x2e: {  	s3 =	simm.s32 @!p0 $0x1082;
	s9 =	sld [smem:$0x3FAC]  }
0x2f: {  	lr =	sadd.s32 s0, s3;
	s0 =	sld [smem:$0x3FA3]  }
0x30: {  	s3 =	sld [smem:$0x3FA6]  }
0x31: {  	[smem:$0x3FAF] =	sst s10  }
0x32: {  	s10 =	sld [smem:$0x3FAD];
	_ =	sdelay $0x3  }
0x33: {  	p0 =	seq.s32 s10, $0x1;
	s10 =	sld [smem:$0x3FAF];
	_ =	sdelay $0x3  }
0x34: {  	[smem:$0x3FAF] =	sst s10  }
0x35: {  	s10 =	sld [smem:$0x3FAE];
	_ =	sdelay $0x3  }
0x36: {  	p1 =	seq.s32 s10, $0x1;
	s10 =	sld [smem:$0x3FAF];
	_ =	sdelay $0x3  }
0x37: {  	[smem:$0x3FAF] =	sst s10  }
0x38: {  	s10 =	sld [smem:$0x3FB0]  }
0x39: {  	_ = 	snop;
	(pc) =	sbr.ind lr, $3  }
0x3a: {  	_ = 	snop  }
0x3b: {  	_ = 	snop  }
0x3c: {  	p2 =	seq.s32 s10, $0x1;
	s10 =	sld [smem:$0x3FAF]  }
0x3d: {  	_ =	shalt  }
0x3e: {  	_ =	shalt  }
0x3f: {  	_ =	shalt  }
0x40: {  	_ =	shalt  }
0x41: {  	_ =	shalt  }
0x42: {  	_ =	shalt  }
0x43: {  	_ =	shalt  }
0x44: {  	_ =	shalt  }
0x45: {  	_ =	shalt  }
0x46: {  	_ =	shalt  }
0x47: {  	_ =	shalt  }
0x48: {  	_ =	shalt  }
0x49: {  	_ =	shalt  }
0x4a: {  	_ =	shalt  }
0x4b: {  	_ =	shalt  }
0x4c: {  	_ =	shalt  }
0x4d: {  	_ =	shalt  }
0x4e: {  	_ =	shalt  }
0x4f: {  	_ =	shalt  }
0x50: {  	_ =	shalt  }
0x51: {  	_ =	shalt  }
0x52: {  	_ =	shalt  }
0x53: {  	_ =	shalt  }
0x54: {  	_ =	shalt  }
0x55: {  	_ =	shalt  }
0x56: {  	_ =	shalt  }
0x57: {  	_ =	shalt  }
0x58: {  	_ =	shalt  }
0x59: {  	_ =	shalt  }
0x5a: {  	_ =	shalt  }
0x5b: {  	_ =	shalt  }
0x5c: {  	_ =	shalt  }
0x5d: {  	_ =	shalt  }
0x5e: {  	_ =	shalt  }
0x5f: {  	_ =	shalt  }
0x60: {  	_ =	shalt  }
0x61: {  	_ =	shalt  }
0x62: {  	_ =	shalt  }
0x63: {  	_ =	shalt  }
0x64: {  	_ =	shalt  }
0x65: {  	_ =	shalt  }
0x66: {  	_ =	shalt  }
0x67: {  	_ =	shalt  }
0x68: {  	_ =	shalt  }
0x69: {  	_ =	shalt  }
0x6a: {  	_ =	shalt  }
0x6b: {  	_ =	shalt  }
0x6c: {  	_ =	shalt  }
0x6d: {  	_ =	shalt  }
0x6e: {  	_ =	shalt  }
0x6f: {  	_ =	shalt  }
0x70: {  	_ =	shalt  }
0x71: {  	_ =	shalt  }
0x72: {  	_ =	shalt  }
0x73: {  	_ =	shalt  }
0x74: {  	_ =	shalt  }
0x75: {  	_ =	shalt  }
0x76: {  	_ =	shalt  }
0x77: {  	_ =	shalt  }
0x78: {  	_ =	shalt  }
0x79: {  	_ =	shalt  }
0x7a: {  	_ =	shalt  }
0x7b: {  	_ =	shalt  }
0x7c: {  	_ =	shalt  }
0x7d: {  	_ =	shalt  }
0x7e: {  	_ =	shalt  }
0x7f: {  	_ =	shalt  }
0x80: {  	_ =	shalt  }
0x81: {  	_ =	shalt  }
0x82: {  	_ =	shalt  }
0x83: {  	_ =	shalt  }
0x84: {  	_ =	shalt  }
0x85: {  	_ =	shalt  }
0x86: {  	_ =	shalt  }
0x87: {  	_ =	shalt  }
.Lfunc_end0:
.L_simem_size_0:
called_computation.3_lowered:
.L_overlay_start_0:
0x88: {  	s2 =	sld [smem:$0x3FD9]  }
0x89: {  	s3 =	sld [smem:$0x3FFE];
	_ =	sdelay $0x1  }
0x8a: {  	s1 =	srdreg.scid  }
0x8b: {  	s0 =	sand.u32 $0x1, s1  }
0x8c: {  	s17 =	sshll.u32 s0, $0xA;
	s2 =	sadd.s32 s3, s2  }
0x8d: {  	s2 =	sadd.s32 s2, s17  }
0x8e: {  	[smem:$0x3FBB] =	sst s2  }
0x8f: {  	_ = 	snop  }
0x90: {  	s2 =	sld [smem:$0x3FBE];
	(tm) =	ssettm $0x1  }
0x91: {  	s18 =	sld [smem:$0x3FFB];
	_ =	sdelay $0x3  }
0x92: {  	_ =	strace s18  }
0x93: {  	s3 =	sld [smem:$0x3FFC];
	_ =	sdelay $0x3  }
0x94: {  	_ =	strace s3  }
0x95: {  	s3 =	sld [smem:$0x3FFD];
	_ =	sdelay $0x3  }
0x96: {  	_ =	strace s3  }
0x97: {  	_ =	strace $0x8FFFFFFF  }
0x98: {  	s19 =	sld [smem:$0x3FDB];
	_ =	sdelay $0x1  }
0x99: {  	s4 =	simm.s32 $_scs_section_size  }
0x9a: {  	s5 =	simm.s32 $_size__tile_overlayer_lowered;
	s6 =	simm.s32 $_tile_overlayer_lowered  }
0x9b: {  	s22 =	simm.s32 $0x1BFF;
	s21 =	sshll.u32 s6, $0x1;
	s3 =	sadd.s32 s4, s19  }
0x9c: {  	s7 =	simm.s32 $0x0;
	s20 =	sshll.u32 s5, $0x1;
	s5 =	sadd.s32 s21, s3  }
0x9d: {  	[timem:s7], [sflag:s22] =	dma.local [hbm:s5], s20  }
0x9e: {  	_ =	swait.ge [sflag:s22], s20  }
0x9f: {  	s4 =	ssub.s32 $0x0, s20;
	[sflag:s22] =	ssyncset.done $0x0  }
0xa0: {  	[sflag:s22] =	ssyncadd.s32 s4;
	_ =	sdelay $0x1  }
0xa1: {  	s23 =	simm.s32 $0x1B8B  }
0xa2: {  	_ =	swait.ge [sflag:s23], $0x1  }
0xa3: {  	[sflag:s23] =	ssyncset.done $0x0  }
0xa4: {  	s25 =	simm.s32 $0x1B8E;
	s24 =	sld [smem:$0x3FFE];
	[sflag:s23] =	ssyncadd.s32 $0xFFFFFFFF  }
0xa5: {  	s26 =	simm.s32 $execute0_lowered;
	[smem:$0x3FD2] =	sst s25  }
0xa6: {  	s5 =	sshll.u32 s26, $0x1;
	_ =	strace $0x8000004F;
	[dreg:$0x1] =	wrdreg $0xFFFFFFFF  }
0xa7: {  	s28 =	simm.s32 $_size_execute0_lowered;
	s3 =	sadd.s32 s3, s5;
	[dreg:$0x0] =	wrdreg $0x0  }
0xa8: {  	s5 =	sshll.u32 s28, $0x1;
	[dreg:$0x2] =	wrdreg s3  }
0xa9: {  	[dreg:$0x3] =	wrdreg s5  }
0xaa: {  	[dreg:$0x4] =	wrdreg $0xC0  }
0xab: {  	_ =	task [dreg:s7], $0x5FFFF  }
0xac: {  	[dreg:$0x1] =	wrdreg $0xFFFFFFFF  }
0xad: {  	[dreg:$0x0] =	wrdreg $0x60  }
0xae: {  	[dreg:$0x2] =	wrdreg s24  }
0xaf: {  	[dreg:$0x3] =	wrdreg s2  }
0xb0: {  	[dreg:$0x4] =	wrdreg $0x9  }
0xb1: {  	_ =	task.clear_ibuf [dreg:s7], $0x5FFFF;
	_ =	strace $0x9000004F  }
0xb2: {  	s29 =	simm.s32 $0x9;
	_ =	strace $0x80000051  }
0xb3: {  	_ =	swait.ge [sflag:s29], $0x1  }
0xb4: {  	[sflag:s29] =	ssyncadd.s32 $0xFFFFFFFF  }
0xb5: {  	_ =	strace $0x90000051  }
0xb6: {  	_ =	sfence  }
0xb7: {  	s30 =	sld [smem:$0x0];
	_ =	sdelay $0x2  }
0xb8: {  	s31 =	sshll.u32 s1, $0xD;
	s1 =	sshrl.u32 s1, $0x2  }
0xb9: {  	s3 =	sand.u32 $0x4000, s31;
	s1 =	sadd.s32 s1, s30  }
0xba: {  	s0 =	sor.u32 s3, s0;
	s1 =	sshll.u32 s1, $0x11  }
0xbb: {  	s0 =	sor.u32 s1, s0  }
0xbc: {  	s0 =	sadd.s32 $0x8F2B, s0  }
0xbd: {  	[sflag:s0] =	ssyncadd.remote.s32 $0x1  }
0xbe: {  	_ =	sfence.sel $0xFFFF  }
0xbf: {  	[dreg:$0x0] =	wrdreg $0xFFFFFFFF;
	(pc) =	sbr.abs _section_cstart, $3  }
0xc0: {  	[dreg:$0x1] =	wrdreg $0xFFFFFFFF  }
0xc1: {  	_ =	task.clear_ibuf [dreg:s7], $0x2FFFF;
	_ =	strace $0x9FFFFFFF  }
0xc2: {  	(tm) =	ssettm $0x7FFFFFFF  }
0xc3: {  	_ =	shalt  }
tec
execute0_lowered:
.L_overlay_start_1:
0x0: {  	(tag) =	ssettag $0x1  }
0x1: {  	s6 =	rddreg [dreg:$0x0]  }
0x2: {  	s0 =	srdreg.scid;
	v0 =	vimm.s32 $0xEFCDAB89;
	v1 =	vimm.s32 $0x67452301;
	s2 =	rddreg [dreg:$0x1];
	v2 =	vimm.s32 $0xDCFE98BA  }
0x3: {  	s1 =	rddreg [dreg:$0x2];
	s3 =	simm.s32 $0x0;
	v3 =	vimm.s32 $0x54761032;
	v4 =	vimm.s32 $0xBA98FEDC;
	v5 =	vimm.s32 $0xFEDCBA98;
	s10 =	simm.s32 $0x1  }
0x4: {  	v6 =	vimm.s32 $0x32107654;
	v7 =	vimm.s32 $0x76543210;
	s11 =	simm.s32 $0x2780;
	s12 =	simm.s32 $0x8F80;
	s7 =	sand.u32 $0x1, s0;
	v0 =	vunpack.c.l.s4.s8 v0  }
0x5: {  	s13 =	simm.s32 $0x80;
	s0 =	stileid.u32;
	v1 =	vunpack.c.l.s4.s8 v1;
	v2 =	vunpack.c.l.s4.s8 v2;
	v3 =	vunpack.c.l.s4.s8 v3;
	s4 =	sshll.u32 s7, $0x4  }
0x6: {  	s14 =	simm.s32 $0x4F00;
	s15 =	simm.s32 $0x6F00;
	v5 =	vunpack.c.l.s4.s8 v5;
	v4 =	vunpack.c.l.s4.s8 v4;
	v6 =	vunpack.c.l.s4.s8 v6;
	s4 =	sor.u32 s0, s4  }
0x7: {  	s16 =	simm.s32 $0x8F00;
	s17 =	simm.s32 $0x0;
	v7 =	vunpack.c.l.s4.s8 v7;
	v0 =	vunpack.c.0.s8.s32 v0;
	v1 =	vunpack.c.0.s8.s32 v1;
	s4 =	smul.u32 $0x2780, s4  }
0x8: {  	[smem:$0x7FF] =	sst s3;
	s5 =	sadd.s32 $0x3200, s6;
	s7 =	ssub.s32 $0x2, s7;
	v2 =	vunpack.c.0.s8.s32 v2;
	v3 =	vunpack.c.0.s8.s32 v3;
	v5 =	vunpack.c.0.s8.s32 v5  }
0x9: {  	_ =	strace $0x80000050;
	s9 =	sshrl.u32 s7, $0x1;
	v4 =	vunpack.c.0.s8.s32 v4;
	v6 =	vunpack.c.0.s8.s32 v6;
	v7 =	vunpack.c.0.s8.s32 v7;
	s8 =	sshrl.u32 s4, $0x3  }
0xa: {  	s9 =	ssub.s32 s7, s9;
	v0 =	vcombine.low v1, v0;
	v1 =	vcombine.low v3, v2;
	v3 =	vand.u32 $0xF, v5;
	s8 =	sadd.s32 s8, s6;
	s6 =	sadd.s32 $0x2A400, s6  }
0xb: {  	s9 =	smax.u32 s9, $0x1;
	v2 =	vcombine.low v6, v4;
	v3 =	vcombine.low v3, v7;
	s7 =	sadd.s32 $0x146400, s8;
	s8 =	sadd.s32 $0x150200, s8  }
.LBB2_1:
0xc: {  	[tilespmem:s3], [sflag:$0x1] =	stream.linear.gather [hbm4b:s7+s3], $0x2780, $0x38;
	[tilespmem:$0x8FC0] =	vst v63  }
0xd: {  	_ =	swait.ge [sflag:s10], $0x2780  }
0xe: {  	[sflag:s10] =	ssyncset.done $0x0  }
0xf: {  	[sflag:s10] =	ssyncadd.s32 $0xFFFFD880  }
0x10: {  	[tilespmem:s11], [sflag:$0x1] =	stream.linear.gather [hbm4b:s8+s3], $0x2780, $0x38;
	[tilespmem:$0x8FC0] =	vst v63  }
0x11: {  	_ =	swait.ge [sflag:s10], $0x2780  }
0x12: {  	[sflag:s10] =	ssyncset.done $0x0  }
0x13: {  	[sflag:s10] =	ssyncadd.s32 $0xFFFFD880  }
0x14: {  	[tilespmem:s12], [sflag:$0x1] =	stream.linear.gather [hbm4b:s2+s3], $0x40, $0x38;
	[tilespmem:$0x8FC0] =	vst v63  }
0x15: {  	_ =	swait.ge [sflag:s10], $0x40  }
0x16: {  	[sflag:s10] =	ssyncset.done $0x0  }
0x17: {  	s18 =	simm.s32 $0x0;
	[sflag:s10] =	ssyncadd.s32 $0xFFFFFFC0  }
.LBB2_2:
0x18: {  	s19 =	sshll.u32 s18, $0x7  }
0x19: {  	[tilespmem:s14], [sflag:$0x1] =	stream.indirect.gather [hbm4b:s5+s13], $0x40, s19, s13, $0xb8;
	[tilespmem:$0x8FC0] =	vst v63  }
0x1a: {  	_ =	swait.ge [sflag:s10], $0x2000  }
0x1b: {  	[sflag:s10] =	ssyncset.done $0x0  }
0x1c: {  	s20 =	sadd.s32 $0x2780, s19;
	[sflag:s10] =	ssyncadd.s32 $0xFFFFE000  }
0x1d: {  	[tilespmem:s15], [sflag:$0x1] =	stream.indirect.gather [hbm4b:s5+s13], $0x40, s20, s13, $0xb8;
	[tilespmem:$0x8FC0] =	vst v63  }
0x1e: {  	_ =	swait.ge [sflag:s10], $0x2000  }
0x1f: {  	[sflag:s10] =	ssyncset.done $0x0  }
0x20: {  	[sflag:s10] =	ssyncadd.s32 $0xFFFFE000  }
0x21: {  	v4 =	vld [tilespmem:$0x8F90]  }
0x22: {  	s21 =	simm.s32 $0x6F20;
	v5 =	vld [tilespmem:$0x8F80]  }
0x23: {  	s22 =	simm.s32 $0x4F20;
	v6 =	vld [tilespmem:s21+$0xFFFFFFE0]  }
0x24: {  	s23 =	simm.s32 $0x1;
	s20 =	simm.s32 $0x0;
	v7 =	vld [tilespmem:s22+$0xFFFFFFE0]  }
.LBB2_3:
0x25: {  	p0 =	sne.s32 s23, $0x7F;
	v8 =	vld [tilespmem:s22+$0xFFFFFFF0]  }
0x26: {  	v9 =	vld [tilespmem:s21+$0xFFFFFFF0]  }
0x27: {  	v10 =	vld [tilespmem:s22+$0x0]  }
0x28: {  	v11 =	vld [tilespmem:s21+$0x0]  }
0x29: {  	v6 =	vadd.f32 v6, v7;
	v7 =	vld [tilespmem:s22+$0x10]  }
0x2a: {  	v12 =	vld [tilespmem:s21+$0x10]  }
0x2b: {  	v6 =	vmax.f32 v6, $0.0e+00;
	v8 =	vadd.f32 v9, v8;
	v9 =	vld [tilespmem:$0x8FA0]  }
0x2c: {  	v5 =	vmul.f32 v6, v5  }
0x2d: {  	v6 =	vmax.f32 v8, $0.0e+00;
	v8 =	vadd.f32 v11, v10;
	v10 =	vld [tilespmem:$0x8FB0]  }
0x2e: {  	v5 =	vadd.f32 $0.0e+00, v5;
	v4 =	vmul.f32 v6, v4  }
0x2f: {  	v6 =	vmax.f32 v8, $0.0e+00;
	v7 =	vadd.f32 v12, v7  }
0x30: {  	v4 =	vadd.f32 v4, v5;
	v5 =	vmul.f32 v6, v9  }
0x31: {  	v6 =	vmax.f32 v7, $0.0e+00  }
0x32: {  	v4 =	vadd.f32 v5, v4;
	v5 =	vmul.f32 v6, v10;
	_ =	sdelay $0x1  }
0x33: {  	v4 =	vadd.f32 v5, v4;
	_ =	sdelay $0x1  }
0x34: {  	v5 =	vperm.xlane v4, v0;
	_ =	sdelay $0x1  }
0x35: {  	v4 =	vadd.f32 v4, v5;
	_ =	sdelay $0x1  }
0x36: {  	v5 =	vperm.xlane v4, v1;
	_ =	sdelay $0x1  }
0x37: {  	v4 =	vadd.f32 v4, v5;
	_ =	sdelay $0x1  }
0x38: {  	v5 =	vperm.xlane v4, v2;
	_ =	sdelay $0x1  }
0x39: {  	v4 =	vadd.f32 v4, v5  }
0x3a: {  	v5 =	vmov s20;
	s20 =	smov.u32 s23  }
0x3b: {  	v6 =	vperm.xlane v4, v3;
	_ =	sdelay $0x1  }
0x3c: {  	v4 =	vadd.f32 v4, v6;
	_ =	sdelay $0x1  }
.Ltmp0:
0x3d: {  	[tilespmem:v5+s16+$0x0] =	vst.idx.msk $0x1, v4;
	(pc) =	sbr.rel @p0 .LBB2_3-.Ltmp0, $4  }
0x3e: {  	v4 =	vld [tilespmem:$0x8F90]  }
0x3f: {  	s21 =	sadd.s32 $0x40, s21;
	v5 =	vld [tilespmem:$0x8F80]  }
0x40: {  	s22 =	sadd.s32 $0x40, s22;
	v6 =	vld [tilespmem:s21+$0xFFFFFFE0]  }
0x41: {  	s23 =	sadd.s32 $0x1, s23;
	v7 =	vld [tilespmem:s22+$0xFFFFFFE0]  }
0x42: {  	v8 =	vld [tilespmem:s22+$0xFFFFFFF0]  }
0x43: {  	v9 =	vld [tilespmem:s21+$0xFFFFFFF0]  }
0x44: {  	v10 =	vld [tilespmem:s22+$0x0]  }
0x45: {  	v11 =	vld [tilespmem:s21+$0x0]  }
0x46: {  	v56 =	vld [tilespmem:s22+$0x10];
	v6 =	vadd.f32 v6, v7  }
0x47: {  	v12 =	vld [tilespmem:s21+$0x10]  }
0x48: {  	v57 =	vld [tilespmem:$0x8FA0];
	v8 =	vadd.f32 v9, v8;
	v6 =	vmax.f32 v6, $0.0e+00  }
0x49: {  	v5 =	vmul.f32 v6, v5  }
0x4a: {  	v60 =	vld [tilespmem:$0x8FB0];
	v59 =	vadd.f32 v11, v10;
	v58 =	vmax.f32 v8, $0.0e+00  }
0x4b: {  	v4 =	vmul.f32 v58, v4;
	v5 =	vadd.f32 $0.0e+00, v5  }
0x4c: {  	v7 =	vadd.f32 v12, v56;
	v61 =	vmax.f32 v59, $0.0e+00  }
0x4d: {  	v4 =	vadd.f32 v4, v5;
	v5 =	vmul.f32 v61, v57  }
0x4e: {  	v62 =	vmax.f32 v7, $0.0e+00  }
0x4f: {  	v4 =	vadd.f32 v5, v4;
	v5 =	vmul.f32 v62, v60;
	_ =	sdelay $0x1  }
0x50: {  	v4 =	vadd.f32 v5, v4;
	_ =	sdelay $0x1  }
0x51: {  	v5 =	vperm.xlane v4, v0;
	_ =	sdelay $0x1  }
0x52: {  	v4 =	vadd.f32 v4, v5;
	_ =	sdelay $0x1  }
0x53: {  	v5 =	vperm.xlane v4, v1;
	_ =	sdelay $0x1  }
0x54: {  	v4 =	vadd.f32 v4, v5;
	_ =	sdelay $0x1  }
0x55: {  	v5 =	vperm.xlane v4, v2;
	_ =	sdelay $0x1  }
0x56: {  	v4 =	vadd.f32 v4, v5  }
0x57: {  	v5 =	vmov s20  }
0x58: {  	v63 =	vperm.xlane v4, v3;
	_ =	sdelay $0x1  }
0x59: {  	s19 =	sadd.s32 s4, s19;
	s18 =	sadd.s32 $0x1, s18;
	v4 =	vadd.f32 v4, v63  }
0x5a: {  	s19 =	sshrl.u32 s19, $0x3;
	p0 =	sne.s32 s18, $0x4F  }
.Ltmp1:
0x5b: {  	s19 =	sadd.s32 s6, s19;
	[tilespmem:v5+s16+$0x0] =	vst.idx.msk $0x1, v4;
	(pc) =	sbr.rel @p0 .LBB2_2-.Ltmp1, $4  }
0x5c: {  	[hbm4b:s19+s3] =	stream.linear.scatter [tilespmem:s16], [sflag:$0x1], $0x80, $0x38;
	[tilespmem:$0x8FC0] =	vst v63  }
0x5d: {  	_ =	swait.ge [sflag:s10], $0x80  }
0x5e: {  	[sflag:s10] =	ssyncset.done $0x0  }
0x5f: {  	[sflag:s10] =	ssyncadd.s32 $0xFFFFFF80  }
0x60: {  	s17 =	sadd.s32 $0x1, s17  }
0x61: {  	p0 =	sne.s32 s17, s9  }
.Ltmp2:
0x62: {  	_ = 	snop;
	(pc) =	sbr.rel @p0 .LBB2_1-.Ltmp2, $1  }
0x63: {  	_ =	sdelay $0x3  }
0x64: {  	_ =	sfence.sel $0x180000  }
0x65: {  	[bflag:$0x0] =	sbarrier.arrive $0xFFFF  }
0x66: {  	p0 =	sne.s32 s0, $0x0;
	_ =	strace $0x90000050  }
0x67: {  	s0 =	sadd.s32 @!p0 $0x100000, s1;
	[bflag:$0x2] =	sbarrier.arrive $0xFFFF  }
0x68: {  	[sflag:s0] =	ssyncadd.tile.s32 @!p0 $0x1;
	_ =	shalt  }
.Lfunc_end2:
_tile_overlayer_lowered:
.L_overlay_start_2:
0x69: {  	(tag) =	ssettag $0x2  }
0x6a: {  	s0 =	rddreg [dreg:$0x0];
	s2 =	stileid.u32  }
0x6b: {  	s1 =	rddreg [dreg:$0x1];
	p0 =	sne.s32 s2, $0x0  }
0x6c: {  	s3 =	rddreg [dreg:$0x2];
	[bflag:$0x3] =	sbarrier.arrive $0xFFFF;
	s2 =	simm.s32 @!p0 $0x1C01  }
0x6d: {  	[timem:s3], [sflag:s2] =	dma.local @!p0 [hbm:s0], s1  }
0x6e: {  	s0 =	simm.s32 @!p0 $0x1  }
0x6f: {  	_ =	swait.ge @!p0 [sflag:s0], s1  }
0x70: {  	s1 =	ssub.s32 @!p0 $0x0, s1;
	[sflag:s0] =	ssyncset.done @!p0 $0x0  }
0x71: {  	[sflag:s0] =	ssyncadd.s32 @!p0 s1  }
0x72: {  	[bflag:$0x3] =	sbarrier.arrive $0xFFFF  }
0x73: {  	_ =	shalt  }

</sc_bundles>
